<compile_context>
chip_gen: v7x
topology: tpu7x:2x2x1
jax: 0.10.2.dev20260603
libtpu: 0.0.44.dev20260713+nightly
codegen_flags: <defaults>
</compile_context>

<pallas_src>
import functools

import jax
import jax.numpy as jnp
from jax import lax
from jax.experimental import pallas as pl
from jax.experimental.pallas import tpu as pltpu
from jax.experimental.pallas import tpu_sc as plsc

N = 512
N_IN = 128
N_OUT = 64
NW = 32
RPW = N // NW
NH = N // 2
HB = N // 4
JB = N // 2


def _abpk_body(xe_ref, xo_ref, w_ref, b_ref, apk_ref, bpk_ref):
    xe = xe_ref[...]
    xo = xo_ref[...]
    W1 = w_ref[:, :N_IN]
    W2 = w_ref[:, N_IN:]
    bh = 0.5 * b_ref[...]
    dn = (((1,), (1,)), ((), ()))
    ae = lax.dot_general(xe, W1, dn, preferred_element_type=jnp.float32) + bh
    ao = lax.dot_general(xo, W1, dn, preferred_element_type=jnp.float32) + bh
    be = lax.dot_general(xe, W2, dn, preferred_element_type=jnp.float32) + bh
    bo = lax.dot_general(xo, W2, dn, preferred_element_type=jnp.float32) + bh
    apk_ref[...] = jnp.concatenate([ae, ao], axis=1)
    bpk_ref[...] = jnp.concatenate([be, bo], axis=1)


_mesh = plsc.VectorSubcoreMesh(core_axis_name="c", subcore_axis_name="s")


@functools.partial(
    pl.kernel,
    mesh=_mesh,
    out_type=jax.ShapeDtypeStruct((N, N, N_OUT), jnp.float32),
    scratch_types=[
        pltpu.VMEM((NH, 2 * N_OUT), jnp.float32),
        pltpu.VMEM((NH, 2 * N_OUT), jnp.float32),
        pltpu.VMEM((JB, N_OUT), jnp.float32),
        pltpu.VMEM((JB, N_OUT), jnp.float32),
        pltpu.SemaphoreType.DMA,
        pltpu.SemaphoreType.DMA,
    ],
)
def _sc_fill(apk_hbm, bpk_hbm, out_hbm, a_vm, b_vm, buf0, buf1, sem0, sem1):
    wid = lax.axis_index("s") * 2 + lax.axis_index("c")
    pltpu.sync_copy(apk_hbm, a_vm)
    pltpu.sync_copy(bpk_hbm, b_vm)
    zero = jnp.zeros((16,), jnp.float32)
    bufs = (buf0, buf1)
    sems = (sem0, sem1)
    row0 = wid * RPW

    @pl.loop(0, RPW, step=2)
    def _rowpair(base):
        qb = (row0 + base) // 2
        for b in range(2):
            i = row0 + base + b
            off = b * N_OUT
            a_i = [a_vm[qb, pl.ds(off + c * 16, 16)] for c in range(4)]
            b_i = [b_vm[qb, pl.ds(off + c * 16, 16)] for c in range(4)]
            for h in range(2):
                lo, hi = h * HB, h * HB + HB
                buf = bufs[h]
                if b == 1:
                    pltpu.make_async_copy(
                        buf, out_hbm.at[row0, pl.ds(h * JB, JB)], sems[h]
                    ).wait()
                else:
                    @pl.when(base > 0)
                    def _():
                        pltpu.make_async_copy(
                            buf, out_hbm.at[row0, pl.ds(h * JB, JB)], sems[h]
                        ).wait()
                lowhi = jnp.minimum(jnp.maximum(qb, lo), hi)
                uplo = jnp.minimum(jnp.maximum(qb + 1, lo), hi)

                @plsc.parallel_loop(lo, lowhi, unroll=4)
                def _lower(q):
                    for c in range(4):
                        buf[2 * q - 2 * lo, pl.ds(c * 16, 16)] = (
                            a_vm[q, pl.ds(c * 16, 16)] + b_i[c])
                        buf[2 * q + 1 - 2 * lo, pl.ds(c * 16, 16)] = (
                            a_vm[q, pl.ds(N_OUT + c * 16, 16)] + b_i[c])

                @plsc.parallel_loop(uplo, hi, unroll=4)
                def _upper(q):
                    for c in range(4):
                        buf[2 * q - 2 * lo, pl.ds(c * 16, 16)] = (
                            a_i[c] + b_vm[q, pl.ds(c * 16, 16)])
                        buf[2 * q + 1 - 2 * lo, pl.ds(c * 16, 16)] = (
                            a_i[c] + b_vm[q, pl.ds(N_OUT + c * 16, 16)])

                @pl.when((qb >= lo) & (qb < hi))
                def _fix():
                    loc = 2 * qb - 2 * lo
                    if b == 0:
                        for c in range(4):
                            buf[loc, pl.ds(c * 16, 16)] = zero
                            buf[loc + 1, pl.ds(c * 16, 16)] = (
                                a_i[c] + b_vm[qb, pl.ds(N_OUT + c * 16, 16)])
                    else:
                        for c in range(4):
                            buf[loc, pl.ds(c * 16, 16)] = (
                                a_vm[qb, pl.ds(c * 16, 16)] + b_i[c])
                            buf[loc + 1, pl.ds(c * 16, 16)] = zero

                pltpu.async_copy(buf, out_hbm.at[i, pl.ds(h * JB, JB)], sems[h])

    for s in range(2):
        pltpu.make_async_copy(
            bufs[s], out_hbm.at[row0, pl.ds(s * JB, JB)], sems[s]
        ).wait()


def kernel(inputs, W, b):
    x = inputs
    b2 = b.reshape(1, N_OUT)
    A_pk, B_pk = pl.pallas_call(
        _abpk_body,
        out_shape=[
            jax.ShapeDtypeStruct((NH, 2 * N_OUT), jnp.float32),
            jax.ShapeDtypeStruct((NH, 2 * N_OUT), jnp.float32),
        ],
    )(x[0::2], x[1::2], W, b2)
    return _sc_fill(A_pk, B_pk)

# --- scband reference (transcript-rebuilt; emitter-appended) ---
"""Pipeline reference for scband-linear-encoder-1546188226766 (READ-ONLY COPY).

The authoritative reference and input builder live on the scoring server;
editing this copy changes nothing except your own understanding.
"""

import jax, jax.numpy as jnp
import numpy as np

N_IN = 128
N_OUT = 64
N_NODES = 512


def setup_inputs(seed: int = 0) -> dict:
    key = jax.random.key(seed)
    k1, k2 = jax.random.split(key)
    x = jax.random.normal(k1, (N_NODES, N_IN), dtype=jnp.float32)
    # nn.Linear(n_in*2, n_out) with xavier_normal_ weight and bias filled with 0.1
    fan_in, fan_out = 2 * N_IN, N_OUT
    std = float(np.sqrt(2.0 / (fan_in + fan_out)))
    W = jax.random.normal(k2, (N_OUT, 2 * N_IN), dtype=jnp.float32) * std
    b = jnp.full((N_OUT,), 0.1, dtype=jnp.float32)
    return {"inputs": x, "W": W, "b": b}


def reference(inputs, W, b):
    x = inputs
    N = x.shape[0]
    # node2edge with sym=True selects strict upper-triangular pairs (i < j),
    # in row-major order, matching the torch nonzero/repeat construction.
    ii, jj = jnp.triu_indices(N, k=1)
    edges = jnp.concatenate([jnp.take(x, ii, axis=0), jnp.take(x, jj, axis=0)], axis=1)
    # fc
    h = edges @ W.T + b
    # edges2matrix: scatter-overwrite into flat N*N buffer at idx = i*N + j
    idx = ii * N + jj
    mat = jnp.zeros((N * N, h.shape[1]), dtype=h.dtype).at[idx].set(h)
    mat = mat.reshape(N, N, -1)
    # symmetrize
    mat = mat + jnp.transpose(mat, (1, 0, 2))
    return mat

if __name__ == "__main__":
    import jax
    _d = setup_inputs()
    print(jax.jit(kernel)(*tuple(_d.values())))

</pallas_src>

<mosaic_0001>
#map = affine_map<(d0, d1) -> (0, 0)>
#map1 = affine_map<(d0, d1) -> (0, 0, 0)>
module attributes {stable_mosaic.version = 14 : i64} {
  func.func @_sc_fill(%arg0: i32, %arg1: i32, %arg2: memref<256x128xf32, #tpu.memory_space<hbm>>, %arg3: memref<256x128xf32, #tpu.memory_space<hbm>>, %arg4: memref<512x512x64xf32, #tpu.memory_space<hbm>>, %arg5: memref<256x128xf32, #tpu.memory_space<vmem>>, %arg6: memref<256x128xf32, #tpu.memory_space<vmem>>, %arg7: memref<256x64xf32, #tpu.memory_space<vmem>>, %arg8: memref<256x64xf32, #tpu.memory_space<vmem>>, %arg9: memref<!tpu.dma_semaphore, #tpu.memory_space<semaphore_mem>>, %arg10: memref<!tpu.dma_semaphore, #tpu.memory_space<semaphore_mem>>) attributes {dimension_semantics = [#tpu.dimension_semantics<core_parallel>, #tpu.dimension_semantics<subcore_parallel>], iteration_bounds = array<i64: 2, 16>, scalar_prefetch = 0 : i64, scratch_operands = 6 : i64, tpu.core_type = #tpu.core_type<sc_vector_subcore>, window_params = [{transform_indices = #map}, {transform_indices = #map}, {transform_indices = #map1}]} {
    %mul3A = arith.constant 2 : i32
    %mul3A_0 = arith.muli %arg1, %mul3A : i32
    %add3A = arith.addi %mul3A_0, %arg0 : i32
    "tpu.region"() ({
      %run_scoped3A = tpu.sem_alloc : memref<!tpu.dma_semaphore, #tpu.memory_space<semaphore_mem>>
      tpu.enqueue_dma source(%arg2 : memref<256x128xf32, #tpu.memory_space<hbm>>) target(%arg5 : memref<256x128xf32, #tpu.memory_space<vmem>>) target_semaphore(%run_scoped3A : memref<!tpu.dma_semaphore, #tpu.memory_space<semaphore_mem>>)
      tpu.wait_dma2 semaphore(%run_scoped3A : memref<!tpu.dma_semaphore, #tpu.memory_space<semaphore_mem>>) src(%arg2 : memref<256x128xf32, #tpu.memory_space<hbm>>) dst(%arg5 : memref<256x128xf32, #tpu.memory_space<vmem>>)
      tpu.yield
    }) : () -> ()
    "tpu.region"() ({
      %run_scoped3A = tpu.sem_alloc : memref<!tpu.dma_semaphore, #tpu.memory_space<semaphore_mem>>
      tpu.enqueue_dma source(%arg3 : memref<256x128xf32, #tpu.memory_space<hbm>>) target(%arg6 : memref<256x128xf32, #tpu.memory_space<vmem>>) target_semaphore(%run_scoped3A : memref<!tpu.dma_semaphore, #tpu.memory_space<semaphore_mem>>)
      tpu.wait_dma2 semaphore(%run_scoped3A : memref<!tpu.dma_semaphore, #tpu.memory_space<semaphore_mem>>) src(%arg3 : memref<256x128xf32, #tpu.memory_space<hbm>>) dst(%arg6 : memref<256x128xf32, #tpu.memory_space<vmem>>)
      tpu.yield
    }) : () -> ()
    %broadcast_in_dim3A = arith.constant 0.000000e+00 : f32
    %broadcast_in_dim3A_1 = vector.broadcast %broadcast_in_dim3A : f32 to vector<16xf32>
    %mul3A_2 = arith.constant 16 : i32
    %mul3A_3 = arith.muli %add3A, %mul3A_2 : i32
    %scan3A = arith.constant 0 : i32
    %scan3A_4 = arith.constant 8 : i32
    %scan3A_5 = arith.addi %scan3A, %scan3A_4 : i32
    %scan3A_6 = arith.constant 1 : i32
    scf.for %scan3A_23 = %scan3A to %scan3A_5 step %scan3A_6  : i32 {
      %mul3A_24 = arith.constant 2 : i32
      %mul3A_25 = arith.muli %scan3A_23, %mul3A_24 : i32
      %add3A_26 = arith.constant 0 : i32
      %add3A_27 = arith.addi %add3A_26, %mul3A_25 : i32
      %add3A_28 = arith.addi %mul3A_3, %add3A_27 : i32
      %jit3A = arith.constant 2 : i32
      %div3A = arith.divsi %add3A_28, %jit3A : i32
      %sign3A = arith.constant 0 : i32
      %sign3A_29 = arith.cmpi sgt, %add3A_28, %sign3A : i32
      %sign3A_30 = arith.extui %sign3A_29 : i1 to i32
      %sign3A_31 = arith.constant 0 : i32
      %sign3A_32 = arith.cmpi slt, %add3A_28, %sign3A_31 : i32
      %sign3A_33 = arith.extui %sign3A_32 : i1 to i32
      %sign3A_34 = arith.subi %sign3A_30, %sign3A_33 : i32
      %sign3A_35 = arith.constant 0 : i32
      %sign3A_36 = arith.cmpi sgt, %jit3A, %sign3A_35 : i32
      %sign3A_37 = arith.extui %sign3A_36 : i1 to i32
      %sign3A_38 = arith.constant 0 : i32
      %sign3A_39 = arith.cmpi slt, %jit3A, %sign3A_38 : i32
      %sign3A_40 = arith.extui %sign3A_39 : i1 to i32
      %sign3A_41 = arith.subi %sign3A_37, %sign3A_40 : i32
      %ne3A = arith.cmpi ne, %sign3A_34, %sign3A_41 : i32
      %rem3A = arith.remsi %add3A_28, %jit3A : i32
      %ne3A_42 = arith.constant 0 : i32
      %ne3A_43 = arith.cmpi ne, %rem3A, %ne3A_42 : i32
      %and3A = arith.andi %ne3A, %ne3A_43 : i1
      %sub3A = arith.constant 1 : i32
      %sub3A_44 = arith.subi %div3A, %sub3A : i32
      %select_n3A = arith.select %and3A, %sub3A_44, %div3A : i32
      %add3A_45 = arith.addi %mul3A_3, %add3A_27 : i32
      %add3A_46 = arith.constant 0 : i32
      %add3A_47 = arith.addi %add3A_45, %add3A_46 : i32
      %get3A = arith.index_cast %select_n3A : i32 to index
      %get3A_48 = arith.constant 0 : index
      %get3A_49 = tpu.vector_load %arg5[%get3A, %get3A_48] {strides = array<i32>} : memref<256x128xf32, #tpu.memory_space<vmem>>, vector<1x16xf32>,
      %get3A_50 = vector.shape_cast %get3A_49 : vector<1x16xf32> to vector<16xf32>
      %get3A_51 = arith.index_cast %select_n3A : i32 to index
      %get3A_52 = arith.constant 16 : index
      %get3A_53 = tpu.vector_load %arg5[%get3A_51, %get3A_52] {strides = array<i32>} : memref<256x128xf32, #tpu.memory_space<vmem>>, vector<1x16xf32>,
      %get3A_54 = vector.shape_cast %get3A_53 : vector<1x16xf32> to vector<16xf32>
      %get3A_55 = arith.index_cast %select_n3A : i32 to index
      %get3A_56 = arith.constant 32 : index
      %get3A_57 = tpu.vector_load %arg5[%get3A_55, %get3A_56] {strides = array<i32>} : memref<256x128xf32, #tpu.memory_space<vmem>>, vector<1x16xf32>,
      %get3A_58 = vector.shape_cast %get3A_57 : vector<1x16xf32> to vector<16xf32>
      %get3A_59 = arith.index_cast %select_n3A : i32 to index
      %get3A_60 = arith.constant 48 : index
      %get3A_61 = tpu.vector_load %arg5[%get3A_59, %get3A_60] {strides = array<i32>} : memref<256x128xf32, #tpu.memory_space<vmem>>, vector<1x16xf32>,
      %get3A_62 = vector.shape_cast %get3A_61 : vector<1x16xf32> to vector<16xf32>
      %get3A_63 = arith.index_cast %select_n3A : i32 to index
      %get3A_64 = arith.constant 0 : index
      %get3A_65 = tpu.vector_load %arg6[%get3A_63, %get3A_64] {strides = array<i32>} : memref<256x128xf32, #tpu.memory_space<vmem>>, vector<1x16xf32>,
      %get3A_66 = vector.shape_cast %get3A_65 : vector<1x16xf32> to vector<16xf32>
      %get3A_67 = arith.index_cast %select_n3A : i32 to index
      %get3A_68 = arith.constant 16 : index
      %get3A_69 = tpu.vector_load %arg6[%get3A_67, %get3A_68] {strides = array<i32>} : memref<256x128xf32, #tpu.memory_space<vmem>>, vector<1x16xf32>,
      %get3A_70 = vector.shape_cast %get3A_69 : vector<1x16xf32> to vector<16xf32>
      %get3A_71 = arith.index_cast %select_n3A : i32 to index
      %get3A_72 = arith.constant 32 : index
      %get3A_73 = tpu.vector_load %arg6[%get3A_71, %get3A_72] {strides = array<i32>} : memref<256x128xf32, #tpu.memory_space<vmem>>, vector<1x16xf32>,
      %get3A_74 = vector.shape_cast %get3A_73 : vector<1x16xf32> to vector<16xf32>
      %get3A_75 = arith.index_cast %select_n3A : i32 to index
      %get3A_76 = arith.constant 48 : index
      %get3A_77 = tpu.vector_load %arg6[%get3A_75, %get3A_76] {strides = array<i32>} : memref<256x128xf32, #tpu.memory_space<vmem>>, vector<1x16xf32>,
      %get3A_78 = vector.shape_cast %get3A_77 : vector<1x16xf32> to vector<16xf32>
      %gt3A = arith.constant 0 : i32
      %gt3A_79 = arith.cmpi sgt, %add3A_27, %gt3A : i32
      %convert_element_type3A = arith.extui %gt3A_79 : i1 to i32
      %cond3A = arith.constant 0 : i32
      %cond3A_80 = arith.cmpi ne, %convert_element_type3A, %cond3A : i32
      scf.if %cond3A_80 {
        %dma_wait3A_251 = arith.constant 0 : i32
        %dma_wait3A_252 = arith.constant 0 : i32
        %dma_wait3A_253 = tpu.memref_slice %arg4[%mul3A_3, %dma_wait3A_251, %dma_wait3A_252] : memref<512x512x64xf32, #tpu.memory_space<hbm>> -> memref<1x256x64xf32, #tpu.memory_space<hbm>>
        %dma_wait3A_254 = tpu.memref_squeeze %dma_wait3A_253 : memref<1x256x64xf32, #tpu.memory_space<hbm>> -> memref<256x64xf32, #tpu.memory_space<hbm>>
        %dma_wait3A_255 = arith.constant 0 : i32
        %dma_wait3A_256 = arith.constant 0 : i32
        %dma_wait3A_257 = tpu.memref_slice %arg4[%mul3A_3, %dma_wait3A_255, %dma_wait3A_256] : memref<512x512x64xf32, #tpu.memory_space<hbm>> -> memref<1x256x64xf32, #tpu.memory_space<hbm>>
        %dma_wait3A_258 = tpu.memref_squeeze %dma_wait3A_257 : memref<1x256x64xf32, #tpu.memory_space<hbm>> -> memref<256x64xf32, #tpu.memory_space<hbm>>
        tpu.wait_dma2 semaphore(%arg9 : memref<!tpu.dma_semaphore, #tpu.memory_space<semaphore_mem>>) src(%arg7 : memref<256x64xf32, #tpu.memory_space<vmem>>) dst(%dma_wait3A_258 : memref<256x64xf32, #tpu.memory_space<hbm>>)
      } else {
      }
      %max3A = arith.constant 0 : i32
      %max3A_81 = arith.maxsi %select_n3A, %max3A : i32
      %min3A = arith.constant 128 : i32
      %min3A_82 = arith.minsi %max3A_81, %min3A : i32
      %add3A_83 = arith.constant 1 : i32
      %add3A_84 = arith.addi %select_n3A, %add3A_83 : i32
      %max3A_85 = arith.constant 0 : i32
      %max3A_86 = arith.maxsi %add3A_84, %max3A_85 : i32
      %min3A_87 = arith.constant 128 : i32
      %min3A_88 = arith.minsi %max3A_86, %min3A_87 : i32
      %parallel_loop3A = arith.constant 0 : i32
      %parallel_loop3A_89 = arith.constant 1 : i32
      scf.for %parallel_loop3A_251 = %parallel_loop3A to %min3A_82 step %parallel_loop3A_89  : i32 {
        %parallel_loop3A_252 = arith.index_cast %parallel_loop3A_251 : i32 to index
        %parallel_loop3A_253 = arith.constant 0 : index
        %parallel_loop3A_254 = tpu.vector_load %arg5[%parallel_loop3A_252, %parallel_loop3A_253] {strides = array<i32>} : memref<256x128xf32, #tpu.memory_space<vmem>>, vector<1x16xf32>,
        %parallel_loop3A_255 = vector.shape_cast %parallel_loop3A_254 : vector<1x16xf32> to vector<16xf32>
        %parallel_loop3A_256 = arith.addf %parallel_loop3A_255, %get3A_66 : vector<16xf32>
        %parallel_loop3A_257 = arith.constant 2 : i32
        %parallel_loop3A_258 = arith.muli %parallel_loop3A_257, %parallel_loop3A_251 : i32
        %parallel_loop3A_259 = arith.constant 0 : i32
        %parallel_loop3A_260 = arith.subi %parallel_loop3A_258, %parallel_loop3A_259 : i32
        %parallel_loop3A_261 = arith.index_cast %parallel_loop3A_260 : i32 to index
        %parallel_loop3A_262 = arith.constant 0 : index
        %parallel_loop3A_263 = tpu.vector_load %arg7[%parallel_loop3A_261, %parallel_loop3A_262] {strides = array<i32>} : memref<256x64xf32, #tpu.memory_space<vmem>>, vector<1x16xf32>,
        %parallel_loop3A_264 = vector.shape_cast %parallel_loop3A_263 : vector<1x16xf32> to vector<16xf32>
        %parallel_loop3A_265 = vector.shape_cast %parallel_loop3A_256 : vector<16xf32> to vector<1x16xf32>
        tpu.vector_store %arg7[%parallel_loop3A_261, %parallel_loop3A_262], %parallel_loop3A_265 {strides = array<i32>} : memref<256x64xf32, #tpu.memory_space<vmem>>, vector<1x16xf32>,
        %parallel_loop3A_266 = arith.index_cast %parallel_loop3A_251 : i32 to index
        %parallel_loop3A_267 = arith.constant 64 : index
        %parallel_loop3A_268 = tpu.vector_load %arg5[%parallel_loop3A_266, %parallel_loop3A_267] {strides = array<i32>} : memref<256x128xf32, #tpu.memory_space<vmem>>, vector<1x16xf32>,
        %parallel_loop3A_269 = vector.shape_cast %parallel_loop3A_268 : vector<1x16xf32> to vector<16xf32>
        %parallel_loop3A_270 = arith.addf %parallel_loop3A_269, %get3A_66 : vector<16xf32>
        %parallel_loop3A_271 = arith.constant 2 : i32
        %parallel_loop3A_272 = arith.muli %parallel_loop3A_271, %parallel_loop3A_251 : i32
        %parallel_loop3A_273 = arith.constant 1 : i32
        %parallel_loop3A_274 = arith.addi %parallel_loop3A_272, %parallel_loop3A_273 : i32
        %parallel_loop3A_275 = arith.constant 0 : i32
        %parallel_loop3A_276 = arith.subi %parallel_loop3A_274, %parallel_loop3A_275 : i32
        %parallel_loop3A_277 = arith.index_cast %parallel_loop3A_276 : i32 to index
        %parallel_loop3A_278 = arith.constant 0 : index
        %parallel_loop3A_279 = tpu.vector_load %arg7[%parallel_loop3A_277, %parallel_loop3A_278] {strides = array<i32>} : memref<256x64xf32, #tpu.memory_space<vmem>>, vector<1x16xf32>,
        %parallel_loop3A_280 = vector.shape_cast %parallel_loop3A_279 : vector<1x16xf32> to vector<16xf32>
        %parallel_loop3A_281 = vector.shape_cast %parallel_loop3A_270 : vector<16xf32> to vector<1x16xf32>
        tpu.vector_store %arg7[%parallel_loop3A_277, %parallel_loop3A_278], %parallel_loop3A_281 {strides = array<i32>} : memref<256x64xf32, #tpu.memory_space<vmem>>, vector<1x16xf32>,
        %parallel_loop3A_282 = arith.index_cast %parallel_loop3A_251 : i32 to index
        %parallel_loop3A_283 = arith.constant 16 : index
        %parallel_loop3A_284 = tpu.vector_load %arg5[%parallel_loop3A_282, %parallel_loop3A_283] {strides = array<i32>} : memref<256x128xf32, #tpu.memory_space<vmem>>, vector<1x16xf32>,
        %parallel_loop3A_285 = vector.shape_cast %parallel_loop3A_284 : vector<1x16xf32> to vector<16xf32>
        %parallel_loop3A_286 = arith.addf %parallel_loop3A_285, %get3A_70 : vector<16xf32>
        %parallel_loop3A_287 = arith.constant 2 : i32
        %parallel_loop3A_288 = arith.muli %parallel_loop3A_287, %parallel_loop3A_251 : i32
        %parallel_loop3A_289 = arith.constant 0 : i32
        %parallel_loop3A_290 = arith.subi %parallel_loop3A_288, %parallel_loop3A_289 : i32
        %parallel_loop3A_291 = arith.index_cast %parallel_loop3A_290 : i32 to index
        %parallel_loop3A_292 = arith.constant 16 : index
        %parallel_loop3A_293 = tpu.vector_load %arg7[%parallel_loop3A_291, %parallel_loop3A_292] {strides = array<i32>} : memref<256x64xf32, #tpu.memory_space<vmem>>, vector<1x16xf32>,
        %parallel_loop3A_294 = vector.shape_cast %parallel_loop3A_293 : vector<1x16xf32> to vector<16xf32>
        %parallel_loop3A_295 = vector.shape_cast %parallel_loop3A_286 : vector<16xf32> to vector<1x16xf32>
        tpu.vector_store %arg7[%parallel_loop3A_291, %parallel_loop3A_292], %parallel_loop3A_295 {strides = array<i32>} : memref<256x64xf32, #tpu.memory_space<vmem>>, vector<1x16xf32>,
        %parallel_loop3A_296 = arith.index_cast %parallel_loop3A_251 : i32 to index
        %parallel_loop3A_297 = arith.constant 80 : index
        %parallel_loop3A_298 = tpu.vector_load %arg5[%parallel_loop3A_296, %parallel_loop3A_297] {strides = array<i32>} : memref<256x128xf32, #tpu.memory_space<vmem>>, vector<1x16xf32>,
        %parallel_loop3A_299 = vector.shape_cast %parallel_loop3A_298 : vector<1x16xf32> to vector<16xf32>
        %parallel_loop3A_300 = arith.addf %parallel_loop3A_299, %get3A_70 : vector<16xf32>
        %parallel_loop3A_301 = arith.constant 2 : i32
        %parallel_loop3A_302 = arith.muli %parallel_loop3A_301, %parallel_loop3A_251 : i32
        %parallel_loop3A_303 = arith.constant 1 : i32
        %parallel_loop3A_304 = arith.addi %parallel_loop3A_302, %parallel_loop3A_303 : i32
        %parallel_loop3A_305 = arith.constant 0 : i32
        %parallel_loop3A_306 = arith.subi %parallel_loop3A_304, %parallel_loop3A_305 : i32
        %parallel_loop3A_307 = arith.index_cast %parallel_loop3A_306 : i32 to index
        %parallel_loop3A_308 = arith.constant 16 : index
        %parallel_loop3A_309 = tpu.vector_load %arg7[%parallel_loop3A_307, %parallel_loop3A_308] {strides = array<i32>} : memref<256x64xf32, #tpu.memory_space<vmem>>, vector<1x16xf32>,
        %parallel_loop3A_310 = vector.shape_cast %parallel_loop3A_309 : vector<1x16xf32> to vector<16xf32>
        %parallel_loop3A_311 = vector.shape_cast %parallel_loop3A_300 : vector<16xf32> to vector<1x16xf32>
        tpu.vector_store %arg7[%parallel_loop3A_307, %parallel_loop3A_308], %parallel_loop3A_311 {strides = array<i32>} : memref<256x64xf32, #tpu.memory_space<vmem>>, vector<1x16xf32>,
        %parallel_loop3A_312 = arith.index_cast %parallel_loop3A_251 : i32 to index
        %parallel_loop3A_313 = arith.constant 32 : index
        %parallel_loop3A_314 = tpu.vector_load %arg5[%parallel_loop3A_312, %parallel_loop3A_313] {strides = array<i32>} : memref<256x128xf32, #tpu.memory_space<vmem>>, vector<1x16xf32>,
        %parallel_loop3A_315 = vector.shape_cast %parallel_loop3A_314 : vector<1x16xf32> to vector<16xf32>
        %parallel_loop3A_316 = arith.addf %parallel_loop3A_315, %get3A_74 : vector<16xf32>
        %parallel_loop3A_317 = arith.constant 2 : i32
        %parallel_loop3A_318 = arith.muli %parallel_loop3A_317, %parallel_loop3A_251 : i32
        %parallel_loop3A_319 = arith.constant 0 : i32
        %parallel_loop3A_320 = arith.subi %parallel_loop3A_318, %parallel_loop3A_319 : i32
        %parallel_loop3A_321 = arith.index_cast %parallel_loop3A_320 : i32 to index
        %parallel_loop3A_322 = arith.constant 32 : index
        %parallel_loop3A_323 = tpu.vector_load %arg7[%parallel_loop3A_321, %parallel_loop3A_322] {strides = array<i32>} : memref<256x64xf32, #tpu.memory_space<vmem>>, vector<1x16xf32>,
        %parallel_loop3A_324 = vector.shape_cast %parallel_loop3A_323 : vector<1x16xf32> to vector<16xf32>
        %parallel_loop3A_325 = vector.shape_cast %parallel_loop3A_316 : vector<16xf32> to vector<1x16xf32>
        tpu.vector_store %arg7[%parallel_loop3A_321, %parallel_loop3A_322], %parallel_loop3A_325 {strides = array<i32>} : memref<256x64xf32, #tpu.memory_space<vmem>>, vector<1x16xf32>,
        %parallel_loop3A_326 = arith.index_cast %parallel_loop3A_251 : i32 to index
        %parallel_loop3A_327 = arith.constant 96 : index
        %parallel_loop3A_328 = tpu.vector_load %arg5[%parallel_loop3A_326, %parallel_loop3A_327] {strides = array<i32>} : memref<256x128xf32, #tpu.memory_space<vmem>>, vector<1x16xf32>,
        %parallel_loop3A_329 = vector.shape_cast %parallel_loop3A_328 : vector<1x16xf32> to vector<16xf32>
        %parallel_loop3A_330 = arith.addf %parallel_loop3A_329, %get3A_74 : vector<16xf32>
        %parallel_loop3A_331 = arith.constant 2 : i32
        %parallel_loop3A_332 = arith.muli %parallel_loop3A_331, %parallel_loop3A_251 : i32
        %parallel_loop3A_333 = arith.constant 1 : i32
        %parallel_loop3A_334 = arith.addi %parallel_loop3A_332, %parallel_loop3A_333 : i32
        %parallel_loop3A_335 = arith.constant 0 : i32
        %parallel_loop3A_336 = arith.subi %parallel_loop3A_334, %parallel_loop3A_335 : i32
        %parallel_loop3A_337 = arith.index_cast %parallel_loop3A_336 : i32 to index
        %parallel_loop3A_338 = arith.constant 32 : index
        %parallel_loop3A_339 = tpu.vector_load %arg7[%parallel_loop3A_337, %parallel_loop3A_338] {strides = array<i32>} : memref<256x64xf32, #tpu.memory_space<vmem>>, vector<1x16xf32>,
        %parallel_loop3A_340 = vector.shape_cast %parallel_loop3A_339 : vector<1x16xf32> to vector<16xf32>
        %parallel_loop3A_341 = vector.shape_cast %parallel_loop3A_330 : vector<16xf32> to vector<1x16xf32>
        tpu.vector_store %arg7[%parallel_loop3A_337, %parallel_loop3A_338], %parallel_loop3A_341 {strides = array<i32>} : memref<256x64xf32, #tpu.memory_space<vmem>>, vector<1x16xf32>,
        %parallel_loop3A_342 = arith.index_cast %parallel_loop3A_251 : i32 to index
        %parallel_loop3A_343 = arith.constant 48 : index
        %parallel_loop3A_344 = tpu.vector_load %arg5[%parallel_loop3A_342, %parallel_loop3A_343] {strides = array<i32>} : memref<256x128xf32, #tpu.memory_space<vmem>>, vector<1x16xf32>,
        %parallel_loop3A_345 = vector.shape_cast %parallel_loop3A_344 : vector<1x16xf32> to vector<16xf32>
        %parallel_loop3A_346 = arith.addf %parallel_loop3A_345, %get3A_78 : vector<16xf32>
        %parallel_loop3A_347 = arith.constant 2 : i32
        %parallel_loop3A_348 = arith.muli %parallel_loop3A_347, %parallel_loop3A_251 : i32
        %parallel_loop3A_349 = arith.constant 0 : i32
        %parallel_loop3A_350 = arith.subi %parallel_loop3A_348, %parallel_loop3A_349 : i32
        %parallel_loop3A_351 = arith.index_cast %parallel_loop3A_350 : i32 to index
        %parallel_loop3A_352 = arith.constant 48 : index
        %parallel_loop3A_353 = tpu.vector_load %arg7[%parallel_loop3A_351, %parallel_loop3A_352] {strides = array<i32>} : memref<256x64xf32, #tpu.memory_space<vmem>>, vector<1x16xf32>,
        %parallel_loop3A_354 = vector.shape_cast %parallel_loop3A_353 : vector<1x16xf32> to vector<16xf32>
        %parallel_loop3A_355 = vector.shape_cast %parallel_loop3A_346 : vector<16xf32> to vector<1x16xf32>
        tpu.vector_store %arg7[%parallel_loop3A_351, %parallel_loop3A_352], %parallel_loop3A_355 {strides = array<i32>} : memref<256x64xf32, #tpu.memory_space<vmem>>, vector<1x16xf32>,
        %parallel_loop3A_356 = arith.index_cast %parallel_loop3A_251 : i32 to index
        %parallel_loop3A_357 = arith.constant 112 : index
        %parallel_loop3A_358 = tpu.vector_load %arg5[%parallel_loop3A_356, %parallel_loop3A_357] {strides = array<i32>} : memref<256x128xf32, #tpu.memory_space<vmem>>, vector<1x16xf32>,
        %parallel_loop3A_359 = vector.shape_cast %parallel_loop3A_358 : vector<1x16xf32> to vector<16xf32>
        %parallel_loop3A_360 = arith.addf %parallel_loop3A_359, %get3A_78 : vector<16xf32>
        %parallel_loop3A_361 = arith.constant 2 : i32
        %parallel_loop3A_362 = arith.muli %parallel_loop3A_361, %parallel_loop3A_251 : i32
        %parallel_loop3A_363 = arith.constant 1 : i32
        %parallel_loop3A_364 = arith.addi %parallel_loop3A_362, %parallel_loop3A_363 : i32
        %parallel_loop3A_365 = arith.constant 0 : i32
        %parallel_loop3A_366 = arith.subi %parallel_loop3A_364, %parallel_loop3A_365 : i32
        %parallel_loop3A_367 = arith.index_cast %parallel_loop3A_366 : i32 to index
        %parallel_loop3A_368 = arith.constant 48 : index
        %parallel_loop3A_369 = tpu.vector_load %arg7[%parallel_loop3A_367, %parallel_loop3A_368] {strides = array<i32>} : memref<256x64xf32, #tpu.memory_space<vmem>>, vector<1x16xf32>,
        %parallel_loop3A_370 = vector.shape_cast %parallel_loop3A_369 : vector<1x16xf32> to vector<16xf32>
        %parallel_loop3A_371 = vector.shape_cast %parallel_loop3A_360 : vector<16xf32> to vector<1x16xf32>
        tpu.vector_store %arg7[%parallel_loop3A_367, %parallel_loop3A_368], %parallel_loop3A_371 {strides = array<i32>} : memref<256x64xf32, #tpu.memory_space<vmem>>, vector<1x16xf32>,
      } {sc.loop_unroll_factor = 4 : i64, sc.parallel_access}
      %parallel_loop3A_90 = arith.constant 128 : i32
      %parallel_loop3A_91 = arith.constant 1 : i32
      scf.for %parallel_loop3A_251 = %min3A_88 to %parallel_loop3A_90 step %parallel_loop3A_91  : i32 {
        %parallel_loop3A_252 = arith.index_cast %parallel_loop3A_251 : i32 to index
        %parallel_loop3A_253 = arith.constant 0 : index
        %parallel_loop3A_254 = tpu.vector_load %arg6[%parallel_loop3A_252, %parallel_loop3A_253] {strides = array<i32>} : memref<256x128xf32, #tpu.memory_space<vmem>>, vector<1x16xf32>,
        %parallel_loop3A_255 = vector.shape_cast %parallel_loop3A_254 : vector<1x16xf32> to vector<16xf32>
        %parallel_loop3A_256 = arith.addf %get3A_50, %parallel_loop3A_255 : vector<16xf32>
        %parallel_loop3A_257 = arith.constant 2 : i32
        %parallel_loop3A_258 = arith.muli %parallel_loop3A_257, %parallel_loop3A_251 : i32
        %parallel_loop3A_259 = arith.constant 0 : i32
        %parallel_loop3A_260 = arith.subi %parallel_loop3A_258, %parallel_loop3A_259 : i32
        %parallel_loop3A_261 = arith.index_cast %parallel_loop3A_260 : i32 to index
        %parallel_loop3A_262 = arith.constant 0 : index
        %parallel_loop3A_263 = tpu.vector_load %arg7[%parallel_loop3A_261, %parallel_loop3A_262] {strides = array<i32>} : memref<256x64xf32, #tpu.memory_space<vmem>>, vector<1x16xf32>,
        %parallel_loop3A_264 = vector.shape_cast %parallel_loop3A_263 : vector<1x16xf32> to vector<16xf32>
        %parallel_loop3A_265 = vector.shape_cast %parallel_loop3A_256 : vector<16xf32> to vector<1x16xf32>
        tpu.vector_store %arg7[%parallel_loop3A_261, %parallel_loop3A_262], %parallel_loop3A_265 {strides = array<i32>} : memref<256x64xf32, #tpu.memory_space<vmem>>, vector<1x16xf32>,
        %parallel_loop3A_266 = arith.index_cast %parallel_loop3A_251 : i32 to index
        %parallel_loop3A_267 = arith.constant 64 : index
        %parallel_loop3A_268 = tpu.vector_load %arg6[%parallel_loop3A_266, %parallel_loop3A_267] {strides = array<i32>} : memref<256x128xf32, #tpu.memory_space<vmem>>, vector<1x16xf32>,
        %parallel_loop3A_269 = vector.shape_cast %parallel_loop3A_268 : vector<1x16xf32> to vector<16xf32>
        %parallel_loop3A_270 = arith.addf %get3A_50, %parallel_loop3A_269 : vector<16xf32>
        %parallel_loop3A_271 = arith.constant 2 : i32
        %parallel_loop3A_272 = arith.muli %parallel_loop3A_271, %parallel_loop3A_251 : i32
        %parallel_loop3A_273 = arith.constant 1 : i32
        %parallel_loop3A_274 = arith.addi %parallel_loop3A_272, %parallel_loop3A_273 : i32
        %parallel_loop3A_275 = arith.constant 0 : i32
        %parallel_loop3A_276 = arith.subi %parallel_loop3A_274, %parallel_loop3A_275 : i32
        %parallel_loop3A_277 = arith.index_cast %parallel_loop3A_276 : i32 to index
        %parallel_loop3A_278 = arith.constant 0 : index
        %parallel_loop3A_279 = tpu.vector_load %arg7[%parallel_loop3A_277, %parallel_loop3A_278] {strides = array<i32>} : memref<256x64xf32, #tpu.memory_space<vmem>>, vector<1x16xf32>,
        %parallel_loop3A_280 = vector.shape_cast %parallel_loop3A_279 : vector<1x16xf32> to vector<16xf32>
        %parallel_loop3A_281 = vector.shape_cast %parallel_loop3A_270 : vector<16xf32> to vector<1x16xf32>
        tpu.vector_store %arg7[%parallel_loop3A_277, %parallel_loop3A_278], %parallel_loop3A_281 {strides = array<i32>} : memref<256x64xf32, #tpu.memory_space<vmem>>, vector<1x16xf32>,
        %parallel_loop3A_282 = arith.index_cast %parallel_loop3A_251 : i32 to index
        %parallel_loop3A_283 = arith.constant 16 : index
        %parallel_loop3A_284 = tpu.vector_load %arg6[%parallel_loop3A_282, %parallel_loop3A_283] {strides = array<i32>} : memref<256x128xf32, #tpu.memory_space<vmem>>, vector<1x16xf32>,
        %parallel_loop3A_285 = vector.shape_cast %parallel_loop3A_284 : vector<1x16xf32> to vector<16xf32>
        %parallel_loop3A_286 = arith.addf %get3A_54, %parallel_loop3A_285 : vector<16xf32>
        %parallel_loop3A_287 = arith.constant 2 : i32
        %parallel_loop3A_288 = arith.muli %parallel_loop3A_287, %parallel_loop3A_251 : i32
        %parallel_loop3A_289 = arith.constant 0 : i32
        %parallel_loop3A_290 = arith.subi %parallel_loop3A_288, %parallel_loop3A_289 : i32
        %parallel_loop3A_291 = arith.index_cast %parallel_loop3A_290 : i32 to index
        %parallel_loop3A_292 = arith.constant 16 : index
        %parallel_loop3A_293 = tpu.vector_load %arg7[%parallel_loop3A_291, %parallel_loop3A_292] {strides = array<i32>} : memref<256x64xf32, #tpu.memory_space<vmem>>, vector<1x16xf32>,
        %parallel_loop3A_294 = vector.shape_cast %parallel_loop3A_293 : vector<1x16xf32> to vector<16xf32>
        %parallel_loop3A_295 = vector.shape_cast %parallel_loop3A_286 : vector<16xf32> to vector<1x16xf32>
        tpu.vector_store %arg7[%parallel_loop3A_291, %parallel_loop3A_292], %parallel_loop3A_295 {strides = array<i32>} : memref<256x64xf32, #tpu.memory_space<vmem>>, vector<1x16xf32>,
        %parallel_loop3A_296 = arith.index_cast %parallel_loop3A_251 : i32 to index
        %parallel_loop3A_297 = arith.constant 80 : index
        %parallel_loop3A_298 = tpu.vector_load %arg6[%parallel_loop3A_296, %parallel_loop3A_297] {strides = array<i32>} : memref<256x128xf32, #tpu.memory_space<vmem>>, vector<1x16xf32>,
        %parallel_loop3A_299 = vector.shape_cast %parallel_loop3A_298 : vector<1x16xf32> to vector<16xf32>
        %parallel_loop3A_300 = arith.addf %get3A_54, %parallel_loop3A_299 : vector<16xf32>
        %parallel_loop3A_301 = arith.constant 2 : i32
        %parallel_loop3A_302 = arith.muli %parallel_loop3A_301, %parallel_loop3A_251 : i32
        %parallel_loop3A_303 = arith.constant 1 : i32
        %parallel_loop3A_304 = arith.addi %parallel_loop3A_302, %parallel_loop3A_303 : i32
        %parallel_loop3A_305 = arith.constant 0 : i32
        %parallel_loop3A_306 = arith.subi %parallel_loop3A_304, %parallel_loop3A_305 : i32
        %parallel_loop3A_307 = arith.index_cast %parallel_loop3A_306 : i32 to index
        %parallel_loop3A_308 = arith.constant 16 : index
        %parallel_loop3A_309 = tpu.vector_load %arg7[%parallel_loop3A_307, %parallel_loop3A_308] {strides = array<i32>} : memref<256x64xf32, #tpu.memory_space<vmem>>, vector<1x16xf32>,
        %parallel_loop3A_310 = vector.shape_cast %parallel_loop3A_309 : vector<1x16xf32> to vector<16xf32>
        %parallel_loop3A_311 = vector.shape_cast %parallel_loop3A_300 : vector<16xf32> to vector<1x16xf32>
        tpu.vector_store %arg7[%parallel_loop3A_307, %parallel_loop3A_308], %parallel_loop3A_311 {strides = array<i32>} : memref<256x64xf32, #tpu.memory_space<vmem>>, vector<1x16xf32>,
        %parallel_loop3A_312 = arith.index_cast %parallel_loop3A_251 : i32 to index
        %parallel_loop3A_313 = arith.constant 32 : index
        %parallel_loop3A_314 = tpu.vector_load %arg6[%parallel_loop3A_312, %parallel_loop3A_313] {strides = array<i32>} : memref<256x128xf32, #tpu.memory_space<vmem>>, vector<1x16xf32>,
        %parallel_loop3A_315 = vector.shape_cast %parallel_loop3A_314 : vector<1x16xf32> to vector<16xf32>
        %parallel_loop3A_316 = arith.addf %get3A_58, %parallel_loop3A_315 : vector<16xf32>
        %parallel_loop3A_317 = arith.constant 2 : i32
        %parallel_loop3A_318 = arith.muli %parallel_loop3A_317, %parallel_loop3A_251 : i32
        %parallel_loop3A_319 = arith.constant 0 : i32
        %parallel_loop3A_320 = arith.subi %parallel_loop3A_318, %parallel_loop3A_319 : i32
        %parallel_loop3A_321 = arith.index_cast %parallel_loop3A_320 : i32 to index
        %parallel_loop3A_322 = arith.constant 32 : index
        %parallel_loop3A_323 = tpu.vector_load %arg7[%parallel_loop3A_321, %parallel_loop3A_322] {strides = array<i32>} : memref<256x64xf32, #tpu.memory_space<vmem>>, vector<1x16xf32>,
        %parallel_loop3A_324 = vector.shape_cast %parallel_loop3A_323 : vector<1x16xf32> to vector<16xf32>
        %parallel_loop3A_325 = vector.shape_cast %parallel_loop3A_316 : vector<16xf32> to vector<1x16xf32>
        tpu.vector_store %arg7[%parallel_loop3A_321, %parallel_loop3A_322], %parallel_loop3A_325 {strides = array<i32>} : memref<256x64xf32, #tpu.memory_space<vmem>>, vector<1x16xf32>,
        %parallel_loop3A_326 = arith.index_cast %parallel_loop3A_251 : i32 to index
        %parallel_loop3A_327 = arith.constant 96 : index
        %parallel_loop3A_328 = tpu.vector_load %arg6[%parallel_loop3A_326, %parallel_loop3A_327] {strides = array<i32>} : memref<256x128xf32, #tpu.memory_space<vmem>>, vector<1x16xf32>,
        %parallel_loop3A_329 = vector.shape_cast %parallel_loop3A_328 : vector<1x16xf32> to vector<16xf32>
        %parallel_loop3A_330 = arith.addf %get3A_58, %parallel_loop3A_329 : vector<16xf32>
        %parallel_loop3A_331 = arith.constant 2 : i32
        %parallel_loop3A_332 = arith.muli %parallel_loop3A_331, %parallel_loop3A_251 : i32
        %parallel_loop3A_333 = arith.constant 1 : i32
        %parallel_loop3A_334 = arith.addi %parallel_loop3A_332, %parallel_loop3A_333 : i32
        %parallel_loop3A_335 = arith.constant 0 : i32
        %parallel_loop3A_336 = arith.subi %parallel_loop3A_334, %parallel_loop3A_335 : i32
        %parallel_loop3A_337 = arith.index_cast %parallel_loop3A_336 : i32 to index
        %parallel_loop3A_338 = arith.constant 32 : index
        %parallel_loop3A_339 = tpu.vector_load %arg7[%parallel_loop3A_337, %parallel_loop3A_338] {strides = array<i32>} : memref<256x64xf32, #tpu.memory_space<vmem>>, vector<1x16xf32>,
        %parallel_loop3A_340 = vector.shape_cast %parallel_loop3A_339 : vector<1x16xf32> to vector<16xf32>
        %parallel_loop3A_341 = vector.shape_cast %parallel_loop3A_330 : vector<16xf32> to vector<1x16xf32>
        tpu.vector_store %arg7[%parallel_loop3A_337, %parallel_loop3A_338], %parallel_loop3A_341 {strides = array<i32>} : memref<256x64xf32, #tpu.memory_space<vmem>>, vector<1x16xf32>,
        %parallel_loop3A_342 = arith.index_cast %parallel_loop3A_251 : i32 to index
        %parallel_loop3A_343 = arith.constant 48 : index
        %parallel_loop3A_344 = tpu.vector_load %arg6[%parallel_loop3A_342, %parallel_loop3A_343] {strides = array<i32>} : memref<256x128xf32, #tpu.memory_space<vmem>>, vector<1x16xf32>,
        %parallel_loop3A_345 = vector.shape_cast %parallel_loop3A_344 : vector<1x16xf32> to vector<16xf32>
        %parallel_loop3A_346 = arith.addf %get3A_62, %parallel_loop3A_345 : vector<16xf32>
        %parallel_loop3A_347 = arith.constant 2 : i32
        %parallel_loop3A_348 = arith.muli %parallel_loop3A_347, %parallel_loop3A_251 : i32
        %parallel_loop3A_349 = arith.constant 0 : i32
        %parallel_loop3A_350 = arith.subi %parallel_loop3A_348, %parallel_loop3A_349 : i32
        %parallel_loop3A_351 = arith.index_cast %parallel_loop3A_350 : i32 to index
        %parallel_loop3A_352 = arith.constant 48 : index
        %parallel_loop3A_353 = tpu.vector_load %arg7[%parallel_loop3A_351, %parallel_loop3A_352] {strides = array<i32>} : memref<256x64xf32, #tpu.memory_space<vmem>>, vector<1x16xf32>,
        %parallel_loop3A_354 = vector.shape_cast %parallel_loop3A_353 : vector<1x16xf32> to vector<16xf32>
        %parallel_loop3A_355 = vector.shape_cast %parallel_loop3A_346 : vector<16xf32> to vector<1x16xf32>
        tpu.vector_store %arg7[%parallel_loop3A_351, %parallel_loop3A_352], %parallel_loop3A_355 {strides = array<i32>} : memref<256x64xf32, #tpu.memory_space<vmem>>, vector<1x16xf32>,
        %parallel_loop3A_356 = arith.index_cast %parallel_loop3A_251 : i32 to index
        %parallel_loop3A_357 = arith.constant 112 : index
        %parallel_loop3A_358 = tpu.vector_load %arg6[%parallel_loop3A_356, %parallel_loop3A_357] {strides = array<i32>} : memref<256x128xf32, #tpu.memory_space<vmem>>, vector<1x16xf32>,
        %parallel_loop3A_359 = vector.shape_cast %parallel_loop3A_358 : vector<1x16xf32> to vector<16xf32>
        %parallel_loop3A_360 = arith.addf %get3A_62, %parallel_loop3A_359 : vector<16xf32>
        %parallel_loop3A_361 = arith.constant 2 : i32
        %parallel_loop3A_362 = arith.muli %parallel_loop3A_361, %parallel_loop3A_251 : i32
        %parallel_loop3A_363 = arith.constant 1 : i32
        %parallel_loop3A_364 = arith.addi %parallel_loop3A_362, %parallel_loop3A_363 : i32
        %parallel_loop3A_365 = arith.constant 0 : i32
        %parallel_loop3A_366 = arith.subi %parallel_loop3A_364, %parallel_loop3A_365 : i32
        %parallel_loop3A_367 = arith.index_cast %parallel_loop3A_366 : i32 to index
        %parallel_loop3A_368 = arith.constant 48 : index
        %parallel_loop3A_369 = tpu.vector_load %arg7[%parallel_loop3A_367, %parallel_loop3A_368] {strides = array<i32>} : memref<256x64xf32, #tpu.memory_space<vmem>>, vector<1x16xf32>,
        %parallel_loop3A_370 = vector.shape_cast %parallel_loop3A_369 : vector<1x16xf32> to vector<16xf32>
        %parallel_loop3A_371 = vector.shape_cast %parallel_loop3A_360 : vector<16xf32> to vector<1x16xf32>
        tpu.vector_store %arg7[%parallel_loop3A_367, %parallel_loop3A_368], %parallel_loop3A_371 {strides = array<i32>} : memref<256x64xf32, #tpu.memory_space<vmem>>, vector<1x16xf32>,
      } {sc.loop_unroll_factor = 4 : i64, sc.parallel_access}
      %ge3A = arith.constant 0 : i32
      %ge3A_92 = arith.cmpi sge, %select_n3A, %ge3A : i32
      %lt3A = arith.constant 128 : i32
      %lt3A_93 = arith.cmpi slt, %select_n3A, %lt3A : i32
      %and3A_94 = arith.andi %ge3A_92, %lt3A_93 : i1
      %convert_element_type3A_95 = arith.extui %and3A_94 : i1 to i32
      %cond3A_96 = arith.constant 0 : i32
      %cond3A_97 = arith.cmpi ne, %convert_element_type3A_95, %cond3A_96 : i32
      scf.if %cond3A_97 {
        %mul3A_251 = arith.constant 2 : i32
        %mul3A_252 = arith.muli %mul3A_251, %select_n3A : i32
        %sub3A_253 = arith.constant 0 : i32
        %sub3A_254 = arith.subi %mul3A_252, %sub3A_253 : i32
        %swap3A = arith.index_cast %sub3A_254 : i32 to index
        %swap3A_255 = arith.constant 0 : index
        %swap3A_256 = tpu.vector_load %arg7[%swap3A, %swap3A_255] {strides = array<i32>} : memref<256x64xf32, #tpu.memory_space<vmem>>, vector<1x16xf32>,
        %swap3A_257 = vector.shape_cast %swap3A_256 : vector<1x16xf32> to vector<16xf32>
        %swap3A_258 = vector.shape_cast %broadcast_in_dim3A_1 : vector<16xf32> to vector<1x16xf32>
        tpu.vector_store %arg7[%swap3A, %swap3A_255], %swap3A_258 {strides = array<i32>} : memref<256x64xf32, #tpu.memory_space<vmem>>, vector<1x16xf32>,
        %get3A_259 = arith.index_cast %select_n3A : i32 to index
        %get3A_260 = arith.constant 64 : index
        %get3A_261 = tpu.vector_load %arg6[%get3A_259, %get3A_260] {strides = array<i32>} : memref<256x128xf32, #tpu.memory_space<vmem>>, vector<1x16xf32>,
        %get3A_262 = vector.shape_cast %get3A_261 : vector<1x16xf32> to vector<16xf32>
        %add3A_263 = arith.addf %get3A_50, %get3A_262 : vector<16xf32>
        %add3A_264 = arith.constant 1 : i32
        %add3A_265 = arith.addi %sub3A_254, %add3A_264 : i32
        %swap3A_266 = arith.index_cast %add3A_265 : i32 to index
        %swap3A_267 = arith.constant 0 : index
        %swap3A_268 = tpu.vector_load %arg7[%swap3A_266, %swap3A_267] {strides = array<i32>} : memref<256x64xf32, #tpu.memory_space<vmem>>, vector<1x16xf32>,
        %swap3A_269 = vector.shape_cast %swap3A_268 : vector<1x16xf32> to vector<16xf32>
        %swap3A_270 = vector.shape_cast %add3A_263 : vector<16xf32> to vector<1x16xf32>
        tpu.vector_store %arg7[%swap3A_266, %swap3A_267], %swap3A_270 {strides = array<i32>} : memref<256x64xf32, #tpu.memory_space<vmem>>, vector<1x16xf32>,
        %swap3A_271 = arith.index_cast %sub3A_254 : i32 to index
        %swap3A_272 = arith.constant 16 : index
        %swap3A_273 = tpu.vector_load %arg7[%swap3A_271, %swap3A_272] {strides = array<i32>} : memref<256x64xf32, #tpu.memory_space<vmem>>, vector<1x16xf32>,
        %swap3A_274 = vector.shape_cast %swap3A_273 : vector<1x16xf32> to vector<16xf32>
        %swap3A_275 = vector.shape_cast %broadcast_in_dim3A_1 : vector<16xf32> to vector<1x16xf32>
        tpu.vector_store %arg7[%swap3A_271, %swap3A_272], %swap3A_275 {strides = array<i32>} : memref<256x64xf32, #tpu.memory_space<vmem>>, vector<1x16xf32>,
        %get3A_276 = arith.index_cast %select_n3A : i32 to index
        %get3A_277 = arith.constant 80 : index
        %get3A_278 = tpu.vector_load %arg6[%get3A_276, %get3A_277] {strides = array<i32>} : memref<256x128xf32, #tpu.memory_space<vmem>>, vector<1x16xf32>,
        %get3A_279 = vector.shape_cast %get3A_278 : vector<1x16xf32> to vector<16xf32>
        %add3A_280 = arith.addf %get3A_54, %get3A_279 : vector<16xf32>
        %add3A_281 = arith.constant 1 : i32
        %add3A_282 = arith.addi %sub3A_254, %add3A_281 : i32
        %swap3A_283 = arith.index_cast %add3A_282 : i32 to index
        %swap3A_284 = arith.constant 16 : index
        %swap3A_285 = tpu.vector_load %arg7[%swap3A_283, %swap3A_284] {strides = array<i32>} : memref<256x64xf32, #tpu.memory_space<vmem>>, vector<1x16xf32>,
        %swap3A_286 = vector.shape_cast %swap3A_285 : vector<1x16xf32> to vector<16xf32>
        %swap3A_287 = vector.shape_cast %add3A_280 : vector<16xf32> to vector<1x16xf32>
        tpu.vector_store %arg7[%swap3A_283, %swap3A_284], %swap3A_287 {strides = array<i32>} : memref<256x64xf32, #tpu.memory_space<vmem>>, vector<1x16xf32>,
        %swap3A_288 = arith.index_cast %sub3A_254 : i32 to index
        %swap3A_289 = arith.constant 32 : index
        %swap3A_290 = tpu.vector_load %arg7[%swap3A_288, %swap3A_289] {strides = array<i32>} : memref<256x64xf32, #tpu.memory_space<vmem>>, vector<1x16xf32>,
        %swap3A_291 = vector.shape_cast %swap3A_290 : vector<1x16xf32> to vector<16xf32>
        %swap3A_292 = vector.shape_cast %broadcast_in_dim3A_1 : vector<16xf32> to vector<1x16xf32>
        tpu.vector_store %arg7[%swap3A_288, %swap3A_289], %swap3A_292 {strides = array<i32>} : memref<256x64xf32, #tpu.memory_space<vmem>>, vector<1x16xf32>,
        %get3A_293 = arith.index_cast %select_n3A : i32 to index
        %get3A_294 = arith.constant 96 : index
        %get3A_295 = tpu.vector_load %arg6[%get3A_293, %get3A_294] {strides = array<i32>} : memref<256x128xf32, #tpu.memory_space<vmem>>, vector<1x16xf32>,
        %get3A_296 = vector.shape_cast %get3A_295 : vector<1x16xf32> to vector<16xf32>
        %add3A_297 = arith.addf %get3A_58, %get3A_296 : vector<16xf32>
        %add3A_298 = arith.constant 1 : i32
        %add3A_299 = arith.addi %sub3A_254, %add3A_298 : i32
        %swap3A_300 = arith.index_cast %add3A_299 : i32 to index
        %swap3A_301 = arith.constant 32 : index
        %swap3A_302 = tpu.vector_load %arg7[%swap3A_300, %swap3A_301] {strides = array<i32>} : memref<256x64xf32, #tpu.memory_space<vmem>>, vector<1x16xf32>,
        %swap3A_303 = vector.shape_cast %swap3A_302 : vector<1x16xf32> to vector<16xf32>
        %swap3A_304 = vector.shape_cast %add3A_297 : vector<16xf32> to vector<1x16xf32>
        tpu.vector_store %arg7[%swap3A_300, %swap3A_301], %swap3A_304 {strides = array<i32>} : memref<256x64xf32, #tpu.memory_space<vmem>>, vector<1x16xf32>,
        %swap3A_305 = arith.index_cast %sub3A_254 : i32 to index
        %swap3A_306 = arith.constant 48 : index
        %swap3A_307 = tpu.vector_load %arg7[%swap3A_305, %swap3A_306] {strides = array<i32>} : memref<256x64xf32, #tpu.memory_space<vmem>>, vector<1x16xf32>,
        %swap3A_308 = vector.shape_cast %swap3A_307 : vector<1x16xf32> to vector<16xf32>
        %swap3A_309 = vector.shape_cast %broadcast_in_dim3A_1 : vector<16xf32> to vector<1x16xf32>
        tpu.vector_store %arg7[%swap3A_305, %swap3A_306], %swap3A_309 {strides = array<i32>} : memref<256x64xf32, #tpu.memory_space<vmem>>, vector<1x16xf32>,
        %get3A_310 = arith.index_cast %select_n3A : i32 to index
        %get3A_311 = arith.constant 112 : index
        %get3A_312 = tpu.vector_load %arg6[%get3A_310, %get3A_311] {strides = array<i32>} : memref<256x128xf32, #tpu.memory_space<vmem>>, vector<1x16xf32>,
        %get3A_313 = vector.shape_cast %get3A_312 : vector<1x16xf32> to vector<16xf32>
        %add3A_314 = arith.addf %get3A_62, %get3A_313 : vector<16xf32>
        %add3A_315 = arith.constant 1 : i32
        %add3A_316 = arith.addi %sub3A_254, %add3A_315 : i32
        %swap3A_317 = arith.index_cast %add3A_316 : i32 to index
        %swap3A_318 = arith.constant 48 : index
        %swap3A_319 = tpu.vector_load %arg7[%swap3A_317, %swap3A_318] {strides = array<i32>} : memref<256x64xf32, #tpu.memory_space<vmem>>, vector<1x16xf32>,
        %swap3A_320 = vector.shape_cast %swap3A_319 : vector<1x16xf32> to vector<16xf32>
        %swap3A_321 = vector.shape_cast %add3A_314 : vector<16xf32> to vector<1x16xf32>
        tpu.vector_store %arg7[%swap3A_317, %swap3A_318], %swap3A_321 {strides = array<i32>} : memref<256x64xf32, #tpu.memory_space<vmem>>, vector<1x16xf32>,
      } else {
      }
      %dma_start3A = arith.constant 0 : i32
      %dma_start3A_98 = arith.constant 0 : i32
      %dma_start3A_99 = tpu.memref_slice %arg4[%add3A_47, %dma_start3A, %dma_start3A_98] : memref<512x512x64xf32, #tpu.memory_space<hbm>> -> memref<1x256x64xf32, #tpu.memory_space<hbm>>
      %dma_start3A_100 = tpu.memref_squeeze %dma_start3A_99 : memref<1x256x64xf32, #tpu.memory_space<hbm>> -> memref<256x64xf32, #tpu.memory_space<hbm>>
      %dma_start3A_101 = arith.constant 0 : i32
      %dma_start3A_102 = arith.constant 0 : i32
      %dma_start3A_103 = tpu.memref_slice %arg4[%add3A_47, %dma_start3A_101, %dma_start3A_102] : memref<512x512x64xf32, #tpu.memory_space<hbm>> -> memref<1x256x64xf32, #tpu.memory_space<hbm>>
      %dma_start3A_104 = tpu.memref_squeeze %dma_start3A_103 : memref<1x256x64xf32, #tpu.memory_space<hbm>> -> memref<256x64xf32, #tpu.memory_space<hbm>>
      tpu.enqueue_dma source(%arg7 : memref<256x64xf32, #tpu.memory_space<vmem>>) target(%dma_start3A_104 : memref<256x64xf32, #tpu.memory_space<hbm>>) target_semaphore(%arg9 : memref<!tpu.dma_semaphore, #tpu.memory_space<semaphore_mem>>)
      %gt3A_105 = arith.constant 0 : i32
      %gt3A_106 = arith.cmpi sgt, %add3A_27, %gt3A_105 : i32
      %convert_element_type3A_107 = arith.extui %gt3A_106 : i1 to i32
      %cond3A_108 = arith.constant 0 : i32
      %cond3A_109 = arith.cmpi ne, %convert_element_type3A_107, %cond3A_108 : i32
      scf.if %cond3A_109 {
        %dma_wait3A_251 = arith.constant 256 : i32
        %dma_wait3A_252 = arith.constant 0 : i32
        %dma_wait3A_253 = tpu.memref_slice %arg4[%mul3A_3, %dma_wait3A_251, %dma_wait3A_252] : memref<512x512x64xf32, #tpu.memory_space<hbm>> -> memref<1x256x64xf32, #tpu.memory_space<hbm>>
        %dma_wait3A_254 = tpu.memref_squeeze %dma_wait3A_253 : memref<1x256x64xf32, #tpu.memory_space<hbm>> -> memref<256x64xf32, #tpu.memory_space<hbm>>
        %dma_wait3A_255 = arith.constant 256 : i32
        %dma_wait3A_256 = arith.constant 0 : i32
        %dma_wait3A_257 = tpu.memref_slice %arg4[%mul3A_3, %dma_wait3A_255, %dma_wait3A_256] : memref<512x512x64xf32, #tpu.memory_space<hbm>> -> memref<1x256x64xf32, #tpu.memory_space<hbm>>
        %dma_wait3A_258 = tpu.memref_squeeze %dma_wait3A_257 : memref<1x256x64xf32, #tpu.memory_space<hbm>> -> memref<256x64xf32, #tpu.memory_space<hbm>>
        tpu.wait_dma2 semaphore(%arg10 : memref<!tpu.dma_semaphore, #tpu.memory_space<semaphore_mem>>) src(%arg8 : memref<256x64xf32, #tpu.memory_space<vmem>>) dst(%dma_wait3A_258 : memref<256x64xf32, #tpu.memory_space<hbm>>)
      } else {
      }
      %max3A_110 = arith.constant 128 : i32
      %max3A_111 = arith.maxsi %select_n3A, %max3A_110 : i32
      %min3A_112 = arith.constant 256 : i32
      %min3A_113 = arith.minsi %max3A_111, %min3A_112 : i32
      %add3A_114 = arith.constant 1 : i32
      %add3A_115 = arith.addi %select_n3A, %add3A_114 : i32
      %max3A_116 = arith.constant 128 : i32
      %max3A_117 = arith.maxsi %add3A_115, %max3A_116 : i32
      %min3A_118 = arith.constant 256 : i32
      %min3A_119 = arith.minsi %max3A_117, %min3A_118 : i32
      %parallel_loop3A_120 = arith.constant 128 : i32
      %parallel_loop3A_121 = arith.constant 1 : i32
      scf.for %parallel_loop3A_251 = %parallel_loop3A_120 to %min3A_113 step %parallel_loop3A_121  : i32 {
        %parallel_loop3A_252 = arith.index_cast %parallel_loop3A_251 : i32 to index
        %parallel_loop3A_253 = arith.constant 0 : index
        %parallel_loop3A_254 = tpu.vector_load %arg5[%parallel_loop3A_252, %parallel_loop3A_253] {strides = array<i32>} : memref<256x128xf32, #tpu.memory_space<vmem>>, vector<1x16xf32>,
        %parallel_loop3A_255 = vector.shape_cast %parallel_loop3A_254 : vector<1x16xf32> to vector<16xf32>
        %parallel_loop3A_256 = arith.addf %parallel_loop3A_255, %get3A_66 : vector<16xf32>
        %parallel_loop3A_257 = arith.constant 2 : i32
        %parallel_loop3A_258 = arith.muli %parallel_loop3A_257, %parallel_loop3A_251 : i32
        %parallel_loop3A_259 = arith.constant 256 : i32
        %parallel_loop3A_260 = arith.subi %parallel_loop3A_258, %parallel_loop3A_259 : i32
        %parallel_loop3A_261 = arith.index_cast %parallel_loop3A_260 : i32 to index
        %parallel_loop3A_262 = arith.constant 0 : index
        %parallel_loop3A_263 = tpu.vector_load %arg8[%parallel_loop3A_261, %parallel_loop3A_262] {strides = array<i32>} : memref<256x64xf32, #tpu.memory_space<vmem>>, vector<1x16xf32>,
        %parallel_loop3A_264 = vector.shape_cast %parallel_loop3A_263 : vector<1x16xf32> to vector<16xf32>
        %parallel_loop3A_265 = vector.shape_cast %parallel_loop3A_256 : vector<16xf32> to vector<1x16xf32>
        tpu.vector_store %arg8[%parallel_loop3A_261, %parallel_loop3A_262], %parallel_loop3A_265 {strides = array<i32>} : memref<256x64xf32, #tpu.memory_space<vmem>>, vector<1x16xf32>,
        %parallel_loop3A_266 = arith.index_cast %parallel_loop3A_251 : i32 to index
        %parallel_loop3A_267 = arith.constant 64 : index
        %parallel_loop3A_268 = tpu.vector_load %arg5[%parallel_loop3A_266, %parallel_loop3A_267] {strides = array<i32>} : memref<256x128xf32, #tpu.memory_space<vmem>>, vector<1x16xf32>,
        %parallel_loop3A_269 = vector.shape_cast %parallel_loop3A_268 : vector<1x16xf32> to vector<16xf32>
        %parallel_loop3A_270 = arith.addf %parallel_loop3A_269, %get3A_66 : vector<16xf32>
        %parallel_loop3A_271 = arith.constant 2 : i32
        %parallel_loop3A_272 = arith.muli %parallel_loop3A_271, %parallel_loop3A_251 : i32
        %parallel_loop3A_273 = arith.constant 1 : i32
        %parallel_loop3A_274 = arith.addi %parallel_loop3A_272, %parallel_loop3A_273 : i32
        %parallel_loop3A_275 = arith.constant 256 : i32
        %parallel_loop3A_276 = arith.subi %parallel_loop3A_274, %parallel_loop3A_275 : i32
        %parallel_loop3A_277 = arith.index_cast %parallel_loop3A_276 : i32 to index
        %parallel_loop3A_278 = arith.constant 0 : index
        %parallel_loop3A_279 = tpu.vector_load %arg8[%parallel_loop3A_277, %parallel_loop3A_278] {strides = array<i32>} : memref<256x64xf32, #tpu.memory_space<vmem>>, vector<1x16xf32>,
        %parallel_loop3A_280 = vector.shape_cast %parallel_loop3A_279 : vector<1x16xf32> to vector<16xf32>
        %parallel_loop3A_281 = vector.shape_cast %parallel_loop3A_270 : vector<16xf32> to vector<1x16xf32>
        tpu.vector_store %arg8[%parallel_loop3A_277, %parallel_loop3A_278], %parallel_loop3A_281 {strides = array<i32>} : memref<256x64xf32, #tpu.memory_space<vmem>>, vector<1x16xf32>,
        %parallel_loop3A_282 = arith.index_cast %parallel_loop3A_251 : i32 to index
        %parallel_loop3A_283 = arith.constant 16 : index
        %parallel_loop3A_284 = tpu.vector_load %arg5[%parallel_loop3A_282, %parallel_loop3A_283] {strides = array<i32>} : memref<256x128xf32, #tpu.memory_space<vmem>>, vector<1x16xf32>,
        %parallel_loop3A_285 = vector.shape_cast %parallel_loop3A_284 : vector<1x16xf32> to vector<16xf32>
        %parallel_loop3A_286 = arith.addf %parallel_loop3A_285, %get3A_70 : vector<16xf32>
        %parallel_loop3A_287 = arith.constant 2 : i32
        %parallel_loop3A_288 = arith.muli %parallel_loop3A_287, %parallel_loop3A_251 : i32
        %parallel_loop3A_289 = arith.constant 256 : i32
        %parallel_loop3A_290 = arith.subi %parallel_loop3A_288, %parallel_loop3A_289 : i32
        %parallel_loop3A_291 = arith.index_cast %parallel_loop3A_290 : i32 to index
        %parallel_loop3A_292 = arith.constant 16 : index
        %parallel_loop3A_293 = tpu.vector_load %arg8[%parallel_loop3A_291, %parallel_loop3A_292] {strides = array<i32>} : memref<256x64xf32, #tpu.memory_space<vmem>>, vector<1x16xf32>,
        %parallel_loop3A_294 = vector.shape_cast %parallel_loop3A_293 : vector<1x16xf32> to vector<16xf32>
        %parallel_loop3A_295 = vector.shape_cast %parallel_loop3A_286 : vector<16xf32> to vector<1x16xf32>
        tpu.vector_store %arg8[%parallel_loop3A_291, %parallel_loop3A_292], %parallel_loop3A_295 {strides = array<i32>} : memref<256x64xf32, #tpu.memory_space<vmem>>, vector<1x16xf32>,
        %parallel_loop3A_296 = arith.index_cast %parallel_loop3A_251 : i32 to index
        %parallel_loop3A_297 = arith.constant 80 : index
        %parallel_loop3A_298 = tpu.vector_load %arg5[%parallel_loop3A_296, %parallel_loop3A_297] {strides = array<i32>} : memref<256x128xf32, #tpu.memory_space<vmem>>, vector<1x16xf32>,
        %parallel_loop3A_299 = vector.shape_cast %parallel_loop3A_298 : vector<1x16xf32> to vector<16xf32>
        %parallel_loop3A_300 = arith.addf %parallel_loop3A_299, %get3A_70 : vector<16xf32>
        %parallel_loop3A_301 = arith.constant 2 : i32
        %parallel_loop3A_302 = arith.muli %parallel_loop3A_301, %parallel_loop3A_251 : i32
        %parallel_loop3A_303 = arith.constant 1 : i32
        %parallel_loop3A_304 = arith.addi %parallel_loop3A_302, %parallel_loop3A_303 : i32
        %parallel_loop3A_305 = arith.constant 256 : i32
        %parallel_loop3A_306 = arith.subi %parallel_loop3A_304, %parallel_loop3A_305 : i32
        %parallel_loop3A_307 = arith.index_cast %parallel_loop3A_306 : i32 to index
        %parallel_loop3A_308 = arith.constant 16 : index
        %parallel_loop3A_309 = tpu.vector_load %arg8[%parallel_loop3A_307, %parallel_loop3A_308] {strides = array<i32>} : memref<256x64xf32, #tpu.memory_space<vmem>>, vector<1x16xf32>,
        %parallel_loop3A_310 = vector.shape_cast %parallel_loop3A_309 : vector<1x16xf32> to vector<16xf32>
        %parallel_loop3A_311 = vector.shape_cast %parallel_loop3A_300 : vector<16xf32> to vector<1x16xf32>
        tpu.vector_store %arg8[%parallel_loop3A_307, %parallel_loop3A_308], %parallel_loop3A_311 {strides = array<i32>} : memref<256x64xf32, #tpu.memory_space<vmem>>, vector<1x16xf32>,
        %parallel_loop3A_312 = arith.index_cast %parallel_loop3A_251 : i32 to index
        %parallel_loop3A_313 = arith.constant 32 : index
        %parallel_loop3A_314 = tpu.vector_load %arg5[%parallel_loop3A_312, %parallel_loop3A_313] {strides = array<i32>} : memref<256x128xf32, #tpu.memory_space<vmem>>, vector<1x16xf32>,
        %parallel_loop3A_315 = vector.shape_cast %parallel_loop3A_314 : vector<1x16xf32> to vector<16xf32>
        %parallel_loop3A_316 = arith.addf %parallel_loop3A_315, %get3A_74 : vector<16xf32>
        %parallel_loop3A_317 = arith.constant 2 : i32
        %parallel_loop3A_318 = arith.muli %parallel_loop3A_317, %parallel_loop3A_251 : i32
        %parallel_loop3A_319 = arith.constant 256 : i32
        %parallel_loop3A_320 = arith.subi %parallel_loop3A_318, %parallel_loop3A_319 : i32
        %parallel_loop3A_321 = arith.index_cast %parallel_loop3A_320 : i32 to index
        %parallel_loop3A_322 = arith.constant 32 : index
        %parallel_loop3A_323 = tpu.vector_load %arg8[%parallel_loop3A_321, %parallel_loop3A_322] {strides = array<i32>} : memref<256x64xf32, #tpu.memory_space<vmem>>, vector<1x16xf32>,
        %parallel_loop3A_324 = vector.shape_cast %parallel_loop3A_323 : vector<1x16xf32> to vector<16xf32>
        %parallel_loop3A_325 = vector.shape_cast %parallel_loop3A_316 : vector<16xf32> to vector<1x16xf32>
        tpu.vector_store %arg8[%parallel_loop3A_321, %parallel_loop3A_322], %parallel_loop3A_325 {strides = array<i32>} : memref<256x64xf32, #tpu.memory_space<vmem>>, vector<1x16xf32>,
        %parallel_loop3A_326 = arith.index_cast %parallel_loop3A_251 : i32 to index
        %parallel_loop3A_327 = arith.constant 96 : index
        %parallel_loop3A_328 = tpu.vector_load %arg5[%parallel_loop3A_326, %parallel_loop3A_327] {strides = array<i32>} : memref<256x128xf32, #tpu.memory_space<vmem>>, vector<1x16xf32>,
        %parallel_loop3A_329 = vector.shape_cast %parallel_loop3A_328 : vector<1x16xf32> to vector<16xf32>
        %parallel_loop3A_330 = arith.addf %parallel_loop3A_329, %get3A_74 : vector<16xf32>
        %parallel_loop3A_331 = arith.constant 2 : i32
        %parallel_loop3A_332 = arith.muli %parallel_loop3A_331, %parallel_loop3A_251 : i32
        %parallel_loop3A_333 = arith.constant 1 : i32
        %parallel_loop3A_334 = arith.addi %parallel_loop3A_332, %parallel_loop3A_333 : i32
        %parallel_loop3A_335 = arith.constant 256 : i32
        %parallel_loop3A_336 = arith.subi %parallel_loop3A_334, %parallel_loop3A_335 : i32
        %parallel_loop3A_337 = arith.index_cast %parallel_loop3A_336 : i32 to index
        %parallel_loop3A_338 = arith.constant 32 : index
        %parallel_loop3A_339 = tpu.vector_load %arg8[%parallel_loop3A_337, %parallel_loop3A_338] {strides = array<i32>} : memref<256x64xf32, #tpu.memory_space<vmem>>, vector<1x16xf32>,
        %parallel_loop3A_340 = vector.shape_cast %parallel_loop3A_339 : vector<1x16xf32> to vector<16xf32>
        %parallel_loop3A_341 = vector.shape_cast %parallel_loop3A_330 : vector<16xf32> to vector<1x16xf32>
        tpu.vector_store %arg8[%parallel_loop3A_337, %parallel_loop3A_338], %parallel_loop3A_341 {strides = array<i32>} : memref<256x64xf32, #tpu.memory_space<vmem>>, vector<1x16xf32>,
        %parallel_loop3A_342 = arith.index_cast %parallel_loop3A_251 : i32 to index
        %parallel_loop3A_343 = arith.constant 48 : index
        %parallel_loop3A_344 = tpu.vector_load %arg5[%parallel_loop3A_342, %parallel_loop3A_343] {strides = array<i32>} : memref<256x128xf32, #tpu.memory_space<vmem>>, vector<1x16xf32>,
        %parallel_loop3A_345 = vector.shape_cast %parallel_loop3A_344 : vector<1x16xf32> to vector<16xf32>
        %parallel_loop3A_346 = arith.addf %parallel_loop3A_345, %get3A_78 : vector<16xf32>
        %parallel_loop3A_347 = arith.constant 2 : i32
        %parallel_loop3A_348 = arith.muli %parallel_loop3A_347, %parallel_loop3A_251 : i32
        %parallel_loop3A_349 = arith.constant 256 : i32
        %parallel_loop3A_350 = arith.subi %parallel_loop3A_348, %parallel_loop3A_349 : i32
        %parallel_loop3A_351 = arith.index_cast %parallel_loop3A_350 : i32 to index
        %parallel_loop3A_352 = arith.constant 48 : index
        %parallel_loop3A_353 = tpu.vector_load %arg8[%parallel_loop3A_351, %parallel_loop3A_352] {strides = array<i32>} : memref<256x64xf32, #tpu.memory_space<vmem>>, vector<1x16xf32>,
        %parallel_loop3A_354 = vector.shape_cast %parallel_loop3A_353 : vector<1x16xf32> to vector<16xf32>
        %parallel_loop3A_355 = vector.shape_cast %parallel_loop3A_346 : vector<16xf32> to vector<1x16xf32>
        tpu.vector_store %arg8[%parallel_loop3A_351, %parallel_loop3A_352], %parallel_loop3A_355 {strides = array<i32>} : memref<256x64xf32, #tpu.memory_space<vmem>>, vector<1x16xf32>,
        %parallel_loop3A_356 = arith.index_cast %parallel_loop3A_251 : i32 to index
        %parallel_loop3A_357 = arith.constant 112 : index
        %parallel_loop3A_358 = tpu.vector_load %arg5[%parallel_loop3A_356, %parallel_loop3A_357] {strides = array<i32>} : memref<256x128xf32, #tpu.memory_space<vmem>>, vector<1x16xf32>,
        %parallel_loop3A_359 = vector.shape_cast %parallel_loop3A_358 : vector<1x16xf32> to vector<16xf32>
        %parallel_loop3A_360 = arith.addf %parallel_loop3A_359, %get3A_78 : vector<16xf32>
        %parallel_loop3A_361 = arith.constant 2 : i32
        %parallel_loop3A_362 = arith.muli %parallel_loop3A_361, %parallel_loop3A_251 : i32
        %parallel_loop3A_363 = arith.constant 1 : i32
        %parallel_loop3A_364 = arith.addi %parallel_loop3A_362, %parallel_loop3A_363 : i32
        %parallel_loop3A_365 = arith.constant 256 : i32
        %parallel_loop3A_366 = arith.subi %parallel_loop3A_364, %parallel_loop3A_365 : i32
        %parallel_loop3A_367 = arith.index_cast %parallel_loop3A_366 : i32 to index
        %parallel_loop3A_368 = arith.constant 48 : index
        %parallel_loop3A_369 = tpu.vector_load %arg8[%parallel_loop3A_367, %parallel_loop3A_368] {strides = array<i32>} : memref<256x64xf32, #tpu.memory_space<vmem>>, vector<1x16xf32>,
        %parallel_loop3A_370 = vector.shape_cast %parallel_loop3A_369 : vector<1x16xf32> to vector<16xf32>
        %parallel_loop3A_371 = vector.shape_cast %parallel_loop3A_360 : vector<16xf32> to vector<1x16xf32>
        tpu.vector_store %arg8[%parallel_loop3A_367, %parallel_loop3A_368], %parallel_loop3A_371 {strides = array<i32>} : memref<256x64xf32, #tpu.memory_space<vmem>>, vector<1x16xf32>,
      } {sc.loop_unroll_factor = 4 : i64, sc.parallel_access}
      %parallel_loop3A_122 = arith.constant 256 : i32
      %parallel_loop3A_123 = arith.constant 1 : i32
      scf.for %parallel_loop3A_251 = %min3A_119 to %parallel_loop3A_122 step %parallel_loop3A_123  : i32 {
        %parallel_loop3A_252 = arith.index_cast %parallel_loop3A_251 : i32 to index
        %parallel_loop3A_253 = arith.constant 0 : index
        %parallel_loop3A_254 = tpu.vector_load %arg6[%parallel_loop3A_252, %parallel_loop3A_253] {strides = array<i32>} : memref<256x128xf32, #tpu.memory_space<vmem>>, vector<1x16xf32>,
        %parallel_loop3A_255 = vector.shape_cast %parallel_loop3A_254 : vector<1x16xf32> to vector<16xf32>
        %parallel_loop3A_256 = arith.addf %get3A_50, %parallel_loop3A_255 : vector<16xf32>
        %parallel_loop3A_257 = arith.constant 2 : i32
        %parallel_loop3A_258 = arith.muli %parallel_loop3A_257, %parallel_loop3A_251 : i32
        %parallel_loop3A_259 = arith.constant 256 : i32
        %parallel_loop3A_260 = arith.subi %parallel_loop3A_258, %parallel_loop3A_259 : i32
        %parallel_loop3A_261 = arith.index_cast %parallel_loop3A_260 : i32 to index
        %parallel_loop3A_262 = arith.constant 0 : index
        %parallel_loop3A_263 = tpu.vector_load %arg8[%parallel_loop3A_261, %parallel_loop3A_262] {strides = array<i32>} : memref<256x64xf32, #tpu.memory_space<vmem>>, vector<1x16xf32>,
        %parallel_loop3A_264 = vector.shape_cast %parallel_loop3A_263 : vector<1x16xf32> to vector<16xf32>
        %parallel_loop3A_265 = vector.shape_cast %parallel_loop3A_256 : vector<16xf32> to vector<1x16xf32>
        tpu.vector_store %arg8[%parallel_loop3A_261, %parallel_loop3A_262], %parallel_loop3A_265 {strides = array<i32>} : memref<256x64xf32, #tpu.memory_space<vmem>>, vector<1x16xf32>,
        %parallel_loop3A_266 = arith.index_cast %parallel_loop3A_251 : i32 to index
        %parallel_loop3A_267 = arith.constant 64 : index
        %parallel_loop3A_268 = tpu.vector_load %arg6[%parallel_loop3A_266, %parallel_loop3A_267] {strides = array<i32>} : memref<256x128xf32, #tpu.memory_space<vmem>>, vector<1x16xf32>,
        %parallel_loop3A_269 = vector.shape_cast %parallel_loop3A_268 : vector<1x16xf32> to vector<16xf32>
        %parallel_loop3A_270 = arith.addf %get3A_50, %parallel_loop3A_269 : vector<16xf32>
        %parallel_loop3A_271 = arith.constant 2 : i32
        %parallel_loop3A_272 = arith.muli %parallel_loop3A_271, %parallel_loop3A_251 : i32
        %parallel_loop3A_273 = arith.constant 1 : i32
        %parallel_loop3A_274 = arith.addi %parallel_loop3A_272, %parallel_loop3A_273 : i32
        %parallel_loop3A_275 = arith.constant 256 : i32
        %parallel_loop3A_276 = arith.subi %parallel_loop3A_274, %parallel_loop3A_275 : i32
        %parallel_loop3A_277 = arith.index_cast %parallel_loop3A_276 : i32 to index
        %parallel_loop3A_278 = arith.constant 0 : index
        %parallel_loop3A_279 = tpu.vector_load %arg8[%parallel_loop3A_277, %parallel_loop3A_278] {strides = array<i32>} : memref<256x64xf32, #tpu.memory_space<vmem>>, vector<1x16xf32>,
        %parallel_loop3A_280 = vector.shape_cast %parallel_loop3A_279 : vector<1x16xf32> to vector<16xf32>
        %parallel_loop3A_281 = vector.shape_cast %parallel_loop3A_270 : vector<16xf32> to vector<1x16xf32>
        tpu.vector_store %arg8[%parallel_loop3A_277, %parallel_loop3A_278], %parallel_loop3A_281 {strides = array<i32>} : memref<256x64xf32, #tpu.memory_space<vmem>>, vector<1x16xf32>,
        %parallel_loop3A_282 = arith.index_cast %parallel_loop3A_251 : i32 to index
        %parallel_loop3A_283 = arith.constant 16 : index
        %parallel_loop3A_284 = tpu.vector_load %arg6[%parallel_loop3A_282, %parallel_loop3A_283] {strides = array<i32>} : memref<256x128xf32, #tpu.memory_space<vmem>>, vector<1x16xf32>,
        %parallel_loop3A_285 = vector.shape_cast %parallel_loop3A_284 : vector<1x16xf32> to vector<16xf32>
        %parallel_loop3A_286 = arith.addf %get3A_54, %parallel_loop3A_285 : vector<16xf32>
        %parallel_loop3A_287 = arith.constant 2 : i32
        %parallel_loop3A_288 = arith.muli %parallel_loop3A_287, %parallel_loop3A_251 : i32
        %parallel_loop3A_289 = arith.constant 256 : i32
        %parallel_loop3A_290 = arith.subi %parallel_loop3A_288, %parallel_loop3A_289 : i32
        %parallel_loop3A_291 = arith.index_cast %parallel_loop3A_290 : i32 to index
        %parallel_loop3A_292 = arith.constant 16 : index
        %parallel_loop3A_293 = tpu.vector_load %arg8[%parallel_loop3A_291, %parallel_loop3A_292] {strides = array<i32>} : memref<256x64xf32, #tpu.memory_space<vmem>>, vector<1x16xf32>,
        %parallel_loop3A_294 = vector.shape_cast %parallel_loop3A_293 : vector<1x16xf32> to vector<16xf32>
        %parallel_loop3A_295 = vector.shape_cast %parallel_loop3A_286 : vector<16xf32> to vector<1x16xf32>
        tpu.vector_store %arg8[%parallel_loop3A_291, %parallel_loop3A_292], %parallel_loop3A_295 {strides = array<i32>} : memref<256x64xf32, #tpu.memory_space<vmem>>, vector<1x16xf32>,
        %parallel_loop3A_296 = arith.index_cast %parallel_loop3A_251 : i32 to index
        %parallel_loop3A_297 = arith.constant 80 : index
        %parallel_loop3A_298 = tpu.vector_load %arg6[%parallel_loop3A_296, %parallel_loop3A_297] {strides = array<i32>} : memref<256x128xf32, #tpu.memory_space<vmem>>, vector<1x16xf32>,
        %parallel_loop3A_299 = vector.shape_cast %parallel_loop3A_298 : vector<1x16xf32> to vector<16xf32>
        %parallel_loop3A_300 = arith.addf %get3A_54, %parallel_loop3A_299 : vector<16xf32>
        %parallel_loop3A_301 = arith.constant 2 : i32
        %parallel_loop3A_302 = arith.muli %parallel_loop3A_301, %parallel_loop3A_251 : i32
        %parallel_loop3A_303 = arith.constant 1 : i32
        %parallel_loop3A_304 = arith.addi %parallel_loop3A_302, %parallel_loop3A_303 : i32
        %parallel_loop3A_305 = arith.constant 256 : i32
        %parallel_loop3A_306 = arith.subi %parallel_loop3A_304, %parallel_loop3A_305 : i32
        %parallel_loop3A_307 = arith.index_cast %parallel_loop3A_306 : i32 to index
        %parallel_loop3A_308 = arith.constant 16 : index
        %parallel_loop3A_309 = tpu.vector_load %arg8[%parallel_loop3A_307, %parallel_loop3A_308] {strides = array<i32>} : memref<256x64xf32, #tpu.memory_space<vmem>>, vector<1x16xf32>,
        %parallel_loop3A_310 = vector.shape_cast %parallel_loop3A_309 : vector<1x16xf32> to vector<16xf32>
        %parallel_loop3A_311 = vector.shape_cast %parallel_loop3A_300 : vector<16xf32> to vector<1x16xf32>
        tpu.vector_store %arg8[%parallel_loop3A_307, %parallel_loop3A_308], %parallel_loop3A_311 {strides = array<i32>} : memref<256x64xf32, #tpu.memory_space<vmem>>, vector<1x16xf32>,
        %parallel_loop3A_312 = arith.index_cast %parallel_loop3A_251 : i32 to index
        %parallel_loop3A_313 = arith.constant 32 : index
        %parallel_loop3A_314 = tpu.vector_load %arg6[%parallel_loop3A_312, %parallel_loop3A_313] {strides = array<i32>} : memref<256x128xf32, #tpu.memory_space<vmem>>, vector<1x16xf32>,
        %parallel_loop3A_315 = vector.shape_cast %parallel_loop3A_314 : vector<1x16xf32> to vector<16xf32>
        %parallel_loop3A_316 = arith.addf %get3A_58, %parallel_loop3A_315 : vector<16xf32>
        %parallel_loop3A_317 = arith.constant 2 : i32
        %parallel_loop3A_318 = arith.muli %parallel_loop3A_317, %parallel_loop3A_251 : i32
        %parallel_loop3A_319 = arith.constant 256 : i32
        %parallel_loop3A_320 = arith.subi %parallel_loop3A_318, %parallel_loop3A_319 : i32
        %parallel_loop3A_321 = arith.index_cast %parallel_loop3A_320 : i32 to index
        %parallel_loop3A_322 = arith.constant 32 : index
        %parallel_loop3A_323 = tpu.vector_load %arg8[%parallel_loop3A_321, %parallel_loop3A_322] {strides = array<i32>} : memref<256x64xf32, #tpu.memory_space<vmem>>, vector<1x16xf32>,
        %parallel_loop3A_324 = vector.shape_cast %parallel_loop3A_323 : vector<1x16xf32> to vector<16xf32>
        %parallel_loop3A_325 = vector.shape_cast %parallel_loop3A_316 : vector<16xf32> to vector<1x16xf32>
        tpu.vector_store %arg8[%parallel_loop3A_321, %parallel_loop3A_322], %parallel_loop3A_325 {strides = array<i32>} : memref<256x64xf32, #tpu.memory_space<vmem>>, vector<1x16xf32>,
        %parallel_loop3A_326 = arith.index_cast %parallel_loop3A_251 : i32 to index
        %parallel_loop3A_327 = arith.constant 96 : index
        %parallel_loop3A_328 = tpu.vector_load %arg6[%parallel_loop3A_326, %parallel_loop3A_327] {strides = array<i32>} : memref<256x128xf32, #tpu.memory_space<vmem>>, vector<1x16xf32>,
        %parallel_loop3A_329 = vector.shape_cast %parallel_loop3A_328 : vector<1x16xf32> to vector<16xf32>
        %parallel_loop3A_330 = arith.addf %get3A_58, %parallel_loop3A_329 : vector<16xf32>
        %parallel_loop3A_331 = arith.constant 2 : i32
        %parallel_loop3A_332 = arith.muli %parallel_loop3A_331, %parallel_loop3A_251 : i32
        %parallel_loop3A_333 = arith.constant 1 : i32
        %parallel_loop3A_334 = arith.addi %parallel_loop3A_332, %parallel_loop3A_333 : i32
        %parallel_loop3A_335 = arith.constant 256 : i32
        %parallel_loop3A_336 = arith.subi %parallel_loop3A_334, %parallel_loop3A_335 : i32
        %parallel_loop3A_337 = arith.index_cast %parallel_loop3A_336 : i32 to index
        %parallel_loop3A_338 = arith.constant 32 : index
        %parallel_loop3A_339 = tpu.vector_load %arg8[%parallel_loop3A_337, %parallel_loop3A_338] {strides = array<i32>} : memref<256x64xf32, #tpu.memory_space<vmem>>, vector<1x16xf32>,
        %parallel_loop3A_340 = vector.shape_cast %parallel_loop3A_339 : vector<1x16xf32> to vector<16xf32>
        %parallel_loop3A_341 = vector.shape_cast %parallel_loop3A_330 : vector<16xf32> to vector<1x16xf32>
        tpu.vector_store %arg8[%parallel_loop3A_337, %parallel_loop3A_338], %parallel_loop3A_341 {strides = array<i32>} : memref<256x64xf32, #tpu.memory_space<vmem>>, vector<1x16xf32>,
        %parallel_loop3A_342 = arith.index_cast %parallel_loop3A_251 : i32 to index
        %parallel_loop3A_343 = arith.constant 48 : index
        %parallel_loop3A_344 = tpu.vector_load %arg6[%parallel_loop3A_342, %parallel_loop3A_343] {strides = array<i32>} : memref<256x128xf32, #tpu.memory_space<vmem>>, vector<1x16xf32>,
        %parallel_loop3A_345 = vector.shape_cast %parallel_loop3A_344 : vector<1x16xf32> to vector<16xf32>
        %parallel_loop3A_346 = arith.addf %get3A_62, %parallel_loop3A_345 : vector<16xf32>
        %parallel_loop3A_347 = arith.constant 2 : i32
        %parallel_loop3A_348 = arith.muli %parallel_loop3A_347, %parallel_loop3A_251 : i32
        %parallel_loop3A_349 = arith.constant 256 : i32
        %parallel_loop3A_350 = arith.subi %parallel_loop3A_348, %parallel_loop3A_349 : i32
        %parallel_loop3A_351 = arith.index_cast %parallel_loop3A_350 : i32 to index
        %parallel_loop3A_352 = arith.constant 48 : index
        %parallel_loop3A_353 = tpu.vector_load %arg8[%parallel_loop3A_351, %parallel_loop3A_352] {strides = array<i32>} : memref<256x64xf32, #tpu.memory_space<vmem>>, vector<1x16xf32>,
        %parallel_loop3A_354 = vector.shape_cast %parallel_loop3A_353 : vector<1x16xf32> to vector<16xf32>
        %parallel_loop3A_355 = vector.shape_cast %parallel_loop3A_346 : vector<16xf32> to vector<1x16xf32>
        tpu.vector_store %arg8[%parallel_loop3A_351, %parallel_loop3A_352], %parallel_loop3A_355 {strides = array<i32>} : memref<256x64xf32, #tpu.memory_space<vmem>>, vector<1x16xf32>,
        %parallel_loop3A_356 = arith.index_cast %parallel_loop3A_251 : i32 to index
        %parallel_loop3A_357 = arith.constant 112 : index
        %parallel_loop3A_358 = tpu.vector_load %arg6[%parallel_loop3A_356, %parallel_loop3A_357] {strides = array<i32>} : memref<256x128xf32, #tpu.memory_space<vmem>>, vector<1x16xf32>,
        %parallel_loop3A_359 = vector.shape_cast %parallel_loop3A_358 : vector<1x16xf32> to vector<16xf32>
        %parallel_loop3A_360 = arith.addf %get3A_62, %parallel_loop3A_359 : vector<16xf32>
        %parallel_loop3A_361 = arith.constant 2 : i32
        %parallel_loop3A_362 = arith.muli %parallel_loop3A_361, %parallel_loop3A_251 : i32
        %parallel_loop3A_363 = arith.constant 1 : i32
        %parallel_loop3A_364 = arith.addi %parallel_loop3A_362, %parallel_loop3A_363 : i32
        %parallel_loop3A_365 = arith.constant 256 : i32
        %parallel_loop3A_366 = arith.subi %parallel_loop3A_364, %parallel_loop3A_365 : i32
        %parallel_loop3A_367 = arith.index_cast %parallel_loop3A_366 : i32 to index
        %parallel_loop3A_368 = arith.constant 48 : index
        %parallel_loop3A_369 = tpu.vector_load %arg8[%parallel_loop3A_367, %parallel_loop3A_368] {strides = array<i32>} : memref<256x64xf32, #tpu.memory_space<vmem>>, vector<1x16xf32>,
        %parallel_loop3A_370 = vector.shape_cast %parallel_loop3A_369 : vector<1x16xf32> to vector<16xf32>
        %parallel_loop3A_371 = vector.shape_cast %parallel_loop3A_360 : vector<16xf32> to vector<1x16xf32>
        tpu.vector_store %arg8[%parallel_loop3A_367, %parallel_loop3A_368], %parallel_loop3A_371 {strides = array<i32>} : memref<256x64xf32, #tpu.memory_space<vmem>>, vector<1x16xf32>,
      } {sc.loop_unroll_factor = 4 : i64, sc.parallel_access}
      %ge3A_124 = arith.constant 128 : i32
      %ge3A_125 = arith.cmpi sge, %select_n3A, %ge3A_124 : i32
      %lt3A_126 = arith.constant 256 : i32
      %lt3A_127 = arith.cmpi slt, %select_n3A, %lt3A_126 : i32
      %and3A_128 = arith.andi %ge3A_125, %lt3A_127 : i1
      %convert_element_type3A_129 = arith.extui %and3A_128 : i1 to i32
      %cond3A_130 = arith.constant 0 : i32
      %cond3A_131 = arith.cmpi ne, %convert_element_type3A_129, %cond3A_130 : i32
      scf.if %cond3A_131 {
        %mul3A_251 = arith.constant 2 : i32
        %mul3A_252 = arith.muli %mul3A_251, %select_n3A : i32
        %sub3A_253 = arith.constant 256 : i32
        %sub3A_254 = arith.subi %mul3A_252, %sub3A_253 : i32
        %swap3A = arith.index_cast %sub3A_254 : i32 to index
        %swap3A_255 = arith.constant 0 : index
        %swap3A_256 = tpu.vector_load %arg8[%swap3A, %swap3A_255] {strides = array<i32>} : memref<256x64xf32, #tpu.memory_space<vmem>>, vector<1x16xf32>,
        %swap3A_257 = vector.shape_cast %swap3A_256 : vector<1x16xf32> to vector<16xf32>
        %swap3A_258 = vector.shape_cast %broadcast_in_dim3A_1 : vector<16xf32> to vector<1x16xf32>
        tpu.vector_store %arg8[%swap3A, %swap3A_255], %swap3A_258 {strides = array<i32>} : memref<256x64xf32, #tpu.memory_space<vmem>>, vector<1x16xf32>,
        %get3A_259 = arith.index_cast %select_n3A : i32 to index
        %get3A_260 = arith.constant 64 : index
        %get3A_261 = tpu.vector_load %arg6[%get3A_259, %get3A_260] {strides = array<i32>} : memref<256x128xf32, #tpu.memory_space<vmem>>, vector<1x16xf32>,
        %get3A_262 = vector.shape_cast %get3A_261 : vector<1x16xf32> to vector<16xf32>
        %add3A_263 = arith.addf %get3A_50, %get3A_262 : vector<16xf32>
        %add3A_264 = arith.constant 1 : i32
        %add3A_265 = arith.addi %sub3A_254, %add3A_264 : i32
        %swap3A_266 = arith.index_cast %add3A_265 : i32 to index
        %swap3A_267 = arith.constant 0 : index
        %swap3A_268 = tpu.vector_load %arg8[%swap3A_266, %swap3A_267] {strides = array<i32>} : memref<256x64xf32, #tpu.memory_space<vmem>>, vector<1x16xf32>,
        %swap3A_269 = vector.shape_cast %swap3A_268 : vector<1x16xf32> to vector<16xf32>
        %swap3A_270 = vector.shape_cast %add3A_263 : vector<16xf32> to vector<1x16xf32>
        tpu.vector_store %arg8[%swap3A_266, %swap3A_267], %swap3A_270 {strides = array<i32>} : memref<256x64xf32, #tpu.memory_space<vmem>>, vector<1x16xf32>,
        %swap3A_271 = arith.index_cast %sub3A_254 : i32 to index
        %swap3A_272 = arith.constant 16 : index
        %swap3A_273 = tpu.vector_load %arg8[%swap3A_271, %swap3A_272] {strides = array<i32>} : memref<256x64xf32, #tpu.memory_space<vmem>>, vector<1x16xf32>,
        %swap3A_274 = vector.shape_cast %swap3A_273 : vector<1x16xf32> to vector<16xf32>
        %swap3A_275 = vector.shape_cast %broadcast_in_dim3A_1 : vector<16xf32> to vector<1x16xf32>
        tpu.vector_store %arg8[%swap3A_271, %swap3A_272], %swap3A_275 {strides = array<i32>} : memref<256x64xf32, #tpu.memory_space<vmem>>, vector<1x16xf32>,
        %get3A_276 = arith.index_cast %select_n3A : i32 to index
        %get3A_277 = arith.constant 80 : index
        %get3A_278 = tpu.vector_load %arg6[%get3A_276, %get3A_277] {strides = array<i32>} : memref<256x128xf32, #tpu.memory_space<vmem>>, vector<1x16xf32>,
        %get3A_279 = vector.shape_cast %get3A_278 : vector<1x16xf32> to vector<16xf32>
        %add3A_280 = arith.addf %get3A_54, %get3A_279 : vector<16xf32>
        %add3A_281 = arith.constant 1 : i32
        %add3A_282 = arith.addi %sub3A_254, %add3A_281 : i32
        %swap3A_283 = arith.index_cast %add3A_282 : i32 to index
        %swap3A_284 = arith.constant 16 : index
        %swap3A_285 = tpu.vector_load %arg8[%swap3A_283, %swap3A_284] {strides = array<i32>} : memref<256x64xf32, #tpu.memory_space<vmem>>, vector<1x16xf32>,
        %swap3A_286 = vector.shape_cast %swap3A_285 : vector<1x16xf32> to vector<16xf32>
        %swap3A_287 = vector.shape_cast %add3A_280 : vector<16xf32> to vector<1x16xf32>
        tpu.vector_store %arg8[%swap3A_283, %swap3A_284], %swap3A_287 {strides = array<i32>} : memref<256x64xf32, #tpu.memory_space<vmem>>, vector<1x16xf32>,
        %swap3A_288 = arith.index_cast %sub3A_254 : i32 to index
        %swap3A_289 = arith.constant 32 : index
        %swap3A_290 = tpu.vector_load %arg8[%swap3A_288, %swap3A_289] {strides = array<i32>} : memref<256x64xf32, #tpu.memory_space<vmem>>, vector<1x16xf32>,
        %swap3A_291 = vector.shape_cast %swap3A_290 : vector<1x16xf32> to vector<16xf32>
        %swap3A_292 = vector.shape_cast %broadcast_in_dim3A_1 : vector<16xf32> to vector<1x16xf32>
        tpu.vector_store %arg8[%swap3A_288, %swap3A_289], %swap3A_292 {strides = array<i32>} : memref<256x64xf32, #tpu.memory_space<vmem>>, vector<1x16xf32>,
        %get3A_293 = arith.index_cast %select_n3A : i32 to index
        %get3A_294 = arith.constant 96 : index
        %get3A_295 = tpu.vector_load %arg6[%get3A_293, %get3A_294] {strides = array<i32>} : memref<256x128xf32, #tpu.memory_space<vmem>>, vector<1x16xf32>,
        %get3A_296 = vector.shape_cast %get3A_295 : vector<1x16xf32> to vector<16xf32>
        %add3A_297 = arith.addf %get3A_58, %get3A_296 : vector<16xf32>
        %add3A_298 = arith.constant 1 : i32
        %add3A_299 = arith.addi %sub3A_254, %add3A_298 : i32
        %swap3A_300 = arith.index_cast %add3A_299 : i32 to index
        %swap3A_301 = arith.constant 32 : index
        %swap3A_302 = tpu.vector_load %arg8[%swap3A_300, %swap3A_301] {strides = array<i32>} : memref<256x64xf32, #tpu.memory_space<vmem>>, vector<1x16xf32>,
        %swap3A_303 = vector.shape_cast %swap3A_302 : vector<1x16xf32> to vector<16xf32>
        %swap3A_304 = vector.shape_cast %add3A_297 : vector<16xf32> to vector<1x16xf32>
        tpu.vector_store %arg8[%swap3A_300, %swap3A_301], %swap3A_304 {strides = array<i32>} : memref<256x64xf32, #tpu.memory_space<vmem>>, vector<1x16xf32>,
        %swap3A_305 = arith.index_cast %sub3A_254 : i32 to index
        %swap3A_306 = arith.constant 48 : index
        %swap3A_307 = tpu.vector_load %arg8[%swap3A_305, %swap3A_306] {strides = array<i32>} : memref<256x64xf32, #tpu.memory_space<vmem>>, vector<1x16xf32>,
        %swap3A_308 = vector.shape_cast %swap3A_307 : vector<1x16xf32> to vector<16xf32>
        %swap3A_309 = vector.shape_cast %broadcast_in_dim3A_1 : vector<16xf32> to vector<1x16xf32>
        tpu.vector_store %arg8[%swap3A_305, %swap3A_306], %swap3A_309 {strides = array<i32>} : memref<256x64xf32, #tpu.memory_space<vmem>>, vector<1x16xf32>,
        %get3A_310 = arith.index_cast %select_n3A : i32 to index
        %get3A_311 = arith.constant 112 : index
        %get3A_312 = tpu.vector_load %arg6[%get3A_310, %get3A_311] {strides = array<i32>} : memref<256x128xf32, #tpu.memory_space<vmem>>, vector<1x16xf32>,
        %get3A_313 = vector.shape_cast %get3A_312 : vector<1x16xf32> to vector<16xf32>
        %add3A_314 = arith.addf %get3A_62, %get3A_313 : vector<16xf32>
        %add3A_315 = arith.constant 1 : i32
        %add3A_316 = arith.addi %sub3A_254, %add3A_315 : i32
        %swap3A_317 = arith.index_cast %add3A_316 : i32 to index
        %swap3A_318 = arith.constant 48 : index
        %swap3A_319 = tpu.vector_load %arg8[%swap3A_317, %swap3A_318] {strides = array<i32>} : memref<256x64xf32, #tpu.memory_space<vmem>>, vector<1x16xf32>,
        %swap3A_320 = vector.shape_cast %swap3A_319 : vector<1x16xf32> to vector<16xf32>
        %swap3A_321 = vector.shape_cast %add3A_314 : vector<16xf32> to vector<1x16xf32>
        tpu.vector_store %arg8[%swap3A_317, %swap3A_318], %swap3A_321 {strides = array<i32>} : memref<256x64xf32, #tpu.memory_space<vmem>>, vector<1x16xf32>,
      } else {
      }
      %dma_start3A_132 = arith.constant 256 : i32
      %dma_start3A_133 = arith.constant 0 : i32
      %dma_start3A_134 = tpu.memref_slice %arg4[%add3A_47, %dma_start3A_132, %dma_start3A_133] : memref<512x512x64xf32, #tpu.memory_space<hbm>> -> memref<1x256x64xf32, #tpu.memory_space<hbm>>
      %dma_start3A_135 = tpu.memref_squeeze %dma_start3A_134 : memref<1x256x64xf32, #tpu.memory_space<hbm>> -> memref<256x64xf32, #tpu.memory_space<hbm>>
      %dma_start3A_136 = arith.constant 256 : i32
      %dma_start3A_137 = arith.constant 0 : i32
      %dma_start3A_138 = tpu.memref_slice %arg4[%add3A_47, %dma_start3A_136, %dma_start3A_137] : memref<512x512x64xf32, #tpu.memory_space<hbm>> -> memref<1x256x64xf32, #tpu.memory_space<hbm>>
      %dma_start3A_139 = tpu.memref_squeeze %dma_start3A_138 : memref<1x256x64xf32, #tpu.memory_space<hbm>> -> memref<256x64xf32, #tpu.memory_space<hbm>>
      tpu.enqueue_dma source(%arg8 : memref<256x64xf32, #tpu.memory_space<vmem>>) target(%dma_start3A_139 : memref<256x64xf32, #tpu.memory_space<hbm>>) target_semaphore(%arg10 : memref<!tpu.dma_semaphore, #tpu.memory_space<semaphore_mem>>)
      %add3A_140 = arith.addi %mul3A_3, %add3A_27 : i32
      %add3A_141 = arith.constant 1 : i32
      %add3A_142 = arith.addi %add3A_140, %add3A_141 : i32
      %get3A_143 = arith.index_cast %select_n3A : i32 to index
      %get3A_144 = arith.constant 64 : index
      %get3A_145 = tpu.vector_load %arg5[%get3A_143, %get3A_144] {strides = array<i32>} : memref<256x128xf32, #tpu.memory_space<vmem>>, vector<1x16xf32>,
      %get3A_146 = vector.shape_cast %get3A_145 : vector<1x16xf32> to vector<16xf32>
      %get3A_147 = arith.index_cast %select_n3A : i32 to index
      %get3A_148 = arith.constant 80 : index
      %get3A_149 = tpu.vector_load %arg5[%get3A_147, %get3A_148] {strides = array<i32>} : memref<256x128xf32, #tpu.memory_space<vmem>>, vector<1x16xf32>,
      %get3A_150 = vector.shape_cast %get3A_149 : vector<1x16xf32> to vector<16xf32>
      %get3A_151 = arith.index_cast %select_n3A : i32 to index
      %get3A_152 = arith.constant 96 : index
      %get3A_153 = tpu.vector_load %arg5[%get3A_151, %get3A_152] {strides = array<i32>} : memref<256x128xf32, #tpu.memory_space<vmem>>, vector<1x16xf32>,
      %get3A_154 = vector.shape_cast %get3A_153 : vector<1x16xf32> to vector<16xf32>
      %get3A_155 = arith.index_cast %select_n3A : i32 to index
      %get3A_156 = arith.constant 112 : index
      %get3A_157 = tpu.vector_load %arg5[%get3A_155, %get3A_156] {strides = array<i32>} : memref<256x128xf32, #tpu.memory_space<vmem>>, vector<1x16xf32>,
      %get3A_158 = vector.shape_cast %get3A_157 : vector<1x16xf32> to vector<16xf32>
      %get3A_159 = arith.index_cast %select_n3A : i32 to index
      %get3A_160 = arith.constant 64 : index
      %get3A_161 = tpu.vector_load %arg6[%get3A_159, %get3A_160] {strides = array<i32>} : memref<256x128xf32, #tpu.memory_space<vmem>>, vector<1x16xf32>,
      %get3A_162 = vector.shape_cast %get3A_161 : vector<1x16xf32> to vector<16xf32>
      %get3A_163 = arith.index_cast %select_n3A : i32 to index
      %get3A_164 = arith.constant 80 : index
      %get3A_165 = tpu.vector_load %arg6[%get3A_163, %get3A_164] {strides = array<i32>} : memref<256x128xf32, #tpu.memory_space<vmem>>, vector<1x16xf32>,
      %get3A_166 = vector.shape_cast %get3A_165 : vector<1x16xf32> to vector<16xf32>
      %get3A_167 = arith.index_cast %select_n3A : i32 to index
      %get3A_168 = arith.constant 96 : index
      %get3A_169 = tpu.vector_load %arg6[%get3A_167, %get3A_168] {strides = array<i32>} : memref<256x128xf32, #tpu.memory_space<vmem>>, vector<1x16xf32>,
      %get3A_170 = vector.shape_cast %get3A_169 : vector<1x16xf32> to vector<16xf32>
      %get3A_171 = arith.index_cast %select_n3A : i32 to index
      %get3A_172 = arith.constant 112 : index
      %get3A_173 = tpu.vector_load %arg6[%get3A_171, %get3A_172] {strides = array<i32>} : memref<256x128xf32, #tpu.memory_space<vmem>>, vector<1x16xf32>,
      %get3A_174 = vector.shape_cast %get3A_173 : vector<1x16xf32> to vector<16xf32>
      %dma_wait3A_175 = arith.constant 0 : i32
      %dma_wait3A_176 = arith.constant 0 : i32
      %dma_wait3A_177 = tpu.memref_slice %arg4[%mul3A_3, %dma_wait3A_175, %dma_wait3A_176] : memref<512x512x64xf32, #tpu.memory_space<hbm>> -> memref<1x256x64xf32, #tpu.memory_space<hbm>>
      %dma_wait3A_178 = tpu.memref_squeeze %dma_wait3A_177 : memref<1x256x64xf32, #tpu.memory_space<hbm>> -> memref<256x64xf32, #tpu.memory_space<hbm>>
      %dma_wait3A_179 = arith.constant 0 : i32
      %dma_wait3A_180 = arith.constant 0 : i32
      %dma_wait3A_181 = tpu.memref_slice %arg4[%mul3A_3, %dma_wait3A_179, %dma_wait3A_180] : memref<512x512x64xf32, #tpu.memory_space<hbm>> -> memref<1x256x64xf32, #tpu.memory_space<hbm>>
      %dma_wait3A_182 = tpu.memref_squeeze %dma_wait3A_181 : memref<1x256x64xf32, #tpu.memory_space<hbm>> -> memref<256x64xf32, #tpu.memory_space<hbm>>
      tpu.wait_dma2 semaphore(%arg9 : memref<!tpu.dma_semaphore, #tpu.memory_space<semaphore_mem>>) src(%arg7 : memref<256x64xf32, #tpu.memory_space<vmem>>) dst(%dma_wait3A_182 : memref<256x64xf32, #tpu.memory_space<hbm>>)
      %max3A_183 = arith.constant 0 : i32
      %max3A_184 = arith.maxsi %select_n3A, %max3A_183 : i32
      %min3A_185 = arith.constant 128 : i32
      %min3A_186 = arith.minsi %max3A_184, %min3A_185 : i32
      %add3A_187 = arith.constant 1 : i32
      %add3A_188 = arith.addi %select_n3A, %add3A_187 : i32
      %max3A_189 = arith.constant 0 : i32
      %max3A_190 = arith.maxsi %add3A_188, %max3A_189 : i32
      %min3A_191 = arith.constant 128 : i32
      %min3A_192 = arith.minsi %max3A_190, %min3A_191 : i32
      %parallel_loop3A_193 = arith.constant 0 : i32
      %parallel_loop3A_194 = arith.constant 1 : i32
      scf.for %parallel_loop3A_251 = %parallel_loop3A_193 to %min3A_186 step %parallel_loop3A_194  : i32 {
        %parallel_loop3A_252 = arith.index_cast %parallel_loop3A_251 : i32 to index
        %parallel_loop3A_253 = arith.constant 0 : index
        %parallel_loop3A_254 = tpu.vector_load %arg5[%parallel_loop3A_252, %parallel_loop3A_253] {strides = array<i32>} : memref<256x128xf32, #tpu.memory_space<vmem>>, vector<1x16xf32>,
        %parallel_loop3A_255 = vector.shape_cast %parallel_loop3A_254 : vector<1x16xf32> to vector<16xf32>
        %parallel_loop3A_256 = arith.addf %parallel_loop3A_255, %get3A_162 : vector<16xf32>
        %parallel_loop3A_257 = arith.constant 2 : i32
        %parallel_loop3A_258 = arith.muli %parallel_loop3A_257, %parallel_loop3A_251 : i32
        %parallel_loop3A_259 = arith.constant 0 : i32
        %parallel_loop3A_260 = arith.subi %parallel_loop3A_258, %parallel_loop3A_259 : i32
        %parallel_loop3A_261 = arith.index_cast %parallel_loop3A_260 : i32 to index
        %parallel_loop3A_262 = arith.constant 0 : index
        %parallel_loop3A_263 = tpu.vector_load %arg7[%parallel_loop3A_261, %parallel_loop3A_262] {strides = array<i32>} : memref<256x64xf32, #tpu.memory_space<vmem>>, vector<1x16xf32>,
        %parallel_loop3A_264 = vector.shape_cast %parallel_loop3A_263 : vector<1x16xf32> to vector<16xf32>
        %parallel_loop3A_265 = vector.shape_cast %parallel_loop3A_256 : vector<16xf32> to vector<1x16xf32>
        tpu.vector_store %arg7[%parallel_loop3A_261, %parallel_loop3A_262], %parallel_loop3A_265 {strides = array<i32>} : memref<256x64xf32, #tpu.memory_space<vmem>>, vector<1x16xf32>,
        %parallel_loop3A_266 = arith.index_cast %parallel_loop3A_251 : i32 to index
        %parallel_loop3A_267 = arith.constant 64 : index
        %parallel_loop3A_268 = tpu.vector_load %arg5[%parallel_loop3A_266, %parallel_loop3A_267] {strides = array<i32>} : memref<256x128xf32, #tpu.memory_space<vmem>>, vector<1x16xf32>,
        %parallel_loop3A_269 = vector.shape_cast %parallel_loop3A_268 : vector<1x16xf32> to vector<16xf32>
        %parallel_loop3A_270 = arith.addf %parallel_loop3A_269, %get3A_162 : vector<16xf32>
        %parallel_loop3A_271 = arith.constant 2 : i32
        %parallel_loop3A_272 = arith.muli %parallel_loop3A_271, %parallel_loop3A_251 : i32
        %parallel_loop3A_273 = arith.constant 1 : i32
        %parallel_loop3A_274 = arith.addi %parallel_loop3A_272, %parallel_loop3A_273 : i32
        %parallel_loop3A_275 = arith.constant 0 : i32
        %parallel_loop3A_276 = arith.subi %parallel_loop3A_274, %parallel_loop3A_275 : i32
        %parallel_loop3A_277 = arith.index_cast %parallel_loop3A_276 : i32 to index
        %parallel_loop3A_278 = arith.constant 0 : index
        %parallel_loop3A_279 = tpu.vector_load %arg7[%parallel_loop3A_277, %parallel_loop3A_278] {strides = array<i32>} : memref<256x64xf32, #tpu.memory_space<vmem>>, vector<1x16xf32>,
        %parallel_loop3A_280 = vector.shape_cast %parallel_loop3A_279 : vector<1x16xf32> to vector<16xf32>
        %parallel_loop3A_281 = vector.shape_cast %parallel_loop3A_270 : vector<16xf32> to vector<1x16xf32>
        tpu.vector_store %arg7[%parallel_loop3A_277, %parallel_loop3A_278], %parallel_loop3A_281 {strides = array<i32>} : memref<256x64xf32, #tpu.memory_space<vmem>>, vector<1x16xf32>,
        %parallel_loop3A_282 = arith.index_cast %parallel_loop3A_251 : i32 to index
        %parallel_loop3A_283 = arith.constant 16 : index
        %parallel_loop3A_284 = tpu.vector_load %arg5[%parallel_loop3A_282, %parallel_loop3A_283] {strides = array<i32>} : memref<256x128xf32, #tpu.memory_space<vmem>>, vector<1x16xf32>,
        %parallel_loop3A_285 = vector.shape_cast %parallel_loop3A_284 : vector<1x16xf32> to vector<16xf32>
        %parallel_loop3A_286 = arith.addf %parallel_loop3A_285, %get3A_166 : vector<16xf32>
        %parallel_loop3A_287 = arith.constant 2 : i32
        %parallel_loop3A_288 = arith.muli %parallel_loop3A_287, %parallel_loop3A_251 : i32
        %parallel_loop3A_289 = arith.constant 0 : i32
        %parallel_loop3A_290 = arith.subi %parallel_loop3A_288, %parallel_loop3A_289 : i32
        %parallel_loop3A_291 = arith.index_cast %parallel_loop3A_290 : i32 to index
        %parallel_loop3A_292 = arith.constant 16 : index
        %parallel_loop3A_293 = tpu.vector_load %arg7[%parallel_loop3A_291, %parallel_loop3A_292] {strides = array<i32>} : memref<256x64xf32, #tpu.memory_space<vmem>>, vector<1x16xf32>,
        %parallel_loop3A_294 = vector.shape_cast %parallel_loop3A_293 : vector<1x16xf32> to vector<16xf32>
        %parallel_loop3A_295 = vector.shape_cast %parallel_loop3A_286 : vector<16xf32> to vector<1x16xf32>
        tpu.vector_store %arg7[%parallel_loop3A_291, %parallel_loop3A_292], %parallel_loop3A_295 {strides = array<i32>} : memref<256x64xf32, #tpu.memory_space<vmem>>, vector<1x16xf32>,
        %parallel_loop3A_296 = arith.index_cast %parallel_loop3A_251 : i32 to index
        %parallel_loop3A_297 = arith.constant 80 : index
        %parallel_loop3A_298 = tpu.vector_load %arg5[%parallel_loop3A_296, %parallel_loop3A_297] {strides = array<i32>} : memref<256x128xf32, #tpu.memory_space<vmem>>, vector<1x16xf32>,
        %parallel_loop3A_299 = vector.shape_cast %parallel_loop3A_298 : vector<1x16xf32> to vector<16xf32>
        %parallel_loop3A_300 = arith.addf %parallel_loop3A_299, %get3A_166 : vector<16xf32>
        %parallel_loop3A_301 = arith.constant 2 : i32
        %parallel_loop3A_302 = arith.muli %parallel_loop3A_301, %parallel_loop3A_251 : i32
        %parallel_loop3A_303 = arith.constant 1 : i32
        %parallel_loop3A_304 = arith.addi %parallel_loop3A_302, %parallel_loop3A_303 : i32
        %parallel_loop3A_305 = arith.constant 0 : i32
        %parallel_loop3A_306 = arith.subi %parallel_loop3A_304, %parallel_loop3A_305 : i32
        %parallel_loop3A_307 = arith.index_cast %parallel_loop3A_306 : i32 to index
        %parallel_loop3A_308 = arith.constant 16 : index
        %parallel_loop3A_309 = tpu.vector_load %arg7[%parallel_loop3A_307, %parallel_loop3A_308] {strides = array<i32>} : memref<256x64xf32, #tpu.memory_space<vmem>>, vector<1x16xf32>,
        %parallel_loop3A_310 = vector.shape_cast %parallel_loop3A_309 : vector<1x16xf32> to vector<16xf32>
        %parallel_loop3A_311 = vector.shape_cast %parallel_loop3A_300 : vector<16xf32> to vector<1x16xf32>
        tpu.vector_store %arg7[%parallel_loop3A_307, %parallel_loop3A_308], %parallel_loop3A_311 {strides = array<i32>} : memref<256x64xf32, #tpu.memory_space<vmem>>, vector<1x16xf32>,
        %parallel_loop3A_312 = arith.index_cast %parallel_loop3A_251 : i32 to index
        %parallel_loop3A_313 = arith.constant 32 : index
        %parallel_loop3A_314 = tpu.vector_load %arg5[%parallel_loop3A_312, %parallel_loop3A_313] {strides = array<i32>} : memref<256x128xf32, #tpu.memory_space<vmem>>, vector<1x16xf32>,
        %parallel_loop3A_315 = vector.shape_cast %parallel_loop3A_314 : vector<1x16xf32> to vector<16xf32>
        %parallel_loop3A_316 = arith.addf %parallel_loop3A_315, %get3A_170 : vector<16xf32>
        %parallel_loop3A_317 = arith.constant 2 : i32
        %parallel_loop3A_318 = arith.muli %parallel_loop3A_317, %parallel_loop3A_251 : i32
        %parallel_loop3A_319 = arith.constant 0 : i32
        %parallel_loop3A_320 = arith.subi %parallel_loop3A_318, %parallel_loop3A_319 : i32
        %parallel_loop3A_321 = arith.index_cast %parallel_loop3A_320 : i32 to index
        %parallel_loop3A_322 = arith.constant 32 : index
        %parallel_loop3A_323 = tpu.vector_load %arg7[%parallel_loop3A_321, %parallel_loop3A_322] {strides = array<i32>} : memref<256x64xf32, #tpu.memory_space<vmem>>, vector<1x16xf32>,
        %parallel_loop3A_324 = vector.shape_cast %parallel_loop3A_323 : vector<1x16xf32> to vector<16xf32>
        %parallel_loop3A_325 = vector.shape_cast %parallel_loop3A_316 : vector<16xf32> to vector<1x16xf32>
        tpu.vector_store %arg7[%parallel_loop3A_321, %parallel_loop3A_322], %parallel_loop3A_325 {strides = array<i32>} : memref<256x64xf32, #tpu.memory_space<vmem>>, vector<1x16xf32>,
        %parallel_loop3A_326 = arith.index_cast %parallel_loop3A_251 : i32 to index
        %parallel_loop3A_327 = arith.constant 96 : index
        %parallel_loop3A_328 = tpu.vector_load %arg5[%parallel_loop3A_326, %parallel_loop3A_327] {strides = array<i32>} : memref<256x128xf32, #tpu.memory_space<vmem>>, vector<1x16xf32>,
        %parallel_loop3A_329 = vector.shape_cast %parallel_loop3A_328 : vector<1x16xf32> to vector<16xf32>
        %parallel_loop3A_330 = arith.addf %parallel_loop3A_329, %get3A_170 : vector<16xf32>
        %parallel_loop3A_331 = arith.constant 2 : i32
        %parallel_loop3A_332 = arith.muli %parallel_loop3A_331, %parallel_loop3A_251 : i32
        %parallel_loop3A_333 = arith.constant 1 : i32
        %parallel_loop3A_334 = arith.addi %parallel_loop3A_332, %parallel_loop3A_333 : i32
        %parallel_loop3A_335 = arith.constant 0 : i32
        %parallel_loop3A_336 = arith.subi %parallel_loop3A_334, %parallel_loop3A_335 : i32
        %parallel_loop3A_337 = arith.index_cast %parallel_loop3A_336 : i32 to index
        %parallel_loop3A_338 = arith.constant 32 : index
        %parallel_loop3A_339 = tpu.vector_load %arg7[%parallel_loop3A_337, %parallel_loop3A_338] {strides = array<i32>} : memref<256x64xf32, #tpu.memory_space<vmem>>, vector<1x16xf32>,
        %parallel_loop3A_340 = vector.shape_cast %parallel_loop3A_339 : vector<1x16xf32> to vector<16xf32>
        %parallel_loop3A_341 = vector.shape_cast %parallel_loop3A_330 : vector<16xf32> to vector<1x16xf32>
        tpu.vector_store %arg7[%parallel_loop3A_337, %parallel_loop3A_338], %parallel_loop3A_341 {strides = array<i32>} : memref<256x64xf32, #tpu.memory_space<vmem>>, vector<1x16xf32>,
        %parallel_loop3A_342 = arith.index_cast %parallel_loop3A_251 : i32 to index
        %parallel_loop3A_343 = arith.constant 48 : index
        %parallel_loop3A_344 = tpu.vector_load %arg5[%parallel_loop3A_342, %parallel_loop3A_343] {strides = array<i32>} : memref<256x128xf32, #tpu.memory_space<vmem>>, vector<1x16xf32>,
        %parallel_loop3A_345 = vector.shape_cast %parallel_loop3A_344 : vector<1x16xf32> to vector<16xf32>
        %parallel_loop3A_346 = arith.addf %parallel_loop3A_345, %get3A_174 : vector<16xf32>
        %parallel_loop3A_347 = arith.constant 2 : i32
        %parallel_loop3A_348 = arith.muli %parallel_loop3A_347, %parallel_loop3A_251 : i32
        %parallel_loop3A_349 = arith.constant 0 : i32
        %parallel_loop3A_350 = arith.subi %parallel_loop3A_348, %parallel_loop3A_349 : i32
        %parallel_loop3A_351 = arith.index_cast %parallel_loop3A_350 : i32 to index
        %parallel_loop3A_352 = arith.constant 48 : index
        %parallel_loop3A_353 = tpu.vector_load %arg7[%parallel_loop3A_351, %parallel_loop3A_352] {strides = array<i32>} : memref<256x64xf32, #tpu.memory_space<vmem>>, vector<1x16xf32>,
        %parallel_loop3A_354 = vector.shape_cast %parallel_loop3A_353 : vector<1x16xf32> to vector<16xf32>
        %parallel_loop3A_355 = vector.shape_cast %parallel_loop3A_346 : vector<16xf32> to vector<1x16xf32>
        tpu.vector_store %arg7[%parallel_loop3A_351, %parallel_loop3A_352], %parallel_loop3A_355 {strides = array<i32>} : memref<256x64xf32, #tpu.memory_space<vmem>>, vector<1x16xf32>,
        %parallel_loop3A_356 = arith.index_cast %parallel_loop3A_251 : i32 to index
        %parallel_loop3A_357 = arith.constant 112 : index
        %parallel_loop3A_358 = tpu.vector_load %arg5[%parallel_loop3A_356, %parallel_loop3A_357] {strides = array<i32>} : memref<256x128xf32, #tpu.memory_space<vmem>>, vector<1x16xf32>,
        %parallel_loop3A_359 = vector.shape_cast %parallel_loop3A_358 : vector<1x16xf32> to vector<16xf32>
        %parallel_loop3A_360 = arith.addf %parallel_loop3A_359, %get3A_174 : vector<16xf32>
        %parallel_loop3A_361 = arith.constant 2 : i32
        %parallel_loop3A_362 = arith.muli %parallel_loop3A_361, %parallel_loop3A_251 : i32
        %parallel_loop3A_363 = arith.constant 1 : i32
        %parallel_loop3A_364 = arith.addi %parallel_loop3A_362, %parallel_loop3A_363 : i32
        %parallel_loop3A_365 = arith.constant 0 : i32
        %parallel_loop3A_366 = arith.subi %parallel_loop3A_364, %parallel_loop3A_365 : i32
        %parallel_loop3A_367 = arith.index_cast %parallel_loop3A_366 : i32 to index
        %parallel_loop3A_368 = arith.constant 48 : index
        %parallel_loop3A_369 = tpu.vector_load %arg7[%parallel_loop3A_367, %parallel_loop3A_368] {strides = array<i32>} : memref<256x64xf32, #tpu.memory_space<vmem>>, vector<1x16xf32>,
        %parallel_loop3A_370 = vector.shape_cast %parallel_loop3A_369 : vector<1x16xf32> to vector<16xf32>
        %parallel_loop3A_371 = vector.shape_cast %parallel_loop3A_360 : vector<16xf32> to vector<1x16xf32>
        tpu.vector_store %arg7[%parallel_loop3A_367, %parallel_loop3A_368], %parallel_loop3A_371 {strides = array<i32>} : memref<256x64xf32, #tpu.memory_space<vmem>>, vector<1x16xf32>,
      } {sc.loop_unroll_factor = 4 : i64, sc.parallel_access}
      %parallel_loop3A_195 = arith.constant 128 : i32
      %parallel_loop3A_196 = arith.constant 1 : i32
      scf.for %parallel_loop3A_251 = %min3A_192 to %parallel_loop3A_195 step %parallel_loop3A_196  : i32 {
        %parallel_loop3A_252 = arith.index_cast %parallel_loop3A_251 : i32 to index
        %parallel_loop3A_253 = arith.constant 0 : index
        %parallel_loop3A_254 = tpu.vector_load %arg6[%parallel_loop3A_252, %parallel_loop3A_253] {strides = array<i32>} : memref<256x128xf32, #tpu.memory_space<vmem>>, vector<1x16xf32>,
        %parallel_loop3A_255 = vector.shape_cast %parallel_loop3A_254 : vector<1x16xf32> to vector<16xf32>
        %parallel_loop3A_256 = arith.addf %get3A_146, %parallel_loop3A_255 : vector<16xf32>
        %parallel_loop3A_257 = arith.constant 2 : i32
        %parallel_loop3A_258 = arith.muli %parallel_loop3A_257, %parallel_loop3A_251 : i32
        %parallel_loop3A_259 = arith.constant 0 : i32
        %parallel_loop3A_260 = arith.subi %parallel_loop3A_258, %parallel_loop3A_259 : i32
        %parallel_loop3A_261 = arith.index_cast %parallel_loop3A_260 : i32 to index
        %parallel_loop3A_262 = arith.constant 0 : index
        %parallel_loop3A_263 = tpu.vector_load %arg7[%parallel_loop3A_261, %parallel_loop3A_262] {strides = array<i32>} : memref<256x64xf32, #tpu.memory_space<vmem>>, vector<1x16xf32>,
        %parallel_loop3A_264 = vector.shape_cast %parallel_loop3A_263 : vector<1x16xf32> to vector<16xf32>
        %parallel_loop3A_265 = vector.shape_cast %parallel_loop3A_256 : vector<16xf32> to vector<1x16xf32>
        tpu.vector_store %arg7[%parallel_loop3A_261, %parallel_loop3A_262], %parallel_loop3A_265 {strides = array<i32>} : memref<256x64xf32, #tpu.memory_space<vmem>>, vector<1x16xf32>,
        %parallel_loop3A_266 = arith.index_cast %parallel_loop3A_251 : i32 to index
        %parallel_loop3A_267 = arith.constant 64 : index
        %parallel_loop3A_268 = tpu.vector_load %arg6[%parallel_loop3A_266, %parallel_loop3A_267] {strides = array<i32>} : memref<256x128xf32, #tpu.memory_space<vmem>>, vector<1x16xf32>,
        %parallel_loop3A_269 = vector.shape_cast %parallel_loop3A_268 : vector<1x16xf32> to vector<16xf32>
        %parallel_loop3A_270 = arith.addf %get3A_146, %parallel_loop3A_269 : vector<16xf32>
        %parallel_loop3A_271 = arith.constant 2 : i32
        %parallel_loop3A_272 = arith.muli %parallel_loop3A_271, %parallel_loop3A_251 : i32
        %parallel_loop3A_273 = arith.constant 1 : i32
        %parallel_loop3A_274 = arith.addi %parallel_loop3A_272, %parallel_loop3A_273 : i32
        %parallel_loop3A_275 = arith.constant 0 : i32
        %parallel_loop3A_276 = arith.subi %parallel_loop3A_274, %parallel_loop3A_275 : i32
        %parallel_loop3A_277 = arith.index_cast %parallel_loop3A_276 : i32 to index
        %parallel_loop3A_278 = arith.constant 0 : index
        %parallel_loop3A_279 = tpu.vector_load %arg7[%parallel_loop3A_277, %parallel_loop3A_278] {strides = array<i32>} : memref<256x64xf32, #tpu.memory_space<vmem>>, vector<1x16xf32>,
        %parallel_loop3A_280 = vector.shape_cast %parallel_loop3A_279 : vector<1x16xf32> to vector<16xf32>
        %parallel_loop3A_281 = vector.shape_cast %parallel_loop3A_270 : vector<16xf32> to vector<1x16xf32>
        tpu.vector_store %arg7[%parallel_loop3A_277, %parallel_loop3A_278], %parallel_loop3A_281 {strides = array<i32>} : memref<256x64xf32, #tpu.memory_space<vmem>>, vector<1x16xf32>,
        %parallel_loop3A_282 = arith.index_cast %parallel_loop3A_251 : i32 to index
        %parallel_loop3A_283 = arith.constant 16 : index
        %parallel_loop3A_284 = tpu.vector_load %arg6[%parallel_loop3A_282, %parallel_loop3A_283] {strides = array<i32>} : memref<256x128xf32, #tpu.memory_space<vmem>>, vector<1x16xf32>,
        %parallel_loop3A_285 = vector.shape_cast %parallel_loop3A_284 : vector<1x16xf32> to vector<16xf32>
        %parallel_loop3A_286 = arith.addf %get3A_150, %parallel_loop3A_285 : vector<16xf32>
        %parallel_loop3A_287 = arith.constant 2 : i32
        %parallel_loop3A_288 = arith.muli %parallel_loop3A_287, %parallel_loop3A_251 : i32
        %parallel_loop3A_289 = arith.constant 0 : i32
        %parallel_loop3A_290 = arith.subi %parallel_loop3A_288, %parallel_loop3A_289 : i32
        %parallel_loop3A_291 = arith.index_cast %parallel_loop3A_290 : i32 to index
        %parallel_loop3A_292 = arith.constant 16 : index
        %parallel_loop3A_293 = tpu.vector_load %arg7[%parallel_loop3A_291, %parallel_loop3A_292] {strides = array<i32>} : memref<256x64xf32, #tpu.memory_space<vmem>>, vector<1x16xf32>,
        %parallel_loop3A_294 = vector.shape_cast %parallel_loop3A_293 : vector<1x16xf32> to vector<16xf32>
        %parallel_loop3A_295 = vector.shape_cast %parallel_loop3A_286 : vector<16xf32> to vector<1x16xf32>
        tpu.vector_store %arg7[%parallel_loop3A_291, %parallel_loop3A_292], %parallel_loop3A_295 {strides = array<i32>} : memref<256x64xf32, #tpu.memory_space<vmem>>, vector<1x16xf32>,
        %parallel_loop3A_296 = arith.index_cast %parallel_loop3A_251 : i32 to index
        %parallel_loop3A_297 = arith.constant 80 : index
        %parallel_loop3A_298 = tpu.vector_load %arg6[%parallel_loop3A_296, %parallel_loop3A_297] {strides = array<i32>} : memref<256x128xf32, #tpu.memory_space<vmem>>, vector<1x16xf32>,
        %parallel_loop3A_299 = vector.shape_cast %parallel_loop3A_298 : vector<1x16xf32> to vector<16xf32>
        %parallel_loop3A_300 = arith.addf %get3A_150, %parallel_loop3A_299 : vector<16xf32>
        %parallel_loop3A_301 = arith.constant 2 : i32
        %parallel_loop3A_302 = arith.muli %parallel_loop3A_301, %parallel_loop3A_251 : i32
        %parallel_loop3A_303 = arith.constant 1 : i32
        %parallel_loop3A_304 = arith.addi %parallel_loop3A_302, %parallel_loop3A_303 : i32
        %parallel_loop3A_305 = arith.constant 0 : i32
        %parallel_loop3A_306 = arith.subi %parallel_loop3A_304, %parallel_loop3A_305 : i32
        %parallel_loop3A_307 = arith.index_cast %parallel_loop3A_306 : i32 to index
        %parallel_loop3A_308 = arith.constant 16 : index
        %parallel_loop3A_309 = tpu.vector_load %arg7[%parallel_loop3A_307, %parallel_loop3A_308] {strides = array<i32>} : memref<256x64xf32, #tpu.memory_space<vmem>>, vector<1x16xf32>,
        %parallel_loop3A_310 = vector.shape_cast %parallel_loop3A_309 : vector<1x16xf32> to vector<16xf32>
        %parallel_loop3A_311 = vector.shape_cast %parallel_loop3A_300 : vector<16xf32> to vector<1x16xf32>
        tpu.vector_store %arg7[%parallel_loop3A_307, %parallel_loop3A_308], %parallel_loop3A_311 {strides = array<i32>} : memref<256x64xf32, #tpu.memory_space<vmem>>, vector<1x16xf32>,
        %parallel_loop3A_312 = arith.index_cast %parallel_loop3A_251 : i32 to index
        %parallel_loop3A_313 = arith.constant 32 : index
        %parallel_loop3A_314 = tpu.vector_load %arg6[%parallel_loop3A_312, %parallel_loop3A_313] {strides = array<i32>} : memref<256x128xf32, #tpu.memory_space<vmem>>, vector<1x16xf32>,
        %parallel_loop3A_315 = vector.shape_cast %parallel_loop3A_314 : vector<1x16xf32> to vector<16xf32>
        %parallel_loop3A_316 = arith.addf %get3A_154, %parallel_loop3A_315 : vector<16xf32>
        %parallel_loop3A_317 = arith.constant 2 : i32
        %parallel_loop3A_318 = arith.muli %parallel_loop3A_317, %parallel_loop3A_251 : i32
        %parallel_loop3A_319 = arith.constant 0 : i32
        %parallel_loop3A_320 = arith.subi %parallel_loop3A_318, %parallel_loop3A_319 : i32
        %parallel_loop3A_321 = arith.index_cast %parallel_loop3A_320 : i32 to index
        %parallel_loop3A_322 = arith.constant 32 : index
        %parallel_loop3A_323 = tpu.vector_load %arg7[%parallel_loop3A_321, %parallel_loop3A_322] {strides = array<i32>} : memref<256x64xf32, #tpu.memory_space<vmem>>, vector<1x16xf32>,
        %parallel_loop3A_324 = vector.shape_cast %parallel_loop3A_323 : vector<1x16xf32> to vector<16xf32>
        %parallel_loop3A_325 = vector.shape_cast %parallel_loop3A_316 : vector<16xf32> to vector<1x16xf32>
        tpu.vector_store %arg7[%parallel_loop3A_321, %parallel_loop3A_322], %parallel_loop3A_325 {strides = array<i32>} : memref<256x64xf32, #tpu.memory_space<vmem>>, vector<1x16xf32>,
        %parallel_loop3A_326 = arith.index_cast %parallel_loop3A_251 : i32 to index
        %parallel_loop3A_327 = arith.constant 96 : index
        %parallel_loop3A_328 = tpu.vector_load %arg6[%parallel_loop3A_326, %parallel_loop3A_327] {strides = array<i32>} : memref<256x128xf32, #tpu.memory_space<vmem>>, vector<1x16xf32>,
        %parallel_loop3A_329 = vector.shape_cast %parallel_loop3A_328 : vector<1x16xf32> to vector<16xf32>
        %parallel_loop3A_330 = arith.addf %get3A_154, %parallel_loop3A_329 : vector<16xf32>
        %parallel_loop3A_331 = arith.constant 2 : i32
        %parallel_loop3A_332 = arith.muli %parallel_loop3A_331, %parallel_loop3A_251 : i32
        %parallel_loop3A_333 = arith.constant 1 : i32
        %parallel_loop3A_334 = arith.addi %parallel_loop3A_332, %parallel_loop3A_333 : i32
        %parallel_loop3A_335 = arith.constant 0 : i32
        %parallel_loop3A_336 = arith.subi %parallel_loop3A_334, %parallel_loop3A_335 : i32
        %parallel_loop3A_337 = arith.index_cast %parallel_loop3A_336 : i32 to index
        %parallel_loop3A_338 = arith.constant 32 : index
        %parallel_loop3A_339 = tpu.vector_load %arg7[%parallel_loop3A_337, %parallel_loop3A_338] {strides = array<i32>} : memref<256x64xf32, #tpu.memory_space<vmem>>, vector<1x16xf32>,
        %parallel_loop3A_340 = vector.shape_cast %parallel_loop3A_339 : vector<1x16xf32> to vector<16xf32>
        %parallel_loop3A_341 = vector.shape_cast %parallel_loop3A_330 : vector<16xf32> to vector<1x16xf32>
        tpu.vector_store %arg7[%parallel_loop3A_337, %parallel_loop3A_338], %parallel_loop3A_341 {strides = array<i32>} : memref<256x64xf32, #tpu.memory_space<vmem>>, vector<1x16xf32>,
        %parallel_loop3A_342 = arith.index_cast %parallel_loop3A_251 : i32 to index
        %parallel_loop3A_343 = arith.constant 48 : index
        %parallel_loop3A_344 = tpu.vector_load %arg6[%parallel_loop3A_342, %parallel_loop3A_343] {strides = array<i32>} : memref<256x128xf32, #tpu.memory_space<vmem>>, vector<1x16xf32>,
        %parallel_loop3A_345 = vector.shape_cast %parallel_loop3A_344 : vector<1x16xf32> to vector<16xf32>
        %parallel_loop3A_346 = arith.addf %get3A_158, %parallel_loop3A_345 : vector<16xf32>
        %parallel_loop3A_347 = arith.constant 2 : i32
        %parallel_loop3A_348 = arith.muli %parallel_loop3A_347, %parallel_loop3A_251 : i32
        %parallel_loop3A_349 = arith.constant 0 : i32
        %parallel_loop3A_350 = arith.subi %parallel_loop3A_348, %parallel_loop3A_349 : i32
        %parallel_loop3A_351 = arith.index_cast %parallel_loop3A_350 : i32 to index
        %parallel_loop3A_352 = arith.constant 48 : index
        %parallel_loop3A_353 = tpu.vector_load %arg7[%parallel_loop3A_351, %parallel_loop3A_352] {strides = array<i32>} : memref<256x64xf32, #tpu.memory_space<vmem>>, vector<1x16xf32>,
        %parallel_loop3A_354 = vector.shape_cast %parallel_loop3A_353 : vector<1x16xf32> to vector<16xf32>
        %parallel_loop3A_355 = vector.shape_cast %parallel_loop3A_346 : vector<16xf32> to vector<1x16xf32>
        tpu.vector_store %arg7[%parallel_loop3A_351, %parallel_loop3A_352], %parallel_loop3A_355 {strides = array<i32>} : memref<256x64xf32, #tpu.memory_space<vmem>>, vector<1x16xf32>,
        %parallel_loop3A_356 = arith.index_cast %parallel_loop3A_251 : i32 to index
        %parallel_loop3A_357 = arith.constant 112 : index
        %parallel_loop3A_358 = tpu.vector_load %arg6[%parallel_loop3A_356, %parallel_loop3A_357] {strides = array<i32>} : memref<256x128xf32, #tpu.memory_space<vmem>>, vector<1x16xf32>,
        %parallel_loop3A_359 = vector.shape_cast %parallel_loop3A_358 : vector<1x16xf32> to vector<16xf32>
        %parallel_loop3A_360 = arith.addf %get3A_158, %parallel_loop3A_359 : vector<16xf32>
        %parallel_loop3A_361 = arith.constant 2 : i32
        %parallel_loop3A_362 = arith.muli %parallel_loop3A_361, %parallel_loop3A_251 : i32
        %parallel_loop3A_363 = arith.constant 1 : i32
        %parallel_loop3A_364 = arith.addi %parallel_loop3A_362, %parallel_loop3A_363 : i32
        %parallel_loop3A_365 = arith.constant 0 : i32
        %parallel_loop3A_366 = arith.subi %parallel_loop3A_364, %parallel_loop3A_365 : i32
        %parallel_loop3A_367 = arith.index_cast %parallel_loop3A_366 : i32 to index
        %parallel_loop3A_368 = arith.constant 48 : index
        %parallel_loop3A_369 = tpu.vector_load %arg7[%parallel_loop3A_367, %parallel_loop3A_368] {strides = array<i32>} : memref<256x64xf32, #tpu.memory_space<vmem>>, vector<1x16xf32>,
        %parallel_loop3A_370 = vector.shape_cast %parallel_loop3A_369 : vector<1x16xf32> to vector<16xf32>
        %parallel_loop3A_371 = vector.shape_cast %parallel_loop3A_360 : vector<16xf32> to vector<1x16xf32>
        tpu.vector_store %arg7[%parallel_loop3A_367, %parallel_loop3A_368], %parallel_loop3A_371 {strides = array<i32>} : memref<256x64xf32, #tpu.memory_space<vmem>>, vector<1x16xf32>,
      } {sc.loop_unroll_factor = 4 : i64, sc.parallel_access}
      %ge3A_197 = arith.constant 0 : i32
      %ge3A_198 = arith.cmpi sge, %select_n3A, %ge3A_197 : i32
      %lt3A_199 = arith.constant 128 : i32
      %lt3A_200 = arith.cmpi slt, %select_n3A, %lt3A_199 : i32
      %and3A_201 = arith.andi %ge3A_198, %lt3A_200 : i1
      %convert_element_type3A_202 = arith.extui %and3A_201 : i1 to i32
      %cond3A_203 = arith.constant 0 : i32
      %cond3A_204 = arith.cmpi ne, %convert_element_type3A_202, %cond3A_203 : i32
      scf.if %cond3A_204 {
        %mul3A_251 = arith.constant 2 : i32
        %mul3A_252 = arith.muli %mul3A_251, %select_n3A : i32
        %sub3A_253 = arith.constant 0 : i32
        %sub3A_254 = arith.subi %mul3A_252, %sub3A_253 : i32
        %get3A_255 = arith.index_cast %select_n3A : i32 to index
        %get3A_256 = arith.constant 0 : index
        %get3A_257 = tpu.vector_load %arg5[%get3A_255, %get3A_256] {strides = array<i32>} : memref<256x128xf32, #tpu.memory_space<vmem>>, vector<1x16xf32>,
        %get3A_258 = vector.shape_cast %get3A_257 : vector<1x16xf32> to vector<16xf32>
        %add3A_259 = arith.addf %get3A_258, %get3A_162 : vector<16xf32>
        %swap3A = arith.index_cast %sub3A_254 : i32 to index
        %swap3A_260 = arith.constant 0 : index
        %swap3A_261 = tpu.vector_load %arg7[%swap3A, %swap3A_260] {strides = array<i32>} : memref<256x64xf32, #tpu.memory_space<vmem>>, vector<1x16xf32>,
        %swap3A_262 = vector.shape_cast %swap3A_261 : vector<1x16xf32> to vector<16xf32>
        %swap3A_263 = vector.shape_cast %add3A_259 : vector<16xf32> to vector<1x16xf32>
        tpu.vector_store %arg7[%swap3A, %swap3A_260], %swap3A_263 {strides = array<i32>} : memref<256x64xf32, #tpu.memory_space<vmem>>, vector<1x16xf32>,
        %add3A_264 = arith.constant 1 : i32
        %add3A_265 = arith.addi %sub3A_254, %add3A_264 : i32
        %swap3A_266 = arith.index_cast %add3A_265 : i32 to index
        %swap3A_267 = arith.constant 0 : index
        %swap3A_268 = tpu.vector_load %arg7[%swap3A_266, %swap3A_267] {strides = array<i32>} : memref<256x64xf32, #tpu.memory_space<vmem>>, vector<1x16xf32>,
        %swap3A_269 = vector.shape_cast %swap3A_268 : vector<1x16xf32> to vector<16xf32>
        %swap3A_270 = vector.shape_cast %broadcast_in_dim3A_1 : vector<16xf32> to vector<1x16xf32>
        tpu.vector_store %arg7[%swap3A_266, %swap3A_267], %swap3A_270 {strides = array<i32>} : memref<256x64xf32, #tpu.memory_space<vmem>>, vector<1x16xf32>,
        %get3A_271 = arith.index_cast %select_n3A : i32 to index
        %get3A_272 = arith.constant 16 : index
        %get3A_273 = tpu.vector_load %arg5[%get3A_271, %get3A_272] {strides = array<i32>} : memref<256x128xf32, #tpu.memory_space<vmem>>, vector<1x16xf32>,
        %get3A_274 = vector.shape_cast %get3A_273 : vector<1x16xf32> to vector<16xf32>
        %add3A_275 = arith.addf %get3A_274, %get3A_166 : vector<16xf32>
        %swap3A_276 = arith.index_cast %sub3A_254 : i32 to index
        %swap3A_277 = arith.constant 16 : index
        %swap3A_278 = tpu.vector_load %arg7[%swap3A_276, %swap3A_277] {strides = array<i32>} : memref<256x64xf32, #tpu.memory_space<vmem>>, vector<1x16xf32>,
        %swap3A_279 = vector.shape_cast %swap3A_278 : vector<1x16xf32> to vector<16xf32>
        %swap3A_280 = vector.shape_cast %add3A_275 : vector<16xf32> to vector<1x16xf32>
        tpu.vector_store %arg7[%swap3A_276, %swap3A_277], %swap3A_280 {strides = array<i32>} : memref<256x64xf32, #tpu.memory_space<vmem>>, vector<1x16xf32>,
        %add3A_281 = arith.constant 1 : i32
        %add3A_282 = arith.addi %sub3A_254, %add3A_281 : i32
        %swap3A_283 = arith.index_cast %add3A_282 : i32 to index
        %swap3A_284 = arith.constant 16 : index
        %swap3A_285 = tpu.vector_load %arg7[%swap3A_283, %swap3A_284] {strides = array<i32>} : memref<256x64xf32, #tpu.memory_space<vmem>>, vector<1x16xf32>,
        %swap3A_286 = vector.shape_cast %swap3A_285 : vector<1x16xf32> to vector<16xf32>
        %swap3A_287 = vector.shape_cast %broadcast_in_dim3A_1 : vector<16xf32> to vector<1x16xf32>
        tpu.vector_store %arg7[%swap3A_283, %swap3A_284], %swap3A_287 {strides = array<i32>} : memref<256x64xf32, #tpu.memory_space<vmem>>, vector<1x16xf32>,
        %get3A_288 = arith.index_cast %select_n3A : i32 to index
        %get3A_289 = arith.constant 32 : index
        %get3A_290 = tpu.vector_load %arg5[%get3A_288, %get3A_289] {strides = array<i32>} : memref<256x128xf32, #tpu.memory_space<vmem>>, vector<1x16xf32>,
        %get3A_291 = vector.shape_cast %get3A_290 : vector<1x16xf32> to vector<16xf32>
        %add3A_292 = arith.addf %get3A_291, %get3A_170 : vector<16xf32>
        %swap3A_293 = arith.index_cast %sub3A_254 : i32 to index
        %swap3A_294 = arith.constant 32 : index
        %swap3A_295 = tpu.vector_load %arg7[%swap3A_293, %swap3A_294] {strides = array<i32>} : memref<256x64xf32, #tpu.memory_space<vmem>>, vector<1x16xf32>,
        %swap3A_296 = vector.shape_cast %swap3A_295 : vector<1x16xf32> to vector<16xf32>
        %swap3A_297 = vector.shape_cast %add3A_292 : vector<16xf32> to vector<1x16xf32>
        tpu.vector_store %arg7[%swap3A_293, %swap3A_294], %swap3A_297 {strides = array<i32>} : memref<256x64xf32, #tpu.memory_space<vmem>>, vector<1x16xf32>,
        %add3A_298 = arith.constant 1 : i32
        %add3A_299 = arith.addi %sub3A_254, %add3A_298 : i32
        %swap3A_300 = arith.index_cast %add3A_299 : i32 to index
        %swap3A_301 = arith.constant 32 : index
        %swap3A_302 = tpu.vector_load %arg7[%swap3A_300, %swap3A_301] {strides = array<i32>} : memref<256x64xf32, #tpu.memory_space<vmem>>, vector<1x16xf32>,
        %swap3A_303 = vector.shape_cast %swap3A_302 : vector<1x16xf32> to vector<16xf32>
        %swap3A_304 = vector.shape_cast %broadcast_in_dim3A_1 : vector<16xf32> to vector<1x16xf32>
        tpu.vector_store %arg7[%swap3A_300, %swap3A_301], %swap3A_304 {strides = array<i32>} : memref<256x64xf32, #tpu.memory_space<vmem>>, vector<1x16xf32>,
        %get3A_305 = arith.index_cast %select_n3A : i32 to index
        %get3A_306 = arith.constant 48 : index
        %get3A_307 = tpu.vector_load %arg5[%get3A_305, %get3A_306] {strides = array<i32>} : memref<256x128xf32, #tpu.memory_space<vmem>>, vector<1x16xf32>,
        %get3A_308 = vector.shape_cast %get3A_307 : vector<1x16xf32> to vector<16xf32>
        %add3A_309 = arith.addf %get3A_308, %get3A_174 : vector<16xf32>
        %swap3A_310 = arith.index_cast %sub3A_254 : i32 to index
        %swap3A_311 = arith.constant 48 : index
        %swap3A_312 = tpu.vector_load %arg7[%swap3A_310, %swap3A_311] {strides = array<i32>} : memref<256x64xf32, #tpu.memory_space<vmem>>, vector<1x16xf32>,
        %swap3A_313 = vector.shape_cast %swap3A_312 : vector<1x16xf32> to vector<16xf32>
        %swap3A_314 = vector.shape_cast %add3A_309 : vector<16xf32> to vector<1x16xf32>
        tpu.vector_store %arg7[%swap3A_310, %swap3A_311], %swap3A_314 {strides = array<i32>} : memref<256x64xf32, #tpu.memory_space<vmem>>, vector<1x16xf32>,
        %add3A_315 = arith.constant 1 : i32
        %add3A_316 = arith.addi %sub3A_254, %add3A_315 : i32
        %swap3A_317 = arith.index_cast %add3A_316 : i32 to index
        %swap3A_318 = arith.constant 48 : index
        %swap3A_319 = tpu.vector_load %arg7[%swap3A_317, %swap3A_318] {strides = array<i32>} : memref<256x64xf32, #tpu.memory_space<vmem>>, vector<1x16xf32>,
        %swap3A_320 = vector.shape_cast %swap3A_319 : vector<1x16xf32> to vector<16xf32>
        %swap3A_321 = vector.shape_cast %broadcast_in_dim3A_1 : vector<16xf32> to vector<1x16xf32>
        tpu.vector_store %arg7[%swap3A_317, %swap3A_318], %swap3A_321 {strides = array<i32>} : memref<256x64xf32, #tpu.memory_space<vmem>>, vector<1x16xf32>,
      } else {
      }
      %dma_start3A_205 = arith.constant 0 : i32
      %dma_start3A_206 = arith.constant 0 : i32
      %dma_start3A_207 = tpu.memref_slice %arg4[%add3A_142, %dma_start3A_205, %dma_start3A_206] : memref<512x512x64xf32, #tpu.memory_space<hbm>> -> memref<1x256x64xf32, #tpu.memory_space<hbm>>
      %dma_start3A_208 = tpu.memref_squeeze %dma_start3A_207 : memref<1x256x64xf32, #tpu.memory_space<hbm>> -> memref<256x64xf32, #tpu.memory_space<hbm>>
      %dma_start3A_209 = arith.constant 0 : i32
      %dma_start3A_210 = arith.constant 0 : i32
      %dma_start3A_211 = tpu.memref_slice %arg4[%add3A_142, %dma_start3A_209, %dma_start3A_210] : memref<512x512x64xf32, #tpu.memory_space<hbm>> -> memref<1x256x64xf32, #tpu.memory_space<hbm>>
      %dma_start3A_212 = tpu.memref_squeeze %dma_start3A_211 : memref<1x256x64xf32, #tpu.memory_space<hbm>> -> memref<256x64xf32, #tpu.memory_space<hbm>>
      tpu.enqueue_dma source(%arg7 : memref<256x64xf32, #tpu.memory_space<vmem>>) target(%dma_start3A_212 : memref<256x64xf32, #tpu.memory_space<hbm>>) target_semaphore(%arg9 : memref<!tpu.dma_semaphore, #tpu.memory_space<semaphore_mem>>)
      %dma_wait3A_213 = arith.constant 256 : i32
      %dma_wait3A_214 = arith.constant 0 : i32
      %dma_wait3A_215 = tpu.memref_slice %arg4[%mul3A_3, %dma_wait3A_213, %dma_wait3A_214] : memref<512x512x64xf32, #tpu.memory_space<hbm>> -> memref<1x256x64xf32, #tpu.memory_space<hbm>>
      %dma_wait3A_216 = tpu.memref_squeeze %dma_wait3A_215 : memref<1x256x64xf32, #tpu.memory_space<hbm>> -> memref<256x64xf32, #tpu.memory_space<hbm>>
      %dma_wait3A_217 = arith.constant 256 : i32
      %dma_wait3A_218 = arith.constant 0 : i32
      %dma_wait3A_219 = tpu.memref_slice %arg4[%mul3A_3, %dma_wait3A_217, %dma_wait3A_218] : memref<512x512x64xf32, #tpu.memory_space<hbm>> -> memref<1x256x64xf32, #tpu.memory_space<hbm>>
      %dma_wait3A_220 = tpu.memref_squeeze %dma_wait3A_219 : memref<1x256x64xf32, #tpu.memory_space<hbm>> -> memref<256x64xf32, #tpu.memory_space<hbm>>
      tpu.wait_dma2 semaphore(%arg10 : memref<!tpu.dma_semaphore, #tpu.memory_space<semaphore_mem>>) src(%arg8 : memref<256x64xf32, #tpu.memory_space<vmem>>) dst(%dma_wait3A_220 : memref<256x64xf32, #tpu.memory_space<hbm>>)
      %max3A_221 = arith.constant 128 : i32
      %max3A_222 = arith.maxsi %select_n3A, %max3A_221 : i32
      %min3A_223 = arith.constant 256 : i32
      %min3A_224 = arith.minsi %max3A_222, %min3A_223 : i32
      %add3A_225 = arith.constant 1 : i32
      %add3A_226 = arith.addi %select_n3A, %add3A_225 : i32
      %max3A_227 = arith.constant 128 : i32
      %max3A_228 = arith.maxsi %add3A_226, %max3A_227 : i32
      %min3A_229 = arith.constant 256 : i32
      %min3A_230 = arith.minsi %max3A_228, %min3A_229 : i32
      %parallel_loop3A_231 = arith.constant 128 : i32
      %parallel_loop3A_232 = arith.constant 1 : i32
      scf.for %parallel_loop3A_251 = %parallel_loop3A_231 to %min3A_224 step %parallel_loop3A_232  : i32 {
        %parallel_loop3A_252 = arith.index_cast %parallel_loop3A_251 : i32 to index
        %parallel_loop3A_253 = arith.constant 0 : index
        %parallel_loop3A_254 = tpu.vector_load %arg5[%parallel_loop3A_252, %parallel_loop3A_253] {strides = array<i32>} : memref<256x128xf32, #tpu.memory_space<vmem>>, vector<1x16xf32>,
        %parallel_loop3A_255 = vector.shape_cast %parallel_loop3A_254 : vector<1x16xf32> to vector<16xf32>
        %parallel_loop3A_256 = arith.addf %parallel_loop3A_255, %get3A_162 : vector<16xf32>
        %parallel_loop3A_257 = arith.constant 2 : i32
        %parallel_loop3A_258 = arith.muli %parallel_loop3A_257, %parallel_loop3A_251 : i32
        %parallel_loop3A_259 = arith.constant 256 : i32
        %parallel_loop3A_260 = arith.subi %parallel_loop3A_258, %parallel_loop3A_259 : i32
        %parallel_loop3A_261 = arith.index_cast %parallel_loop3A_260 : i32 to index
        %parallel_loop3A_262 = arith.constant 0 : index
        %parallel_loop3A_263 = tpu.vector_load %arg8[%parallel_loop3A_261, %parallel_loop3A_262] {strides = array<i32>} : memref<256x64xf32, #tpu.memory_space<vmem>>, vector<1x16xf32>,
        %parallel_loop3A_264 = vector.shape_cast %parallel_loop3A_263 : vector<1x16xf32> to vector<16xf32>
        %parallel_loop3A_265 = vector.shape_cast %parallel_loop3A_256 : vector<16xf32> to vector<1x16xf32>
        tpu.vector_store %arg8[%parallel_loop3A_261, %parallel_loop3A_262], %parallel_loop3A_265 {strides = array<i32>} : memref<256x64xf32, #tpu.memory_space<vmem>>, vector<1x16xf32>,
        %parallel_loop3A_266 = arith.index_cast %parallel_loop3A_251 : i32 to index
        %parallel_loop3A_267 = arith.constant 64 : index
        %parallel_loop3A_268 = tpu.vector_load %arg5[%parallel_loop3A_266, %parallel_loop3A_267] {strides = array<i32>} : memref<256x128xf32, #tpu.memory_space<vmem>>, vector<1x16xf32>,
        %parallel_loop3A_269 = vector.shape_cast %parallel_loop3A_268 : vector<1x16xf32> to vector<16xf32>
        %parallel_loop3A_270 = arith.addf %parallel_loop3A_269, %get3A_162 : vector<16xf32>
        %parallel_loop3A_271 = arith.constant 2 : i32
        %parallel_loop3A_272 = arith.muli %parallel_loop3A_271, %parallel_loop3A_251 : i32
        %parallel_loop3A_273 = arith.constant 1 : i32
        %parallel_loop3A_274 = arith.addi %parallel_loop3A_272, %parallel_loop3A_273 : i32
        %parallel_loop3A_275 = arith.constant 256 : i32
        %parallel_loop3A_276 = arith.subi %parallel_loop3A_274, %parallel_loop3A_275 : i32
        %parallel_loop3A_277 = arith.index_cast %parallel_loop3A_276 : i32 to index
        %parallel_loop3A_278 = arith.constant 0 : index
        %parallel_loop3A_279 = tpu.vector_load %arg8[%parallel_loop3A_277, %parallel_loop3A_278] {strides = array<i32>} : memref<256x64xf32, #tpu.memory_space<vmem>>, vector<1x16xf32>,
        %parallel_loop3A_280 = vector.shape_cast %parallel_loop3A_279 : vector<1x16xf32> to vector<16xf32>
        %parallel_loop3A_281 = vector.shape_cast %parallel_loop3A_270 : vector<16xf32> to vector<1x16xf32>
        tpu.vector_store %arg8[%parallel_loop3A_277, %parallel_loop3A_278], %parallel_loop3A_281 {strides = array<i32>} : memref<256x64xf32, #tpu.memory_space<vmem>>, vector<1x16xf32>,
        %parallel_loop3A_282 = arith.index_cast %parallel_loop3A_251 : i32 to index
        %parallel_loop3A_283 = arith.constant 16 : index
        %parallel_loop3A_284 = tpu.vector_load %arg5[%parallel_loop3A_282, %parallel_loop3A_283] {strides = array<i32>} : memref<256x128xf32, #tpu.memory_space<vmem>>, vector<1x16xf32>,
        %parallel_loop3A_285 = vector.shape_cast %parallel_loop3A_284 : vector<1x16xf32> to vector<16xf32>
        %parallel_loop3A_286 = arith.addf %parallel_loop3A_285, %get3A_166 : vector<16xf32>
        %parallel_loop3A_287 = arith.constant 2 : i32
        %parallel_loop3A_288 = arith.muli %parallel_loop3A_287, %parallel_loop3A_251 : i32
        %parallel_loop3A_289 = arith.constant 256 : i32
        %parallel_loop3A_290 = arith.subi %parallel_loop3A_288, %parallel_loop3A_289 : i32
        %parallel_loop3A_291 = arith.index_cast %parallel_loop3A_290 : i32 to index
        %parallel_loop3A_292 = arith.constant 16 : index
        %parallel_loop3A_293 = tpu.vector_load %arg8[%parallel_loop3A_291, %parallel_loop3A_292] {strides = array<i32>} : memref<256x64xf32, #tpu.memory_space<vmem>>, vector<1x16xf32>,
        %parallel_loop3A_294 = vector.shape_cast %parallel_loop3A_293 : vector<1x16xf32> to vector<16xf32>
        %parallel_loop3A_295 = vector.shape_cast %parallel_loop3A_286 : vector<16xf32> to vector<1x16xf32>
        tpu.vector_store %arg8[%parallel_loop3A_291, %parallel_loop3A_292], %parallel_loop3A_295 {strides = array<i32>} : memref<256x64xf32, #tpu.memory_space<vmem>>, vector<1x16xf32>,
        %parallel_loop3A_296 = arith.index_cast %parallel_loop3A_251 : i32 to index
        %parallel_loop3A_297 = arith.constant 80 : index
        %parallel_loop3A_298 = tpu.vector_load %arg5[%parallel_loop3A_296, %parallel_loop3A_297] {strides = array<i32>} : memref<256x128xf32, #tpu.memory_space<vmem>>, vector<1x16xf32>,
        %parallel_loop3A_299 = vector.shape_cast %parallel_loop3A_298 : vector<1x16xf32> to vector<16xf32>
        %parallel_loop3A_300 = arith.addf %parallel_loop3A_299, %get3A_166 : vector<16xf32>
        %parallel_loop3A_301 = arith.constant 2 : i32
        %parallel_loop3A_302 = arith.muli %parallel_loop3A_301, %parallel_loop3A_251 : i32
        %parallel_loop3A_303 = arith.constant 1 : i32
        %parallel_loop3A_304 = arith.addi %parallel_loop3A_302, %parallel_loop3A_303 : i32
        %parallel_loop3A_305 = arith.constant 256 : i32
        %parallel_loop3A_306 = arith.subi %parallel_loop3A_304, %parallel_loop3A_305 : i32
        %parallel_loop3A_307 = arith.index_cast %parallel_loop3A_306 : i32 to index
        %parallel_loop3A_308 = arith.constant 16 : index
        %parallel_loop3A_309 = tpu.vector_load %arg8[%parallel_loop3A_307, %parallel_loop3A_308] {strides = array<i32>} : memref<256x64xf32, #tpu.memory_space<vmem>>, vector<1x16xf32>,
        %parallel_loop3A_310 = vector.shape_cast %parallel_loop3A_309 : vector<1x16xf32> to vector<16xf32>
        %parallel_loop3A_311 = vector.shape_cast %parallel_loop3A_300 : vector<16xf32> to vector<1x16xf32>
        tpu.vector_store %arg8[%parallel_loop3A_307, %parallel_loop3A_308], %parallel_loop3A_311 {strides = array<i32>} : memref<256x64xf32, #tpu.memory_space<vmem>>, vector<1x16xf32>,
        %parallel_loop3A_312 = arith.index_cast %parallel_loop3A_251 : i32 to index
        %parallel_loop3A_313 = arith.constant 32 : index
        %parallel_loop3A_314 = tpu.vector_load %arg5[%parallel_loop3A_312, %parallel_loop3A_313] {strides = array<i32>} : memref<256x128xf32, #tpu.memory_space<vmem>>, vector<1x16xf32>,
        %parallel_loop3A_315 = vector.shape_cast %parallel_loop3A_314 : vector<1x16xf32> to vector<16xf32>
        %parallel_loop3A_316 = arith.addf %parallel_loop3A_315, %get3A_170 : vector<16xf32>
        %parallel_loop3A_317 = arith.constant 2 : i32
        %parallel_loop3A_318 = arith.muli %parallel_loop3A_317, %parallel_loop3A_251 : i32
        %parallel_loop3A_319 = arith.constant 256 : i32
        %parallel_loop3A_320 = arith.subi %parallel_loop3A_318, %parallel_loop3A_319 : i32
        %parallel_loop3A_321 = arith.index_cast %parallel_loop3A_320 : i32 to index
        %parallel_loop3A_322 = arith.constant 32 : index
        %parallel_loop3A_323 = tpu.vector_load %arg8[%parallel_loop3A_321, %parallel_loop3A_322] {strides = array<i32>} : memref<256x64xf32, #tpu.memory_space<vmem>>, vector<1x16xf32>,
        %parallel_loop3A_324 = vector.shape_cast %parallel_loop3A_323 : vector<1x16xf32> to vector<16xf32>
        %parallel_loop3A_325 = vector.shape_cast %parallel_loop3A_316 : vector<16xf32> to vector<1x16xf32>
        tpu.vector_store %arg8[%parallel_loop3A_321, %parallel_loop3A_322], %parallel_loop3A_325 {strides = array<i32>} : memref<256x64xf32, #tpu.memory_space<vmem>>, vector<1x16xf32>,
        %parallel_loop3A_326 = arith.index_cast %parallel_loop3A_251 : i32 to index
        %parallel_loop3A_327 = arith.constant 96 : index
        %parallel_loop3A_328 = tpu.vector_load %arg5[%parallel_loop3A_326, %parallel_loop3A_327] {strides = array<i32>} : memref<256x128xf32, #tpu.memory_space<vmem>>, vector<1x16xf32>,
        %parallel_loop3A_329 = vector.shape_cast %parallel_loop3A_328 : vector<1x16xf32> to vector<16xf32>
        %parallel_loop3A_330 = arith.addf %parallel_loop3A_329, %get3A_170 : vector<16xf32>
        %parallel_loop3A_331 = arith.constant 2 : i32
        %parallel_loop3A_332 = arith.muli %parallel_loop3A_331, %parallel_loop3A_251 : i32
        %parallel_loop3A_333 = arith.constant 1 : i32
        %parallel_loop3A_334 = arith.addi %parallel_loop3A_332, %parallel_loop3A_333 : i32
        %parallel_loop3A_335 = arith.constant 256 : i32
        %parallel_loop3A_336 = arith.subi %parallel_loop3A_334, %parallel_loop3A_335 : i32
        %parallel_loop3A_337 = arith.index_cast %parallel_loop3A_336 : i32 to index
        %parallel_loop3A_338 = arith.constant 32 : index
        %parallel_loop3A_339 = tpu.vector_load %arg8[%parallel_loop3A_337, %parallel_loop3A_338] {strides = array<i32>} : memref<256x64xf32, #tpu.memory_space<vmem>>, vector<1x16xf32>,
        %parallel_loop3A_340 = vector.shape_cast %parallel_loop3A_339 : vector<1x16xf32> to vector<16xf32>
        %parallel_loop3A_341 = vector.shape_cast %parallel_loop3A_330 : vector<16xf32> to vector<1x16xf32>
        tpu.vector_store %arg8[%parallel_loop3A_337, %parallel_loop3A_338], %parallel_loop3A_341 {strides = array<i32>} : memref<256x64xf32, #tpu.memory_space<vmem>>, vector<1x16xf32>,
        %parallel_loop3A_342 = arith.index_cast %parallel_loop3A_251 : i32 to index
        %parallel_loop3A_343 = arith.constant 48 : index
        %parallel_loop3A_344 = tpu.vector_load %arg5[%parallel_loop3A_342, %parallel_loop3A_343] {strides = array<i32>} : memref<256x128xf32, #tpu.memory_space<vmem>>, vector<1x16xf32>,
        %parallel_loop3A_345 = vector.shape_cast %parallel_loop3A_344 : vector<1x16xf32> to vector<16xf32>
        %parallel_loop3A_346 = arith.addf %parallel_loop3A_345, %get3A_174 : vector<16xf32>
        %parallel_loop3A_347 = arith.constant 2 : i32
        %parallel_loop3A_348 = arith.muli %parallel_loop3A_347, %parallel_loop3A_251 : i32
        %parallel_loop3A_349 = arith.constant 256 : i32
        %parallel_loop3A_350 = arith.subi %parallel_loop3A_348, %parallel_loop3A_349 : i32
        %parallel_loop3A_351 = arith.index_cast %parallel_loop3A_350 : i32 to index
        %parallel_loop3A_352 = arith.constant 48 : index
        %parallel_loop3A_353 = tpu.vector_load %arg8[%parallel_loop3A_351, %parallel_loop3A_352] {strides = array<i32>} : memref<256x64xf32, #tpu.memory_space<vmem>>, vector<1x16xf32>,
        %parallel_loop3A_354 = vector.shape_cast %parallel_loop3A_353 : vector<1x16xf32> to vector<16xf32>
        %parallel_loop3A_355 = vector.shape_cast %parallel_loop3A_346 : vector<16xf32> to vector<1x16xf32>
        tpu.vector_store %arg8[%parallel_loop3A_351, %parallel_loop3A_352], %parallel_loop3A_355 {strides = array<i32>} : memref<256x64xf32, #tpu.memory_space<vmem>>, vector<1x16xf32>,
        %parallel_loop3A_356 = arith.index_cast %parallel_loop3A_251 : i32 to index
        %parallel_loop3A_357 = arith.constant 112 : index
        %parallel_loop3A_358 = tpu.vector_load %arg5[%parallel_loop3A_356, %parallel_loop3A_357] {strides = array<i32>} : memref<256x128xf32, #tpu.memory_space<vmem>>, vector<1x16xf32>,
        %parallel_loop3A_359 = vector.shape_cast %parallel_loop3A_358 : vector<1x16xf32> to vector<16xf32>
        %parallel_loop3A_360 = arith.addf %parallel_loop3A_359, %get3A_174 : vector<16xf32>
        %parallel_loop3A_361 = arith.constant 2 : i32
        %parallel_loop3A_362 = arith.muli %parallel_loop3A_361, %parallel_loop3A_251 : i32
        %parallel_loop3A_363 = arith.constant 1 : i32
        %parallel_loop3A_364 = arith.addi %parallel_loop3A_362, %parallel_loop3A_363 : i32
        %parallel_loop3A_365 = arith.constant 256 : i32
        %parallel_loop3A_366 = arith.subi %parallel_loop3A_364, %parallel_loop3A_365 : i32
        %parallel_loop3A_367 = arith.index_cast %parallel_loop3A_366 : i32 to index
        %parallel_loop3A_368 = arith.constant 48 : index
        %parallel_loop3A_369 = tpu.vector_load %arg8[%parallel_loop3A_367, %parallel_loop3A_368] {strides = array<i32>} : memref<256x64xf32, #tpu.memory_space<vmem>>, vector<1x16xf32>,
        %parallel_loop3A_370 = vector.shape_cast %parallel_loop3A_369 : vector<1x16xf32> to vector<16xf32>
        %parallel_loop3A_371 = vector.shape_cast %parallel_loop3A_360 : vector<16xf32> to vector<1x16xf32>
        tpu.vector_store %arg8[%parallel_loop3A_367, %parallel_loop3A_368], %parallel_loop3A_371 {strides = array<i32>} : memref<256x64xf32, #tpu.memory_space<vmem>>, vector<1x16xf32>,
      } {sc.loop_unroll_factor = 4 : i64, sc.parallel_access}
      %parallel_loop3A_233 = arith.constant 256 : i32
      %parallel_loop3A_234 = arith.constant 1 : i32
      scf.for %parallel_loop3A_251 = %min3A_230 to %parallel_loop3A_233 step %parallel_loop3A_234  : i32 {
        %parallel_loop3A_252 = arith.index_cast %parallel_loop3A_251 : i32 to index
        %parallel_loop3A_253 = arith.constant 0 : index
        %parallel_loop3A_254 = tpu.vector_load %arg6[%parallel_loop3A_252, %parallel_loop3A_253] {strides = array<i32>} : memref<256x128xf32, #tpu.memory_space<vmem>>, vector<1x16xf32>,
        %parallel_loop3A_255 = vector.shape_cast %parallel_loop3A_254 : vector<1x16xf32> to vector<16xf32>
        %parallel_loop3A_256 = arith.addf %get3A_146, %parallel_loop3A_255 : vector<16xf32>
        %parallel_loop3A_257 = arith.constant 2 : i32
        %parallel_loop3A_258 = arith.muli %parallel_loop3A_257, %parallel_loop3A_251 : i32
        %parallel_loop3A_259 = arith.constant 256 : i32
        %parallel_loop3A_260 = arith.subi %parallel_loop3A_258, %parallel_loop3A_259 : i32
        %parallel_loop3A_261 = arith.index_cast %parallel_loop3A_260 : i32 to index
        %parallel_loop3A_262 = arith.constant 0 : index
        %parallel_loop3A_263 = tpu.vector_load %arg8[%parallel_loop3A_261, %parallel_loop3A_262] {strides = array<i32>} : memref<256x64xf32, #tpu.memory_space<vmem>>, vector<1x16xf32>,
        %parallel_loop3A_264 = vector.shape_cast %parallel_loop3A_263 : vector<1x16xf32> to vector<16xf32>
        %parallel_loop3A_265 = vector.shape_cast %parallel_loop3A_256 : vector<16xf32> to vector<1x16xf32>
        tpu.vector_store %arg8[%parallel_loop3A_261, %parallel_loop3A_262], %parallel_loop3A_265 {strides = array<i32>} : memref<256x64xf32, #tpu.memory_space<vmem>>, vector<1x16xf32>,
        %parallel_loop3A_266 = arith.index_cast %parallel_loop3A_251 : i32 to index
        %parallel_loop3A_267 = arith.constant 64 : index
        %parallel_loop3A_268 = tpu.vector_load %arg6[%parallel_loop3A_266, %parallel_loop3A_267] {strides = array<i32>} : memref<256x128xf32, #tpu.memory_space<vmem>>, vector<1x16xf32>,
        %parallel_loop3A_269 = vector.shape_cast %parallel_loop3A_268 : vector<1x16xf32> to vector<16xf32>
        %parallel_loop3A_270 = arith.addf %get3A_146, %parallel_loop3A_269 : vector<16xf32>
        %parallel_loop3A_271 = arith.constant 2 : i32
        %parallel_loop3A_272 = arith.muli %parallel_loop3A_271, %parallel_loop3A_251 : i32
        %parallel_loop3A_273 = arith.constant 1 : i32
        %parallel_loop3A_274 = arith.addi %parallel_loop3A_272, %parallel_loop3A_273 : i32
        %parallel_loop3A_275 = arith.constant 256 : i32
        %parallel_loop3A_276 = arith.subi %parallel_loop3A_274, %parallel_loop3A_275 : i32
        %parallel_loop3A_277 = arith.index_cast %parallel_loop3A_276 : i32 to index
        %parallel_loop3A_278 = arith.constant 0 : index
        %parallel_loop3A_279 = tpu.vector_load %arg8[%parallel_loop3A_277, %parallel_loop3A_278] {strides = array<i32>} : memref<256x64xf32, #tpu.memory_space<vmem>>, vector<1x16xf32>,
        %parallel_loop3A_280 = vector.shape_cast %parallel_loop3A_279 : vector<1x16xf32> to vector<16xf32>
        %parallel_loop3A_281 = vector.shape_cast %parallel_loop3A_270 : vector<16xf32> to vector<1x16xf32>
        tpu.vector_store %arg8[%parallel_loop3A_277, %parallel_loop3A_278], %parallel_loop3A_281 {strides = array<i32>} : memref<256x64xf32, #tpu.memory_space<vmem>>, vector<1x16xf32>,
        %parallel_loop3A_282 = arith.index_cast %parallel_loop3A_251 : i32 to index
        %parallel_loop3A_283 = arith.constant 16 : index
        %parallel_loop3A_284 = tpu.vector_load %arg6[%parallel_loop3A_282, %parallel_loop3A_283] {strides = array<i32>} : memref<256x128xf32, #tpu.memory_space<vmem>>, vector<1x16xf32>,
        %parallel_loop3A_285 = vector.shape_cast %parallel_loop3A_284 : vector<1x16xf32> to vector<16xf32>
        %parallel_loop3A_286 = arith.addf %get3A_150, %parallel_loop3A_285 : vector<16xf32>
        %parallel_loop3A_287 = arith.constant 2 : i32
        %parallel_loop3A_288 = arith.muli %parallel_loop3A_287, %parallel_loop3A_251 : i32
        %parallel_loop3A_289 = arith.constant 256 : i32
        %parallel_loop3A_290 = arith.subi %parallel_loop3A_288, %parallel_loop3A_289 : i32
        %parallel_loop3A_291 = arith.index_cast %parallel_loop3A_290 : i32 to index
        %parallel_loop3A_292 = arith.constant 16 : index
        %parallel_loop3A_293 = tpu.vector_load %arg8[%parallel_loop3A_291, %parallel_loop3A_292] {strides = array<i32>} : memref<256x64xf32, #tpu.memory_space<vmem>>, vector<1x16xf32>,
        %parallel_loop3A_294 = vector.shape_cast %parallel_loop3A_293 : vector<1x16xf32> to vector<16xf32>
        %parallel_loop3A_295 = vector.shape_cast %parallel_loop3A_286 : vector<16xf32> to vector<1x16xf32>
        tpu.vector_store %arg8[%parallel_loop3A_291, %parallel_loop3A_292], %parallel_loop3A_295 {strides = array<i32>} : memref<256x64xf32, #tpu.memory_space<vmem>>, vector<1x16xf32>,
        %parallel_loop3A_296 = arith.index_cast %parallel_loop3A_251 : i32 to index
        %parallel_loop3A_297 = arith.constant 80 : index
        %parallel_loop3A_298 = tpu.vector_load %arg6[%parallel_loop3A_296, %parallel_loop3A_297] {strides = array<i32>} : memref<256x128xf32, #tpu.memory_space<vmem>>, vector<1x16xf32>,
        %parallel_loop3A_299 = vector.shape_cast %parallel_loop3A_298 : vector<1x16xf32> to vector<16xf32>
        %parallel_loop3A_300 = arith.addf %get3A_150, %parallel_loop3A_299 : vector<16xf32>
        %parallel_loop3A_301 = arith.constant 2 : i32
        %parallel_loop3A_302 = arith.muli %parallel_loop3A_301, %parallel_loop3A_251 : i32
        %parallel_loop3A_303 = arith.constant 1 : i32
        %parallel_loop3A_304 = arith.addi %parallel_loop3A_302, %parallel_loop3A_303 : i32
        %parallel_loop3A_305 = arith.constant 256 : i32
        %parallel_loop3A_306 = arith.subi %parallel_loop3A_304, %parallel_loop3A_305 : i32
        %parallel_loop3A_307 = arith.index_cast %parallel_loop3A_306 : i32 to index
        %parallel_loop3A_308 = arith.constant 16 : index
        %parallel_loop3A_309 = tpu.vector_load %arg8[%parallel_loop3A_307, %parallel_loop3A_308] {strides = array<i32>} : memref<256x64xf32, #tpu.memory_space<vmem>>, vector<1x16xf32>,
        %parallel_loop3A_310 = vector.shape_cast %parallel_loop3A_309 : vector<1x16xf32> to vector<16xf32>
        %parallel_loop3A_311 = vector.shape_cast %parallel_loop3A_300 : vector<16xf32> to vector<1x16xf32>
        tpu.vector_store %arg8[%parallel_loop3A_307, %parallel_loop3A_308], %parallel_loop3A_311 {strides = array<i32>} : memref<256x64xf32, #tpu.memory_space<vmem>>, vector<1x16xf32>,
        %parallel_loop3A_312 = arith.index_cast %parallel_loop3A_251 : i32 to index
        %parallel_loop3A_313 = arith.constant 32 : index
        %parallel_loop3A_314 = tpu.vector_load %arg6[%parallel_loop3A_312, %parallel_loop3A_313] {strides = array<i32>} : memref<256x128xf32, #tpu.memory_space<vmem>>, vector<1x16xf32>,
        %parallel_loop3A_315 = vector.shape_cast %parallel_loop3A_314 : vector<1x16xf32> to vector<16xf32>
        %parallel_loop3A_316 = arith.addf %get3A_154, %parallel_loop3A_315 : vector<16xf32>
        %parallel_loop3A_317 = arith.constant 2 : i32
        %parallel_loop3A_318 = arith.muli %parallel_loop3A_317, %parallel_loop3A_251 : i32
        %parallel_loop3A_319 = arith.constant 256 : i32
        %parallel_loop3A_320 = arith.subi %parallel_loop3A_318, %parallel_loop3A_319 : i32
        %parallel_loop3A_321 = arith.index_cast %parallel_loop3A_320 : i32 to index
        %parallel_loop3A_322 = arith.constant 32 : index
        %parallel_loop3A_323 = tpu.vector_load %arg8[%parallel_loop3A_321, %parallel_loop3A_322] {strides = array<i32>} : memref<256x64xf32, #tpu.memory_space<vmem>>, vector<1x16xf32>,
        %parallel_loop3A_324 = vector.shape_cast %parallel_loop3A_323 : vector<1x16xf32> to vector<16xf32>
        %parallel_loop3A_325 = vector.shape_cast %parallel_loop3A_316 : vector<16xf32> to vector<1x16xf32>
        tpu.vector_store %arg8[%parallel_loop3A_321, %parallel_loop3A_322], %parallel_loop3A_325 {strides = array<i32>} : memref<256x64xf32, #tpu.memory_space<vmem>>, vector<1x16xf32>,
        %parallel_loop3A_326 = arith.index_cast %parallel_loop3A_251 : i32 to index
        %parallel_loop3A_327 = arith.constant 96 : index
        %parallel_loop3A_328 = tpu.vector_load %arg6[%parallel_loop3A_326, %parallel_loop3A_327] {strides = array<i32>} : memref<256x128xf32, #tpu.memory_space<vmem>>, vector<1x16xf32>,
        %parallel_loop3A_329 = vector.shape_cast %parallel_loop3A_328 : vector<1x16xf32> to vector<16xf32>
        %parallel_loop3A_330 = arith.addf %get3A_154, %parallel_loop3A_329 : vector<16xf32>
        %parallel_loop3A_331 = arith.constant 2 : i32
        %parallel_loop3A_332 = arith.muli %parallel_loop3A_331, %parallel_loop3A_251 : i32
        %parallel_loop3A_333 = arith.constant 1 : i32
        %parallel_loop3A_334 = arith.addi %parallel_loop3A_332, %parallel_loop3A_333 : i32
        %parallel_loop3A_335 = arith.constant 256 : i32
        %parallel_loop3A_336 = arith.subi %parallel_loop3A_334, %parallel_loop3A_335 : i32
        %parallel_loop3A_337 = arith.index_cast %parallel_loop3A_336 : i32 to index
        %parallel_loop3A_338 = arith.constant 32 : index
        %parallel_loop3A_339 = tpu.vector_load %arg8[%parallel_loop3A_337, %parallel_loop3A_338] {strides = array<i32>} : memref<256x64xf32, #tpu.memory_space<vmem>>, vector<1x16xf32>,
        %parallel_loop3A_340 = vector.shape_cast %parallel_loop3A_339 : vector<1x16xf32> to vector<16xf32>
        %parallel_loop3A_341 = vector.shape_cast %parallel_loop3A_330 : vector<16xf32> to vector<1x16xf32>
        tpu.vector_store %arg8[%parallel_loop3A_337, %parallel_loop3A_338], %parallel_loop3A_341 {strides = array<i32>} : memref<256x64xf32, #tpu.memory_space<vmem>>, vector<1x16xf32>,
        %parallel_loop3A_342 = arith.index_cast %parallel_loop3A_251 : i32 to index
        %parallel_loop3A_343 = arith.constant 48 : index
        %parallel_loop3A_344 = tpu.vector_load %arg6[%parallel_loop3A_342, %parallel_loop3A_343] {strides = array<i32>} : memref<256x128xf32, #tpu.memory_space<vmem>>, vector<1x16xf32>,
        %parallel_loop3A_345 = vector.shape_cast %parallel_loop3A_344 : vector<1x16xf32> to vector<16xf32>
        %parallel_loop3A_346 = arith.addf %get3A_158, %parallel_loop3A_345 : vector<16xf32>
        %parallel_loop3A_347 = arith.constant 2 : i32
        %parallel_loop3A_348 = arith.muli %parallel_loop3A_347, %parallel_loop3A_251 : i32
        %parallel_loop3A_349 = arith.constant 256 : i32
        %parallel_loop3A_350 = arith.subi %parallel_loop3A_348, %parallel_loop3A_349 : i32
        %parallel_loop3A_351 = arith.index_cast %parallel_loop3A_350 : i32 to index
        %parallel_loop3A_352 = arith.constant 48 : index
        %parallel_loop3A_353 = tpu.vector_load %arg8[%parallel_loop3A_351, %parallel_loop3A_352] {strides = array<i32>} : memref<256x64xf32, #tpu.memory_space<vmem>>, vector<1x16xf32>,
        %parallel_loop3A_354 = vector.shape_cast %parallel_loop3A_353 : vector<1x16xf32> to vector<16xf32>
        %parallel_loop3A_355 = vector.shape_cast %parallel_loop3A_346 : vector<16xf32> to vector<1x16xf32>
        tpu.vector_store %arg8[%parallel_loop3A_351, %parallel_loop3A_352], %parallel_loop3A_355 {strides = array<i32>} : memref<256x64xf32, #tpu.memory_space<vmem>>, vector<1x16xf32>,
        %parallel_loop3A_356 = arith.index_cast %parallel_loop3A_251 : i32 to index
        %parallel_loop3A_357 = arith.constant 112 : index
        %parallel_loop3A_358 = tpu.vector_load %arg6[%parallel_loop3A_356, %parallel_loop3A_357] {strides = array<i32>} : memref<256x128xf32, #tpu.memory_space<vmem>>, vector<1x16xf32>,
        %parallel_loop3A_359 = vector.shape_cast %parallel_loop3A_358 : vector<1x16xf32> to vector<16xf32>
        %parallel_loop3A_360 = arith.addf %get3A_158, %parallel_loop3A_359 : vector<16xf32>
        %parallel_loop3A_361 = arith.constant 2 : i32
        %parallel_loop3A_362 = arith.muli %parallel_loop3A_361, %parallel_loop3A_251 : i32
        %parallel_loop3A_363 = arith.constant 1 : i32
        %parallel_loop3A_364 = arith.addi %parallel_loop3A_362, %parallel_loop3A_363 : i32
        %parallel_loop3A_365 = arith.constant 256 : i32
        %parallel_loop3A_366 = arith.subi %parallel_loop3A_364, %parallel_loop3A_365 : i32
        %parallel_loop3A_367 = arith.index_cast %parallel_loop3A_366 : i32 to index
        %parallel_loop3A_368 = arith.constant 48 : index
        %parallel_loop3A_369 = tpu.vector_load %arg8[%parallel_loop3A_367, %parallel_loop3A_368] {strides = array<i32>} : memref<256x64xf32, #tpu.memory_space<vmem>>, vector<1x16xf32>,
        %parallel_loop3A_370 = vector.shape_cast %parallel_loop3A_369 : vector<1x16xf32> to vector<16xf32>
        %parallel_loop3A_371 = vector.shape_cast %parallel_loop3A_360 : vector<16xf32> to vector<1x16xf32>
        tpu.vector_store %arg8[%parallel_loop3A_367, %parallel_loop3A_368], %parallel_loop3A_371 {strides = array<i32>} : memref<256x64xf32, #tpu.memory_space<vmem>>, vector<1x16xf32>,
      } {sc.loop_unroll_factor = 4 : i64, sc.parallel_access}
      %ge3A_235 = arith.constant 128 : i32
      %ge3A_236 = arith.cmpi sge, %select_n3A, %ge3A_235 : i32
      %lt3A_237 = arith.constant 256 : i32
      %lt3A_238 = arith.cmpi slt, %select_n3A, %lt3A_237 : i32
      %and3A_239 = arith.andi %ge3A_236, %lt3A_238 : i1
      %convert_element_type3A_240 = arith.extui %and3A_239 : i1 to i32
      %cond3A_241 = arith.constant 0 : i32
      %cond3A_242 = arith.cmpi ne, %convert_element_type3A_240, %cond3A_241 : i32
      scf.if %cond3A_242 {
        %mul3A_251 = arith.constant 2 : i32
        %mul3A_252 = arith.muli %mul3A_251, %select_n3A : i32
        %sub3A_253 = arith.constant 256 : i32
        %sub3A_254 = arith.subi %mul3A_252, %sub3A_253 : i32
        %get3A_255 = arith.index_cast %select_n3A : i32 to index
        %get3A_256 = arith.constant 0 : index
        %get3A_257 = tpu.vector_load %arg5[%get3A_255, %get3A_256] {strides = array<i32>} : memref<256x128xf32, #tpu.memory_space<vmem>>, vector<1x16xf32>,
        %get3A_258 = vector.shape_cast %get3A_257 : vector<1x16xf32> to vector<16xf32>
        %add3A_259 = arith.addf %get3A_258, %get3A_162 : vector<16xf32>
        %swap3A = arith.index_cast %sub3A_254 : i32 to index
        %swap3A_260 = arith.constant 0 : index
        %swap3A_261 = tpu.vector_load %arg8[%swap3A, %swap3A_260] {strides = array<i32>} : memref<256x64xf32, #tpu.memory_space<vmem>>, vector<1x16xf32>,
        %swap3A_262 = vector.shape_cast %swap3A_261 : vector<1x16xf32> to vector<16xf32>
        %swap3A_263 = vector.shape_cast %add3A_259 : vector<16xf32> to vector<1x16xf32>
        tpu.vector_store %arg8[%swap3A, %swap3A_260], %swap3A_263 {strides = array<i32>} : memref<256x64xf32, #tpu.memory_space<vmem>>, vector<1x16xf32>,
        %add3A_264 = arith.constant 1 : i32
        %add3A_265 = arith.addi %sub3A_254, %add3A_264 : i32
        %swap3A_266 = arith.index_cast %add3A_265 : i32 to index
        %swap3A_267 = arith.constant 0 : index
        %swap3A_268 = tpu.vector_load %arg8[%swap3A_266, %swap3A_267] {strides = array<i32>} : memref<256x64xf32, #tpu.memory_space<vmem>>, vector<1x16xf32>,
        %swap3A_269 = vector.shape_cast %swap3A_268 : vector<1x16xf32> to vector<16xf32>
        %swap3A_270 = vector.shape_cast %broadcast_in_dim3A_1 : vector<16xf32> to vector<1x16xf32>
        tpu.vector_store %arg8[%swap3A_266, %swap3A_267], %swap3A_270 {strides = array<i32>} : memref<256x64xf32, #tpu.memory_space<vmem>>, vector<1x16xf32>,
        %get3A_271 = arith.index_cast %select_n3A : i32 to index
        %get3A_272 = arith.constant 16 : index
        %get3A_273 = tpu.vector_load %arg5[%get3A_271, %get3A_272] {strides = array<i32>} : memref<256x128xf32, #tpu.memory_space<vmem>>, vector<1x16xf32>,
        %get3A_274 = vector.shape_cast %get3A_273 : vector<1x16xf32> to vector<16xf32>
        %add3A_275 = arith.addf %get3A_274, %get3A_166 : vector<16xf32>
        %swap3A_276 = arith.index_cast %sub3A_254 : i32 to index
        %swap3A_277 = arith.constant 16 : index
        %swap3A_278 = tpu.vector_load %arg8[%swap3A_276, %swap3A_277] {strides = array<i32>} : memref<256x64xf32, #tpu.memory_space<vmem>>, vector<1x16xf32>,
        %swap3A_279 = vector.shape_cast %swap3A_278 : vector<1x16xf32> to vector<16xf32>
        %swap3A_280 = vector.shape_cast %add3A_275 : vector<16xf32> to vector<1x16xf32>
        tpu.vector_store %arg8[%swap3A_276, %swap3A_277], %swap3A_280 {strides = array<i32>} : memref<256x64xf32, #tpu.memory_space<vmem>>, vector<1x16xf32>,
        %add3A_281 = arith.constant 1 : i32
        %add3A_282 = arith.addi %sub3A_254, %add3A_281 : i32
        %swap3A_283 = arith.index_cast %add3A_282 : i32 to index
        %swap3A_284 = arith.constant 16 : index
        %swap3A_285 = tpu.vector_load %arg8[%swap3A_283, %swap3A_284] {strides = array<i32>} : memref<256x64xf32, #tpu.memory_space<vmem>>, vector<1x16xf32>,
        %swap3A_286 = vector.shape_cast %swap3A_285 : vector<1x16xf32> to vector<16xf32>
        %swap3A_287 = vector.shape_cast %broadcast_in_dim3A_1 : vector<16xf32> to vector<1x16xf32>
        tpu.vector_store %arg8[%swap3A_283, %swap3A_284], %swap3A_287 {strides = array<i32>} : memref<256x64xf32, #tpu.memory_space<vmem>>, vector<1x16xf32>,
        %get3A_288 = arith.index_cast %select_n3A : i32 to index
        %get3A_289 = arith.constant 32 : index
        %get3A_290 = tpu.vector_load %arg5[%get3A_288, %get3A_289] {strides = array<i32>} : memref<256x128xf32, #tpu.memory_space<vmem>>, vector<1x16xf32>,
        %get3A_291 = vector.shape_cast %get3A_290 : vector<1x16xf32> to vector<16xf32>
        %add3A_292 = arith.addf %get3A_291, %get3A_170 : vector<16xf32>
        %swap3A_293 = arith.index_cast %sub3A_254 : i32 to index
        %swap3A_294 = arith.constant 32 : index
        %swap3A_295 = tpu.vector_load %arg8[%swap3A_293, %swap3A_294] {strides = array<i32>} : memref<256x64xf32, #tpu.memory_space<vmem>>, vector<1x16xf32>,
        %swap3A_296 = vector.shape_cast %swap3A_295 : vector<1x16xf32> to vector<16xf32>
        %swap3A_297 = vector.shape_cast %add3A_292 : vector<16xf32> to vector<1x16xf32>
        tpu.vector_store %arg8[%swap3A_293, %swap3A_294], %swap3A_297 {strides = array<i32>} : memref<256x64xf32, #tpu.memory_space<vmem>>, vector<1x16xf32>,
        %add3A_298 = arith.constant 1 : i32
        %add3A_299 = arith.addi %sub3A_254, %add3A_298 : i32
        %swap3A_300 = arith.index_cast %add3A_299 : i32 to index
        %swap3A_301 = arith.constant 32 : index
        %swap3A_302 = tpu.vector_load %arg8[%swap3A_300, %swap3A_301] {strides = array<i32>} : memref<256x64xf32, #tpu.memory_space<vmem>>, vector<1x16xf32>,
        %swap3A_303 = vector.shape_cast %swap3A_302 : vector<1x16xf32> to vector<16xf32>
        %swap3A_304 = vector.shape_cast %broadcast_in_dim3A_1 : vector<16xf32> to vector<1x16xf32>
        tpu.vector_store %arg8[%swap3A_300, %swap3A_301], %swap3A_304 {strides = array<i32>} : memref<256x64xf32, #tpu.memory_space<vmem>>, vector<1x16xf32>,
        %get3A_305 = arith.index_cast %select_n3A : i32 to index
        %get3A_306 = arith.constant 48 : index
        %get3A_307 = tpu.vector_load %arg5[%get3A_305, %get3A_306] {strides = array<i32>} : memref<256x128xf32, #tpu.memory_space<vmem>>, vector<1x16xf32>,
        %get3A_308 = vector.shape_cast %get3A_307 : vector<1x16xf32> to vector<16xf32>
        %add3A_309 = arith.addf %get3A_308, %get3A_174 : vector<16xf32>
        %swap3A_310 = arith.index_cast %sub3A_254 : i32 to index
        %swap3A_311 = arith.constant 48 : index
        %swap3A_312 = tpu.vector_load %arg8[%swap3A_310, %swap3A_311] {strides = array<i32>} : memref<256x64xf32, #tpu.memory_space<vmem>>, vector<1x16xf32>,
        %swap3A_313 = vector.shape_cast %swap3A_312 : vector<1x16xf32> to vector<16xf32>
        %swap3A_314 = vector.shape_cast %add3A_309 : vector<16xf32> to vector<1x16xf32>
        tpu.vector_store %arg8[%swap3A_310, %swap3A_311], %swap3A_314 {strides = array<i32>} : memref<256x64xf32, #tpu.memory_space<vmem>>, vector<1x16xf32>,
        %add3A_315 = arith.constant 1 : i32
        %add3A_316 = arith.addi %sub3A_254, %add3A_315 : i32
        %swap3A_317 = arith.index_cast %add3A_316 : i32 to index
        %swap3A_318 = arith.constant 48 : index
        %swap3A_319 = tpu.vector_load %arg8[%swap3A_317, %swap3A_318] {strides = array<i32>} : memref<256x64xf32, #tpu.memory_space<vmem>>, vector<1x16xf32>,
        %swap3A_320 = vector.shape_cast %swap3A_319 : vector<1x16xf32> to vector<16xf32>
        %swap3A_321 = vector.shape_cast %broadcast_in_dim3A_1 : vector<16xf32> to vector<1x16xf32>
        tpu.vector_store %arg8[%swap3A_317, %swap3A_318], %swap3A_321 {strides = array<i32>} : memref<256x64xf32, #tpu.memory_space<vmem>>, vector<1x16xf32>,
      } else {
      }
      %dma_start3A_243 = arith.constant 256 : i32
      %dma_start3A_244 = arith.constant 0 : i32
      %dma_start3A_245 = tpu.memref_slice %arg4[%add3A_142, %dma_start3A_243, %dma_start3A_244] : memref<512x512x64xf32, #tpu.memory_space<hbm>> -> memref<1x256x64xf32, #tpu.memory_space<hbm>>
      %dma_start3A_246 = tpu.memref_squeeze %dma_start3A_245 : memref<1x256x64xf32, #tpu.memory_space<hbm>> -> memref<256x64xf32, #tpu.memory_space<hbm>>
      %dma_start3A_247 = arith.constant 256 : i32
      %dma_start3A_248 = arith.constant 0 : i32
      %dma_start3A_249 = tpu.memref_slice %arg4[%add3A_142, %dma_start3A_247, %dma_start3A_248] : memref<512x512x64xf32, #tpu.memory_space<hbm>> -> memref<1x256x64xf32, #tpu.memory_space<hbm>>
      %dma_start3A_250 = tpu.memref_squeeze %dma_start3A_249 : memref<1x256x64xf32, #tpu.memory_space<hbm>> -> memref<256x64xf32, #tpu.memory_space<hbm>>
      tpu.enqueue_dma source(%arg8 : memref<256x64xf32, #tpu.memory_space<vmem>>) target(%dma_start3A_250 : memref<256x64xf32, #tpu.memory_space<hbm>>) target_semaphore(%arg10 : memref<!tpu.dma_semaphore, #tpu.memory_space<semaphore_mem>>)
    }
    %scan3A_7 = arith.constant 8 : i32
    %dma_wait3A = arith.constant 0 : i32
    %dma_wait3A_8 = arith.constant 0 : i32
    %dma_wait3A_9 = tpu.memref_slice %arg4[%mul3A_3, %dma_wait3A, %dma_wait3A_8] : memref<512x512x64xf32, #tpu.memory_space<hbm>> -> memref<1x256x64xf32, #tpu.memory_space<hbm>>
    %dma_wait3A_10 = tpu.memref_squeeze %dma_wait3A_9 : memref<1x256x64xf32, #tpu.memory_space<hbm>> -> memref<256x64xf32, #tpu.memory_space<hbm>>
    %dma_wait3A_11 = arith.constant 0 : i32
    %dma_wait3A_12 = arith.constant 0 : i32
    %dma_wait3A_13 = tpu.memref_slice %arg4[%mul3A_3, %dma_wait3A_11, %dma_wait3A_12] : memref<512x512x64xf32, #tpu.memory_space<hbm>> -> memref<1x256x64xf32, #tpu.memory_space<hbm>>
    %dma_wait3A_14 = tpu.memref_squeeze %dma_wait3A_13 : memref<1x256x64xf32, #tpu.memory_space<hbm>> -> memref<256x64xf32, #tpu.memory_space<hbm>>
    tpu.wait_dma2 semaphore(%arg9 : memref<!tpu.dma_semaphore, #tpu.memory_space<semaphore_mem>>) src(%arg7 : memref<256x64xf32, #tpu.memory_space<vmem>>) dst(%dma_wait3A_14 : memref<256x64xf32, #tpu.memory_space<hbm>>)
    %dma_wait3A_15 = arith.constant 256 : i32
    %dma_wait3A_16 = arith.constant 0 : i32
    %dma_wait3A_17 = tpu.memref_slice %arg4[%mul3A_3, %dma_wait3A_15, %dma_wait3A_16] : memref<512x512x64xf32, #tpu.memory_space<hbm>> -> memref<1x256x64xf32, #tpu.memory_space<hbm>>
    %dma_wait3A_18 = tpu.memref_squeeze %dma_wait3A_17 : memref<1x256x64xf32, #tpu.memory_space<hbm>> -> memref<256x64xf32, #tpu.memory_space<hbm>>
    %dma_wait3A_19 = arith.constant 256 : i32
    %dma_wait3A_20 = arith.constant 0 : i32
    %dma_wait3A_21 = tpu.memref_slice %arg4[%mul3A_3, %dma_wait3A_19, %dma_wait3A_20] : memref<512x512x64xf32, #tpu.memory_space<hbm>> -> memref<1x256x64xf32, #tpu.memory_space<hbm>>
    %dma_wait3A_22 = tpu.memref_squeeze %dma_wait3A_21 : memref<1x256x64xf32, #tpu.memory_space<hbm>> -> memref<256x64xf32, #tpu.memory_space<hbm>>
    tpu.wait_dma2 semaphore(%arg10 : memref<!tpu.dma_semaphore, #tpu.memory_space<semaphore_mem>>) src(%arg8 : memref<256x64xf32, #tpu.memory_space<vmem>>) dst(%dma_wait3A_22 : memref<256x64xf32, #tpu.memory_space<hbm>>)
    return
  }
}

module attributes {stable_mosaic.version = 14 : i64} {
  func.func @_abpk_body(%arg0: memref<256x128xf32, #tpu.memory_space<vmem>>, %arg1: memref<256x128xf32, #tpu.memory_space<vmem>>, %arg2: memref<64x256xf32, #tpu.memory_space<vmem>>, %arg3: memref<1x64xf32, #tpu.memory_space<vmem>>, %arg4: memref<256x128xf32, #tpu.memory_space<vmem>>, %arg5: memref<256x128xf32, #tpu.memory_space<vmem>>) attributes {dimension_semantics = [], scalar_prefetch = 0 : i64, scratch_operands = 0 : i64, tpu.core_type = #tpu.core_type<tc>} {
    %get3A = arith.constant 0 : index
    %get3A_0 = arith.constant 0 : index
    %get3A_1 = vector.load %arg0[%get3A, %get3A_0] : memref<256x128xf32, #tpu.memory_space<vmem>>, vector<256x128xf32>
    %get3A_2 = arith.constant 0 : index
    %get3A_3 = arith.constant 0 : index
    %get3A_4 = vector.load %arg1[%get3A_2, %get3A_3] : memref<256x128xf32, #tpu.memory_space<vmem>>, vector<256x128xf32>
    %get3A_5 = arith.constant 0 : index
    %get3A_6 = arith.constant 0 : index
    %get3A_7 = vector.load %arg2[%get3A_5, %get3A_6] : memref<64x256xf32, #tpu.memory_space<vmem>>, vector<64x128xf32>
    %get3A_8 = arith.constant 0 : index
    %get3A_9 = arith.constant 128 : index
    %get3A_10 = vector.load %arg2[%get3A_8, %get3A_9] : memref<64x256xf32, #tpu.memory_space<vmem>>, vector<64x128xf32>
    %get3A_11 = arith.constant 0 : index
    %get3A_12 = arith.constant 0 : index
    %get3A_13 = vector.load %arg3[%get3A_11, %get3A_12] : memref<1x64xf32, #tpu.memory_space<vmem>>, vector<1x64xf32>
    %mul3A = arith.constant 5.000000e-01 : f32
    %mul3A_14 = vector.broadcast %mul3A : f32 to vector<1x64xf32>
    %mul3A_15 = arith.mulf %mul3A_14, %get3A_13 : vector<1x64xf32>
    %dot_general3A = arith.constant dense<0.000000e+00> : vector<256x64xf32>
    %dot_general3A_16 = tpu.matmul %get3A_1, %get3A_7, %dot_general3A {dimension_numbers = #tpu.dot_dimension_numbers<[1], [1], [0], [0], [0, 0, 1, 0], [], []>, transpose_lhs_hint = false} : vector<256x128xf32>, vector<64x128xf32>, vector<256x64xf32> -> vector<256x64xf32>
    %add3A = vector.broadcast %mul3A_15 : vector<1x64xf32> to vector<256x64xf32>
    %add3A_17 = arith.addf %dot_general3A_16, %add3A : vector<256x64xf32>
    %dot_general3A_18 = arith.constant dense<0.000000e+00> : vector<256x64xf32>
    %dot_general3A_19 = tpu.matmul %get3A_4, %get3A_7, %dot_general3A_18 {dimension_numbers = #tpu.dot_dimension_numbers<[1], [1], [0], [0], [0, 0, 1, 0], [], []>, transpose_lhs_hint = false} : vector<256x128xf32>, vector<64x128xf32>, vector<256x64xf32> -> vector<256x64xf32>
    %add3A_20 = vector.broadcast %mul3A_15 : vector<1x64xf32> to vector<256x64xf32>
    %add3A_21 = arith.addf %dot_general3A_19, %add3A_20 : vector<256x64xf32>
    %dot_general3A_22 = arith.constant dense<0.000000e+00> : vector<256x64xf32>
    %dot_general3A_23 = tpu.matmul %get3A_1, %get3A_10, %dot_general3A_22 {dimension_numbers = #tpu.dot_dimension_numbers<[1], [1], [0], [0], [0, 0, 1, 0], [], []>, transpose_lhs_hint = false} : vector<256x128xf32>, vector<64x128xf32>, vector<256x64xf32> -> vector<256x64xf32>
    %add3A_24 = vector.broadcast %mul3A_15 : vector<1x64xf32> to vector<256x64xf32>
    %add3A_25 = arith.addf %dot_general3A_23, %add3A_24 : vector<256x64xf32>
    %dot_general3A_26 = arith.constant dense<0.000000e+00> : vector<256x64xf32>
    %dot_general3A_27 = tpu.matmul %get3A_4, %get3A_10, %dot_general3A_26 {dimension_numbers = #tpu.dot_dimension_numbers<[1], [1], [0], [0], [0, 0, 1, 0], [], []>, transpose_lhs_hint = false} : vector<256x128xf32>, vector<64x128xf32>, vector<256x64xf32> -> vector<256x64xf32>
    %add3A_28 = vector.broadcast %mul3A_15 : vector<1x64xf32> to vector<256x64xf32>
    %add3A_29 = arith.addf %dot_general3A_27, %add3A_28 : vector<256x64xf32>
    %concatenate3A = tpu.concatenate %add3A_17, %add3A_21 in 1 : vector<256x64xf32>, vector<256x64xf32> -> vector<256x128xf32>
    %swap3A = arith.constant 0 : index
    %swap3A_30 = arith.constant 0 : index
    %swap3A_31 = vector.load %arg4[%swap3A, %swap3A_30] : memref<256x128xf32, #tpu.memory_space<vmem>>, vector<256x128xf32>
    tpu.vector_store %arg4[%swap3A, %swap3A_30], %concatenate3A {strides = array<i32>} : memref<256x128xf32, #tpu.memory_space<vmem>>, vector<256x128xf32>,
    %concatenate3A_32 = tpu.concatenate %add3A_25, %add3A_29 in 1 : vector<256x64xf32>, vector<256x64xf32> -> vector<256x128xf32>
    %swap3A_33 = arith.constant 0 : index
    %swap3A_34 = arith.constant 0 : index
    %swap3A_35 = vector.load %arg5[%swap3A_33, %swap3A_34] : memref<256x128xf32, #tpu.memory_space<vmem>>, vector<256x128xf32>
    tpu.vector_store %arg5[%swap3A_33, %swap3A_34], %concatenate3A_32 {strides = array<i32>} : memref<256x128xf32, #tpu.memory_space<vmem>>, vector<256x128xf32>,
    return
  }
}

</mosaic_0001>

<sc_bundles>
// kernel: kernel.4.cloned.1.call-start
scs
__scs_entry_jumppad:
0x0: {  	(pc) =	sbr.rel $0x88, $3  }
0x1: {  	(tag) =	ssettag $0x0;
	lr =	simm.s32 $0x1  }
0x2: {  	[smem:$0x3F9E] =	sst lr;
	_ =	strace $0xD0000000  }
0x3: {  	_ = 	snop  }
0x4: {  	_ = 	snop  }
0x5: {  	_ = 	snop  }
0x6: {  	_ = 	snop  }
0x7: {  	_ = 	snop  }
__scs_overlays_trampoline_lowered:
0x8: {  	[smem:$0x3FAD] =	sst s0  }
0x9: {  	[smem:$0x3FAE] =	sst s1  }
0xa: {  	[smem:$0x3FAF] =	sst s2  }
0xb: {  	[smem:$0x3FB0] =	sst s3  }
0xc: {  	[smem:$0x3FB1] =	sst s4  }
0xd: {  	[smem:$0x3FB2] =	sst s5  }
0xe: {  	[smem:$0x3FB3] =	sst s6  }
0xf: {  	[smem:$0x3FB4] =	sst s7  }
0x10: {  	[smem:$0x3FB5] =	sst s8  }
0x11: {  	[smem:$0x3FB6] =	sst s9;
	s0 =	simm.s32 @!p0 $0x0  }
0x12: {  	s1 =	sld [smem:$0x3F9C];
	s0 =	simm.s32 @p0 $0x1  }
0x13: {  	[smem:$0x3FB7] =	sst s0;
	s0 =	simm.s32 @!p1 $0x0  }
0x14: {  	s2 =	sld [smem:$0x3F9B];
	s0 =	simm.s32 @p1 $0x1  }
0x15: {  	[smem:$0x3FB8] =	sst s0;
	s0 =	simm.s32 @!p2 $0x0  }
0x16: {  	s3 =	sld [smem:$0x3FDB];
	s0 =	simm.s32 @p2 $0x1  }
0x17: {  	s4 =	simm.s32 $0x1BF5;
	[smem:$0x3FBA] =	sst s0  }
0x18: {  	s0 =	sld [smem:$0x3F9D];
	_ =	swait.ge [sflag:s4], $0x0  }
0x19: {  	s7 =	sld [smem:$0x3F9E]  }
0x1a: {  	s8 =	sadd.s32 $0xFFFFE003, lr  }
0x1b: {  	s9 =	sadd.s32 $0xFFFFFEF7, lr;
	s5 =	simm.s32 $0xFFFFFFFF;
	p2 =	slt.u32 s8, $0xFFFFF086  }
0x1c: {  	p1 =	slt.u32 s9, $0xF7A;
	s5 =	simm.s32 @!p2 $0x0  }
0x1d: {  	s5 =	simm.s32 @p1 $0x1;
	p0 =	seq.s32 s7, s2  }
0x1e: {  	s7 =	smul.u32 @!p0 $0xF7A, s2;
	p2 =	seq.s32 @!p0 s5, $0x0  }
0x1f: {  	s9 =	smul.u32 $0xF7A, s1;
	s8 =	simm.s32 @!p0 $0x1BF5;
	p2 =	por !p2, p0  }
0x20: {  	[sflag:s8] =	ssyncset.s32 @!p0 $0xFFFFF086;
	s6 =	sadd.s32 @!p0 s3, s7;
	s7 =	simm.s32 @!p0 $0x108  }
0x21: {  	s3 =	sadd.s32 s3, s9;
	s6 =	sadd.s32 @!p0 $0x88, s6;
	s7 =	simm.s32 @p2 $0x1082  }
0x22: {  	[simem:s7], [sflag:s8] =	dma.local @!p0 [hbm:s6], $0xF7A  }
0x23: {  	s9 =	sor.u32 $0xD0000000, s2;
	s6 =	simm.s32 $0x108;
	_ =	swait.ge @!p0 [sflag:s8], $0x0  }
0x24: {  	s3 =	sadd.s32 $0x88, s3;
	s6 =	simm.s32 @!p1 $0x1082;
	[sflag:s4] =	ssyncset.s32 $0xFFFFF086  }
0x25: {  	[simem:s6], [sflag:s4] =	dma.local [hbm:s3], $0xF7A  }
0x26: {  	[smem:$0x3F9E] =	sst s1;
	(tag) =	ssettag s2;
	_ =	strace s9  }
0x27: {  	s1 =	sld [smem:$0x3FAE]  }
0x28: {  	s2 =	sld [smem:$0x3FAF]  }
0x29: {  	s4 =	sld [smem:$0x3FB1]  }
0x2a: {  	p0 =	seq.s32 s5, $0x0;
	s5 =	sld [smem:$0x3FB2]  }
0x2b: {  	s6 =	sld [smem:$0x3FB3]  }
0x2c: {  	s7 =	sld [smem:$0x3FB4]  }
0x2d: {  	s3 =	simm.s32 $0x108;
	s8 =	sld [smem:$0x3FB5]  }
0x2e: {  	s3 =	simm.s32 @!p0 $0x1082;
	s9 =	sld [smem:$0x3FB6]  }
0x2f: {  	lr =	sadd.s32 s0, s3;
	s0 =	sld [smem:$0x3FAD]  }
0x30: {  	s3 =	sld [smem:$0x3FB0]  }
0x31: {  	[smem:$0x3FB9] =	sst s10  }
0x32: {  	s10 =	sld [smem:$0x3FB7];
	_ =	sdelay $0x3  }
0x33: {  	p0 =	seq.s32 s10, $0x1;
	s10 =	sld [smem:$0x3FB9];
	_ =	sdelay $0x3  }
0x34: {  	[smem:$0x3FB9] =	sst s10  }
0x35: {  	s10 =	sld [smem:$0x3FB8];
	_ =	sdelay $0x3  }
0x36: {  	p1 =	seq.s32 s10, $0x1;
	s10 =	sld [smem:$0x3FB9];
	_ =	sdelay $0x3  }
0x37: {  	[smem:$0x3FB9] =	sst s10  }
0x38: {  	s10 =	sld [smem:$0x3FBA]  }
0x39: {  	_ = 	snop;
	(pc) =	sbr.ind lr, $3  }
0x3a: {  	_ = 	snop  }
0x3b: {  	_ = 	snop  }
0x3c: {  	p2 =	seq.s32 s10, $0x1;
	s10 =	sld [smem:$0x3FB9]  }
0x3d: {  	_ =	shalt  }
0x3e: {  	_ =	shalt  }
0x3f: {  	_ =	shalt  }
0x40: {  	_ =	shalt  }
0x41: {  	_ =	shalt  }
0x42: {  	_ =	shalt  }
0x43: {  	_ =	shalt  }
0x44: {  	_ =	shalt  }
0x45: {  	_ =	shalt  }
0x46: {  	_ =	shalt  }
0x47: {  	_ =	shalt  }
0x48: {  	_ =	shalt  }
0x49: {  	_ =	shalt  }
0x4a: {  	_ =	shalt  }
0x4b: {  	_ =	shalt  }
0x4c: {  	_ =	shalt  }
0x4d: {  	_ =	shalt  }
0x4e: {  	_ =	shalt  }
0x4f: {  	_ =	shalt  }
0x50: {  	_ =	shalt  }
0x51: {  	_ =	shalt  }
0x52: {  	_ =	shalt  }
0x53: {  	_ =	shalt  }
0x54: {  	_ =	shalt  }
0x55: {  	_ =	shalt  }
0x56: {  	_ =	shalt  }
0x57: {  	_ =	shalt  }
0x58: {  	_ =	shalt  }
0x59: {  	_ =	shalt  }
0x5a: {  	_ =	shalt  }
0x5b: {  	_ =	shalt  }
0x5c: {  	_ =	shalt  }
0x5d: {  	_ =	shalt  }
0x5e: {  	_ =	shalt  }
0x5f: {  	_ =	shalt  }
0x60: {  	_ =	shalt  }
0x61: {  	_ =	shalt  }
0x62: {  	_ =	shalt  }
0x63: {  	_ =	shalt  }
0x64: {  	_ =	shalt  }
0x65: {  	_ =	shalt  }
0x66: {  	_ =	shalt  }
0x67: {  	_ =	shalt  }
0x68: {  	_ =	shalt  }
0x69: {  	_ =	shalt  }
0x6a: {  	_ =	shalt  }
0x6b: {  	_ =	shalt  }
0x6c: {  	_ =	shalt  }
0x6d: {  	_ =	shalt  }
0x6e: {  	_ =	shalt  }
0x6f: {  	_ =	shalt  }
0x70: {  	_ =	shalt  }
0x71: {  	_ =	shalt  }
0x72: {  	_ =	shalt  }
0x73: {  	_ =	shalt  }
0x74: {  	_ =	shalt  }
0x75: {  	_ =	shalt  }
0x76: {  	_ =	shalt  }
0x77: {  	_ =	shalt  }
0x78: {  	_ =	shalt  }
0x79: {  	_ =	shalt  }
0x7a: {  	_ =	shalt  }
0x7b: {  	_ =	shalt  }
0x7c: {  	_ =	shalt  }
0x7d: {  	_ =	shalt  }
0x7e: {  	_ =	shalt  }
0x7f: {  	_ =	shalt  }
0x80: {  	_ =	shalt  }
0x81: {  	_ =	shalt  }
0x82: {  	_ =	shalt  }
0x83: {  	_ =	shalt  }
0x84: {  	_ =	shalt  }
0x85: {  	_ =	shalt  }
0x86: {  	_ =	shalt  }
0x87: {  	_ =	shalt  }
.Lfunc_end0:
.L_simem_size_0:
called_computation_lowered:
.L_overlay_start_0:
0x88: {  	s2 =	sld [smem:$0x3FD9]  }
0x89: {  	s3 =	sld [smem:$0x3FFE];
	_ =	sdelay $0x1  }
0x8a: {  	s1 =	srdreg.scid  }
0x8b: {  	s0 =	sand.u32 $0x1, s1  }
0x8c: {  	s17 =	sshll.u32 s0, $0xA;
	s2 =	sadd.s32 s3, s2  }
0x8d: {  	s2 =	sadd.s32 s2, s17  }
0x8e: {  	[smem:$0x3FC5] =	sst s2  }
0x8f: {  	_ = 	snop  }
0x90: {  	s2 =	sld [smem:$0x3FD0];
	(tm) =	ssettm $0x1  }
0x91: {  	s18 =	sld [smem:$0x3FFB];
	_ =	sdelay $0x3  }
0x92: {  	_ =	strace s18  }
0x93: {  	s3 =	sld [smem:$0x3FFC];
	_ =	sdelay $0x3  }
0x94: {  	_ =	strace s3  }
0x95: {  	s3 =	sld [smem:$0x3FFD];
	_ =	sdelay $0x3  }
0x96: {  	_ =	strace s3  }
0x97: {  	_ =	strace $0x8FFFFFFF  }
0x98: {  	s19 =	sld [smem:$0x3FDB];
	_ =	sdelay $0x1  }
0x99: {  	s4 =	simm.s32 $_scs_section_size  }
0x9a: {  	s5 =	simm.s32 $_size__tile_overlayer_lowered;
	s6 =	simm.s32 $_tile_overlayer_lowered  }
0x9b: {  	s22 =	simm.s32 $0x1BFF;
	s21 =	sshll.u32 s6, $0x1;
	s3 =	sadd.s32 s4, s19  }
0x9c: {  	s7 =	simm.s32 $0x0;
	s20 =	sshll.u32 s5, $0x1;
	s5 =	sadd.s32 s21, s3  }
0x9d: {  	[timem:s7], [sflag:s22] =	dma.local [hbm:s5], s20  }
0x9e: {  	_ =	swait.ge [sflag:s22], s20  }
0x9f: {  	s4 =	ssub.s32 $0x0, s20;
	[sflag:s22] =	ssyncset.done $0x0  }
0xa0: {  	[sflag:s22] =	ssyncadd.s32 s4;
	_ =	sdelay $0x1  }
0xa1: {  	s23 =	simm.s32 $0x1B8B  }
0xa2: {  	_ =	swait.ge [sflag:s23], $0x1  }
0xa3: {  	[sflag:s23] =	ssyncset.done $0x0  }
0xa4: {  	s25 =	simm.s32 $0x1B8E;
	s24 =	sld [smem:$0x3FFE];
	[sflag:s23] =	ssyncadd.s32 $0xFFFFFFFF  }
0xa5: {  	s26 =	simm.s32 $execute0_lowered;
	[smem:$0x3FD2] =	sst s25  }
0xa6: {  	s5 =	sshll.u32 s26, $0x1;
	_ =	strace $0x80000046;
	[dreg:$0x1] =	wrdreg $0xFFFFFFFF  }
0xa7: {  	s28 =	simm.s32 $_size_execute0_lowered;
	s3 =	sadd.s32 s3, s5;
	[dreg:$0x0] =	wrdreg $0x0  }
0xa8: {  	s5 =	sshll.u32 s28, $0x1;
	[dreg:$0x2] =	wrdreg s3  }
0xa9: {  	[dreg:$0x3] =	wrdreg s5  }
0xaa: {  	[dreg:$0x4] =	wrdreg $0xC0  }
0xab: {  	_ =	task [dreg:s7], $0x5FFFF  }
0xac: {  	[dreg:$0x1] =	wrdreg $0xFFFFFFFF  }
0xad: {  	[dreg:$0x0] =	wrdreg $0x60  }
0xae: {  	[dreg:$0x2] =	wrdreg s2  }
0xaf: {  	[dreg:$0x3] =	wrdreg s24  }
0xb0: {  	[dreg:$0x4] =	wrdreg $0x9  }
0xb1: {  	_ =	task.clear_ibuf [dreg:s7], $0x5FFFF;
	_ =	strace $0x90000046  }
0xb2: {  	s29 =	simm.s32 $0x9;
	_ =	strace $0x80000048  }
0xb3: {  	_ =	swait.ge [sflag:s29], $0x1  }
0xb4: {  	[sflag:s29] =	ssyncadd.s32 $0xFFFFFFFF  }
0xb5: {  	_ =	strace $0x90000048  }
0xb6: {  	_ =	sfence  }
0xb7: {  	s30 =	sld [smem:$0x0];
	_ =	sdelay $0x2  }
0xb8: {  	s31 =	sshll.u32 s1, $0xD;
	s1 =	sshrl.u32 s1, $0x2  }
0xb9: {  	s3 =	sand.u32 $0x4000, s31;
	s1 =	sadd.s32 s1, s30  }
0xba: {  	s0 =	sor.u32 s3, s0;
	s1 =	sshll.u32 s1, $0x11  }
0xbb: {  	s0 =	sor.u32 s1, s0  }
0xbc: {  	s0 =	sadd.s32 $0x8F2B, s0  }
0xbd: {  	[sflag:s0] =	ssyncadd.remote.s32 $0x1  }
0xbe: {  	_ =	sfence.sel $0xFFFF  }
0xbf: {  	[dreg:$0x0] =	wrdreg $0xFFFFFFFF;
	(pc) =	sbr.abs _section_cstart, $3  }
0xc0: {  	[dreg:$0x1] =	wrdreg $0xFFFFFFFF  }
0xc1: {  	_ =	task.clear_ibuf [dreg:s7], $0x2FFFF;
	_ =	strace $0x9FFFFFFF  }
0xc2: {  	(tm) =	ssettm $0x7FFFFFFF  }
0xc3: {  	_ =	shalt  }
tec
execute0_lowered:
.L_overlay_start_1:
0x0: {  	(tag) =	ssettag $0x1  }
0x1: {  	s0 =	rddreg [dreg:$0x1];
	s21 =	simm.s32 $0x0  }
0x2: {  	s1 =	srdreg.scid;
	[smem:$0x7FF] =	sst s21;
	s2 =	sadd.s32 $0xE00, s0  }
0x3: {  	s3 =	sadd.s32 $0x1E00, s0;
	_ =	strace $0x80000047;
	[dreg:$0x3] =	wrdreg s2  }
0x4: {  	s4 =	stileid.u32;
	s28 =	sadd.s32 $0x2E00, s0;
	[dreg:$0x4] =	wrdreg s3  }
0x5: {  	s1 =	sand.u32 $0x1, s1;
	s29 =	sadd.s32 $0x3E00, s0;
	[dreg:$0x6] =	wrdreg s28  }
0x6: {  	s26 =	sshll.u32 s4, $0x5;
	s0 =	sadd.s32 $0x4E00, s0;
	[dreg:$0x7] =	wrdreg s29  }
0x7: {  	s24 =	ssub.s32 $0x2, s1;
	s1 =	sshll.u32 s1, $0x4;
	[dreg:$0x8] =	wrdreg s0  }
.Ltmp0:
0x8: {  	s25 =	sshrl.u32 s24, $0x1;
	s1 =	sor.u32 s26, s1;
	(pc) =	sbr.rel .LBB2_1-.Ltmp0, $4  }
0x9: {  	s2 =	ssub.s32 s24, s25;
	[dreg:$0x5] =	wrdreg s1;
	s31 =	sshrl.u32 s1, $0x1  }
0xa: {  	s30 =	smax.u32 s2, $0x1;
	[dreg:$0xa] =	wrdreg s31  }
0xb: {  	s20 =	simm.s32 $0x10000;
	s0 =	sor.u32 $0x1, s31;
	[dreg:$0x9] =	wrdreg s30  }
0xc: {  	p0 =	slt.u32 s4, $0x8;
	s2 =	simm.s32 $0x0;
	[dreg:$0xb] =	wrdreg s0  }
.LBB2_73:
0xd: {  	s0 =	simm.s32 $0x1  }
0xe: {  	_ =	swait.ge [sflag:s0], $0x8000  }
0xf: {  	[sflag:s0] =	ssyncset.done $0x0  }
0x10: {  	s1 =	simm.s32 $0x2;
	[sflag:s0] =	ssyncadd.s32 $0xFFFF8000  }
0x11: {  	_ =	swait.ge [sflag:s1], $0x8000  }
0x12: {  	s2 =	rddreg [dreg:$0xc]  }
0x13: {  	s31 =	rddreg [dreg:$0x9];
	s2 =	sadd.s32 $0x1, s2  }
0x14: {  	p1 =	sne.s32 s2, s31  }
.Ltmp1:
0x15: {  	_ = 	snop;
	(pc) =	sbr.rel @!p1 .LBB2_74-.Ltmp1, $3  }
0x16: {  	_ =	sdelay $0x1  }
0x17: {  	[sflag:s1] =	ssyncset.done $0x0  }
0x18: {  	[sflag:s1] =	ssyncadd.s32 $0xFFFF8000  }
.LBB2_1:
0x19: {  	[dreg:$0xc] =	wrdreg s2  }
0x1a: {  	s0 =	rddreg [dreg:$0x0];
	s1 =	simm.s32 $0x3  }
0x1b: {  	[tilespmem:s21], [sflag:$0x3] =	stream.linear.gather [hbm4b:s0+s21], $0x8000, $0x38;
	v63 =	vld [tilespmem:$0x0]  }
0x1c: {  	_ =	swait.ge [sflag:s1], $0x8000  }
0x1d: {  	s31 =	simm.s32 $0x8000;
	[sflag:s1] =	ssyncset.done $0x0  }
.Ltmp2:
0x1e: {  	s30 =	rddreg [dreg:$0x3];
	[sflag:s1] =	ssyncadd.s32 $0xFFFF8000;
	(pc) =	sbr.rel .LBB2_2-.Ltmp2, $4  }
0x1f: {  	[tilespmem:s31], [sflag:$0x3] =	stream.linear.gather [hbm4b:s30+s21], $0x8000, $0x38;
	v63 =	vld [tilespmem:$0x0]  }
0x20: {  	_ =	swait.ge [sflag:s1], $0x8000  }
0x21: {  	[sflag:s1] =	ssyncset.done $0x0;
	s16 =	rddreg [dreg:$0xb]  }
0x22: {  	s22 =	simm.s32 $0x0;
	s17 =	rddreg [dreg:$0xa];
	[sflag:s1] =	ssyncadd.s32 $0xFFFF8000  }
.LBB2_72:
0x23: {  	v2 =	vld @!p0 [tilespmem:s23+$0x0];
	_ =	sdelay $0x4  }
0x24: {  	v2 =	vadd.f32 @!p0 v2, v6;
	_ =	sdelay $0x1  }
0x25: {  	[tilespmem:s9+$0x10000] =	vst @!p0 v2;
	v2 =	vimm.f32 @!p0 $0.0e+00  }
0x26: {  	[tilespmem:s9+$0x10080] =	vst @!p0 v2  }
0x27: {  	v4 =	vld @!p0 [tilespmem:s0+$0x0];
	_ =	sdelay $0x4  }
0x28: {  	v3 =	vadd.f32 @!p0 v4, v3  }
0x29: {  	[tilespmem:s9+$0x10090] =	vst @!p0 v2  }
0x2a: {  	[tilespmem:s9+$0x10010] =	vst @!p0 v3  }
0x2b: {  	v3 =	vld @!p0 [tilespmem:s1+$0x0];
	_ =	sdelay $0x4  }
0x2c: {  	v1 =	vadd.f32 @!p0 v3, v1  }
0x2d: {  	[tilespmem:s9+$0x100A0] =	vst @!p0 v2  }
0x2e: {  	[tilespmem:s9+$0x10020] =	vst @!p0 v1  }
0x2f: {  	v1 =	vld @!p0 [tilespmem:s4+$0x0];
	_ =	sdelay $0x1  }
0x30: {  	s22 =	sadd.s32 $0x1, s22  }
0x31: {  	p1 =	sne.s32 s22, $0x8  }
.Ltmp3:
0x32: {  	s30 =	rddreg [dreg:$0x8];
	(pc) =	sbr.rel @!p1 .LBB2_73-.Ltmp3, $4  }
0x33: {  	s17 =	rddreg [dreg:$0xe];
	v0 =	vadd.f32 @!p0 v1, v0  }
0x34: {  	s31 =	simm.s32 $0x18000;
	s16 =	rddreg [dreg:$0xd];
	[tilespmem:s9+$0x100B0] =	vst @!p0 v2  }
0x35: {  	s17 =	sadd.s32 $0x1, s17;
	s16 =	sadd.s32 $0x1, s16;
	s0 =	sadd.s32 s24, s30;
	[tilespmem:s9+$0x10030] =	vst @!p0 v0  }
0x36: {  	[hbm4b:s0+s21] =	stream.linear.scatter [tilespmem:s31], [sflag:$0x2], $0x8000, $0x38;
	v63 =	vld [tilespmem:$0x0]  }
.LBB2_2:
0x37: {  	s0 =	sshll.u32 s22, $0x1;
	s1 =	rddreg [dreg:$0x5]  }
0x38: {  	s9 =	sadd.s32 s1, s0  }
0x39: {  	s23 =	sshll.u32 s9, $0x6  }
0x3a: {  	v3 =	vld [tilespmem:s23+$0x0]  }
0x3b: {  	s3 =	sshrl.u32 s9, $0x1;
	v2 =	vld [tilespmem:s23+$0x10]  }
0x3c: {  	v1 =	vld [tilespmem:s23+$0x20];
	s25 =	smin.u32 s3, $0x80  }
0x3d: {  	v0 =	vld [tilespmem:s23+$0x30];
	s26 =	sand.u32 $0xFC, s25  }
0x3e: {  	v4 =	vld [tilespmem:s23+$0x8000];
	p6 =	seq.s32 s26, $0x0  }
.Ltmp4:
0x3f: {  	p1 =	seq.s32 s22, $0x0;
	v5 =	vld [tilespmem:s23+$0x8010];
	(pc) =	sbr.rel @p6 .LBB2_10-.Ltmp4, $4  }
0x40: {  	s0 =	simm.s32 @!p1 $0x1;
	v6 =	vld [tilespmem:s23+$0x8020]  }
0x41: {  	v7 =	vld [tilespmem:s23+$0x8030];
	_ =	swait.ge @!p1 [sflag:s0], $0x8000  }
0x42: {  	[sflag:s0] =	ssyncset.done @!p1 $0x0  }
0x43: {  	[sflag:s0] =	ssyncadd.s32 @!p1 $0xFFFF8000  }
0x44: {  	s4 =	simm.s32 $0x100  }
0x45: {  	v8 =	vld [tilespmem:s4+$0x80];
	_ =	sdelay $0x1  }
0x46: {  	v9 =	vld [tilespmem:s4+$0xFFFFFF80];
	_ =	sdelay $0x2  }
0x47: {  	v8 =	vadd.f32 v8, v4  }
0x48: {  	s0 =	simm.s32 $0x10200;
	v10 =	vld [tilespmem:s4+$0x0]  }
0x49: {  	v11 =	vld [tilespmem:s4+$0xFFFFFF00];
	v9 =	vadd.f32 v9, v4;
	[tilespmem:s0+$0x100] =	vst v8  }
0x4a: {  	v8 =	vld [tilespmem:s4+$0xC0]  }
0x4b: {  	[tilespmem:s0+$0xFFFFFF00] =	vst v9  }
0x4c: {  	v9 =	vld [tilespmem:s4+$0xFFFFFFC0]  }
0x4d: {  	v10 =	vadd.f32 v10, v4  }
0x4e: {  	v11 =	vadd.f32 v11, v4  }
0x4f: {  	[tilespmem:s0+$0x0] =	vst v10;
	v8 =	vadd.f32 v8, v4  }
0x50: {  	[tilespmem:s0+$0xFFFFFE00] =	vst v11;
	v10 =	vld [tilespmem:s4+$0x40]  }
0x51: {  	v11 =	vld [tilespmem:s4+$0xFFFFFF40];
	v9 =	vadd.f32 v9, v4;
	[tilespmem:s0+$0x180] =	vst v8  }
0x52: {  	v8 =	vld [tilespmem:s4+$0x90]  }
0x53: {  	[tilespmem:s0+$0xFFFFFF80] =	vst v9  }
0x54: {  	v9 =	vld [tilespmem:s4+$0xFFFFFF90]  }
0x55: {  	v10 =	vadd.f32 v10, v4  }
0x56: {  	v11 =	vadd.f32 v11, v4  }
0x57: {  	[tilespmem:s0+$0x80] =	vst v10;
	v8 =	vadd.f32 v8, v5  }
0x58: {  	[tilespmem:s0+$0xFFFFFE80] =	vst v11;
	v10 =	vld [tilespmem:s4+$0x10]  }
0x59: {  	v11 =	vld [tilespmem:s4+$0xFFFFFF10];
	v9 =	vadd.f32 v9, v5;
	[tilespmem:s0+$0x110] =	vst v8  }
0x5a: {  	v8 =	vld [tilespmem:s4+$0xD0]  }
0x5b: {  	[tilespmem:s0+$0xFFFFFF10] =	vst v9  }
0x5c: {  	p3 =	sgt.u32 s26, $0x4;
	v9 =	vld [tilespmem:s4+$0xFFFFFFD0]  }
.Ltmp5:
0x5d: {  	v10 =	vadd.f32 v10, v5;
	(pc) =	sbr.rel @!p3 .LBB2_4-.Ltmp5, $4  }
0x5e: {  	v11 =	vadd.f32 v11, v5  }
0x5f: {  	[tilespmem:s0+$0x10] =	vst v10;
	v8 =	vadd.f32 v8, v5  }
0x60: {  	[tilespmem:s0+$0xFFFFFE10] =	vst v11;
	v12 =	vld [tilespmem:s4+$0x50]  }
0x61: {  	s1 =	simm.s32 $0x300;
	p2 =	por $0x0, $0x0;
	v13 =	vld [tilespmem:s4+$0xFFFFFF50];
	v14 =	vadd.f32 v9, v5;
	[tilespmem:s0+$0x190] =	vst v8  }
0x62: {  	_ =	sdelay $0x1  }
0x63: {  	v8 =	vld [tilespmem:s1+$0x80]  }
0x64: {  	v9 =	vld [tilespmem:s4+$0xA0]  }
0x65: {  	v11 =	vld [tilespmem:s1+$0xFFFFFF80];
	v10 =	vadd.f32 v13, v5  }
0x66: {  	v13 =	vld [tilespmem:s1+$0x0]  }
0x67: {  	v12 =	vadd.f32 v12, v5;
	[tilespmem:s0+$0xFFFFFE90] =	vst v10;
	v10 =	vld [tilespmem:s1+$0xFFFFFF00]  }
0x68: {  	[tilespmem:s0+$0xFFFFFF90] =	vst v14;
	v8 =	vadd.f32 v8, v4;
	v14 =	vld [tilespmem:s4+$0xFFFFFF20]  }
0x69: {  	s2 =	simm.s32 $0x10600;
	[tilespmem:s0+$0x90] =	vst v12;
	v12 =	vld [tilespmem:s4+$0xFFFFFFA0];
	v9 =	vadd.f32 v9, v6  }
0x6a: {  	v11 =	vadd.f32 v11, v4;
	[tilespmem:s2+$0x100] =	vst v8;
	v8 =	vld [tilespmem:s4+$0x20]  }
0x6b: {  	[tilespmem:s0+$0x120] =	vst v9;
	v15 =	vld [tilespmem:s1+$0xC0];
	v13 =	vadd.f32 v13, v4  }
0x6c: {  	[tilespmem:s2+$0xFFFFFF00] =	vst v11;
	v9 =	vadd.f32 v10, v4;
	v10 =	vld [tilespmem:s4+$0xE0]  }
0x6d: {  	v11 =	vld [tilespmem:s1+$0xFFFFFFC0];
	[tilespmem:s2+$0x0] =	vst v13;
	v13 =	vadd.f32 v14, v6  }
0x6e: {  	v12 =	vadd.f32 v12, v6;
	[tilespmem:s2+$0xFFFFFE00] =	vst v9;
	v9 =	vld [tilespmem:s1+$0x40]  }
0x6f: {  	v8 =	vadd.f32 v8, v6;
	v14 =	vld [tilespmem:s1+$0xFFFFFF40];
	[tilespmem:s0+$0xFFFFFE20] =	vst v13  }
0x70: {  	[tilespmem:s0+$0xFFFFFF20] =	vst v12;
	v13 =	vadd.f32 v15, v4;
	v15 =	vld [tilespmem:s4+$0xFFFFFF60]  }
0x71: {  	v12 =	vld [tilespmem:s4+$0xFFFFFFE0];
	[tilespmem:s0+$0x20] =	vst v8;
	v8 =	vadd.f32 v10, v6  }
0x72: {  	v10 =	vadd.f32 v11, v4;
	[tilespmem:s2+$0x180] =	vst v13;
	v11 =	vld [tilespmem:s4+$0x60]  }
0x73: {  	v13 =	vld [tilespmem:s1+$0x90];
	v9 =	vadd.f32 v9, v4;
	[tilespmem:s0+$0x1A0] =	vst v8  }
0x74: {  	[tilespmem:s2+$0xFFFFFF80] =	vst v10;
	v8 =	vadd.f32 v14, v4;
	v10 =	vld [tilespmem:s4+$0xB0]  }
0x75: {  	v14 =	vld [tilespmem:s1+$0xFFFFFF90];
	[tilespmem:s2+$0x80] =	vst v9;
	v9 =	vadd.f32 v15, v6  }
0x76: {  	v12 =	vadd.f32 v12, v6;
	[tilespmem:s2+$0xFFFFFE80] =	vst v8;
	v8 =	vld [tilespmem:s1+$0x10]  }
0x77: {  	v15 =	vld [tilespmem:s1+$0xFFFFFF10];
	[tilespmem:s0+$0xFFFFFEA0] =	vst v9;
	v9 =	vadd.f32 v11, v6  }
0x78: {  	[tilespmem:s0+$0xFFFFFFA0] =	vst v12;
	v11 =	vadd.f32 v13, v5;
	v13 =	vld [tilespmem:s4+$0xFFFFFF30]  }
0x79: {  	v16 =	vld [tilespmem:s4+$0xFFFFFFB0];
	[tilespmem:s0+$0xA0] =	vst v9;
	v9 =	vadd.f32 v10, v7  }
0x7a: {  	v10 =	vadd.f32 v14, v5;
	[tilespmem:s2+$0x110] =	vst v11;
	v11 =	vld [tilespmem:s4+$0x30]  }
0x7b: {  	v14 =	vld [tilespmem:s1+$0xD0];
	v8 =	vadd.f32 v8, v5;
	[tilespmem:s0+$0x130] =	vst v9  }
0x7c: {  	[tilespmem:s2+$0xFFFFFF10] =	vst v10;
	v9 =	vadd.f32 v15, v5;
	v10 =	vld [tilespmem:s4+$0xF0]  }
0x7d: {  	p3 =	sgt.u32 s26, $0x8;
	v15 =	vld [tilespmem:s1+$0xFFFFFFD0];
	[tilespmem:s2+$0x10] =	vst v8;
	v8 =	vadd.f32 v13, v7  }
.Ltmp6:
0x7e: {  	v16 =	vadd.f32 v16, v7;
	[tilespmem:s2+$0xFFFFFE10] =	vst v9;
	v12 =	vld [tilespmem:s1+$0x50];
	(pc) =	sbr.rel @!p3 .LBB2_6-.Ltmp6, $4  }
0x7f: {  	v13 =	vld [tilespmem:s1+$0xFFFFFF50];
	[tilespmem:s0+$0xFFFFFE30] =	vst v8;
	v11 =	vadd.f32 v11, v7  }
0x80: {  	[tilespmem:s0+$0xFFFFFF30] =	vst v16;
	v17 =	vadd.f32 v14, v5;
	v9 =	vld [tilespmem:s4+$0xFFFFFF70]  }
0x81: {  	v8 =	vld [tilespmem:s4+$0xFFFFFFF0];
	[tilespmem:s0+$0x30] =	vst v11;
	v11 =	vadd.f32 v10, v7  }
0x82: {  	s5 =	simm.s32 $0x8;
	s6 =	simm.s32 $0x500;
	p2 =	por $0x1, $0x1;
	v14 =	vadd.f32 v15, v5;
	[tilespmem:s2+$0x190] =	vst v17;
	v10 =	vld [tilespmem:s4+$0x70]  }
.LBB2_7:
0x83: {  	v15 =	vld [tilespmem:s6+$0x80];
	v12 =	vadd.f32 v12, v5;
	[tilespmem:s0+$0x1B0] =	vst v11  }
0x84: {  	s5 =	sadd.s32 $0x4, s5;
	v11 =	vadd.f32 v13, v5;
	[tilespmem:s2+$0xFFFFFF90] =	vst v14;
	v13 =	vld [tilespmem:s1+$0xA0]  }
0x85: {  	p3 =	slt.u32 s5, s26;
	v14 =	vld [tilespmem:s6+$0xFFFFFF80];
	[tilespmem:s2+$0x90] =	vst v12;
	v9 =	vadd.f32 v9, v7  }
0x86: {  	v12 =	vld [tilespmem:s6+$0x0];
	[tilespmem:s2+$0xFFFFFE90] =	vst v11;
	v8 =	vadd.f32 v8, v7  }
0x87: {  	v11 =	vld [tilespmem:s6+$0xFFFFFF00];
	[tilespmem:s0+$0xFFFFFEB0] =	vst v9;
	v9 =	vadd.f32 v10, v7  }
0x88: {  	v10 =	vadd.f32 v15, v4;
	v15 =	vld [tilespmem:s1+$0xFFFFFF20];
	[tilespmem:s0+$0xFFFFFFB0] =	vst v8  }
0x89: {  	v8 =	vld [tilespmem:s1+$0xFFFFFFA0];
	v13 =	vadd.f32 v13, v6;
	[tilespmem:s0+$0xB0] =	vst v9;
	s0 =	smov.u32 s2;
	s2 =	sadd.s32 $0x400, s2  }
0x8a: {  	v9 =	vadd.f32 v14, v4;
	[tilespmem:s2+$0x100] =	vst v10;
	v10 =	vld [tilespmem:s1+$0x20]  }
0x8b: {  	v12 =	vadd.f32 v12, v4;
	v14 =	vld [tilespmem:s6+$0xC0];
	[tilespmem:s0+$0x120] =	vst v13  }
0x8c: {  	v11 =	vadd.f32 v11, v4;
	[tilespmem:s2+$0xFFFFFF00] =	vst v9;
	v9 =	vld [tilespmem:s1+$0xE0]  }
0x8d: {  	v13 =	vld [tilespmem:s6+$0xFFFFFFC0];
	[tilespmem:s2+$0x0] =	vst v12;
	v12 =	vadd.f32 v15, v6  }
0x8e: {  	[tilespmem:s2+$0xFFFFFE00] =	vst v11;
	v11 =	vld [tilespmem:s6+$0x40];
	v8 =	vadd.f32 v8, v6  }
0x8f: {  	v15 =	vld [tilespmem:s6+$0xFFFFFF40];
	[tilespmem:s0+$0xFFFFFE20] =	vst v12;
	v10 =	vadd.f32 v10, v6  }
0x90: {  	v12 =	vadd.f32 v14, v4;
	v14 =	vld [tilespmem:s1+$0xFFFFFF60];
	[tilespmem:s0+$0xFFFFFF20] =	vst v8  }
0x91: {  	v8 =	vld [tilespmem:s1+$0xFFFFFFE0];
	[tilespmem:s0+$0x20] =	vst v10;
	v9 =	vadd.f32 v9, v6  }
0x92: {  	v10 =	vadd.f32 v13, v4;
	[tilespmem:s2+$0x180] =	vst v12;
	v12 =	vld [tilespmem:s1+$0x60]  }
0x93: {  	v11 =	vadd.f32 v11, v4;
	v13 =	vld [tilespmem:s6+$0x90];
	[tilespmem:s0+$0x1A0] =	vst v9  }
0x94: {  	v9 =	vadd.f32 v15, v4;
	[tilespmem:s2+$0xFFFFFF80] =	vst v10;
	v10 =	vld [tilespmem:s1+$0xB0]  }
0x95: {  	v15 =	vld [tilespmem:s6+$0xFFFFFF90];
	[tilespmem:s2+$0x80] =	vst v11;
	v11 =	vadd.f32 v14, v6  }
0x96: {  	[tilespmem:s2+$0xFFFFFE80] =	vst v9;
	v9 =	vld [tilespmem:s6+$0x10];
	v8 =	vadd.f32 v8, v6  }
0x97: {  	v14 =	vld [tilespmem:s6+$0xFFFFFF10];
	[tilespmem:s0+$0xFFFFFEA0] =	vst v11;
	v11 =	vadd.f32 v12, v6  }
0x98: {  	v12 =	vadd.f32 v13, v5;
	v13 =	vld [tilespmem:s1+$0xFFFFFF30];
	[tilespmem:s0+$0xFFFFFFA0] =	vst v8  }
0x99: {  	v8 =	vld [tilespmem:s1+$0xFFFFFFB0];
	[tilespmem:s0+$0xA0] =	vst v11;
	v10 =	vadd.f32 v10, v7  }
0x9a: {  	v11 =	vadd.f32 v15, v5;
	[tilespmem:s2+$0x110] =	vst v12;
	v15 =	vld [tilespmem:s1+$0x30]  }
0x9b: {  	v9 =	vadd.f32 v9, v5;
	v16 =	vld [tilespmem:s6+$0xD0];
	[tilespmem:s0+$0x130] =	vst v10  }
0x9c: {  	v10 =	vadd.f32 v14, v5;
	[tilespmem:s2+$0xFFFFFF10] =	vst v11;
	v11 =	vld [tilespmem:s1+$0xF0]  }
0x9d: {  	v14 =	vld [tilespmem:s6+$0xFFFFFFD0];
	[tilespmem:s2+$0x10] =	vst v9;
	v9 =	vadd.f32 v13, v7  }
.Ltmp7:
0x9e: {  	[tilespmem:s2+$0xFFFFFE10] =	vst v10;
	v12 =	vld [tilespmem:s6+$0x50];
	v8 =	vadd.f32 v8, v7;
	(pc) =	sbr.rel @p3 .LBB2_7-.Ltmp7, $4  }
0x9f: {  	v13 =	vld [tilespmem:s6+$0xFFFFFF50];
	[tilespmem:s0+$0xFFFFFE30] =	vst v9;
	v10 =	vadd.f32 v15, v7  }
0xa0: {  	v15 =	vadd.f32 v16, v5;
	v9 =	vld [tilespmem:s1+$0xFFFFFF70];
	[tilespmem:s0+$0xFFFFFF30] =	vst v8  }
0xa1: {  	v8 =	vld [tilespmem:s1+$0xFFFFFFF0];
	[tilespmem:s0+$0x30] =	vst v10;
	v11 =	vadd.f32 v11, v7  }
0xa2: {  	v14 =	vadd.f32 v14, v5;
	[tilespmem:s2+$0x190] =	vst v15;
	v10 =	vld [tilespmem:s1+$0x70];
	s1 =	smov.u32 s6;
	s6 =	sadd.s32 $0x200, s6  }
0xa3: {  	s5 =	smov.u32 s0;
	s0 =	smov.u32 s2;
	s4 =	smov.u32 s1  }
.LBB2_9:
0xa4: {  	v13 =	vadd.f32 v13, v5;
	v15 =	vld [tilespmem:s4+$0xA0]  }
0xa5: {  	v12 =	vadd.f32 v12, v5;
	[tilespmem:s0+$0xFFFFFF90] =	vst v14  }
0xa6: {  	v53 =	vld [tilespmem:s4+$0xFFFFFFA0];
	[tilespmem:s0+$0xFFFFFE90] =	vst v13  }
0xa7: {  	[tilespmem:s0+$0x90] =	vst v12;
	v13 =	vld [tilespmem:s4+$0xFFFFFF20]  }
0xa8: {  	v54 =	vld [tilespmem:s4+$0x20]  }
0xa9: {  	v15 =	vadd.f32 v15, v6;
	_ =	sdelay $0x1  }
0xaa: {  	v12 =	vadd.f32 v53, v6;
	[tilespmem:s0+$0x120] =	vst v15  }
0xab: {  	v13 =	vadd.f32 v13, v6;
	v15 =	vld [tilespmem:s4+$0xE0]  }
0xac: {  	v55 =	vadd.f32 v54, v6;
	[tilespmem:s0+$0xFFFFFF20] =	vst v12  }
0xad: {  	v12 =	vld [tilespmem:s4+$0xFFFFFFE0];
	[tilespmem:s0+$0xFFFFFE20] =	vst v13  }
0xae: {  	[tilespmem:s0+$0x20] =	vst v55;
	v56 =	vld [tilespmem:s4+$0xFFFFFF60]  }
0xaf: {  	v13 =	vld [tilespmem:s4+$0x60]  }
0xb0: {  	v15 =	vadd.f32 v15, v6;
	_ =	sdelay $0x1  }
0xb1: {  	v12 =	vadd.f32 v12, v6;
	[tilespmem:s0+$0x1A0] =	vst v15  }
0xb2: {  	v14 =	vadd.f32 v56, v6;
	v15 =	vld [tilespmem:s4+$0xB0]  }
0xb3: {  	v13 =	vadd.f32 v13, v6;
	[tilespmem:s0+$0xFFFFFFA0] =	vst v12  }
0xb4: {  	v12 =	vld [tilespmem:s4+$0xFFFFFFB0];
	[tilespmem:s0+$0xFFFFFEA0] =	vst v14  }
0xb5: {  	[tilespmem:s0+$0xA0] =	vst v13;
	v14 =	vld [tilespmem:s4+$0xFFFFFF30]  }
0xb6: {  	v13 =	vld [tilespmem:s4+$0x30]  }
0xb7: {  	v15 =	vadd.f32 v15, v7;
	_ =	sdelay $0x1  }
0xb8: {  	v12 =	vadd.f32 v12, v7;
	[tilespmem:s0+$0x130] =	vst v15  }
0xb9: {  	v14 =	vadd.f32 v14, v7;
	v57 =	vld [tilespmem:s4+$0xF0]  }
0xba: {  	v13 =	vadd.f32 v13, v7;
	[tilespmem:s0+$0xFFFFFF30] =	vst v12  }
0xbb: {  	v59 =	vld [tilespmem:s4+$0xFFFFFFF0];
	[tilespmem:s0+$0xFFFFFE30] =	vst v14  }
0xbc: {  	v8 =	vadd.f32 @p2 v8, v7;
	[tilespmem:s0+$0x30] =	vst v13;
	v58 =	vld [tilespmem:s4+$0xFFFFFF70]  }
0xbd: {  	[tilespmem:s5+$0x1B0] =	vst @p2 v11;
	v9 =	vadd.f32 @p2 v9, v7;
	v60 =	vld [tilespmem:s4+$0x70]  }
0xbe: {  	[tilespmem:s5+$0xFFFFFFB0] =	vst @p2 v8;
	v8 =	vadd.f32 v57, v7  }
0xbf: {  	[tilespmem:s5+$0xFFFFFEB0] =	vst @p2 v9;
	v9 =	vadd.f32 @p2 v10, v7  }
0xc0: {  	[tilespmem:s0+$0x1B0] =	vst v8;
	v8 =	vadd.f32 v59, v7  }
0xc1: {  	[tilespmem:s5+$0xB0] =	vst @p2 v9;
	v61 =	vadd.f32 v58, v7  }
0xc2: {  	v62 =	vadd.f32 v60, v7;
	[tilespmem:s0+$0xFFFFFFB0] =	vst v8  }
0xc3: {  	[tilespmem:s0+$0xFFFFFEB0] =	vst v61  }
0xc4: {  	[tilespmem:s0+$0xB0] =	vst v62  }
.LBB2_10:
0xc5: {  	p2 =	seq.s32 s26, s25  }
.Ltmp8:
0xc6: {  	s0 =	smin.u32 s17, $0x80;
	(pc) =	sbr.rel @p2 .LBB2_12-.Ltmp8, $4  }
0xc7: {  	s2 =	smov.u32 s26;
	s0 =	sshrl.u32 s0, $0x2  }
0xc8: {  	s5 =	simm.s32 @!p2 $0x0;
	s1 =	sshll.u32 s0, $0xA;
	s0 =	sshll.u32 s0, $0x9  }
0xc9: {  	s5 =	simm.s32 @p2 $0x1;
	s4 =	sor.u32 $0x10080, s1;
	s12 =	sor.u32 $0x40, s0  }
0xca: {  	[smem:$0x7FD] =	sst s5;
	s0 =	smov.u32 s12;
	s1 =	smov.u32 s4  }
.LBB2_11:
0xcb: {  	v8 =	vld [tilespmem:s0+$0xFFFFFFC0];
	_ =	sdelay $0x4  }
0xcc: {  	v8 =	vadd.f32 v8, v4;
	_ =	sdelay $0x1  }
0xcd: {  	[tilespmem:s1+$0xFFFFFF80] =	vst v8  }
0xce: {  	v8 =	vld [tilespmem:s0+$0x0];
	_ =	sdelay $0x4  }
0xcf: {  	v8 =	vadd.f32 v8, v4;
	_ =	sdelay $0x1  }
0xd0: {  	[tilespmem:s1+$0x0] =	vst v8  }
0xd1: {  	v8 =	vld [tilespmem:s0+$0xFFFFFFD0];
	_ =	sdelay $0x4  }
0xd2: {  	v8 =	vadd.f32 v8, v5;
	_ =	sdelay $0x1  }
0xd3: {  	[tilespmem:s1+$0xFFFFFF90] =	vst v8  }
0xd4: {  	v8 =	vld [tilespmem:s0+$0x10];
	_ =	sdelay $0x4  }
0xd5: {  	v8 =	vadd.f32 v8, v5;
	_ =	sdelay $0x1  }
0xd6: {  	[tilespmem:s1+$0x10] =	vst v8  }
0xd7: {  	v8 =	vld [tilespmem:s0+$0xFFFFFFE0];
	_ =	sdelay $0x4  }
0xd8: {  	v8 =	vadd.f32 v8, v6;
	_ =	sdelay $0x1  }
0xd9: {  	[tilespmem:s1+$0xFFFFFFA0] =	vst v8  }
0xda: {  	v8 =	vld [tilespmem:s0+$0x20];
	_ =	sdelay $0x4  }
0xdb: {  	v8 =	vadd.f32 v8, v6;
	_ =	sdelay $0x1  }
0xdc: {  	[tilespmem:s1+$0x20] =	vst v8  }
0xdd: {  	v8 =	vld [tilespmem:s0+$0xFFFFFFF0];
	_ =	sdelay $0x4  }
0xde: {  	v8 =	vadd.f32 v8, v7;
	_ =	sdelay $0x1  }
0xdf: {  	[tilespmem:s1+$0xFFFFFFB0] =	vst v8  }
0xe0: {  	v8 =	vld [tilespmem:s0+$0x30]  }
0xe1: {  	s2 =	sadd.s32 $0x1, s2  }
0xe2: {  	p2 =	slt.u32 s2, s25  }
.Ltmp9:
0xe3: {  	_ = 	snop;
	(pc) =	sbr.rel @p2 .LBB2_11-.Ltmp9, $3  }
0xe4: {  	_ = 	snop  }
0xe5: {  	v8 =	vadd.f32 v8, v7;
	_ =	sdelay $0x1  }
0xe6: {  	s0 =	sadd.s32 $0x80, s0;
	[tilespmem:s1+$0x30] =	vst v8;
	s1 =	sadd.s32 $0x100, s1  }
.LBB2_12:
0xe7: {  	s7 =	sadd.s32 $0x1, s3  }
0xe8: {  	s10 =	smin.u32 s7, $0x80  }
0xe9: {  	s0 =	ssub.s32 $0x80, s10  }
0xea: {  	s0 =	sand.u32 $0xFC, s0  }
0xeb: {  	s5 =	smin.u32 s16, $0x80;
	p2 =	seq.s32 s0, $0x0  }
.Ltmp10:
0xec: {  	s6 =	sshll.u32 s5, $0xA;
	(pc) =	sbr.rel @p2 .LBB2_13-.Ltmp10, $4  }
0xed: {  	s2 =	sshrl.u32 s6, $0x2  }
0xee: {  	s8 =	sshll.u32 s5, $0x9;
	s30 =	sadd.s32 $0x10200, s2;
	s2 =	simm.s32 @!p2 $0x0  }
0xef: {  	s1 =	sshrl.u32 s8, $0x2;
	s2 =	simm.s32 @p2 $0x1  }
0xf0: {  	s1 =	sadd.s32 $0x8100, s1;
	s0 =	sadd.s32 s10, s0;
	[smem:$0x7FC] =	sst s2  }
0xf1: {  	v8 =	vld [tilespmem:s1+$0x80];
	_ =	sdelay $0x1  }
0xf2: {  	v9 =	vld [tilespmem:s1+$0xFFFFFF80];
	_ =	sdelay $0x2  }
0xf3: {  	v8 =	vadd.f32 v8, v3  }
0xf4: {  	v10 =	vld [tilespmem:s1+$0x0]  }
0xf5: {  	v11 =	vld [tilespmem:s1+$0xFFFFFF00];
	v9 =	vadd.f32 v9, v3;
	[tilespmem:s30+$0x100] =	vst v8  }
0xf6: {  	v8 =	vld [tilespmem:s1+$0xC0]  }
0xf7: {  	[tilespmem:s30+$0xFFFFFF00] =	vst v9  }
0xf8: {  	v9 =	vld [tilespmem:s1+$0xFFFFFFC0]  }
0xf9: {  	v10 =	vadd.f32 v10, v3  }
0xfa: {  	v11 =	vadd.f32 v11, v3  }
0xfb: {  	[tilespmem:s30+$0x0] =	vst v10;
	v8 =	vadd.f32 v8, v3  }
0xfc: {  	[tilespmem:s30+$0xFFFFFE00] =	vst v11;
	v10 =	vld [tilespmem:s1+$0x40]  }
0xfd: {  	v11 =	vld [tilespmem:s1+$0xFFFFFF40];
	v9 =	vadd.f32 v9, v3;
	[tilespmem:s30+$0x180] =	vst v8  }
0xfe: {  	v8 =	vld [tilespmem:s1+$0x90]  }
0xff: {  	[tilespmem:s30+$0xFFFFFF80] =	vst v9  }
0x100: {  	v9 =	vld [tilespmem:s1+$0xFFFFFF90]  }
0x101: {  	v10 =	vadd.f32 v10, v3  }
0x102: {  	v11 =	vadd.f32 v11, v3  }
0x103: {  	[tilespmem:s30+$0x80] =	vst v10;
	v8 =	vadd.f32 v8, v2  }
0x104: {  	[tilespmem:s30+$0xFFFFFE80] =	vst v11;
	v10 =	vld [tilespmem:s1+$0x10]  }
0x105: {  	v11 =	vld [tilespmem:s1+$0xFFFFFF10];
	v9 =	vadd.f32 v9, v2;
	[tilespmem:s30+$0x110] =	vst v8  }
0x106: {  	v8 =	vld [tilespmem:s1+$0xD0]  }
0x107: {  	s2 =	sadd.s32 $0x4, s10;
	[tilespmem:s30+$0xFFFFFF10] =	vst v9  }
0x108: {  	p3 =	slt.u32 s2, s0;
	v9 =	vld [tilespmem:s1+$0xFFFFFFD0]  }
.Ltmp11:
0x109: {  	v10 =	vadd.f32 v10, v2;
	(pc) =	sbr.rel @!p3 .LBB2_19-.Ltmp11, $4  }
0x10a: {  	v11 =	vadd.f32 v11, v2  }
0x10b: {  	[tilespmem:s30+$0x10] =	vst v10;
	v8 =	vadd.f32 v8, v2  }
0x10c: {  	[tilespmem:s30+$0xFFFFFE10] =	vst v11;
	v12 =	vld [tilespmem:s1+$0x50]  }
0x10d: {  	s11 =	sadd.s32 $0x200, s1;
	p2 =	por $0x0, $0x0;
	v13 =	vld [tilespmem:s1+$0xFFFFFF50];
	v14 =	vadd.f32 v9, v2;
	[tilespmem:s30+$0x190] =	vst v8  }
0x10e: {  	_ =	sdelay $0x1  }
0x10f: {  	v8 =	vld [tilespmem:s11+$0x80]  }
0x110: {  	v9 =	vld [tilespmem:s1+$0xA0]  }
0x111: {  	v11 =	vld [tilespmem:s11+$0xFFFFFF80];
	v10 =	vadd.f32 v13, v2  }
0x112: {  	v13 =	vld [tilespmem:s11+$0x0]  }
0x113: {  	v12 =	vadd.f32 v12, v2;
	[tilespmem:s30+$0xFFFFFE90] =	vst v10;
	v10 =	vld [tilespmem:s11+$0xFFFFFF00]  }
0x114: {  	[tilespmem:s30+$0xFFFFFF90] =	vst v14;
	v8 =	vadd.f32 v8, v3;
	v14 =	vld [tilespmem:s1+$0xFFFFFF20]  }
0x115: {  	s13 =	sadd.s32 $0x400, s30;
	[tilespmem:s30+$0x90] =	vst v12;
	v12 =	vld [tilespmem:s1+$0xFFFFFFA0];
	v9 =	vadd.f32 v9, v1  }
0x116: {  	v11 =	vadd.f32 v11, v3;
	[tilespmem:s13+$0x100] =	vst v8;
	v8 =	vld [tilespmem:s1+$0x20]  }
0x117: {  	[tilespmem:s30+$0x120] =	vst v9;
	v15 =	vld [tilespmem:s11+$0xC0];
	v13 =	vadd.f32 v13, v3  }
0x118: {  	[tilespmem:s13+$0xFFFFFF00] =	vst v11;
	v9 =	vadd.f32 v10, v3;
	v10 =	vld [tilespmem:s1+$0xE0]  }
0x119: {  	v11 =	vld [tilespmem:s11+$0xFFFFFFC0];
	[tilespmem:s13+$0x0] =	vst v13;
	v13 =	vadd.f32 v14, v1  }
0x11a: {  	v12 =	vadd.f32 v12, v1;
	[tilespmem:s13+$0xFFFFFE00] =	vst v9;
	v9 =	vld [tilespmem:s11+$0x40]  }
0x11b: {  	v8 =	vadd.f32 v8, v1;
	v14 =	vld [tilespmem:s11+$0xFFFFFF40];
	[tilespmem:s30+$0xFFFFFE20] =	vst v13  }
0x11c: {  	[tilespmem:s30+$0xFFFFFF20] =	vst v12;
	v13 =	vadd.f32 v15, v3;
	v15 =	vld [tilespmem:s1+$0xFFFFFF60]  }
0x11d: {  	v12 =	vld [tilespmem:s1+$0xFFFFFFE0];
	[tilespmem:s30+$0x20] =	vst v8;
	v8 =	vadd.f32 v10, v1  }
0x11e: {  	v10 =	vadd.f32 v11, v3;
	[tilespmem:s13+$0x180] =	vst v13;
	v11 =	vld [tilespmem:s1+$0x60]  }
0x11f: {  	v13 =	vld [tilespmem:s11+$0x90];
	v9 =	vadd.f32 v9, v3;
	[tilespmem:s30+$0x1A0] =	vst v8  }
0x120: {  	[tilespmem:s13+$0xFFFFFF80] =	vst v10;
	v8 =	vadd.f32 v14, v3;
	v10 =	vld [tilespmem:s1+$0xB0]  }
0x121: {  	v14 =	vld [tilespmem:s11+$0xFFFFFF90];
	[tilespmem:s13+$0x80] =	vst v9;
	v9 =	vadd.f32 v15, v1  }
0x122: {  	v12 =	vadd.f32 v12, v1;
	[tilespmem:s13+$0xFFFFFE80] =	vst v8;
	v8 =	vld [tilespmem:s11+$0x10]  }
0x123: {  	v15 =	vld [tilespmem:s11+$0xFFFFFF10];
	[tilespmem:s30+$0xFFFFFEA0] =	vst v9;
	v9 =	vadd.f32 v11, v1  }
0x124: {  	[tilespmem:s30+$0xFFFFFFA0] =	vst v12;
	v11 =	vadd.f32 v13, v2;
	v13 =	vld [tilespmem:s1+$0xFFFFFF30]  }
0x125: {  	v16 =	vld [tilespmem:s1+$0xFFFFFFB0];
	[tilespmem:s30+$0xA0] =	vst v9;
	v9 =	vadd.f32 v10, v0  }
0x126: {  	v10 =	vadd.f32 v14, v2;
	[tilespmem:s13+$0x110] =	vst v11;
	v11 =	vld [tilespmem:s1+$0x30]  }
0x127: {  	v14 =	vld [tilespmem:s11+$0xD0];
	v8 =	vadd.f32 v8, v2;
	[tilespmem:s30+$0x130] =	vst v9  }
0x128: {  	s14 =	sadd.s32 $0x4, s2;
	[tilespmem:s13+$0xFFFFFF10] =	vst v10;
	v9 =	vadd.f32 v15, v2;
	v10 =	vld [tilespmem:s1+$0xF0]  }
0x129: {  	p3 =	slt.u32 s14, s0;
	v15 =	vld [tilespmem:s11+$0xFFFFFFD0];
	[tilespmem:s13+$0x10] =	vst v8;
	v8 =	vadd.f32 v13, v0  }
.Ltmp12:
0x12a: {  	v16 =	vadd.f32 v16, v0;
	[tilespmem:s13+$0xFFFFFE10] =	vst v9;
	v12 =	vld [tilespmem:s11+$0x50];
	(pc) =	sbr.rel @!p3 .LBB2_21-.Ltmp12, $4  }
0x12b: {  	v13 =	vld [tilespmem:s11+$0xFFFFFF50];
	[tilespmem:s30+$0xFFFFFE30] =	vst v8;
	v11 =	vadd.f32 v11, v0  }
0x12c: {  	[tilespmem:s30+$0xFFFFFF30] =	vst v16;
	v17 =	vadd.f32 v14, v2;
	v9 =	vld [tilespmem:s1+$0xFFFFFF70]  }
0x12d: {  	v8 =	vld [tilespmem:s1+$0xFFFFFFF0];
	[tilespmem:s30+$0x30] =	vst v11;
	v11 =	vadd.f32 v10, v0  }
0x12e: {  	s15 =	sadd.s32 $0x200, s11;
	p2 =	por $0x1, $0x1;
	s2 =	smov.u32 s30;
	v14 =	vadd.f32 v15, v2;
	[tilespmem:s13+$0x190] =	vst v17;
	v10 =	vld [tilespmem:s1+$0x70]  }
.LBB2_22:
0x12f: {  	v15 =	vld [tilespmem:s15+$0x80];
	v12 =	vadd.f32 v12, v2;
	[tilespmem:s2+$0x1B0] =	vst v11  }
0x130: {  	s14 =	sadd.s32 $0x4, s14;
	v11 =	vadd.f32 v13, v2;
	[tilespmem:s13+$0xFFFFFF90] =	vst v14;
	v13 =	vld [tilespmem:s11+$0xA0]  }
0x131: {  	p3 =	slt.u32 s14, s0;
	v14 =	vld [tilespmem:s15+$0xFFFFFF80];
	[tilespmem:s13+$0x90] =	vst v12;
	v9 =	vadd.f32 v9, v0  }
0x132: {  	v12 =	vld [tilespmem:s15+$0x0];
	[tilespmem:s13+$0xFFFFFE90] =	vst v11;
	v8 =	vadd.f32 v8, v0  }
0x133: {  	v11 =	vld [tilespmem:s15+$0xFFFFFF00];
	[tilespmem:s2+$0xFFFFFEB0] =	vst v9;
	v9 =	vadd.f32 v10, v0  }
0x134: {  	v10 =	vadd.f32 v15, v3;
	v15 =	vld [tilespmem:s11+$0xFFFFFF20];
	[tilespmem:s2+$0xFFFFFFB0] =	vst v8  }
0x135: {  	v8 =	vld [tilespmem:s11+$0xFFFFFFA0];
	v13 =	vadd.f32 v13, v1;
	[tilespmem:s2+$0xB0] =	vst v9;
	s2 =	smov.u32 s13;
	s13 =	sadd.s32 $0x400, s13  }
0x136: {  	v9 =	vadd.f32 v14, v3;
	[tilespmem:s13+$0x100] =	vst v10;
	v10 =	vld [tilespmem:s11+$0x20]  }
0x137: {  	v12 =	vadd.f32 v12, v3;
	v14 =	vld [tilespmem:s15+$0xC0];
	[tilespmem:s2+$0x120] =	vst v13  }
0x138: {  	v11 =	vadd.f32 v11, v3;
	[tilespmem:s13+$0xFFFFFF00] =	vst v9;
	v9 =	vld [tilespmem:s11+$0xE0]  }
0x139: {  	v13 =	vld [tilespmem:s15+$0xFFFFFFC0];
	[tilespmem:s13+$0x0] =	vst v12;
	v12 =	vadd.f32 v15, v1  }
0x13a: {  	[tilespmem:s13+$0xFFFFFE00] =	vst v11;
	v11 =	vld [tilespmem:s15+$0x40];
	v8 =	vadd.f32 v8, v1  }
0x13b: {  	v15 =	vld [tilespmem:s15+$0xFFFFFF40];
	[tilespmem:s2+$0xFFFFFE20] =	vst v12;
	v10 =	vadd.f32 v10, v1  }
0x13c: {  	v12 =	vadd.f32 v14, v3;
	v14 =	vld [tilespmem:s11+$0xFFFFFF60];
	[tilespmem:s2+$0xFFFFFF20] =	vst v8  }
0x13d: {  	v8 =	vld [tilespmem:s11+$0xFFFFFFE0];
	[tilespmem:s2+$0x20] =	vst v10;
	v9 =	vadd.f32 v9, v1  }
0x13e: {  	v10 =	vadd.f32 v13, v3;
	[tilespmem:s13+$0x180] =	vst v12;
	v12 =	vld [tilespmem:s11+$0x60]  }
0x13f: {  	v11 =	vadd.f32 v11, v3;
	v13 =	vld [tilespmem:s15+$0x90];
	[tilespmem:s2+$0x1A0] =	vst v9  }
0x140: {  	v9 =	vadd.f32 v15, v3;
	[tilespmem:s13+$0xFFFFFF80] =	vst v10;
	v10 =	vld [tilespmem:s11+$0xB0]  }
0x141: {  	v15 =	vld [tilespmem:s15+$0xFFFFFF90];
	[tilespmem:s13+$0x80] =	vst v11;
	v11 =	vadd.f32 v14, v1  }
0x142: {  	[tilespmem:s13+$0xFFFFFE80] =	vst v9;
	v9 =	vld [tilespmem:s15+$0x10];
	v8 =	vadd.f32 v8, v1  }
0x143: {  	v14 =	vld [tilespmem:s15+$0xFFFFFF10];
	[tilespmem:s2+$0xFFFFFEA0] =	vst v11;
	v11 =	vadd.f32 v12, v1  }
0x144: {  	v12 =	vadd.f32 v13, v2;
	v13 =	vld [tilespmem:s11+$0xFFFFFF30];
	[tilespmem:s2+$0xFFFFFFA0] =	vst v8  }
0x145: {  	v8 =	vld [tilespmem:s11+$0xFFFFFFB0];
	[tilespmem:s2+$0xA0] =	vst v11;
	v10 =	vadd.f32 v10, v0  }
0x146: {  	v11 =	vadd.f32 v15, v2;
	[tilespmem:s13+$0x110] =	vst v12;
	v15 =	vld [tilespmem:s11+$0x30]  }
0x147: {  	v9 =	vadd.f32 v9, v2;
	v16 =	vld [tilespmem:s15+$0xD0];
	[tilespmem:s2+$0x130] =	vst v10  }
0x148: {  	v10 =	vadd.f32 v14, v2;
	[tilespmem:s13+$0xFFFFFF10] =	vst v11;
	v11 =	vld [tilespmem:s11+$0xF0]  }
0x149: {  	v14 =	vld [tilespmem:s15+$0xFFFFFFD0];
	[tilespmem:s13+$0x10] =	vst v9;
	v9 =	vadd.f32 v13, v0  }
.Ltmp13:
0x14a: {  	[tilespmem:s13+$0xFFFFFE10] =	vst v10;
	v12 =	vld [tilespmem:s15+$0x50];
	v8 =	vadd.f32 v8, v0;
	(pc) =	sbr.rel @p3 .LBB2_22-.Ltmp13, $4  }
0x14b: {  	v13 =	vld [tilespmem:s15+$0xFFFFFF50];
	[tilespmem:s2+$0xFFFFFE30] =	vst v9;
	v10 =	vadd.f32 v15, v0  }
0x14c: {  	v15 =	vadd.f32 v16, v2;
	v9 =	vld [tilespmem:s11+$0xFFFFFF70];
	[tilespmem:s2+$0xFFFFFF30] =	vst v8  }
0x14d: {  	v8 =	vld [tilespmem:s11+$0xFFFFFFF0];
	[tilespmem:s2+$0x30] =	vst v10;
	v11 =	vadd.f32 v11, v0  }
0x14e: {  	v14 =	vadd.f32 v14, v2;
	[tilespmem:s13+$0x190] =	vst v15;
	v10 =	vld [tilespmem:s11+$0x70];
	s11 =	smov.u32 s15;
	s15 =	sadd.s32 $0x200, s15  }
.LBB2_23:
0x14f: {  	v12 =	vadd.f32 v12, v2;
	v15 =	vld [tilespmem:s11+$0xA0]  }
0x150: {  	v13 =	vadd.f32 v13, v2;
	[tilespmem:s13+$0xFFFFFF90] =	vst v14  }
0x151: {  	[tilespmem:s13+$0x90] =	vst v12;
	v53 =	vld [tilespmem:s11+$0xFFFFFFA0]  }
0x152: {  	[tilespmem:s13+$0xFFFFFE90] =	vst v13;
	v54 =	vld [tilespmem:s11+$0x20]  }
0x153: {  	v13 =	vld [tilespmem:s11+$0xFFFFFF20]  }
0x154: {  	v15 =	vadd.f32 v15, v1;
	_ =	sdelay $0x1  }
0x155: {  	[tilespmem:s13+$0x120] =	vst v15;
	v12 =	vadd.f32 v53, v1  }
0x156: {  	v15 =	vld [tilespmem:s11+$0xE0];
	v55 =	vadd.f32 v54, v1  }
0x157: {  	v13 =	vadd.f32 v13, v1;
	[tilespmem:s13+$0xFFFFFF20] =	vst v12  }
0x158: {  	v12 =	vld [tilespmem:s11+$0xFFFFFFE0];
	[tilespmem:s13+$0x20] =	vst v55  }
0x159: {  	[tilespmem:s13+$0xFFFFFE20] =	vst v13;
	v13 =	vld [tilespmem:s11+$0x60]  }
0x15a: {  	v56 =	vld [tilespmem:s11+$0xFFFFFF60]  }
0x15b: {  	v15 =	vadd.f32 v15, v1;
	_ =	sdelay $0x1  }
0x15c: {  	[tilespmem:s13+$0x1A0] =	vst v15;
	v12 =	vadd.f32 v12, v1  }
0x15d: {  	v15 =	vld [tilespmem:s11+$0xB0];
	v13 =	vadd.f32 v13, v1  }
0x15e: {  	v14 =	vadd.f32 v56, v1;
	[tilespmem:s13+$0xFFFFFFA0] =	vst v12  }
0x15f: {  	v12 =	vld [tilespmem:s11+$0xFFFFFFB0];
	[tilespmem:s13+$0xA0] =	vst v13  }
0x160: {  	[tilespmem:s13+$0xFFFFFEA0] =	vst v14;
	v13 =	vld [tilespmem:s11+$0x30]  }
0x161: {  	v14 =	vld [tilespmem:s11+$0xFFFFFF30]  }
0x162: {  	v15 =	vadd.f32 v15, v0;
	_ =	sdelay $0x1  }
0x163: {  	[tilespmem:s13+$0x130] =	vst v15;
	v12 =	vadd.f32 v12, v0  }
0x164: {  	v57 =	vld [tilespmem:s11+$0xF0];
	v13 =	vadd.f32 v13, v0  }
0x165: {  	v14 =	vadd.f32 v14, v0;
	[tilespmem:s13+$0xFFFFFF30] =	vst v12  }
0x166: {  	[tilespmem:s13+$0x30] =	vst v13;
	v59 =	vld [tilespmem:s11+$0xFFFFFFF0]  }
0x167: {  	v8 =	vadd.f32 @p2 v8, v0;
	[tilespmem:s13+$0xFFFFFE30] =	vst v14;
	v60 =	vld [tilespmem:s11+$0x70]  }
0x168: {  	[tilespmem:s2+$0x1B0] =	vst @p2 v11;
	v9 =	vadd.f32 @p2 v9, v0;
	v58 =	vld [tilespmem:s11+$0xFFFFFF70]  }
0x169: {  	[tilespmem:s2+$0xFFFFFFB0] =	vst @p2 v8;
	v8 =	vadd.f32 v57, v0  }
0x16a: {  	[tilespmem:s2+$0xFFFFFEB0] =	vst @p2 v9;
	v9 =	vadd.f32 @p2 v10, v0  }
0x16b: {  	[tilespmem:s13+$0x1B0] =	vst v8;
	v8 =	vadd.f32 v59, v0  }
0x16c: {  	[tilespmem:s2+$0xB0] =	vst @p2 v9;
	v62 =	vadd.f32 v60, v0  }
0x16d: {  	v61 =	vadd.f32 v58, v0;
	[tilespmem:s13+$0xFFFFFFB0] =	vst v8  }
0x16e: {  	[tilespmem:s13+$0xB0] =	vst v62  }
0x16f: {  	[tilespmem:s13+$0xFFFFFEB0] =	vst v61  }
.LBB2_13:
0x170: {  	s2 =	ssub.s32 $0x80, s5  }
0x171: {  	[dreg:$0xf] =	wrdreg s10;
	p2 =	sgt.u32 s0, $0x7F;
	s19 =	sshrl.u32 s2, $0x2  }
0x172: {  	s2 =	sand.u32 $0xFFFFFFFC, s2;
	s11 =	sshll.u32 s19, $0xC;
	s10 =	sshll.u32 s19, $0xB  }
.Ltmp14:
0x173: {  	s2 =	sadd.s32 s2, s5;
	s24 =	sadd.s32 s6, s11;
	(pc) =	sbr.rel @p2 .LBB2_15-.Ltmp14, $4  }
0x174: {  	s28 =	sadd.s32 s8, s10;
	s11 =	sadd.s32 $0xFFFFFFFF, s2;
	s8 =	simm.s32 @!p2 $0x0  }
0x175: {  	s29 =	sshra.s32 s24, $0x2;
	s31 =	sshra.s32 s28, $0x2;
	s6 =	smov.u32 s11  }
0x176: {  	s8 =	simm.s32 @p2 $0x1;
	s13 =	sadd.s32 $0x10080, s29;
	s19 =	sadd.s32 $0x8040, s31  }
0x177: {  	[smem:$0x7FB] =	sst s8;
	s2 =	smov.u32 s19;
	s5 =	smov.u32 s13  }
.LBB2_14:
0x178: {  	v8 =	vld [tilespmem:s2+$0xFFFFFFC0];
	_ =	sdelay $0x4  }
0x179: {  	v8 =	vadd.f32 v8, v3;
	_ =	sdelay $0x1  }
0x17a: {  	[tilespmem:s5+$0xFFFFFF80] =	vst v8  }
0x17b: {  	v8 =	vld [tilespmem:s2+$0x0];
	_ =	sdelay $0x4  }
0x17c: {  	v8 =	vadd.f32 v8, v3;
	_ =	sdelay $0x1  }
0x17d: {  	[tilespmem:s5+$0x0] =	vst v8  }
0x17e: {  	v8 =	vld [tilespmem:s2+$0xFFFFFFD0];
	_ =	sdelay $0x4  }
0x17f: {  	v8 =	vadd.f32 v8, v2;
	_ =	sdelay $0x1  }
0x180: {  	[tilespmem:s5+$0xFFFFFF90] =	vst v8  }
0x181: {  	v8 =	vld [tilespmem:s2+$0x10];
	_ =	sdelay $0x4  }
0x182: {  	v8 =	vadd.f32 v8, v2;
	_ =	sdelay $0x1  }
0x183: {  	[tilespmem:s5+$0x10] =	vst v8  }
0x184: {  	v8 =	vld [tilespmem:s2+$0xFFFFFFE0];
	_ =	sdelay $0x4  }
0x185: {  	v8 =	vadd.f32 v8, v1;
	_ =	sdelay $0x1  }
0x186: {  	[tilespmem:s5+$0xFFFFFFA0] =	vst v8  }
0x187: {  	v8 =	vld [tilespmem:s2+$0x20];
	_ =	sdelay $0x4  }
0x188: {  	v8 =	vadd.f32 v8, v1;
	_ =	sdelay $0x1  }
0x189: {  	[tilespmem:s5+$0x20] =	vst v8  }
0x18a: {  	v8 =	vld [tilespmem:s2+$0xFFFFFFF0];
	_ =	sdelay $0x4  }
0x18b: {  	v8 =	vadd.f32 v8, v0;
	_ =	sdelay $0x1  }
0x18c: {  	[tilespmem:s5+$0xFFFFFFB0] =	vst v8  }
0x18d: {  	v8 =	vld [tilespmem:s2+$0x30]  }
0x18e: {  	s6 =	sadd.s32 $0x1, s6  }
0x18f: {  	p2 =	slt.u32 s6, $0x7F  }
.Ltmp15:
0x190: {  	_ = 	snop;
	(pc) =	sbr.rel @p2 .LBB2_14-.Ltmp15, $3  }
0x191: {  	_ = 	snop  }
0x192: {  	v8 =	vadd.f32 v8, v0;
	_ =	sdelay $0x1  }
0x193: {  	s2 =	sadd.s32 $0x80, s2;
	[tilespmem:s5+$0x30] =	vst v8;
	s5 =	sadd.s32 $0x100, s5  }
.LBB2_15:
0x194: {  	p4 =	sgt.u32 s9, $0xFF  }
0x195: {  	s2 =	sshll.u32 @!p4 s9, $0x7  }
0x196: {  	v8 =	vimm.f32 @!p4 $0.0e+00;
	s6 =	sand.u32 @!p4 $0x3FFFFF80, s2  }
0x197: {  	[tilespmem:s6+$0x10000] =	vst @!p4 v8  }
0x198: {  	v9 =	vld @!p4 [tilespmem:s23+$0x8040];
	_ =	sdelay $0x4  }
0x199: {  	v9 =	vadd.f32 @!p4 v9, v3  }
0x19a: {  	[tilespmem:s6+$0x10010] =	vst @!p4 v8  }
0x19b: {  	[tilespmem:s6+$0x10080] =	vst @!p4 v9  }
0x19c: {  	v9 =	vld @!p4 [tilespmem:s23+$0x8050];
	_ =	sdelay $0x4  }
0x19d: {  	v9 =	vadd.f32 @!p4 v9, v2  }
0x19e: {  	[tilespmem:s6+$0x10020] =	vst @!p4 v8  }
0x19f: {  	[tilespmem:s6+$0x10090] =	vst @!p4 v9  }
0x1a0: {  	v9 =	vld @!p4 [tilespmem:s23+$0x8060];
	_ =	sdelay $0x4  }
0x1a1: {  	v9 =	vadd.f32 @!p4 v9, v1  }
0x1a2: {  	[tilespmem:s6+$0x10030] =	vst @!p4 v8  }
0x1a3: {  	[tilespmem:s6+$0x100A0] =	vst @!p4 v9  }
0x1a4: {  	v8 =	vld @!p4 [tilespmem:s23+$0x8070];
	_ =	sdelay $0x4  }
0x1a5: {  	v8 =	vadd.f32 @!p4 v8, v0  }
0x1a6: {  	s24 =	sshll.u32 s9, $0xD;
	s31 =	rddreg [dreg:$0x4];
	s28 =	smax.u32 s3, $0x80  }
0x1a7: {  	s29 =	sand.u32 $0x3FFFFFFC, s28;
	s2 =	sadd.s32 s31, s24;
	[tilespmem:s6+$0x100B0] =	vst @!p4 v8  }
0x1a8: {  	[hbm4b:s2+s21] =	stream.linear.scatter [tilespmem:s20], [sflag:$0x1], $0x8000, $0x38;
	v63 =	vld [tilespmem:$0x0]  }
0x1a9: {  	p2 =	slt.u32 s29, $0x81;
	s2 =	simm.s32 @!p1 $0x2  }
.Ltmp16:
0x1aa: {  	_ =	swait.ge @!p1 [sflag:s2], $0x8000;
	(pc) =	sbr.rel @p2 .LBB2_29-.Ltmp16, $4  }
0x1ab: {  	[sflag:s2] =	ssyncset.done @!p1 $0x0  }
0x1ac: {  	[sflag:s2] =	ssyncadd.s32 @!p1 $0xFFFF8000;
	s2 =	simm.s32 @!p2 $0x0  }
0x1ad: {  	s2 =	simm.s32 @p2 $0x1  }
0x1ae: {  	[smem:$0x7FA] =	sst s2  }
0x1af: {  	s8 =	simm.s32 $0x41F0  }
0x1b0: {  	v8 =	vld [tilespmem:s8+$0xFFFFFF90];
	_ =	sdelay $0x1  }
0x1b1: {  	v9 =	vld [tilespmem:s8+$0xFFFFFE90];
	_ =	sdelay $0x2  }
0x1b2: {  	v8 =	vadd.f32 v8, v4  }
0x1b3: {  	s3 =	simm.s32 $0x18200;
	v10 =	vld [tilespmem:s8+$0xFFFFFF10]  }
0x1b4: {  	v11 =	vld [tilespmem:s8+$0xFFFFFE10];
	v9 =	vadd.f32 v9, v4;
	[tilespmem:s3+$0x100] =	vst v8  }
0x1b5: {  	v8 =	vld [tilespmem:s8+$0xFFFFFFD0]  }
0x1b6: {  	[tilespmem:s3+$0xFFFFFF00] =	vst v9  }
0x1b7: {  	v9 =	vld [tilespmem:s8+$0xFFFFFED0]  }
0x1b8: {  	v10 =	vadd.f32 v10, v4  }
0x1b9: {  	v11 =	vadd.f32 v11, v4  }
0x1ba: {  	[tilespmem:s3+$0x0] =	vst v10;
	v8 =	vadd.f32 v8, v4  }
0x1bb: {  	[tilespmem:s3+$0xFFFFFE00] =	vst v11;
	v10 =	vld [tilespmem:s8+$0xFFFFFF50]  }
0x1bc: {  	v11 =	vld [tilespmem:s8+$0xFFFFFE50];
	v9 =	vadd.f32 v9, v4;
	[tilespmem:s3+$0x180] =	vst v8  }
0x1bd: {  	v8 =	vld [tilespmem:s8+$0xFFFFFFA0]  }
0x1be: {  	[tilespmem:s3+$0xFFFFFF80] =	vst v9  }
0x1bf: {  	v9 =	vld [tilespmem:s8+$0xFFFFFEA0]  }
0x1c0: {  	v10 =	vadd.f32 v10, v4  }
0x1c1: {  	v11 =	vadd.f32 v11, v4  }
0x1c2: {  	[tilespmem:s3+$0x80] =	vst v10;
	v8 =	vadd.f32 v8, v5  }
0x1c3: {  	[tilespmem:s3+$0xFFFFFE80] =	vst v11;
	v10 =	vld [tilespmem:s8+$0xFFFFFF20]  }
0x1c4: {  	v11 =	vld [tilespmem:s8+$0xFFFFFE20];
	v9 =	vadd.f32 v9, v5;
	[tilespmem:s3+$0x110] =	vst v8  }
0x1c5: {  	v8 =	vld [tilespmem:s8+$0xFFFFFFE0]  }
0x1c6: {  	[tilespmem:s3+$0xFFFFFF10] =	vst v9  }
0x1c7: {  	p2 =	sgt.u32 s29, $0x84;
	v9 =	vld [tilespmem:s8+$0xFFFFFEE0]  }
.Ltmp17:
0x1c8: {  	v10 =	vadd.f32 v10, v5;
	(pc) =	sbr.rel @!p2 .LBB2_17-.Ltmp17, $4  }
0x1c9: {  	v11 =	vadd.f32 v11, v5  }
0x1ca: {  	[tilespmem:s3+$0x10] =	vst v10;
	v8 =	vadd.f32 v8, v5  }
0x1cb: {  	[tilespmem:s3+$0xFFFFFE10] =	vst v11;
	v12 =	vld [tilespmem:s8+$0xFFFFFF60]  }
0x1cc: {  	s2 =	simm.s32 $0x43F0;
	p1 =	por $0x0, $0x0;
	v13 =	vld [tilespmem:s8+$0xFFFFFE60];
	v14 =	vadd.f32 v9, v5;
	[tilespmem:s3+$0x190] =	vst v8  }
0x1cd: {  	_ =	sdelay $0x1  }
0x1ce: {  	v8 =	vld [tilespmem:s2+$0xFFFFFF90]  }
0x1cf: {  	v9 =	vld [tilespmem:s8+$0xFFFFFFB0]  }
0x1d0: {  	v11 =	vld [tilespmem:s2+$0xFFFFFE90];
	v10 =	vadd.f32 v13, v5  }
0x1d1: {  	v13 =	vld [tilespmem:s2+$0xFFFFFF10]  }
0x1d2: {  	v12 =	vadd.f32 v12, v5;
	[tilespmem:s3+$0xFFFFFE90] =	vst v10;
	v10 =	vld [tilespmem:s2+$0xFFFFFE10]  }
0x1d3: {  	[tilespmem:s3+$0xFFFFFF90] =	vst v14;
	v8 =	vadd.f32 v8, v4;
	v14 =	vld [tilespmem:s8+$0xFFFFFE30]  }
0x1d4: {  	s5 =	simm.s32 $0x18600;
	[tilespmem:s3+$0x90] =	vst v12;
	v12 =	vld [tilespmem:s8+$0xFFFFFEB0];
	v9 =	vadd.f32 v9, v6  }
0x1d5: {  	v11 =	vadd.f32 v11, v4;
	[tilespmem:s5+$0x100] =	vst v8;
	v8 =	vld [tilespmem:s8+$0xFFFFFF30]  }
0x1d6: {  	[tilespmem:s3+$0x120] =	vst v9;
	v15 =	vld [tilespmem:s2+$0xFFFFFFD0];
	v13 =	vadd.f32 v13, v4  }
0x1d7: {  	[tilespmem:s5+$0xFFFFFF00] =	vst v11;
	v9 =	vadd.f32 v10, v4;
	v10 =	vld [tilespmem:s8+$0xFFFFFFF0]  }
0x1d8: {  	v11 =	vld [tilespmem:s2+$0xFFFFFED0];
	[tilespmem:s5+$0x0] =	vst v13;
	v13 =	vadd.f32 v14, v6  }
0x1d9: {  	v12 =	vadd.f32 v12, v6;
	[tilespmem:s5+$0xFFFFFE00] =	vst v9;
	v9 =	vld [tilespmem:s2+$0xFFFFFF50]  }
0x1da: {  	v8 =	vadd.f32 v8, v6;
	v14 =	vld [tilespmem:s2+$0xFFFFFE50];
	[tilespmem:s3+$0xFFFFFE20] =	vst v13  }
0x1db: {  	[tilespmem:s3+$0xFFFFFF20] =	vst v12;
	v13 =	vadd.f32 v15, v4;
	v15 =	vld [tilespmem:s8+$0xFFFFFE70]  }
0x1dc: {  	v12 =	vld [tilespmem:s8+$0xFFFFFEF0];
	[tilespmem:s3+$0x20] =	vst v8;
	v8 =	vadd.f32 v10, v6  }
0x1dd: {  	v10 =	vadd.f32 v11, v4;
	[tilespmem:s5+$0x180] =	vst v13;
	v11 =	vld [tilespmem:s8+$0xFFFFFF70]  }
0x1de: {  	v13 =	vld [tilespmem:s2+$0xFFFFFFA0];
	v9 =	vadd.f32 v9, v4;
	[tilespmem:s3+$0x1A0] =	vst v8  }
0x1df: {  	[tilespmem:s5+$0xFFFFFF80] =	vst v10;
	v8 =	vadd.f32 v14, v4;
	v10 =	vld [tilespmem:s8+$0xFFFFFFC0]  }
0x1e0: {  	v14 =	vld [tilespmem:s2+$0xFFFFFEA0];
	[tilespmem:s5+$0x80] =	vst v9;
	v9 =	vadd.f32 v15, v6  }
0x1e1: {  	v12 =	vadd.f32 v12, v6;
	[tilespmem:s5+$0xFFFFFE80] =	vst v8;
	v8 =	vld [tilespmem:s2+$0xFFFFFF20]  }
0x1e2: {  	v15 =	vld [tilespmem:s2+$0xFFFFFE20];
	[tilespmem:s3+$0xFFFFFEA0] =	vst v9;
	v9 =	vadd.f32 v11, v6  }
0x1e3: {  	[tilespmem:s3+$0xFFFFFFA0] =	vst v12;
	v11 =	vadd.f32 v13, v5;
	v13 =	vld [tilespmem:s8+$0xFFFFFE40]  }
0x1e4: {  	v16 =	vld [tilespmem:s8+$0xFFFFFEC0];
	[tilespmem:s3+$0xA0] =	vst v9;
	v9 =	vadd.f32 v10, v7  }
0x1e5: {  	v10 =	vadd.f32 v14, v5;
	[tilespmem:s5+$0x110] =	vst v11;
	v11 =	vld [tilespmem:s8+$0xFFFFFF40]  }
0x1e6: {  	v14 =	vld [tilespmem:s2+$0xFFFFFFE0];
	v8 =	vadd.f32 v8, v5;
	[tilespmem:s3+$0x130] =	vst v9  }
0x1e7: {  	[tilespmem:s5+$0xFFFFFF10] =	vst v10;
	v9 =	vadd.f32 v15, v5;
	v10 =	vld [tilespmem:s8+$0x0]  }
0x1e8: {  	p2 =	sgt.u32 s29, $0x88;
	v15 =	vld [tilespmem:s2+$0xFFFFFEE0];
	[tilespmem:s5+$0x10] =	vst v8;
	v8 =	vadd.f32 v13, v7  }
.Ltmp18:
0x1e9: {  	v16 =	vadd.f32 v16, v7;
	[tilespmem:s5+$0xFFFFFE10] =	vst v9;
	v12 =	vld [tilespmem:s2+$0xFFFFFF60];
	(pc) =	sbr.rel @!p2 .LBB2_25-.Ltmp18, $4  }
0x1ea: {  	v13 =	vld [tilespmem:s2+$0xFFFFFE60];
	[tilespmem:s3+$0xFFFFFE30] =	vst v8;
	v11 =	vadd.f32 v11, v7  }
0x1eb: {  	[tilespmem:s3+$0xFFFFFF30] =	vst v16;
	v17 =	vadd.f32 v14, v5;
	v9 =	vld [tilespmem:s8+$0xFFFFFE80]  }
0x1ec: {  	v8 =	vld [tilespmem:s8+$0xFFFFFF00];
	[tilespmem:s3+$0x30] =	vst v11;
	v11 =	vadd.f32 v10, v7  }
0x1ed: {  	s14 =	simm.s32 $0x88;
	s15 =	simm.s32 $0x45F0;
	p1 =	por $0x1, $0x1;
	v14 =	vadd.f32 v15, v5;
	[tilespmem:s5+$0x190] =	vst v17;
	v10 =	vld [tilespmem:s8+$0xFFFFFF80]  }
.LBB2_26:
0x1ee: {  	v15 =	vld [tilespmem:s15+$0xFFFFFF90];
	v12 =	vadd.f32 v12, v5;
	[tilespmem:s3+$0x1B0] =	vst v11  }
0x1ef: {  	s14 =	sadd.s32 $0x4, s14;
	v11 =	vadd.f32 v13, v5;
	[tilespmem:s5+$0xFFFFFF90] =	vst v14;
	v13 =	vld [tilespmem:s2+$0xFFFFFFB0]  }
0x1f0: {  	p2 =	slt.u32 s14, s29;
	v14 =	vld [tilespmem:s15+$0xFFFFFE90];
	[tilespmem:s5+$0x90] =	vst v12;
	v9 =	vadd.f32 v9, v7  }
0x1f1: {  	v12 =	vld [tilespmem:s15+$0xFFFFFF10];
	[tilespmem:s5+$0xFFFFFE90] =	vst v11;
	v8 =	vadd.f32 v8, v7  }
0x1f2: {  	v11 =	vld [tilespmem:s15+$0xFFFFFE10];
	[tilespmem:s3+$0xFFFFFEB0] =	vst v9;
	v9 =	vadd.f32 v10, v7  }
0x1f3: {  	v10 =	vadd.f32 v15, v4;
	v15 =	vld [tilespmem:s2+$0xFFFFFE30];
	[tilespmem:s3+$0xFFFFFFB0] =	vst v8  }
0x1f4: {  	v8 =	vld [tilespmem:s2+$0xFFFFFEB0];
	v13 =	vadd.f32 v13, v6;
	[tilespmem:s3+$0xB0] =	vst v9;
	s3 =	smov.u32 s5;
	s5 =	sadd.s32 $0x400, s5  }
0x1f5: {  	v9 =	vadd.f32 v14, v4;
	[tilespmem:s5+$0x100] =	vst v10;
	v10 =	vld [tilespmem:s2+$0xFFFFFF30]  }
0x1f6: {  	v12 =	vadd.f32 v12, v4;
	v14 =	vld [tilespmem:s15+$0xFFFFFFD0];
	[tilespmem:s3+$0x120] =	vst v13  }
0x1f7: {  	v11 =	vadd.f32 v11, v4;
	[tilespmem:s5+$0xFFFFFF00] =	vst v9;
	v9 =	vld [tilespmem:s2+$0xFFFFFFF0]  }
0x1f8: {  	v13 =	vld [tilespmem:s15+$0xFFFFFED0];
	[tilespmem:s5+$0x0] =	vst v12;
	v12 =	vadd.f32 v15, v6  }
0x1f9: {  	[tilespmem:s5+$0xFFFFFE00] =	vst v11;
	v11 =	vld [tilespmem:s15+$0xFFFFFF50];
	v8 =	vadd.f32 v8, v6  }
0x1fa: {  	v15 =	vld [tilespmem:s15+$0xFFFFFE50];
	[tilespmem:s3+$0xFFFFFE20] =	vst v12;
	v10 =	vadd.f32 v10, v6  }
0x1fb: {  	v12 =	vadd.f32 v14, v4;
	v14 =	vld [tilespmem:s2+$0xFFFFFE70];
	[tilespmem:s3+$0xFFFFFF20] =	vst v8  }
0x1fc: {  	v8 =	vld [tilespmem:s2+$0xFFFFFEF0];
	[tilespmem:s3+$0x20] =	vst v10;
	v9 =	vadd.f32 v9, v6  }
0x1fd: {  	v10 =	vadd.f32 v13, v4;
	[tilespmem:s5+$0x180] =	vst v12;
	v12 =	vld [tilespmem:s2+$0xFFFFFF70]  }
0x1fe: {  	v11 =	vadd.f32 v11, v4;
	v13 =	vld [tilespmem:s15+$0xFFFFFFA0];
	[tilespmem:s3+$0x1A0] =	vst v9  }
0x1ff: {  	v9 =	vadd.f32 v15, v4;
	[tilespmem:s5+$0xFFFFFF80] =	vst v10;
	v10 =	vld [tilespmem:s2+$0xFFFFFFC0]  }
0x200: {  	v15 =	vld [tilespmem:s15+$0xFFFFFEA0];
	[tilespmem:s5+$0x80] =	vst v11;
	v11 =	vadd.f32 v14, v6  }
0x201: {  	[tilespmem:s5+$0xFFFFFE80] =	vst v9;
	v9 =	vld [tilespmem:s15+$0xFFFFFF20];
	v8 =	vadd.f32 v8, v6  }
0x202: {  	v14 =	vld [tilespmem:s15+$0xFFFFFE20];
	[tilespmem:s3+$0xFFFFFEA0] =	vst v11;
	v11 =	vadd.f32 v12, v6  }
0x203: {  	v12 =	vadd.f32 v13, v5;
	v13 =	vld [tilespmem:s2+$0xFFFFFE40];
	[tilespmem:s3+$0xFFFFFFA0] =	vst v8  }
0x204: {  	v8 =	vld [tilespmem:s2+$0xFFFFFEC0];
	[tilespmem:s3+$0xA0] =	vst v11;
	v10 =	vadd.f32 v10, v7  }
0x205: {  	v11 =	vadd.f32 v15, v5;
	[tilespmem:s5+$0x110] =	vst v12;
	v15 =	vld [tilespmem:s2+$0xFFFFFF40]  }
0x206: {  	v9 =	vadd.f32 v9, v5;
	v16 =	vld [tilespmem:s15+$0xFFFFFFE0];
	[tilespmem:s3+$0x130] =	vst v10  }
0x207: {  	v10 =	vadd.f32 v14, v5;
	[tilespmem:s5+$0xFFFFFF10] =	vst v11;
	v11 =	vld [tilespmem:s2+$0x0]  }
0x208: {  	v14 =	vld [tilespmem:s15+$0xFFFFFEE0];
	[tilespmem:s5+$0x10] =	vst v9;
	v9 =	vadd.f32 v13, v7  }
.Ltmp19:
0x209: {  	[tilespmem:s5+$0xFFFFFE10] =	vst v10;
	v12 =	vld [tilespmem:s15+$0xFFFFFF60];
	v8 =	vadd.f32 v8, v7;
	(pc) =	sbr.rel @p2 .LBB2_26-.Ltmp19, $4  }
0x20a: {  	v13 =	vld [tilespmem:s15+$0xFFFFFE60];
	[tilespmem:s3+$0xFFFFFE30] =	vst v9;
	v10 =	vadd.f32 v15, v7  }
0x20b: {  	v15 =	vadd.f32 v16, v5;
	v9 =	vld [tilespmem:s2+$0xFFFFFE80];
	[tilespmem:s3+$0xFFFFFF30] =	vst v8  }
0x20c: {  	v8 =	vld [tilespmem:s2+$0xFFFFFF00];
	[tilespmem:s3+$0x30] =	vst v10;
	v11 =	vadd.f32 v11, v7  }
0x20d: {  	v14 =	vadd.f32 v14, v5;
	[tilespmem:s5+$0x190] =	vst v15;
	v10 =	vld [tilespmem:s2+$0xFFFFFF80];
	s2 =	smov.u32 s15;
	s15 =	sadd.s32 $0x200, s15  }
0x20e: {  	s10 =	smov.u32 s3;
	s3 =	smov.u32 s5;
	s8 =	smov.u32 s2  }
.LBB2_28:
0x20f: {  	v13 =	vadd.f32 v13, v5;
	v15 =	vld [tilespmem:s8+$0xFFFFFFB0]  }
0x210: {  	v12 =	vadd.f32 v12, v5;
	[tilespmem:s3+$0xFFFFFF90] =	vst v14  }
0x211: {  	v53 =	vld [tilespmem:s8+$0xFFFFFEB0];
	[tilespmem:s3+$0xFFFFFE90] =	vst v13  }
0x212: {  	[tilespmem:s3+$0x90] =	vst v12;
	v13 =	vld [tilespmem:s8+$0xFFFFFE30]  }
0x213: {  	v54 =	vld [tilespmem:s8+$0xFFFFFF30]  }
0x214: {  	v15 =	vadd.f32 v15, v6;
	_ =	sdelay $0x1  }
0x215: {  	v12 =	vadd.f32 v53, v6;
	[tilespmem:s3+$0x120] =	vst v15  }
0x216: {  	v13 =	vadd.f32 v13, v6;
	v15 =	vld [tilespmem:s8+$0xFFFFFFF0]  }
0x217: {  	v55 =	vadd.f32 v54, v6;
	[tilespmem:s3+$0xFFFFFF20] =	vst v12  }
0x218: {  	v12 =	vld [tilespmem:s8+$0xFFFFFEF0];
	[tilespmem:s3+$0xFFFFFE20] =	vst v13  }
0x219: {  	[tilespmem:s3+$0x20] =	vst v55;
	v56 =	vld [tilespmem:s8+$0xFFFFFE70]  }
0x21a: {  	v13 =	vld [tilespmem:s8+$0xFFFFFF70]  }
0x21b: {  	v15 =	vadd.f32 v15, v6;
	_ =	sdelay $0x1  }
0x21c: {  	v12 =	vadd.f32 v12, v6;
	[tilespmem:s3+$0x1A0] =	vst v15  }
0x21d: {  	v14 =	vadd.f32 v56, v6;
	v15 =	vld [tilespmem:s8+$0xFFFFFFC0]  }
0x21e: {  	v13 =	vadd.f32 v13, v6;
	[tilespmem:s3+$0xFFFFFFA0] =	vst v12  }
0x21f: {  	v12 =	vld [tilespmem:s8+$0xFFFFFEC0];
	[tilespmem:s3+$0xFFFFFEA0] =	vst v14  }
0x220: {  	[tilespmem:s3+$0xA0] =	vst v13;
	v14 =	vld [tilespmem:s8+$0xFFFFFE40]  }
0x221: {  	v13 =	vld [tilespmem:s8+$0xFFFFFF40]  }
0x222: {  	v15 =	vadd.f32 v15, v7;
	_ =	sdelay $0x1  }
0x223: {  	v12 =	vadd.f32 v12, v7;
	[tilespmem:s3+$0x130] =	vst v15  }
0x224: {  	v14 =	vadd.f32 v14, v7;
	v57 =	vld [tilespmem:s8+$0x0]  }
0x225: {  	v13 =	vadd.f32 v13, v7;
	[tilespmem:s3+$0xFFFFFF30] =	vst v12  }
0x226: {  	v59 =	vld [tilespmem:s8+$0xFFFFFF00];
	[tilespmem:s3+$0xFFFFFE30] =	vst v14  }
0x227: {  	v8 =	vadd.f32 @p1 v8, v7;
	[tilespmem:s3+$0x30] =	vst v13;
	v58 =	vld [tilespmem:s8+$0xFFFFFE80]  }
0x228: {  	[tilespmem:s10+$0x1B0] =	vst @p1 v11;
	v9 =	vadd.f32 @p1 v9, v7;
	v60 =	vld [tilespmem:s8+$0xFFFFFF80]  }
0x229: {  	[tilespmem:s10+$0xFFFFFFB0] =	vst @p1 v8;
	v8 =	vadd.f32 v57, v7  }
0x22a: {  	[tilespmem:s10+$0xFFFFFEB0] =	vst @p1 v9;
	v9 =	vadd.f32 @p1 v10, v7  }
0x22b: {  	[tilespmem:s3+$0x1B0] =	vst v8;
	v8 =	vadd.f32 v59, v7  }
0x22c: {  	[tilespmem:s10+$0xB0] =	vst @p1 v9;
	v61 =	vadd.f32 v58, v7  }
0x22d: {  	v62 =	vadd.f32 v60, v7;
	[tilespmem:s3+$0xFFFFFFB0] =	vst v8  }
0x22e: {  	[tilespmem:s3+$0xFFFFFEB0] =	vst v61  }
0x22f: {  	[tilespmem:s3+$0xB0] =	vst v62  }
.LBB2_29:
0x230: {  	p1 =	seq.s32 s29, s28  }
.Ltmp20:
0x231: {  	s2 =	smax.u32 s17, $0x80;
	(pc) =	sbr.rel @p1 .LBB2_31-.Ltmp20, $4  }
0x232: {  	s3 =	sshll.u32 s2, $0x8;
	s2 =	sshll.u32 s2, $0x7  }
0x233: {  	s3 =	sand.u32 $0x3FFFFC00, s3;
	s2 =	sand.u32 $0x3FFFFE00, s2  }
0x234: {  	[dreg:$0xe] =	wrdreg s17;
	s5 =	sadd.s32 $0x10000, s3;
	s8 =	sor.u32 $0x40, s2  }
0x235: {  	s10 =	smov.u32 s29;
	s2 =	smov.u32 s8;
	s3 =	smov.u32 s5  }
.LBB2_30:
0x236: {  	v8 =	vld [tilespmem:s2+$0xFFFFFFC0];
	_ =	sdelay $0x4  }
0x237: {  	v8 =	vadd.f32 v8, v4;
	_ =	sdelay $0x1  }
0x238: {  	[tilespmem:s3+$0x0] =	vst v8  }
0x239: {  	v8 =	vld [tilespmem:s2+$0x0];
	_ =	sdelay $0x4  }
0x23a: {  	v8 =	vadd.f32 v8, v4;
	_ =	sdelay $0x1  }
0x23b: {  	[tilespmem:s3+$0x80] =	vst v8  }
0x23c: {  	v8 =	vld [tilespmem:s2+$0xFFFFFFD0];
	_ =	sdelay $0x4  }
0x23d: {  	v8 =	vadd.f32 v8, v5;
	_ =	sdelay $0x1  }
0x23e: {  	[tilespmem:s3+$0x10] =	vst v8  }
0x23f: {  	v8 =	vld [tilespmem:s2+$0x10];
	_ =	sdelay $0x4  }
0x240: {  	v8 =	vadd.f32 v8, v5;
	_ =	sdelay $0x1  }
0x241: {  	[tilespmem:s3+$0x90] =	vst v8  }
0x242: {  	v8 =	vld [tilespmem:s2+$0xFFFFFFE0];
	_ =	sdelay $0x4  }
0x243: {  	v8 =	vadd.f32 v8, v6;
	_ =	sdelay $0x1  }
0x244: {  	[tilespmem:s3+$0x20] =	vst v8  }
0x245: {  	v8 =	vld [tilespmem:s2+$0x20];
	_ =	sdelay $0x4  }
0x246: {  	v8 =	vadd.f32 v8, v6;
	_ =	sdelay $0x1  }
0x247: {  	[tilespmem:s3+$0xA0] =	vst v8  }
0x248: {  	v8 =	vld [tilespmem:s2+$0xFFFFFFF0];
	_ =	sdelay $0x4  }
0x249: {  	v8 =	vadd.f32 v8, v7;
	_ =	sdelay $0x1  }
0x24a: {  	[tilespmem:s3+$0x30] =	vst v8  }
0x24b: {  	v8 =	vld [tilespmem:s2+$0x30]  }
0x24c: {  	s10 =	sadd.s32 $0x1, s10  }
0x24d: {  	p2 =	slt.u32 s10, s28  }
.Ltmp21:
0x24e: {  	_ = 	snop;
	(pc) =	sbr.rel @p2 .LBB2_30-.Ltmp21, $3  }
0x24f: {  	_ = 	snop  }
0x250: {  	v8 =	vadd.f32 v8, v7;
	_ =	sdelay $0x1  }
0x251: {  	s2 =	sadd.s32 $0x80, s2;
	[tilespmem:s3+$0xB0] =	vst v8;
	s3 =	sadd.s32 $0x100, s3  }
.LBB2_31:
0x252: {  	s2 =	smax.u32 s7, $0x80  }
0x253: {  	s7 =	smin.u32 s2, $0x100  }
0x254: {  	s2 =	ssub.s32 $0x100, s7  }
0x255: {  	s3 =	sand.u32 $0x1FC, s2  }
0x256: {  	p2 =	seq.s32 s3, $0x0  }
.Ltmp22:
0x257: {  	_ = 	snop;
	(pc) =	sbr.rel @p2 .LBB2_32-.Ltmp22, $4  }
0x258: {  	s15 =	smax.u32 s16, $0x80  }
0x259: {  	[dreg:$0xd] =	wrdreg s16;
	s16 =	sshll.u32 s15, $0xA;
	s17 =	sshll.u32 s15, $0x9  }
0x25a: {  	s31 =	sshrl.u32 s16, $0x2;
	s10 =	sshrl.u32 s17, $0x2;
	[dreg:$0x10] =	wrdreg s7  }
0x25b: {  	s2 =	sadd.s32 $0x10000, s31;
	s14 =	sadd.s32 $0x8100, s10;
	s3 =	sadd.s32 s7, s3  }
0x25c: {  	v4 =	vld [tilespmem:s14+$0x80]  }
0x25d: {  	v5 =	vld [tilespmem:s14+$0xFFFFFF80];
	_ =	sdelay $0x3  }
0x25e: {  	v4 =	vadd.f32 v4, v3  }
0x25f: {  	v6 =	vld [tilespmem:s14+$0x0];
	v5 =	vadd.f32 v5, v3  }
0x260: {  	v7 =	vld [tilespmem:s14+$0xFFFFFF00];
	[tilespmem:s2+$0x300] =	vst v4  }
0x261: {  	[tilespmem:s2+$0x100] =	vst v5;
	v4 =	vld [tilespmem:s14+$0xC0]  }
0x262: {  	v5 =	vld [tilespmem:s14+$0xFFFFFFC0];
	_ =	sdelay $0x1  }
0x263: {  	v6 =	vadd.f32 v6, v3  }
0x264: {  	v7 =	vadd.f32 v7, v3  }
0x265: {  	[tilespmem:s2+$0x200] =	vst v6;
	v4 =	vadd.f32 v4, v3  }
0x266: {  	[tilespmem:s2+$0x0] =	vst v7;
	v6 =	vld [tilespmem:s14+$0x40];
	v5 =	vadd.f32 v5, v3  }
0x267: {  	v7 =	vld [tilespmem:s14+$0xFFFFFF40];
	[tilespmem:s2+$0x380] =	vst v4  }
0x268: {  	[tilespmem:s2+$0x180] =	vst v5;
	v4 =	vld [tilespmem:s14+$0x90]  }
0x269: {  	v5 =	vld [tilespmem:s14+$0xFFFFFF90];
	_ =	sdelay $0x1  }
0x26a: {  	v6 =	vadd.f32 v6, v3  }
0x26b: {  	v7 =	vadd.f32 v7, v3  }
0x26c: {  	[tilespmem:s2+$0x280] =	vst v6;
	v4 =	vadd.f32 v4, v2  }
0x26d: {  	[tilespmem:s2+$0x80] =	vst v7;
	v5 =	vadd.f32 v5, v2  }
0x26e: {  	v6 =	vld [tilespmem:s14+$0x10];
	[tilespmem:s2+$0x310] =	vst v4  }
0x26f: {  	v7 =	vld [tilespmem:s14+$0xFFFFFF10];
	[tilespmem:s2+$0x110] =	vst v5  }
0x270: {  	v4 =	vld [tilespmem:s14+$0xD0];
	s7 =	rddreg [dreg:$0x10]  }
0x271: {  	s10 =	sadd.s32 $0x4, s7  }
0x272: {  	v5 =	vld [tilespmem:s14+$0xFFFFFFD0];
	p5 =	slt.u32 s10, s3  }
.Ltmp23:
0x273: {  	v6 =	vadd.f32 v6, v2;
	(pc) =	sbr.rel @!p5 .LBB2_38-.Ltmp23, $4  }
0x274: {  	v7 =	vadd.f32 v7, v2  }
0x275: {  	[tilespmem:s2+$0x210] =	vst v6;
	v4 =	vadd.f32 v4, v2  }
0x276: {  	[tilespmem:s2+$0x10] =	vst v7;
	v8 =	vld [tilespmem:s14+$0x50]  }
0x277: {  	s18 =	sadd.s32 $0x200, s14;
	p3 =	por $0x0, $0x0;
	v9 =	vld [tilespmem:s14+$0xFFFFFF50];
	v10 =	vadd.f32 v5, v2;
	[tilespmem:s2+$0x390] =	vst v4  }
0x278: {  	_ =	sdelay $0x1  }
0x279: {  	v4 =	vld [tilespmem:s18+$0x80]  }
0x27a: {  	v5 =	vld [tilespmem:s14+$0xA0]  }
0x27b: {  	v7 =	vld [tilespmem:s18+$0xFFFFFF80];
	v6 =	vadd.f32 v9, v2  }
0x27c: {  	v9 =	vld [tilespmem:s18+$0x0]  }
0x27d: {  	v8 =	vadd.f32 v8, v2;
	[tilespmem:s2+$0x90] =	vst v6;
	v6 =	vld [tilespmem:s18+$0xFFFFFF00]  }
0x27e: {  	[tilespmem:s2+$0x190] =	vst v10;
	v4 =	vadd.f32 v4, v3;
	v10 =	vld [tilespmem:s14+$0xFFFFFF20]  }
0x27f: {  	s31 =	sadd.s32 $0x400, s2;
	[tilespmem:s2+$0x290] =	vst v8;
	v8 =	vld [tilespmem:s14+$0xFFFFFFA0];
	v5 =	vadd.f32 v5, v1  }
0x280: {  	v7 =	vadd.f32 v7, v3;
	[tilespmem:s31+$0x300] =	vst v4;
	v4 =	vld [tilespmem:s14+$0x20]  }
0x281: {  	[tilespmem:s2+$0x320] =	vst v5;
	v11 =	vld [tilespmem:s18+$0xC0];
	v9 =	vadd.f32 v9, v3  }
0x282: {  	[tilespmem:s31+$0x100] =	vst v7;
	v5 =	vadd.f32 v6, v3;
	v6 =	vld [tilespmem:s14+$0xE0]  }
0x283: {  	v7 =	vld [tilespmem:s18+$0xFFFFFFC0];
	[tilespmem:s31+$0x200] =	vst v9;
	v9 =	vadd.f32 v10, v1  }
0x284: {  	v8 =	vadd.f32 v8, v1;
	[tilespmem:s31+$0x0] =	vst v5;
	v5 =	vld [tilespmem:s18+$0x40]  }
0x285: {  	v4 =	vadd.f32 v4, v1;
	v10 =	vld [tilespmem:s18+$0xFFFFFF40];
	[tilespmem:s2+$0x20] =	vst v9  }
0x286: {  	[tilespmem:s2+$0x120] =	vst v8;
	v9 =	vadd.f32 v11, v3;
	v11 =	vld [tilespmem:s14+$0xFFFFFF60]  }
0x287: {  	v8 =	vld [tilespmem:s14+$0xFFFFFFE0];
	[tilespmem:s2+$0x220] =	vst v4;
	v4 =	vadd.f32 v6, v1  }
0x288: {  	v6 =	vadd.f32 v7, v3;
	[tilespmem:s31+$0x380] =	vst v9;
	v7 =	vld [tilespmem:s14+$0x60]  }
0x289: {  	v9 =	vld [tilespmem:s18+$0x90];
	v5 =	vadd.f32 v5, v3;
	[tilespmem:s2+$0x3A0] =	vst v4  }
0x28a: {  	[tilespmem:s31+$0x180] =	vst v6;
	v4 =	vadd.f32 v10, v3;
	v6 =	vld [tilespmem:s14+$0xB0]  }
0x28b: {  	v10 =	vld [tilespmem:s18+$0xFFFFFF90];
	[tilespmem:s31+$0x280] =	vst v5;
	v5 =	vadd.f32 v11, v1  }
0x28c: {  	v8 =	vadd.f32 v8, v1;
	[tilespmem:s31+$0x80] =	vst v4;
	v4 =	vld [tilespmem:s18+$0x10]  }
0x28d: {  	v11 =	vld [tilespmem:s18+$0xFFFFFF10];
	[tilespmem:s2+$0xA0] =	vst v5;
	v5 =	vadd.f32 v7, v1  }
0x28e: {  	[tilespmem:s2+$0x1A0] =	vst v8;
	v7 =	vadd.f32 v9, v2;
	v9 =	vld [tilespmem:s14+$0xFFFFFF30]  }
0x28f: {  	v12 =	vld [tilespmem:s14+$0xFFFFFFB0];
	[tilespmem:s2+$0x2A0] =	vst v5;
	v5 =	vadd.f32 v6, v0  }
0x290: {  	v6 =	vadd.f32 v10, v2;
	[tilespmem:s31+$0x310] =	vst v7;
	v7 =	vld [tilespmem:s14+$0x30]  }
0x291: {  	v10 =	vld [tilespmem:s18+$0xD0];
	v4 =	vadd.f32 v4, v2;
	[tilespmem:s2+$0x330] =	vst v5  }
0x292: {  	s7 =	smov.u32 s24;
	s24 =	sadd.s32 $0x4, s10;
	[tilespmem:s31+$0x110] =	vst v6;
	v5 =	vadd.f32 v11, v2;
	v6 =	vld [tilespmem:s14+$0xF0]  }
0x293: {  	p5 =	slt.u32 s24, s3;
	v11 =	vld [tilespmem:s18+$0xFFFFFFD0];
	[tilespmem:s31+$0x210] =	vst v4;
	v4 =	vadd.f32 v9, v0  }
.Ltmp24:
0x294: {  	v12 =	vadd.f32 v12, v0;
	[tilespmem:s31+$0x10] =	vst v5;
	v8 =	vld [tilespmem:s18+$0x50];
	(pc) =	sbr.rel @!p5 .LBB2_40-.Ltmp24, $4  }
0x295: {  	v9 =	vld [tilespmem:s18+$0xFFFFFF50];
	[tilespmem:s2+$0x30] =	vst v4;
	v7 =	vadd.f32 v7, v0  }
0x296: {  	[tilespmem:s2+$0x130] =	vst v12;
	v13 =	vadd.f32 v10, v2;
	v5 =	vld [tilespmem:s14+$0xFFFFFF70]  }
0x297: {  	v4 =	vld [tilespmem:s14+$0xFFFFFFF0];
	[tilespmem:s2+$0x230] =	vst v7;
	v7 =	vadd.f32 v6, v0  }
0x298: {  	s21 =	sadd.s32 $0x200, s18;
	p3 =	por $0x1, $0x1;
	s20 =	smov.u32 s2;
	v10 =	vadd.f32 v11, v2;
	[tilespmem:s31+$0x390] =	vst v13;
	v6 =	vld [tilespmem:s14+$0x70]  }
.LBB2_41:
0x299: {  	v11 =	vld [tilespmem:s21+$0x80];
	v8 =	vadd.f32 v8, v2;
	[tilespmem:s20+$0x3B0] =	vst v7  }
0x29a: {  	s24 =	sadd.s32 $0x4, s24;
	v7 =	vadd.f32 v9, v2;
	[tilespmem:s31+$0x190] =	vst v10;
	v9 =	vld [tilespmem:s18+$0xA0]  }
0x29b: {  	p5 =	slt.u32 s24, s3;
	v10 =	vld [tilespmem:s21+$0xFFFFFF80];
	[tilespmem:s31+$0x290] =	vst v8;
	v5 =	vadd.f32 v5, v0  }
0x29c: {  	v8 =	vld [tilespmem:s21+$0x0];
	[tilespmem:s31+$0x90] =	vst v7;
	v4 =	vadd.f32 v4, v0  }
0x29d: {  	v7 =	vld [tilespmem:s21+$0xFFFFFF00];
	[tilespmem:s20+$0xB0] =	vst v5;
	v5 =	vadd.f32 v6, v0  }
0x29e: {  	v6 =	vadd.f32 v11, v3;
	v11 =	vld [tilespmem:s18+$0xFFFFFF20];
	[tilespmem:s20+$0x1B0] =	vst v4  }
0x29f: {  	v4 =	vld [tilespmem:s18+$0xFFFFFFA0];
	v9 =	vadd.f32 v9, v1;
	[tilespmem:s20+$0x2B0] =	vst v5;
	s20 =	smov.u32 s31;
	s31 =	sadd.s32 $0x400, s31  }
0x2a0: {  	v5 =	vadd.f32 v10, v3;
	[tilespmem:s31+$0x300] =	vst v6;
	v6 =	vld [tilespmem:s18+$0x20]  }
0x2a1: {  	v8 =	vadd.f32 v8, v3;
	v10 =	vld [tilespmem:s21+$0xC0];
	[tilespmem:s20+$0x320] =	vst v9  }
0x2a2: {  	v7 =	vadd.f32 v7, v3;
	[tilespmem:s31+$0x100] =	vst v5;
	v5 =	vld [tilespmem:s18+$0xE0]  }
0x2a3: {  	v9 =	vld [tilespmem:s21+$0xFFFFFFC0];
	[tilespmem:s31+$0x200] =	vst v8;
	v8 =	vadd.f32 v11, v1  }
0x2a4: {  	[tilespmem:s31+$0x0] =	vst v7;
	v7 =	vld [tilespmem:s21+$0x40];
	v4 =	vadd.f32 v4, v1  }
0x2a5: {  	v11 =	vld [tilespmem:s21+$0xFFFFFF40];
	[tilespmem:s20+$0x20] =	vst v8;
	v6 =	vadd.f32 v6, v1  }
0x2a6: {  	v8 =	vadd.f32 v10, v3;
	v10 =	vld [tilespmem:s18+$0xFFFFFF60];
	[tilespmem:s20+$0x120] =	vst v4  }
0x2a7: {  	v4 =	vld [tilespmem:s18+$0xFFFFFFE0];
	[tilespmem:s20+$0x220] =	vst v6;
	v5 =	vadd.f32 v5, v1  }
0x2a8: {  	v6 =	vadd.f32 v9, v3;
	[tilespmem:s31+$0x380] =	vst v8;
	v8 =	vld [tilespmem:s18+$0x60]  }
0x2a9: {  	v7 =	vadd.f32 v7, v3;
	v9 =	vld [tilespmem:s21+$0x90];
	[tilespmem:s20+$0x3A0] =	vst v5  }
0x2aa: {  	v5 =	vadd.f32 v11, v3;
	[tilespmem:s31+$0x180] =	vst v6;
	v6 =	vld [tilespmem:s18+$0xB0]  }
0x2ab: {  	v11 =	vld [tilespmem:s21+$0xFFFFFF90];
	[tilespmem:s31+$0x280] =	vst v7;
	v7 =	vadd.f32 v10, v1  }
0x2ac: {  	[tilespmem:s31+$0x80] =	vst v5;
	v5 =	vld [tilespmem:s21+$0x10];
	v4 =	vadd.f32 v4, v1  }
0x2ad: {  	v10 =	vld [tilespmem:s21+$0xFFFFFF10];
	[tilespmem:s20+$0xA0] =	vst v7;
	v7 =	vadd.f32 v8, v1  }
0x2ae: {  	v8 =	vadd.f32 v9, v2;
	v9 =	vld [tilespmem:s18+$0xFFFFFF30];
	[tilespmem:s20+$0x1A0] =	vst v4  }
0x2af: {  	v4 =	vld [tilespmem:s18+$0xFFFFFFB0];
	[tilespmem:s20+$0x2A0] =	vst v7;
	v6 =	vadd.f32 v6, v0  }
0x2b0: {  	v7 =	vadd.f32 v11, v2;
	[tilespmem:s31+$0x310] =	vst v8;
	v11 =	vld [tilespmem:s18+$0x30]  }
0x2b1: {  	v5 =	vadd.f32 v5, v2;
	v12 =	vld [tilespmem:s21+$0xD0];
	[tilespmem:s20+$0x330] =	vst v6  }
0x2b2: {  	v6 =	vadd.f32 v10, v2;
	[tilespmem:s31+$0x110] =	vst v7;
	v7 =	vld [tilespmem:s18+$0xF0]  }
0x2b3: {  	v10 =	vld [tilespmem:s21+$0xFFFFFFD0];
	[tilespmem:s31+$0x210] =	vst v5;
	v5 =	vadd.f32 v9, v0  }
.Ltmp25:
0x2b4: {  	[tilespmem:s31+$0x10] =	vst v6;
	v8 =	vld [tilespmem:s21+$0x50];
	v4 =	vadd.f32 v4, v0;
	(pc) =	sbr.rel @p5 .LBB2_41-.Ltmp25, $4  }
0x2b5: {  	v9 =	vld [tilespmem:s21+$0xFFFFFF50];
	[tilespmem:s20+$0x30] =	vst v5;
	v6 =	vadd.f32 v11, v0  }
0x2b6: {  	v11 =	vadd.f32 v12, v2;
	v5 =	vld [tilespmem:s18+$0xFFFFFF70];
	[tilespmem:s20+$0x130] =	vst v4  }
0x2b7: {  	v4 =	vld [tilespmem:s18+$0xFFFFFFF0];
	[tilespmem:s20+$0x230] =	vst v6;
	v7 =	vadd.f32 v7, v0  }
0x2b8: {  	v10 =	vadd.f32 v10, v2;
	[tilespmem:s31+$0x390] =	vst v11;
	v6 =	vld [tilespmem:s18+$0x70];
	s18 =	smov.u32 s21;
	s21 =	sadd.s32 $0x200, s21  }
0x2b9: {  	s21 =	simm.s32 $0x0;
	s24 =	smov.u32 s7  }
.LBB2_43:
0x2ba: {  	v9 =	vadd.f32 v9, v2;
	_ =	sdelay $0x1  }
0x2bb: {  	v8 =	vadd.f32 v8, v2;
	v11 =	vld [tilespmem:s18+$0xA0];
	[tilespmem:s31+$0x90] =	vst v9  }
0x2bc: {  	[tilespmem:s31+$0x190] =	vst v10;
	v9 =	vld [tilespmem:s18+$0xFFFFFF20]  }
0x2bd: {  	v55 =	vld [tilespmem:s18+$0xFFFFFFA0];
	[tilespmem:s31+$0x290] =	vst v8  }
0x2be: {  	v56 =	vld [tilespmem:s18+$0x20];
	_ =	sdelay $0x1  }
0x2bf: {  	v11 =	vadd.f32 v11, v1  }
0x2c0: {  	v9 =	vadd.f32 v9, v1  }
0x2c1: {  	v8 =	vadd.f32 v55, v1;
	[tilespmem:s31+$0x320] =	vst v11  }
0x2c2: {  	v11 =	vld [tilespmem:s18+$0xE0];
	v57 =	vadd.f32 v56, v1;
	[tilespmem:s31+$0x20] =	vst v9  }
0x2c3: {  	[tilespmem:s31+$0x120] =	vst v8;
	v58 =	vld [tilespmem:s18+$0xFFFFFF60]  }
0x2c4: {  	v8 =	vld [tilespmem:s18+$0xFFFFFFE0];
	[tilespmem:s31+$0x220] =	vst v57  }
0x2c5: {  	v9 =	vld [tilespmem:s18+$0x60];
	_ =	sdelay $0x1  }
0x2c6: {  	v11 =	vadd.f32 v11, v1  }
0x2c7: {  	v10 =	vadd.f32 v58, v1  }
0x2c8: {  	v8 =	vadd.f32 v8, v1;
	[tilespmem:s31+$0x3A0] =	vst v11  }
0x2c9: {  	v11 =	vld [tilespmem:s18+$0xB0];
	v9 =	vadd.f32 v9, v1;
	[tilespmem:s31+$0xA0] =	vst v10  }
0x2ca: {  	[tilespmem:s31+$0x1A0] =	vst v8;
	v10 =	vld [tilespmem:s18+$0xFFFFFF30]  }
0x2cb: {  	v8 =	vld [tilespmem:s18+$0xFFFFFFB0];
	[tilespmem:s31+$0x2A0] =	vst v9  }
0x2cc: {  	v9 =	vld [tilespmem:s18+$0x30];
	_ =	sdelay $0x1  }
0x2cd: {  	v11 =	vadd.f32 v11, v0  }
0x2ce: {  	v10 =	vadd.f32 v10, v0  }
0x2cf: {  	v8 =	vadd.f32 v8, v0;
	[tilespmem:s31+$0x330] =	vst v11  }
0x2d0: {  	v59 =	vld [tilespmem:s18+$0xF0];
	v9 =	vadd.f32 v9, v0;
	[tilespmem:s31+$0x30] =	vst v10  }
0x2d1: {  	[tilespmem:s31+$0x130] =	vst v8;
	v60 =	vld [tilespmem:s18+$0xFFFFFF70]  }
0x2d2: {  	v5 =	vadd.f32 @p3 v5, v0;
	v61 =	vld [tilespmem:s18+$0xFFFFFFF0];
	[tilespmem:s31+$0x230] =	vst v9  }
0x2d3: {  	[tilespmem:s20+$0x3B0] =	vst @p3 v7;
	v4 =	vadd.f32 @p3 v4, v0;
	v62 =	vld [tilespmem:s18+$0x70]  }
0x2d4: {  	[tilespmem:s20+$0xB0] =	vst @p3 v5;
	v5 =	vadd.f32 @p3 v6, v0  }
0x2d5: {  	[tilespmem:s20+$0x1B0] =	vst @p3 v4;
	v4 =	vadd.f32 v59, v0  }
0x2d6: {  	[tilespmem:s20+$0x2B0] =	vst @p3 v5;
	v5 =	vadd.f32 v60, v0  }
0x2d7: {  	[tilespmem:s31+$0x3B0] =	vst v4;
	v4 =	vadd.f32 v61, v0  }
0x2d8: {  	[tilespmem:s31+$0xB0] =	vst v5;
	v5 =	vadd.f32 v62, v0  }
0x2d9: {  	[tilespmem:s31+$0x1B0] =	vst v4  }
0x2da: {  	[tilespmem:s31+$0x2B0] =	vst v5  }
.LBB2_32:
0x2db: {  	s10 =	ssub.s32 $0x100, s15  }
0x2dc: {  	p3 =	sgt.u32 s3, $0xFF;
	s18 =	sshrl.u32 s10, $0x2  }
.Ltmp26:
0x2dd: {  	s20 =	sshll.u32 s18, $0xC;
	s18 =	sshll.u32 s18, $0xB;
	(pc) =	sbr.rel @p3 .LBB2_34-.Ltmp26, $4  }
0x2de: {  	s10 =	sand.u32 $0xFFFFFFFC, s10;
	s16 =	sadd.s32 s16, s20;
	s17 =	sadd.s32 s17, s18  }
0x2df: {  	s10 =	sadd.s32 s10, s15;
	s31 =	sshra.s32 s16, $0x2;
	s17 =	sshra.s32 s17, $0x2  }
0x2e0: {  	s15 =	sadd.s32 $0xFFFFFFFF, s10;
	s16 =	sadd.s32 $0x10000, s31;
	s17 =	sadd.s32 $0x8040, s17  }
0x2e1: {  	s20 =	smov.u32 s15;
	s10 =	smov.u32 s17;
	s18 =	smov.u32 s16  }
.LBB2_33:
0x2e2: {  	v4 =	vld [tilespmem:s10+$0xFFFFFFC0];
	_ =	sdelay $0x4  }
0x2e3: {  	v4 =	vadd.f32 v4, v3;
	_ =	sdelay $0x1  }
0x2e4: {  	[tilespmem:s18+$0x0] =	vst v4  }
0x2e5: {  	v4 =	vld [tilespmem:s10+$0x0];
	_ =	sdelay $0x4  }
0x2e6: {  	v4 =	vadd.f32 v4, v3;
	_ =	sdelay $0x1  }
0x2e7: {  	[tilespmem:s18+$0x80] =	vst v4  }
0x2e8: {  	v4 =	vld [tilespmem:s10+$0xFFFFFFD0];
	_ =	sdelay $0x4  }
0x2e9: {  	v4 =	vadd.f32 v4, v2;
	_ =	sdelay $0x1  }
0x2ea: {  	[tilespmem:s18+$0x10] =	vst v4  }
0x2eb: {  	v4 =	vld [tilespmem:s10+$0x10];
	_ =	sdelay $0x4  }
0x2ec: {  	v4 =	vadd.f32 v4, v2;
	_ =	sdelay $0x1  }
0x2ed: {  	[tilespmem:s18+$0x90] =	vst v4  }
0x2ee: {  	v4 =	vld [tilespmem:s10+$0xFFFFFFE0];
	_ =	sdelay $0x4  }
0x2ef: {  	v4 =	vadd.f32 v4, v1;
	_ =	sdelay $0x1  }
0x2f0: {  	[tilespmem:s18+$0x20] =	vst v4  }
0x2f1: {  	v4 =	vld [tilespmem:s10+$0x20];
	_ =	sdelay $0x4  }
0x2f2: {  	v4 =	vadd.f32 v4, v1;
	_ =	sdelay $0x1  }
0x2f3: {  	[tilespmem:s18+$0xA0] =	vst v4  }
0x2f4: {  	v4 =	vld [tilespmem:s10+$0xFFFFFFF0];
	_ =	sdelay $0x4  }
0x2f5: {  	v4 =	vadd.f32 v4, v0;
	_ =	sdelay $0x1  }
0x2f6: {  	[tilespmem:s18+$0x30] =	vst v4  }
0x2f7: {  	v4 =	vld [tilespmem:s10+$0x30]  }
0x2f8: {  	s20 =	sadd.s32 $0x1, s20  }
0x2f9: {  	p5 =	slt.u32 s20, $0xFF  }
.Ltmp27:
0x2fa: {  	_ = 	snop;
	(pc) =	sbr.rel @p5 .LBB2_33-.Ltmp27, $3  }
0x2fb: {  	_ = 	snop  }
0x2fc: {  	v4 =	vadd.f32 v4, v0;
	_ =	sdelay $0x1  }
0x2fd: {  	s10 =	sadd.s32 $0x80, s10;
	[tilespmem:s18+$0xB0] =	vst v4;
	s18 =	sadd.s32 $0x100, s18  }
.LBB2_34:
0x2fe: {  	s9 =	sshll.u32 @!p0 s9, $0x7  }
0x2ff: {  	v4 =	vimm.f32 @!p0 $0.0e+00;
	s9 =	sand.u32 @!p0 $0x3FFFFF80, s9  }
0x300: {  	[tilespmem:s9+$0x10000] =	vst @!p0 v4  }
0x301: {  	v5 =	vld @!p0 [tilespmem:s23+$0x8040];
	_ =	sdelay $0x4  }
0x302: {  	v3 =	vadd.f32 @!p0 v5, v3  }
0x303: {  	[tilespmem:s9+$0x10010] =	vst @!p0 v4  }
0x304: {  	[tilespmem:s9+$0x10080] =	vst @!p0 v3  }
0x305: {  	v3 =	vld @!p0 [tilespmem:s23+$0x8050];
	_ =	sdelay $0x4  }
0x306: {  	v2 =	vadd.f32 @!p0 v3, v2  }
0x307: {  	[tilespmem:s9+$0x10020] =	vst @!p0 v4  }
0x308: {  	[tilespmem:s9+$0x10090] =	vst @!p0 v2  }
0x309: {  	v2 =	vld @!p0 [tilespmem:s23+$0x8060];
	_ =	sdelay $0x4  }
0x30a: {  	v1 =	vadd.f32 @!p0 v2, v1  }
0x30b: {  	[tilespmem:s9+$0x10030] =	vst @!p0 v4  }
0x30c: {  	[tilespmem:s9+$0x100A0] =	vst @!p0 v1  }
0x30d: {  	v1 =	vld @!p0 [tilespmem:s23+$0x8070];
	_ =	sdelay $0x4  }
0x30e: {  	v0 =	vadd.f32 @!p0 v1, v0  }
0x30f: {  	s10 =	rddreg [dreg:$0x6]  }
0x310: {  	s18 =	simm.s32 $0x18000;
	s31 =	sor.u32 $0x40, s23;
	s10 =	sadd.s32 s24, s10;
	[tilespmem:s9+$0x100B0] =	vst @!p0 v0  }
0x311: {  	[hbm4b:s10+s21] =	stream.linear.scatter [tilespmem:s18], [sflag:$0x2], $0x8000, $0x38;
	v63 =	vld [tilespmem:$0x0]  }
0x312: {  	s7 =	sor.u32 $0x50, s23;
	v2 =	vld [tilespmem:s31+$0x0]  }
0x313: {  	s18 =	sor.u32 $0x60, s23;
	v4 =	vld [tilespmem:s7+$0x0]  }
0x314: {  	s20 =	sor.u32 $0x70, s23;
	v5 =	vld [tilespmem:s18+$0x0]  }
0x315: {  	v7 =	vld [tilespmem:s20+$0x0]  }
0x316: {  	v6 =	vld [tilespmem:s23+$0x8040]  }
.Ltmp28:
0x317: {  	v3 =	vld [tilespmem:s23+$0x8050];
	(pc) =	sbr.rel @p6 .LBB2_49-.Ltmp28, $4  }
0x318: {  	v1 =	vld [tilespmem:s23+$0x8060];
	s31 =	simm.s32 $0x1  }
0x319: {  	v0 =	vld [tilespmem:s23+$0x8070];
	_ =	swait.ge [sflag:s31], $0x8000  }
0x31a: {  	[sflag:s31] =	ssyncset.done $0x0  }
0x31b: {  	[sflag:s31] =	ssyncadd.s32 $0xFFFF8000  }
0x31c: {  	s20 =	simm.s32 $0x100  }
0x31d: {  	v8 =	vld [tilespmem:s20+$0x80];
	_ =	sdelay $0x1  }
0x31e: {  	v9 =	vld [tilespmem:s20+$0xFFFFFF80];
	_ =	sdelay $0x2  }
0x31f: {  	v8 =	vadd.f32 v8, v6  }
0x320: {  	s7 =	smov.u32 s24;
	s24 =	simm.s32 $0x10200;
	v10 =	vld [tilespmem:s20+$0x0]  }
0x321: {  	v11 =	vld [tilespmem:s20+$0xFFFFFF00];
	v9 =	vadd.f32 v9, v6;
	[tilespmem:s24+$0x100] =	vst v8  }
0x322: {  	v8 =	vld [tilespmem:s20+$0xC0]  }
0x323: {  	[tilespmem:s24+$0xFFFFFF00] =	vst v9  }
0x324: {  	v9 =	vld [tilespmem:s20+$0xFFFFFFC0]  }
0x325: {  	v10 =	vadd.f32 v10, v6  }
0x326: {  	v11 =	vadd.f32 v11, v6  }
0x327: {  	[tilespmem:s24+$0x0] =	vst v10;
	v8 =	vadd.f32 v8, v6  }
0x328: {  	[tilespmem:s24+$0xFFFFFE00] =	vst v11;
	v10 =	vld [tilespmem:s20+$0x40]  }
0x329: {  	v11 =	vld [tilespmem:s20+$0xFFFFFF40];
	v9 =	vadd.f32 v9, v6;
	[tilespmem:s24+$0x180] =	vst v8  }
0x32a: {  	v8 =	vld [tilespmem:s20+$0x90]  }
0x32b: {  	[tilespmem:s24+$0xFFFFFF80] =	vst v9  }
0x32c: {  	v9 =	vld [tilespmem:s20+$0xFFFFFF90]  }
0x32d: {  	v10 =	vadd.f32 v10, v6  }
0x32e: {  	v11 =	vadd.f32 v11, v6  }
0x32f: {  	[tilespmem:s24+$0x80] =	vst v10;
	v8 =	vadd.f32 v8, v3  }
0x330: {  	[tilespmem:s24+$0xFFFFFE80] =	vst v11;
	v10 =	vld [tilespmem:s20+$0x10]  }
0x331: {  	v11 =	vld [tilespmem:s20+$0xFFFFFF10];
	v9 =	vadd.f32 v9, v3;
	[tilespmem:s24+$0x110] =	vst v8  }
0x332: {  	v8 =	vld [tilespmem:s20+$0xD0]  }
0x333: {  	[tilespmem:s24+$0xFFFFFF10] =	vst v9  }
0x334: {  	p6 =	sgt.u32 s26, $0x4;
	v9 =	vld [tilespmem:s20+$0xFFFFFFD0]  }
.Ltmp29:
0x335: {  	v10 =	vadd.f32 v10, v3;
	(pc) =	sbr.rel @!p6 .LBB2_36-.Ltmp29, $4  }
0x336: {  	v11 =	vadd.f32 v11, v3  }
0x337: {  	[tilespmem:s24+$0x10] =	vst v10;
	v8 =	vadd.f32 v8, v3  }
0x338: {  	[tilespmem:s24+$0xFFFFFE10] =	vst v11;
	v12 =	vld [tilespmem:s20+$0x50]  }
0x339: {  	s31 =	simm.s32 $0x300;
	p5 =	por $0x0, $0x0;
	v13 =	vld [tilespmem:s20+$0xFFFFFF50];
	v14 =	vadd.f32 v9, v3;
	[tilespmem:s24+$0x190] =	vst v8  }
0x33a: {  	_ =	sdelay $0x1  }
0x33b: {  	v8 =	vld [tilespmem:s31+$0x80]  }
0x33c: {  	v9 =	vld [tilespmem:s20+$0xA0]  }
0x33d: {  	v11 =	vld [tilespmem:s31+$0xFFFFFF80];
	v10 =	vadd.f32 v13, v3  }
0x33e: {  	v13 =	vld [tilespmem:s31+$0x0]  }
0x33f: {  	v12 =	vadd.f32 v12, v3;
	[tilespmem:s24+$0xFFFFFE90] =	vst v10;
	v10 =	vld [tilespmem:s31+$0xFFFFFF00]  }
0x340: {  	[tilespmem:s24+$0xFFFFFF90] =	vst v14;
	v8 =	vadd.f32 v8, v6;
	v14 =	vld [tilespmem:s20+$0xFFFFFF20]  }
0x341: {  	s18 =	simm.s32 $0x10600;
	[tilespmem:s24+$0x90] =	vst v12;
	v12 =	vld [tilespmem:s20+$0xFFFFFFA0];
	v9 =	vadd.f32 v9, v1  }
0x342: {  	v11 =	vadd.f32 v11, v6;
	[tilespmem:s18+$0x100] =	vst v8;
	v8 =	vld [tilespmem:s20+$0x20]  }
0x343: {  	[tilespmem:s24+$0x120] =	vst v9;
	v15 =	vld [tilespmem:s31+$0xC0];
	v13 =	vadd.f32 v13, v6  }
0x344: {  	[tilespmem:s18+$0xFFFFFF00] =	vst v11;
	v9 =	vadd.f32 v10, v6;
	v10 =	vld [tilespmem:s20+$0xE0]  }
0x345: {  	v11 =	vld [tilespmem:s31+$0xFFFFFFC0];
	[tilespmem:s18+$0x0] =	vst v13;
	v13 =	vadd.f32 v14, v1  }
0x346: {  	v12 =	vadd.f32 v12, v1;
	[tilespmem:s18+$0xFFFFFE00] =	vst v9;
	v9 =	vld [tilespmem:s31+$0x40]  }
0x347: {  	v8 =	vadd.f32 v8, v1;
	v14 =	vld [tilespmem:s31+$0xFFFFFF40];
	[tilespmem:s24+$0xFFFFFE20] =	vst v13  }
0x348: {  	[tilespmem:s24+$0xFFFFFF20] =	vst v12;
	v13 =	vadd.f32 v15, v6;
	v15 =	vld [tilespmem:s20+$0xFFFFFF60]  }
0x349: {  	v12 =	vld [tilespmem:s20+$0xFFFFFFE0];
	[tilespmem:s24+$0x20] =	vst v8;
	v8 =	vadd.f32 v10, v1  }
0x34a: {  	v10 =	vadd.f32 v11, v6;
	[tilespmem:s18+$0x180] =	vst v13;
	v11 =	vld [tilespmem:s20+$0x60]  }
0x34b: {  	v13 =	vld [tilespmem:s31+$0x90];
	v9 =	vadd.f32 v9, v6;
	[tilespmem:s24+$0x1A0] =	vst v8  }
0x34c: {  	[tilespmem:s18+$0xFFFFFF80] =	vst v10;
	v8 =	vadd.f32 v14, v6;
	v10 =	vld [tilespmem:s20+$0xB0]  }
0x34d: {  	v14 =	vld [tilespmem:s31+$0xFFFFFF90];
	[tilespmem:s18+$0x80] =	vst v9;
	v9 =	vadd.f32 v15, v1  }
0x34e: {  	v12 =	vadd.f32 v12, v1;
	[tilespmem:s18+$0xFFFFFE80] =	vst v8;
	v8 =	vld [tilespmem:s31+$0x10]  }
0x34f: {  	v15 =	vld [tilespmem:s31+$0xFFFFFF10];
	[tilespmem:s24+$0xFFFFFEA0] =	vst v9;
	v9 =	vadd.f32 v11, v1  }
0x350: {  	[tilespmem:s24+$0xFFFFFFA0] =	vst v12;
	v11 =	vadd.f32 v13, v3;
	v13 =	vld [tilespmem:s20+$0xFFFFFF30]  }
0x351: {  	v16 =	vld [tilespmem:s20+$0xFFFFFFB0];
	[tilespmem:s24+$0xA0] =	vst v9;
	v9 =	vadd.f32 v10, v0  }
0x352: {  	v10 =	vadd.f32 v14, v3;
	[tilespmem:s18+$0x110] =	vst v11;
	v11 =	vld [tilespmem:s20+$0x30]  }
0x353: {  	v14 =	vld [tilespmem:s31+$0xD0];
	v8 =	vadd.f32 v8, v3;
	[tilespmem:s24+$0x130] =	vst v9  }
0x354: {  	[tilespmem:s18+$0xFFFFFF10] =	vst v10;
	v9 =	vadd.f32 v15, v3;
	v10 =	vld [tilespmem:s20+$0xF0]  }
0x355: {  	p6 =	sgt.u32 s26, $0x8;
	v15 =	vld [tilespmem:s31+$0xFFFFFFD0];
	[tilespmem:s18+$0x10] =	vst v8;
	v8 =	vadd.f32 v13, v0  }
.Ltmp30:
0x356: {  	v16 =	vadd.f32 v16, v0;
	[tilespmem:s18+$0xFFFFFE10] =	vst v9;
	v12 =	vld [tilespmem:s31+$0x50];
	(pc) =	sbr.rel @!p6 .LBB2_45-.Ltmp30, $4  }
0x357: {  	v13 =	vld [tilespmem:s31+$0xFFFFFF50];
	[tilespmem:s24+$0xFFFFFE30] =	vst v8;
	v11 =	vadd.f32 v11, v0  }
0x358: {  	[tilespmem:s24+$0xFFFFFF30] =	vst v16;
	v17 =	vadd.f32 v14, v3;
	v9 =	vld [tilespmem:s20+$0xFFFFFF70]  }
0x359: {  	v8 =	vld [tilespmem:s20+$0xFFFFFFF0];
	[tilespmem:s24+$0x30] =	vst v11;
	v11 =	vadd.f32 v10, v0  }
0x35a: {  	s21 =	simm.s32 $0x8;
	s10 =	simm.s32 $0x500;
	p5 =	por $0x1, $0x1;
	v14 =	vadd.f32 v15, v3;
	[tilespmem:s18+$0x190] =	vst v17;
	v10 =	vld [tilespmem:s20+$0x70]  }
.LBB2_46:
0x35b: {  	v15 =	vld [tilespmem:s10+$0x80];
	v12 =	vadd.f32 v12, v3;
	[tilespmem:s24+$0x1B0] =	vst v11  }
0x35c: {  	s21 =	sadd.s32 $0x4, s21;
	v11 =	vadd.f32 v13, v3;
	[tilespmem:s18+$0xFFFFFF90] =	vst v14;
	v13 =	vld [tilespmem:s31+$0xA0]  }
0x35d: {  	p6 =	slt.u32 s21, s26;
	v14 =	vld [tilespmem:s10+$0xFFFFFF80];
	[tilespmem:s18+$0x90] =	vst v12;
	v9 =	vadd.f32 v9, v0  }
0x35e: {  	v12 =	vld [tilespmem:s10+$0x0];
	[tilespmem:s18+$0xFFFFFE90] =	vst v11;
	v8 =	vadd.f32 v8, v0  }
0x35f: {  	v11 =	vld [tilespmem:s10+$0xFFFFFF00];
	[tilespmem:s24+$0xFFFFFEB0] =	vst v9;
	v9 =	vadd.f32 v10, v0  }
0x360: {  	v10 =	vadd.f32 v15, v6;
	v15 =	vld [tilespmem:s31+$0xFFFFFF20];
	[tilespmem:s24+$0xFFFFFFB0] =	vst v8  }
0x361: {  	v8 =	vld [tilespmem:s31+$0xFFFFFFA0];
	v13 =	vadd.f32 v13, v1;
	[tilespmem:s24+$0xB0] =	vst v9;
	s24 =	smov.u32 s18;
	s18 =	sadd.s32 $0x400, s18  }
0x362: {  	v9 =	vadd.f32 v14, v6;
	[tilespmem:s18+$0x100] =	vst v10;
	v10 =	vld [tilespmem:s31+$0x20]  }
0x363: {  	v12 =	vadd.f32 v12, v6;
	v14 =	vld [tilespmem:s10+$0xC0];
	[tilespmem:s24+$0x120] =	vst v13  }
0x364: {  	v11 =	vadd.f32 v11, v6;
	[tilespmem:s18+$0xFFFFFF00] =	vst v9;
	v9 =	vld [tilespmem:s31+$0xE0]  }
0x365: {  	v13 =	vld [tilespmem:s10+$0xFFFFFFC0];
	[tilespmem:s18+$0x0] =	vst v12;
	v12 =	vadd.f32 v15, v1  }
0x366: {  	[tilespmem:s18+$0xFFFFFE00] =	vst v11;
	v11 =	vld [tilespmem:s10+$0x40];
	v8 =	vadd.f32 v8, v1  }
0x367: {  	v15 =	vld [tilespmem:s10+$0xFFFFFF40];
	[tilespmem:s24+$0xFFFFFE20] =	vst v12;
	v10 =	vadd.f32 v10, v1  }
0x368: {  	v12 =	vadd.f32 v14, v6;
	v14 =	vld [tilespmem:s31+$0xFFFFFF60];
	[tilespmem:s24+$0xFFFFFF20] =	vst v8  }
0x369: {  	v8 =	vld [tilespmem:s31+$0xFFFFFFE0];
	[tilespmem:s24+$0x20] =	vst v10;
	v9 =	vadd.f32 v9, v1  }
0x36a: {  	v10 =	vadd.f32 v13, v6;
	[tilespmem:s18+$0x180] =	vst v12;
	v12 =	vld [tilespmem:s31+$0x60]  }
0x36b: {  	v11 =	vadd.f32 v11, v6;
	v13 =	vld [tilespmem:s10+$0x90];
	[tilespmem:s24+$0x1A0] =	vst v9  }
0x36c: {  	v9 =	vadd.f32 v15, v6;
	[tilespmem:s18+$0xFFFFFF80] =	vst v10;
	v10 =	vld [tilespmem:s31+$0xB0]  }
0x36d: {  	v15 =	vld [tilespmem:s10+$0xFFFFFF90];
	[tilespmem:s18+$0x80] =	vst v11;
	v11 =	vadd.f32 v14, v1  }
0x36e: {  	[tilespmem:s18+$0xFFFFFE80] =	vst v9;
	v9 =	vld [tilespmem:s10+$0x10];
	v8 =	vadd.f32 v8, v1  }
0x36f: {  	v14 =	vld [tilespmem:s10+$0xFFFFFF10];
	[tilespmem:s24+$0xFFFFFEA0] =	vst v11;
	v11 =	vadd.f32 v12, v1  }
0x370: {  	v12 =	vadd.f32 v13, v3;
	v13 =	vld [tilespmem:s31+$0xFFFFFF30];
	[tilespmem:s24+$0xFFFFFFA0] =	vst v8  }
0x371: {  	v8 =	vld [tilespmem:s31+$0xFFFFFFB0];
	[tilespmem:s24+$0xA0] =	vst v11;
	v10 =	vadd.f32 v10, v0  }
0x372: {  	v11 =	vadd.f32 v15, v3;
	[tilespmem:s18+$0x110] =	vst v12;
	v15 =	vld [tilespmem:s31+$0x30]  }
0x373: {  	v9 =	vadd.f32 v9, v3;
	v16 =	vld [tilespmem:s10+$0xD0];
	[tilespmem:s24+$0x130] =	vst v10  }
0x374: {  	v10 =	vadd.f32 v14, v3;
	[tilespmem:s18+$0xFFFFFF10] =	vst v11;
	v11 =	vld [tilespmem:s31+$0xF0]  }
0x375: {  	v14 =	vld [tilespmem:s10+$0xFFFFFFD0];
	[tilespmem:s18+$0x10] =	vst v9;
	v9 =	vadd.f32 v13, v0  }
.Ltmp31:
0x376: {  	[tilespmem:s18+$0xFFFFFE10] =	vst v10;
	v12 =	vld [tilespmem:s10+$0x50];
	v8 =	vadd.f32 v8, v0;
	(pc) =	sbr.rel @p6 .LBB2_46-.Ltmp31, $4  }
0x377: {  	v13 =	vld [tilespmem:s10+$0xFFFFFF50];
	[tilespmem:s24+$0xFFFFFE30] =	vst v9;
	v10 =	vadd.f32 v15, v0  }
0x378: {  	v15 =	vadd.f32 v16, v3;
	v9 =	vld [tilespmem:s31+$0xFFFFFF70];
	[tilespmem:s24+$0xFFFFFF30] =	vst v8  }
0x379: {  	v8 =	vld [tilespmem:s31+$0xFFFFFFF0];
	[tilespmem:s24+$0x30] =	vst v10;
	v11 =	vadd.f32 v11, v0  }
0x37a: {  	v14 =	vadd.f32 v14, v3;
	[tilespmem:s18+$0x190] =	vst v15;
	v10 =	vld [tilespmem:s31+$0x70];
	s31 =	smov.u32 s10;
	s10 =	sadd.s32 $0x200, s10  }
0x37b: {  	s10 =	smov.u32 s24  }
0x37c: {  	s24 =	smov.u32 s18;
	s20 =	smov.u32 s31;
	s21 =	simm.s32 $0x0  }
.LBB2_48:
0x37d: {  	v13 =	vadd.f32 v13, v3;
	v15 =	vld [tilespmem:s20+$0xA0]  }
0x37e: {  	v12 =	vadd.f32 v12, v3;
	[tilespmem:s24+$0xFFFFFF90] =	vst v14  }
0x37f: {  	v53 =	vld [tilespmem:s20+$0xFFFFFFA0];
	[tilespmem:s24+$0xFFFFFE90] =	vst v13  }
0x380: {  	[tilespmem:s24+$0x90] =	vst v12;
	v13 =	vld [tilespmem:s20+$0xFFFFFF20]  }
0x381: {  	v54 =	vld [tilespmem:s20+$0x20]  }
0x382: {  	v15 =	vadd.f32 v15, v1;
	_ =	sdelay $0x1  }
0x383: {  	v12 =	vadd.f32 v53, v1;
	[tilespmem:s24+$0x120] =	vst v15  }
0x384: {  	v13 =	vadd.f32 v13, v1;
	v15 =	vld [tilespmem:s20+$0xE0]  }
0x385: {  	v55 =	vadd.f32 v54, v1;
	[tilespmem:s24+$0xFFFFFF20] =	vst v12  }
0x386: {  	v12 =	vld [tilespmem:s20+$0xFFFFFFE0];
	[tilespmem:s24+$0xFFFFFE20] =	vst v13  }
0x387: {  	[tilespmem:s24+$0x20] =	vst v55;
	v56 =	vld [tilespmem:s20+$0xFFFFFF60]  }
0x388: {  	v13 =	vld [tilespmem:s20+$0x60]  }
0x389: {  	v15 =	vadd.f32 v15, v1;
	_ =	sdelay $0x1  }
0x38a: {  	v12 =	vadd.f32 v12, v1;
	[tilespmem:s24+$0x1A0] =	vst v15  }
0x38b: {  	v14 =	vadd.f32 v56, v1;
	v15 =	vld [tilespmem:s20+$0xB0]  }
0x38c: {  	v13 =	vadd.f32 v13, v1;
	[tilespmem:s24+$0xFFFFFFA0] =	vst v12  }
0x38d: {  	v12 =	vld [tilespmem:s20+$0xFFFFFFB0];
	[tilespmem:s24+$0xFFFFFEA0] =	vst v14  }
0x38e: {  	[tilespmem:s24+$0xA0] =	vst v13;
	v14 =	vld [tilespmem:s20+$0xFFFFFF30]  }
0x38f: {  	v13 =	vld [tilespmem:s20+$0x30]  }
0x390: {  	v15 =	vadd.f32 v15, v0;
	_ =	sdelay $0x1  }
0x391: {  	v12 =	vadd.f32 v12, v0;
	[tilespmem:s24+$0x130] =	vst v15  }
0x392: {  	v14 =	vadd.f32 v14, v0;
	v57 =	vld [tilespmem:s20+$0xF0]  }
0x393: {  	v13 =	vadd.f32 v13, v0;
	[tilespmem:s24+$0xFFFFFF30] =	vst v12  }
0x394: {  	v59 =	vld [tilespmem:s20+$0xFFFFFFF0];
	[tilespmem:s24+$0xFFFFFE30] =	vst v14  }
0x395: {  	v8 =	vadd.f32 @p5 v8, v0;
	[tilespmem:s24+$0x30] =	vst v13;
	v58 =	vld [tilespmem:s20+$0xFFFFFF70]  }
0x396: {  	v9 =	vadd.f32 @p5 v9, v0;
	[tilespmem:s10+$0x1B0] =	vst @p5 v11;
	v60 =	vld [tilespmem:s20+$0x70]  }
0x397: {  	[tilespmem:s10+$0xFFFFFFB0] =	vst @p5 v8;
	v8 =	vadd.f32 v57, v0  }
0x398: {  	[tilespmem:s10+$0xFFFFFEB0] =	vst @p5 v9;
	v9 =	vadd.f32 @p5 v10, v0  }
0x399: {  	[tilespmem:s24+$0x1B0] =	vst v8;
	v8 =	vadd.f32 v59, v0  }
0x39a: {  	[tilespmem:s10+$0xB0] =	vst @p5 v9;
	v61 =	vadd.f32 v58, v0  }
0x39b: {  	v62 =	vadd.f32 v60, v0;
	[tilespmem:s24+$0xFFFFFFB0] =	vst v8  }
0x39c: {  	[tilespmem:s24+$0xFFFFFEB0] =	vst v61  }
0x39d: {  	[tilespmem:s24+$0xB0] =	vst v62;
	s24 =	smov.u32 s7  }
.LBB2_49:
0x39e: {  	s7 =	sld [smem:$0x7FD];
	_ =	sdelay $0x2  }
0x39f: {  	p5 =	seq.s32 s7, $0x1  }
.Ltmp32:
0x3a0: {  	_ = 	snop;
	(pc) =	sbr.rel @p5 .LBB2_50-.Ltmp32, $1  }
0x3a1: {  	_ =	sdelay $0x3  }
.LBB2_82:
0x3a2: {  	v8 =	vld [tilespmem:s12+$0xFFFFFFC0];
	_ =	sdelay $0x4  }
0x3a3: {  	v8 =	vadd.f32 v8, v6;
	_ =	sdelay $0x1  }
0x3a4: {  	[tilespmem:s4+$0xFFFFFF80] =	vst v8  }
0x3a5: {  	v8 =	vld [tilespmem:s12+$0x0];
	_ =	sdelay $0x4  }
0x3a6: {  	v8 =	vadd.f32 v8, v6;
	_ =	sdelay $0x1  }
0x3a7: {  	[tilespmem:s4+$0x0] =	vst v8  }
0x3a8: {  	v8 =	vld [tilespmem:s12+$0xFFFFFFD0];
	_ =	sdelay $0x4  }
0x3a9: {  	v8 =	vadd.f32 v8, v3;
	_ =	sdelay $0x1  }
0x3aa: {  	[tilespmem:s4+$0xFFFFFF90] =	vst v8  }
0x3ab: {  	v8 =	vld [tilespmem:s12+$0x10];
	_ =	sdelay $0x4  }
0x3ac: {  	v8 =	vadd.f32 v8, v3;
	_ =	sdelay $0x1  }
0x3ad: {  	[tilespmem:s4+$0x10] =	vst v8  }
0x3ae: {  	v8 =	vld [tilespmem:s12+$0xFFFFFFE0];
	_ =	sdelay $0x4  }
0x3af: {  	v8 =	vadd.f32 v8, v1;
	_ =	sdelay $0x1  }
0x3b0: {  	[tilespmem:s4+$0xFFFFFFA0] =	vst v8  }
0x3b1: {  	v8 =	vld [tilespmem:s12+$0x20];
	_ =	sdelay $0x4  }
0x3b2: {  	v8 =	vadd.f32 v8, v1;
	_ =	sdelay $0x1  }
0x3b3: {  	[tilespmem:s4+$0x20] =	vst v8  }
0x3b4: {  	v8 =	vld [tilespmem:s12+$0xFFFFFFF0];
	_ =	sdelay $0x4  }
0x3b5: {  	v8 =	vadd.f32 v8, v0;
	_ =	sdelay $0x1  }
0x3b6: {  	[tilespmem:s4+$0xFFFFFFB0] =	vst v8  }
0x3b7: {  	v8 =	vld [tilespmem:s12+$0x30]  }
0x3b8: {  	s26 =	sadd.s32 $0x1, s26  }
0x3b9: {  	p5 =	slt.u32 s26, s25  }
.Ltmp33:
0x3ba: {  	_ = 	snop;
	(pc) =	sbr.rel @p5 .LBB2_82-.Ltmp33, $3  }
0x3bb: {  	_ = 	snop  }
0x3bc: {  	v8 =	vadd.f32 v8, v0;
	_ =	sdelay $0x1  }
0x3bd: {  	s12 =	sadd.s32 $0x80, s12;
	[tilespmem:s4+$0x30] =	vst v8;
	s4 =	sadd.s32 $0x100, s4  }
.LBB2_50:
0x3be: {  	s4 =	sld [smem:$0x7FC];
	_ =	sdelay $0x2  }
0x3bf: {  	p5 =	seq.s32 s4, $0x1  }
.Ltmp34:
0x3c0: {  	_ = 	snop;
	(pc) =	sbr.rel @p5 .LBB2_51-.Ltmp34, $2  }
0x3c1: {  	_ =	sdelay $0x2  }
0x3c2: {  	s20 =	simm.s32 $0x10000  }
0x3c3: {  	v8 =	vld [tilespmem:s1+$0x80]  }
0x3c4: {  	v9 =	vld [tilespmem:s1+$0xFFFFFF80];
	_ =	sdelay $0x3  }
0x3c5: {  	v8 =	vadd.f32 v8, v2  }
0x3c6: {  	v10 =	vld [tilespmem:s1+$0x0];
	v9 =	vadd.f32 v9, v2  }
0x3c7: {  	v11 =	vld [tilespmem:s1+$0xFFFFFF00];
	[tilespmem:s30+$0x100] =	vst v8  }
0x3c8: {  	[tilespmem:s30+$0xFFFFFF00] =	vst v9;
	v8 =	vld [tilespmem:s1+$0xC0]  }
0x3c9: {  	v9 =	vld [tilespmem:s1+$0xFFFFFFC0];
	_ =	sdelay $0x1  }
0x3ca: {  	v10 =	vadd.f32 v10, v2  }
0x3cb: {  	v11 =	vadd.f32 v11, v2  }
0x3cc: {  	[tilespmem:s30+$0x0] =	vst v10;
	v8 =	vadd.f32 v8, v2  }
0x3cd: {  	[tilespmem:s30+$0xFFFFFE00] =	vst v11;
	v10 =	vld [tilespmem:s1+$0x40];
	v9 =	vadd.f32 v9, v2  }
0x3ce: {  	v11 =	vld [tilespmem:s1+$0xFFFFFF40];
	[tilespmem:s30+$0x180] =	vst v8  }
0x3cf: {  	[tilespmem:s30+$0xFFFFFF80] =	vst v9;
	v8 =	vld [tilespmem:s1+$0x90]  }
0x3d0: {  	v9 =	vld [tilespmem:s1+$0xFFFFFF90];
	_ =	sdelay $0x1  }
0x3d1: {  	v10 =	vadd.f32 v10, v2  }
0x3d2: {  	v11 =	vadd.f32 v11, v2  }
0x3d3: {  	[tilespmem:s30+$0x80] =	vst v10;
	v8 =	vadd.f32 v8, v4  }
0x3d4: {  	[tilespmem:s30+$0xFFFFFE80] =	vst v11;
	v9 =	vadd.f32 v9, v4  }
0x3d5: {  	v10 =	vld [tilespmem:s1+$0x10];
	[tilespmem:s30+$0x110] =	vst v8  }
0x3d6: {  	v11 =	vld [tilespmem:s1+$0xFFFFFF10];
	[tilespmem:s30+$0xFFFFFF10] =	vst v9  }
0x3d7: {  	v8 =	vld [tilespmem:s1+$0xD0];
	s4 =	rddreg [dreg:$0xf]  }
0x3d8: {  	s12 =	sadd.s32 $0x4, s4  }
0x3d9: {  	v9 =	vld [tilespmem:s1+$0xFFFFFFD0];
	p6 =	slt.u32 s12, s0  }
.Ltmp35:
0x3da: {  	v10 =	vadd.f32 v10, v4;
	(pc) =	sbr.rel @!p6 .LBB2_57-.Ltmp35, $4  }
0x3db: {  	v11 =	vadd.f32 v11, v4  }
0x3dc: {  	[tilespmem:s30+$0x10] =	vst v10;
	v8 =	vadd.f32 v8, v4  }
0x3dd: {  	[tilespmem:s30+$0xFFFFFE10] =	vst v11;
	v12 =	vld [tilespmem:s1+$0x50]  }
0x3de: {  	p5 =	por $0x0, $0x0;
	v13 =	vld [tilespmem:s1+$0xFFFFFF50];
	s4 =	sadd.s32 $0x200, s1;
	v14 =	vadd.f32 v9, v4;
	[tilespmem:s30+$0x190] =	vst v8  }
0x3df: {  	_ =	sdelay $0x1  }
0x3e0: {  	v8 =	vld [tilespmem:s4+$0x80]  }
0x3e1: {  	v9 =	vld [tilespmem:s1+$0xA0]  }
0x3e2: {  	v11 =	vld [tilespmem:s4+$0xFFFFFF80];
	v10 =	vadd.f32 v13, v4  }
0x3e3: {  	v13 =	vld [tilespmem:s4+$0x0]  }
0x3e4: {  	v12 =	vadd.f32 v12, v4;
	[tilespmem:s30+$0xFFFFFE90] =	vst v10;
	v10 =	vld [tilespmem:s4+$0xFFFFFF00]  }
0x3e5: {  	[tilespmem:s30+$0xFFFFFF90] =	vst v14;
	v8 =	vadd.f32 v8, v2;
	v14 =	vld [tilespmem:s1+$0xFFFFFF20]  }
0x3e6: {  	s10 =	sadd.s32 $0x400, s30;
	[tilespmem:s30+$0x90] =	vst v12;
	v12 =	vld [tilespmem:s1+$0xFFFFFFA0];
	v9 =	vadd.f32 v9, v5  }
0x3e7: {  	v11 =	vadd.f32 v11, v2;
	[tilespmem:s10+$0x100] =	vst v8;
	v8 =	vld [tilespmem:s1+$0x20]  }
0x3e8: {  	[tilespmem:s30+$0x120] =	vst v9;
	v15 =	vld [tilespmem:s4+$0xC0];
	v13 =	vadd.f32 v13, v2  }
0x3e9: {  	[tilespmem:s10+$0xFFFFFF00] =	vst v11;
	v9 =	vadd.f32 v10, v2;
	v10 =	vld [tilespmem:s1+$0xE0]  }
0x3ea: {  	v11 =	vld [tilespmem:s4+$0xFFFFFFC0];
	[tilespmem:s10+$0x0] =	vst v13;
	v13 =	vadd.f32 v14, v5  }
0x3eb: {  	v12 =	vadd.f32 v12, v5;
	[tilespmem:s10+$0xFFFFFE00] =	vst v9;
	v9 =	vld [tilespmem:s4+$0x40]  }
0x3ec: {  	v8 =	vadd.f32 v8, v5;
	v14 =	vld [tilespmem:s4+$0xFFFFFF40];
	[tilespmem:s30+$0xFFFFFE20] =	vst v13  }
0x3ed: {  	[tilespmem:s30+$0xFFFFFF20] =	vst v12;
	v13 =	vadd.f32 v15, v2;
	v15 =	vld [tilespmem:s1+$0xFFFFFF60]  }
0x3ee: {  	v12 =	vld [tilespmem:s1+$0xFFFFFFE0];
	[tilespmem:s30+$0x20] =	vst v8;
	v8 =	vadd.f32 v10, v5  }
0x3ef: {  	v10 =	vadd.f32 v11, v2;
	[tilespmem:s10+$0x180] =	vst v13;
	v11 =	vld [tilespmem:s1+$0x60]  }
0x3f0: {  	v13 =	vld [tilespmem:s4+$0x90];
	v9 =	vadd.f32 v9, v2;
	[tilespmem:s30+$0x1A0] =	vst v8  }
0x3f1: {  	[tilespmem:s10+$0xFFFFFF80] =	vst v10;
	v8 =	vadd.f32 v14, v2;
	v10 =	vld [tilespmem:s1+$0xB0]  }
0x3f2: {  	v14 =	vld [tilespmem:s4+$0xFFFFFF90];
	[tilespmem:s10+$0x80] =	vst v9;
	v9 =	vadd.f32 v15, v5  }
0x3f3: {  	v12 =	vadd.f32 v12, v5;
	[tilespmem:s10+$0xFFFFFE80] =	vst v8;
	v8 =	vld [tilespmem:s4+$0x10]  }
0x3f4: {  	v15 =	vld [tilespmem:s4+$0xFFFFFF10];
	[tilespmem:s30+$0xFFFFFEA0] =	vst v9;
	v9 =	vadd.f32 v11, v5  }
0x3f5: {  	[tilespmem:s30+$0xFFFFFFA0] =	vst v12;
	v11 =	vadd.f32 v13, v4;
	v13 =	vld [tilespmem:s1+$0xFFFFFF30]  }
0x3f6: {  	v16 =	vld [tilespmem:s1+$0xFFFFFFB0];
	[tilespmem:s30+$0xA0] =	vst v9;
	v9 =	vadd.f32 v10, v7  }
0x3f7: {  	v10 =	vadd.f32 v14, v4;
	[tilespmem:s10+$0x110] =	vst v11;
	v11 =	vld [tilespmem:s1+$0x30]  }
0x3f8: {  	v14 =	vld [tilespmem:s4+$0xD0];
	v8 =	vadd.f32 v8, v4;
	[tilespmem:s30+$0x130] =	vst v9  }
0x3f9: {  	s12 =	sadd.s32 $0x4, s12;
	[tilespmem:s10+$0xFFFFFF10] =	vst v10;
	v9 =	vadd.f32 v15, v4;
	v10 =	vld [tilespmem:s1+$0xF0]  }
0x3fa: {  	p6 =	slt.u32 s12, s0;
	v15 =	vld [tilespmem:s4+$0xFFFFFFD0];
	[tilespmem:s10+$0x10] =	vst v8;
	v8 =	vadd.f32 v13, v7  }
.Ltmp36:
0x3fb: {  	v16 =	vadd.f32 v16, v7;
	[tilespmem:s10+$0xFFFFFE10] =	vst v9;
	v12 =	vld [tilespmem:s4+$0x50];
	(pc) =	sbr.rel @!p6 .LBB2_59-.Ltmp36, $4  }
0x3fc: {  	v13 =	vld [tilespmem:s4+$0xFFFFFF50];
	[tilespmem:s30+$0xFFFFFE30] =	vst v8;
	v11 =	vadd.f32 v11, v7  }
0x3fd: {  	[tilespmem:s30+$0xFFFFFF30] =	vst v16;
	v17 =	vadd.f32 v14, v4;
	v9 =	vld [tilespmem:s1+$0xFFFFFF70]  }
0x3fe: {  	v8 =	vld [tilespmem:s1+$0xFFFFFFF0];
	[tilespmem:s30+$0x30] =	vst v11;
	v11 =	vadd.f32 v10, v7  }
0x3ff: {  	s18 =	sadd.s32 $0x200, s4;
	p5 =	por $0x1, $0x1;
	v14 =	vadd.f32 v15, v4;
	[tilespmem:s10+$0x190] =	vst v17;
	v10 =	vld [tilespmem:s1+$0x70]  }
.LBB2_60:
0x400: {  	v15 =	vld [tilespmem:s18+$0x80];
	v12 =	vadd.f32 v12, v4;
	[tilespmem:s30+$0x1B0] =	vst v11  }
0x401: {  	s12 =	sadd.s32 $0x4, s12;
	v11 =	vadd.f32 v13, v4;
	[tilespmem:s10+$0xFFFFFF90] =	vst v14;
	v13 =	vld [tilespmem:s4+$0xA0]  }
0x402: {  	p6 =	slt.u32 s12, s0;
	v14 =	vld [tilespmem:s18+$0xFFFFFF80];
	[tilespmem:s10+$0x90] =	vst v12;
	v9 =	vadd.f32 v9, v7  }
0x403: {  	v12 =	vld [tilespmem:s18+$0x0];
	[tilespmem:s10+$0xFFFFFE90] =	vst v11;
	v8 =	vadd.f32 v8, v7  }
0x404: {  	v11 =	vld [tilespmem:s18+$0xFFFFFF00];
	[tilespmem:s30+$0xFFFFFEB0] =	vst v9;
	v9 =	vadd.f32 v10, v7  }
0x405: {  	v10 =	vadd.f32 v15, v2;
	v15 =	vld [tilespmem:s4+$0xFFFFFF20];
	[tilespmem:s30+$0xFFFFFFB0] =	vst v8  }
0x406: {  	v8 =	vld [tilespmem:s4+$0xFFFFFFA0];
	v13 =	vadd.f32 v13, v5;
	[tilespmem:s30+$0xB0] =	vst v9;
	s30 =	smov.u32 s10;
	s10 =	sadd.s32 $0x400, s10  }
0x407: {  	v9 =	vadd.f32 v14, v2;
	[tilespmem:s10+$0x100] =	vst v10;
	v10 =	vld [tilespmem:s4+$0x20]  }
0x408: {  	v12 =	vadd.f32 v12, v2;
	v14 =	vld [tilespmem:s18+$0xC0];
	[tilespmem:s30+$0x120] =	vst v13  }
0x409: {  	v11 =	vadd.f32 v11, v2;
	[tilespmem:s10+$0xFFFFFF00] =	vst v9;
	v9 =	vld [tilespmem:s4+$0xE0]  }
0x40a: {  	v13 =	vld [tilespmem:s18+$0xFFFFFFC0];
	[tilespmem:s10+$0x0] =	vst v12;
	v12 =	vadd.f32 v15, v5  }
0x40b: {  	[tilespmem:s10+$0xFFFFFE00] =	vst v11;
	v11 =	vld [tilespmem:s18+$0x40];
	v8 =	vadd.f32 v8, v5  }
0x40c: {  	v15 =	vld [tilespmem:s18+$0xFFFFFF40];
	[tilespmem:s30+$0xFFFFFE20] =	vst v12;
	v10 =	vadd.f32 v10, v5  }
0x40d: {  	v12 =	vadd.f32 v14, v2;
	v14 =	vld [tilespmem:s4+$0xFFFFFF60];
	[tilespmem:s30+$0xFFFFFF20] =	vst v8  }
0x40e: {  	v8 =	vld [tilespmem:s4+$0xFFFFFFE0];
	[tilespmem:s30+$0x20] =	vst v10;
	v9 =	vadd.f32 v9, v5  }
0x40f: {  	v10 =	vadd.f32 v13, v2;
	[tilespmem:s10+$0x180] =	vst v12;
	v12 =	vld [tilespmem:s4+$0x60]  }
0x410: {  	v11 =	vadd.f32 v11, v2;
	v13 =	vld [tilespmem:s18+$0x90];
	[tilespmem:s30+$0x1A0] =	vst v9  }
0x411: {  	v9 =	vadd.f32 v15, v2;
	[tilespmem:s10+$0xFFFFFF80] =	vst v10;
	v10 =	vld [tilespmem:s4+$0xB0]  }
0x412: {  	v15 =	vld [tilespmem:s18+$0xFFFFFF90];
	[tilespmem:s10+$0x80] =	vst v11;
	v11 =	vadd.f32 v14, v5  }
0x413: {  	[tilespmem:s10+$0xFFFFFE80] =	vst v9;
	v9 =	vld [tilespmem:s18+$0x10];
	v8 =	vadd.f32 v8, v5  }
0x414: {  	v14 =	vld [tilespmem:s18+$0xFFFFFF10];
	[tilespmem:s30+$0xFFFFFEA0] =	vst v11;
	v11 =	vadd.f32 v12, v5  }
0x415: {  	v12 =	vadd.f32 v13, v4;
	v13 =	vld [tilespmem:s4+$0xFFFFFF30];
	[tilespmem:s30+$0xFFFFFFA0] =	vst v8  }
0x416: {  	v8 =	vld [tilespmem:s4+$0xFFFFFFB0];
	[tilespmem:s30+$0xA0] =	vst v11;
	v10 =	vadd.f32 v10, v7  }
0x417: {  	v11 =	vadd.f32 v15, v4;
	[tilespmem:s10+$0x110] =	vst v12;
	v15 =	vld [tilespmem:s4+$0x30]  }
0x418: {  	v9 =	vadd.f32 v9, v4;
	v16 =	vld [tilespmem:s18+$0xD0];
	[tilespmem:s30+$0x130] =	vst v10  }
0x419: {  	v10 =	vadd.f32 v14, v4;
	[tilespmem:s10+$0xFFFFFF10] =	vst v11;
	v11 =	vld [tilespmem:s4+$0xF0]  }
0x41a: {  	v14 =	vld [tilespmem:s18+$0xFFFFFFD0];
	[tilespmem:s10+$0x10] =	vst v9;
	v9 =	vadd.f32 v13, v7  }
.Ltmp37:
0x41b: {  	[tilespmem:s10+$0xFFFFFE10] =	vst v10;
	v12 =	vld [tilespmem:s18+$0x50];
	v8 =	vadd.f32 v8, v7;
	(pc) =	sbr.rel @p6 .LBB2_60-.Ltmp37, $4  }
0x41c: {  	v13 =	vld [tilespmem:s18+$0xFFFFFF50];
	[tilespmem:s30+$0xFFFFFE30] =	vst v9;
	v10 =	vadd.f32 v15, v7  }
0x41d: {  	v15 =	vadd.f32 v16, v4;
	v9 =	vld [tilespmem:s4+$0xFFFFFF70];
	[tilespmem:s30+$0xFFFFFF30] =	vst v8  }
0x41e: {  	v8 =	vld [tilespmem:s4+$0xFFFFFFF0];
	[tilespmem:s30+$0x30] =	vst v10;
	v11 =	vadd.f32 v11, v7  }
0x41f: {  	v14 =	vadd.f32 v14, v4;
	[tilespmem:s10+$0x190] =	vst v15;
	v10 =	vld [tilespmem:s4+$0x70];
	s4 =	smov.u32 s18;
	s18 =	sadd.s32 $0x200, s18  }
0x420: {  	s0 =	smov.u32 s30;
	s30 =	smov.u32 s10;
	s1 =	smov.u32 s4  }
.LBB2_62:
0x421: {  	v13 =	vadd.f32 v13, v4;
	v15 =	vld [tilespmem:s1+$0xA0]  }
0x422: {  	v12 =	vadd.f32 v12, v4;
	[tilespmem:s30+$0xFFFFFF90] =	vst v14  }
0x423: {  	v53 =	vld [tilespmem:s1+$0xFFFFFFA0];
	[tilespmem:s30+$0xFFFFFE90] =	vst v13  }
0x424: {  	[tilespmem:s30+$0x90] =	vst v12;
	v13 =	vld [tilespmem:s1+$0xFFFFFF20]  }
0x425: {  	v54 =	vld [tilespmem:s1+$0x20]  }
0x426: {  	v15 =	vadd.f32 v15, v5;
	_ =	sdelay $0x1  }
0x427: {  	v12 =	vadd.f32 v53, v5;
	[tilespmem:s30+$0x120] =	vst v15  }
0x428: {  	v13 =	vadd.f32 v13, v5;
	v15 =	vld [tilespmem:s1+$0xE0]  }
0x429: {  	v55 =	vadd.f32 v54, v5;
	[tilespmem:s30+$0xFFFFFF20] =	vst v12  }
0x42a: {  	v12 =	vld [tilespmem:s1+$0xFFFFFFE0];
	[tilespmem:s30+$0xFFFFFE20] =	vst v13  }
0x42b: {  	[tilespmem:s30+$0x20] =	vst v55;
	v56 =	vld [tilespmem:s1+$0xFFFFFF60]  }
0x42c: {  	v13 =	vld [tilespmem:s1+$0x60]  }
0x42d: {  	v15 =	vadd.f32 v15, v5;
	_ =	sdelay $0x1  }
0x42e: {  	v12 =	vadd.f32 v12, v5;
	[tilespmem:s30+$0x1A0] =	vst v15  }
0x42f: {  	v14 =	vadd.f32 v56, v5;
	v15 =	vld [tilespmem:s1+$0xB0]  }
0x430: {  	v13 =	vadd.f32 v13, v5;
	[tilespmem:s30+$0xFFFFFFA0] =	vst v12  }
0x431: {  	v12 =	vld [tilespmem:s1+$0xFFFFFFB0];
	[tilespmem:s30+$0xFFFFFEA0] =	vst v14  }
0x432: {  	[tilespmem:s30+$0xA0] =	vst v13;
	v14 =	vld [tilespmem:s1+$0xFFFFFF30]  }
0x433: {  	v13 =	vld [tilespmem:s1+$0x30]  }
0x434: {  	v15 =	vadd.f32 v15, v7;
	_ =	sdelay $0x1  }
0x435: {  	v12 =	vadd.f32 v12, v7;
	[tilespmem:s30+$0x130] =	vst v15  }
0x436: {  	v14 =	vadd.f32 v14, v7;
	v57 =	vld [tilespmem:s1+$0xF0]  }
0x437: {  	v13 =	vadd.f32 v13, v7;
	[tilespmem:s30+$0xFFFFFF30] =	vst v12  }
0x438: {  	v59 =	vld [tilespmem:s1+$0xFFFFFFF0];
	[tilespmem:s30+$0xFFFFFE30] =	vst v14  }
0x439: {  	v8 =	vadd.f32 @p5 v8, v7;
	[tilespmem:s30+$0x30] =	vst v13;
	v58 =	vld [tilespmem:s1+$0xFFFFFF70]  }
0x43a: {  	[tilespmem:s0+$0x1B0] =	vst @p5 v11;
	v9 =	vadd.f32 @p5 v9, v7;
	v60 =	vld [tilespmem:s1+$0x70]  }
0x43b: {  	[tilespmem:s0+$0xFFFFFFB0] =	vst @p5 v8;
	v8 =	vadd.f32 v57, v7  }
0x43c: {  	[tilespmem:s0+$0xFFFFFEB0] =	vst @p5 v9;
	v9 =	vadd.f32 @p5 v10, v7  }
0x43d: {  	[tilespmem:s30+$0x1B0] =	vst v8;
	v8 =	vadd.f32 v59, v7  }
0x43e: {  	[tilespmem:s0+$0xB0] =	vst @p5 v9;
	v61 =	vadd.f32 v58, v7  }
0x43f: {  	v62 =	vadd.f32 v60, v7;
	[tilespmem:s30+$0xFFFFFFB0] =	vst v8  }
0x440: {  	[tilespmem:s30+$0xFFFFFEB0] =	vst v61  }
0x441: {  	[tilespmem:s30+$0xB0] =	vst v62  }
.LBB2_51:
0x442: {  	s0 =	sld [smem:$0x7FB];
	_ =	sdelay $0x2  }
0x443: {  	p5 =	seq.s32 s0, $0x1  }
.Ltmp38:
0x444: {  	_ = 	snop;
	(pc) =	sbr.rel @p5 .LBB2_53-.Ltmp38, $1  }
0x445: {  	_ =	sdelay $0x3  }
.LBB2_52:
0x446: {  	v8 =	vld [tilespmem:s19+$0xFFFFFFC0];
	_ =	sdelay $0x4  }
0x447: {  	v8 =	vadd.f32 v8, v2;
	_ =	sdelay $0x1  }
0x448: {  	[tilespmem:s13+$0xFFFFFF80] =	vst v8  }
0x449: {  	v8 =	vld [tilespmem:s19+$0x0];
	_ =	sdelay $0x4  }
0x44a: {  	v8 =	vadd.f32 v8, v2;
	_ =	sdelay $0x1  }
0x44b: {  	[tilespmem:s13+$0x0] =	vst v8  }
0x44c: {  	v8 =	vld [tilespmem:s19+$0xFFFFFFD0];
	_ =	sdelay $0x4  }
0x44d: {  	v8 =	vadd.f32 v8, v4;
	_ =	sdelay $0x1  }
0x44e: {  	[tilespmem:s13+$0xFFFFFF90] =	vst v8  }
0x44f: {  	v8 =	vld [tilespmem:s19+$0x10];
	_ =	sdelay $0x4  }
0x450: {  	v8 =	vadd.f32 v8, v4;
	_ =	sdelay $0x1  }
0x451: {  	[tilespmem:s13+$0x10] =	vst v8  }
0x452: {  	v8 =	vld [tilespmem:s19+$0xFFFFFFE0];
	_ =	sdelay $0x4  }
0x453: {  	v8 =	vadd.f32 v8, v5;
	_ =	sdelay $0x1  }
0x454: {  	[tilespmem:s13+$0xFFFFFFA0] =	vst v8  }
0x455: {  	v8 =	vld [tilespmem:s19+$0x20];
	_ =	sdelay $0x4  }
0x456: {  	v8 =	vadd.f32 v8, v5;
	_ =	sdelay $0x1  }
0x457: {  	[tilespmem:s13+$0x20] =	vst v8  }
0x458: {  	v8 =	vld [tilespmem:s19+$0xFFFFFFF0];
	_ =	sdelay $0x4  }
0x459: {  	v8 =	vadd.f32 v8, v7;
	_ =	sdelay $0x1  }
0x45a: {  	[tilespmem:s13+$0xFFFFFFB0] =	vst v8  }
0x45b: {  	v8 =	vld [tilespmem:s19+$0x30]  }
0x45c: {  	s11 =	sadd.s32 $0x1, s11  }
0x45d: {  	p5 =	slt.u32 s11, $0x7F  }
.Ltmp39:
0x45e: {  	_ = 	snop;
	(pc) =	sbr.rel @p5 .LBB2_52-.Ltmp39, $3  }
0x45f: {  	_ = 	snop  }
0x460: {  	v8 =	vadd.f32 v8, v7;
	_ =	sdelay $0x1  }
0x461: {  	s19 =	sadd.s32 $0x80, s19;
	[tilespmem:s13+$0x30] =	vst v8;
	s13 =	sadd.s32 $0x100, s13  }
.LBB2_53:
0x462: {  	v8 =	vld @!p4 [tilespmem:s23+$0x0];
	_ =	sdelay $0x4  }
0x463: {  	v8 =	vadd.f32 @!p4 v8, v6;
	_ =	sdelay $0x1  }
0x464: {  	[tilespmem:s6+$0x10000] =	vst @!p4 v8;
	v8 =	vimm.f32 @!p4 $0.0e+00  }
0x465: {  	s0 =	sor.u32 $0x10, s23;
	[tilespmem:s6+$0x10080] =	vst @!p4 v8  }
0x466: {  	v9 =	vld @!p4 [tilespmem:s0+$0x0];
	_ =	sdelay $0x4  }
0x467: {  	v9 =	vadd.f32 @!p4 v9, v3  }
0x468: {  	[tilespmem:s6+$0x10090] =	vst @!p4 v8  }
0x469: {  	s1 =	sor.u32 $0x20, s23;
	[tilespmem:s6+$0x10010] =	vst @!p4 v9  }
0x46a: {  	v9 =	vld @!p4 [tilespmem:s1+$0x0];
	_ =	sdelay $0x4  }
0x46b: {  	v9 =	vadd.f32 @!p4 v9, v1  }
0x46c: {  	[tilespmem:s6+$0x100A0] =	vst @!p4 v8  }
0x46d: {  	s4 =	sor.u32 $0x30, s23;
	[tilespmem:s6+$0x10020] =	vst @!p4 v9  }
0x46e: {  	v9 =	vld @!p4 [tilespmem:s4+$0x0];
	_ =	sdelay $0x4  }
0x46f: {  	v9 =	vadd.f32 @!p4 v9, v0  }
0x470: {  	s26 =	rddreg [dreg:$0x7];
	[tilespmem:s6+$0x100B0] =	vst @!p4 v8  }
0x471: {  	s30 =	simm.s32 $0x2;
	[tilespmem:s6+$0x10030] =	vst @!p4 v9;
	s6 =	sadd.s32 s24, s26  }
0x472: {  	[hbm4b:s6+s21] =	stream.linear.scatter [tilespmem:s20], [sflag:$0x1], $0x8000, $0x38;
	v63 =	vld [tilespmem:$0x0]  }
0x473: {  	_ =	swait.ge [sflag:s30], $0x8000  }
0x474: {  	s31 =	sld [smem:$0x7FA];
	_ =	sdelay $0x2  }
0x475: {  	p4 =	seq.s32 s31, $0x1  }
.Ltmp40:
0x476: {  	_ = 	snop;
	(pc) =	sbr.rel @p4 .LBB2_68-.Ltmp40, $3  }
0x477: {  	_ =	sdelay $0x1  }
0x478: {  	[sflag:s30] =	ssyncset.done $0x0  }
0x479: {  	[sflag:s30] =	ssyncadd.s32 $0xFFFF8000  }
0x47a: {  	s12 =	simm.s32 $0x41F0  }
0x47b: {  	v8 =	vld [tilespmem:s12+$0xFFFFFF90];
	_ =	sdelay $0x1  }
0x47c: {  	v9 =	vld [tilespmem:s12+$0xFFFFFE90];
	_ =	sdelay $0x2  }
0x47d: {  	v8 =	vadd.f32 v8, v6  }
0x47e: {  	s6 =	simm.s32 $0x18200;
	v10 =	vld [tilespmem:s12+$0xFFFFFF10]  }
0x47f: {  	v11 =	vld [tilespmem:s12+$0xFFFFFE10];
	v9 =	vadd.f32 v9, v6;
	[tilespmem:s6+$0x100] =	vst v8  }
0x480: {  	v8 =	vld [tilespmem:s12+$0xFFFFFFD0]  }
0x481: {  	[tilespmem:s6+$0xFFFFFF00] =	vst v9  }
0x482: {  	v9 =	vld [tilespmem:s12+$0xFFFFFED0]  }
0x483: {  	v10 =	vadd.f32 v10, v6  }
0x484: {  	v11 =	vadd.f32 v11, v6  }
0x485: {  	[tilespmem:s6+$0x0] =	vst v10;
	v8 =	vadd.f32 v8, v6  }
0x486: {  	[tilespmem:s6+$0xFFFFFE00] =	vst v11;
	v10 =	vld [tilespmem:s12+$0xFFFFFF50]  }
0x487: {  	v11 =	vld [tilespmem:s12+$0xFFFFFE50];
	v9 =	vadd.f32 v9, v6;
	[tilespmem:s6+$0x180] =	vst v8  }
0x488: {  	v8 =	vld [tilespmem:s12+$0xFFFFFFA0]  }
0x489: {  	[tilespmem:s6+$0xFFFFFF80] =	vst v9  }
0x48a: {  	v9 =	vld [tilespmem:s12+$0xFFFFFEA0]  }
0x48b: {  	v10 =	vadd.f32 v10, v6  }
0x48c: {  	v11 =	vadd.f32 v11, v6  }
0x48d: {  	[tilespmem:s6+$0x80] =	vst v10;
	v8 =	vadd.f32 v8, v3  }
0x48e: {  	[tilespmem:s6+$0xFFFFFE80] =	vst v11;
	v10 =	vld [tilespmem:s12+$0xFFFFFF20]  }
0x48f: {  	v11 =	vld [tilespmem:s12+$0xFFFFFE20];
	v9 =	vadd.f32 v9, v3;
	[tilespmem:s6+$0x110] =	vst v8  }
0x490: {  	v8 =	vld [tilespmem:s12+$0xFFFFFFE0]  }
0x491: {  	[tilespmem:s6+$0xFFFFFF10] =	vst v9  }
0x492: {  	p5 =	sgt.u32 s29, $0x84;
	v9 =	vld [tilespmem:s12+$0xFFFFFEE0]  }
.Ltmp41:
0x493: {  	v10 =	vadd.f32 v10, v3;
	(pc) =	sbr.rel @!p5 .LBB2_55-.Ltmp41, $4  }
0x494: {  	v11 =	vadd.f32 v11, v3  }
0x495: {  	[tilespmem:s6+$0x10] =	vst v10;
	v8 =	vadd.f32 v8, v3  }
0x496: {  	[tilespmem:s6+$0xFFFFFE10] =	vst v11;
	v12 =	vld [tilespmem:s12+$0xFFFFFF60]  }
0x497: {  	s10 =	simm.s32 $0x43F0;
	p4 =	por $0x0, $0x0;
	v13 =	vld [tilespmem:s12+$0xFFFFFE60];
	v14 =	vadd.f32 v9, v3;
	[tilespmem:s6+$0x190] =	vst v8  }
0x498: {  	_ =	sdelay $0x1  }
0x499: {  	v8 =	vld [tilespmem:s10+$0xFFFFFF90]  }
0x49a: {  	v9 =	vld [tilespmem:s12+$0xFFFFFFB0]  }
0x49b: {  	v11 =	vld [tilespmem:s10+$0xFFFFFE90];
	v10 =	vadd.f32 v13, v3  }
0x49c: {  	v13 =	vld [tilespmem:s10+$0xFFFFFF10]  }
0x49d: {  	v12 =	vadd.f32 v12, v3;
	[tilespmem:s6+$0xFFFFFE90] =	vst v10;
	v10 =	vld [tilespmem:s10+$0xFFFFFE10]  }
0x49e: {  	[tilespmem:s6+$0xFFFFFF90] =	vst v14;
	v8 =	vadd.f32 v8, v6;
	v14 =	vld [tilespmem:s12+$0xFFFFFE30]  }
0x49f: {  	s11 =	simm.s32 $0x18600;
	[tilespmem:s6+$0x90] =	vst v12;
	v12 =	vld [tilespmem:s12+$0xFFFFFEB0];
	v9 =	vadd.f32 v9, v1  }
0x4a0: {  	v11 =	vadd.f32 v11, v6;
	[tilespmem:s11+$0x100] =	vst v8;
	v8 =	vld [tilespmem:s12+$0xFFFFFF30]  }
0x4a1: {  	[tilespmem:s6+$0x120] =	vst v9;
	v15 =	vld [tilespmem:s10+$0xFFFFFFD0];
	v13 =	vadd.f32 v13, v6  }
0x4a2: {  	[tilespmem:s11+$0xFFFFFF00] =	vst v11;
	v9 =	vadd.f32 v10, v6;
	v10 =	vld [tilespmem:s12+$0xFFFFFFF0]  }
0x4a3: {  	v11 =	vld [tilespmem:s10+$0xFFFFFED0];
	[tilespmem:s11+$0x0] =	vst v13;
	v13 =	vadd.f32 v14, v1  }
0x4a4: {  	v12 =	vadd.f32 v12, v1;
	[tilespmem:s11+$0xFFFFFE00] =	vst v9;
	v9 =	vld [tilespmem:s10+$0xFFFFFF50]  }
0x4a5: {  	v8 =	vadd.f32 v8, v1;
	v14 =	vld [tilespmem:s10+$0xFFFFFE50];
	[tilespmem:s6+$0xFFFFFE20] =	vst v13  }
0x4a6: {  	[tilespmem:s6+$0xFFFFFF20] =	vst v12;
	v13 =	vadd.f32 v15, v6;
	v15 =	vld [tilespmem:s12+$0xFFFFFE70]  }
0x4a7: {  	v12 =	vld [tilespmem:s12+$0xFFFFFEF0];
	[tilespmem:s6+$0x20] =	vst v8;
	v8 =	vadd.f32 v10, v1  }
0x4a8: {  	v10 =	vadd.f32 v11, v6;
	[tilespmem:s11+$0x180] =	vst v13;
	v11 =	vld [tilespmem:s12+$0xFFFFFF70]  }
0x4a9: {  	v13 =	vld [tilespmem:s10+$0xFFFFFFA0];
	v9 =	vadd.f32 v9, v6;
	[tilespmem:s6+$0x1A0] =	vst v8  }
0x4aa: {  	[tilespmem:s11+$0xFFFFFF80] =	vst v10;
	v8 =	vadd.f32 v14, v6;
	v10 =	vld [tilespmem:s12+$0xFFFFFFC0]  }
0x4ab: {  	v14 =	vld [tilespmem:s10+$0xFFFFFEA0];
	[tilespmem:s11+$0x80] =	vst v9;
	v9 =	vadd.f32 v15, v1  }
0x4ac: {  	v12 =	vadd.f32 v12, v1;
	[tilespmem:s11+$0xFFFFFE80] =	vst v8;
	v8 =	vld [tilespmem:s10+$0xFFFFFF20]  }
0x4ad: {  	v15 =	vld [tilespmem:s10+$0xFFFFFE20];
	[tilespmem:s6+$0xFFFFFEA0] =	vst v9;
	v9 =	vadd.f32 v11, v1  }
0x4ae: {  	[tilespmem:s6+$0xFFFFFFA0] =	vst v12;
	v11 =	vadd.f32 v13, v3;
	v13 =	vld [tilespmem:s12+$0xFFFFFE40]  }
0x4af: {  	v16 =	vld [tilespmem:s12+$0xFFFFFEC0];
	[tilespmem:s6+$0xA0] =	vst v9;
	v9 =	vadd.f32 v10, v0  }
0x4b0: {  	v10 =	vadd.f32 v14, v3;
	[tilespmem:s11+$0x110] =	vst v11;
	v11 =	vld [tilespmem:s12+$0xFFFFFF40]  }
0x4b1: {  	v14 =	vld [tilespmem:s10+$0xFFFFFFE0];
	v8 =	vadd.f32 v8, v3;
	[tilespmem:s6+$0x130] =	vst v9  }
0x4b2: {  	[tilespmem:s11+$0xFFFFFF10] =	vst v10;
	v9 =	vadd.f32 v15, v3;
	v10 =	vld [tilespmem:s12+$0x0]  }
0x4b3: {  	p5 =	sgt.u32 s29, $0x88;
	v15 =	vld [tilespmem:s10+$0xFFFFFEE0];
	[tilespmem:s11+$0x10] =	vst v8;
	v8 =	vadd.f32 v13, v0  }
.Ltmp42:
0x4b4: {  	v16 =	vadd.f32 v16, v0;
	[tilespmem:s11+$0xFFFFFE10] =	vst v9;
	v12 =	vld [tilespmem:s10+$0xFFFFFF60];
	(pc) =	sbr.rel @!p5 .LBB2_64-.Ltmp42, $4  }
0x4b5: {  	v13 =	vld [tilespmem:s10+$0xFFFFFE60];
	[tilespmem:s6+$0xFFFFFE30] =	vst v8;
	v11 =	vadd.f32 v11, v0  }
0x4b6: {  	[tilespmem:s6+$0xFFFFFF30] =	vst v16;
	v17 =	vadd.f32 v14, v3;
	v9 =	vld [tilespmem:s12+$0xFFFFFE80]  }
0x4b7: {  	v8 =	vld [tilespmem:s12+$0xFFFFFF00];
	[tilespmem:s6+$0x30] =	vst v11;
	v11 =	vadd.f32 v10, v0  }
0x4b8: {  	s13 =	simm.s32 $0x88;
	s18 =	simm.s32 $0x45F0;
	p4 =	por $0x1, $0x1;
	v14 =	vadd.f32 v15, v3;
	[tilespmem:s11+$0x190] =	vst v17;
	v10 =	vld [tilespmem:s12+$0xFFFFFF80]  }
.LBB2_65:
0x4b9: {  	v15 =	vld [tilespmem:s18+$0xFFFFFF90];
	v12 =	vadd.f32 v12, v3;
	[tilespmem:s6+$0x1B0] =	vst v11  }
0x4ba: {  	s13 =	sadd.s32 $0x4, s13;
	v11 =	vadd.f32 v13, v3;
	[tilespmem:s11+$0xFFFFFF90] =	vst v14;
	v13 =	vld [tilespmem:s10+$0xFFFFFFB0]  }
0x4bb: {  	p5 =	slt.u32 s13, s29;
	v14 =	vld [tilespmem:s18+$0xFFFFFE90];
	[tilespmem:s11+$0x90] =	vst v12;
	v9 =	vadd.f32 v9, v0  }
0x4bc: {  	v12 =	vld [tilespmem:s18+$0xFFFFFF10];
	[tilespmem:s11+$0xFFFFFE90] =	vst v11;
	v8 =	vadd.f32 v8, v0  }
0x4bd: {  	v11 =	vld [tilespmem:s18+$0xFFFFFE10];
	[tilespmem:s6+$0xFFFFFEB0] =	vst v9;
	v9 =	vadd.f32 v10, v0  }
0x4be: {  	v10 =	vadd.f32 v15, v6;
	v15 =	vld [tilespmem:s10+$0xFFFFFE30];
	[tilespmem:s6+$0xFFFFFFB0] =	vst v8  }
0x4bf: {  	v8 =	vld [tilespmem:s10+$0xFFFFFEB0];
	v13 =	vadd.f32 v13, v1;
	[tilespmem:s6+$0xB0] =	vst v9;
	s6 =	smov.u32 s11;
	s11 =	sadd.s32 $0x400, s11  }
0x4c0: {  	v9 =	vadd.f32 v14, v6;
	[tilespmem:s11+$0x100] =	vst v10;
	v10 =	vld [tilespmem:s10+$0xFFFFFF30]  }
0x4c1: {  	v12 =	vadd.f32 v12, v6;
	v14 =	vld [tilespmem:s18+$0xFFFFFFD0];
	[tilespmem:s6+$0x120] =	vst v13  }
0x4c2: {  	v11 =	vadd.f32 v11, v6;
	[tilespmem:s11+$0xFFFFFF00] =	vst v9;
	v9 =	vld [tilespmem:s10+$0xFFFFFFF0]  }
0x4c3: {  	v13 =	vld [tilespmem:s18+$0xFFFFFED0];
	[tilespmem:s11+$0x0] =	vst v12;
	v12 =	vadd.f32 v15, v1  }
0x4c4: {  	[tilespmem:s11+$0xFFFFFE00] =	vst v11;
	v11 =	vld [tilespmem:s18+$0xFFFFFF50];
	v8 =	vadd.f32 v8, v1  }
0x4c5: {  	v15 =	vld [tilespmem:s18+$0xFFFFFE50];
	[tilespmem:s6+$0xFFFFFE20] =	vst v12;
	v10 =	vadd.f32 v10, v1  }
0x4c6: {  	v12 =	vadd.f32 v14, v6;
	v14 =	vld [tilespmem:s10+$0xFFFFFE70];
	[tilespmem:s6+$0xFFFFFF20] =	vst v8  }
0x4c7: {  	v8 =	vld [tilespmem:s10+$0xFFFFFEF0];
	[tilespmem:s6+$0x20] =	vst v10;
	v9 =	vadd.f32 v9, v1  }
0x4c8: {  	v10 =	vadd.f32 v13, v6;
	[tilespmem:s11+$0x180] =	vst v12;
	v12 =	vld [tilespmem:s10+$0xFFFFFF70]  }
0x4c9: {  	v11 =	vadd.f32 v11, v6;
	v13 =	vld [tilespmem:s18+$0xFFFFFFA0];
	[tilespmem:s6+$0x1A0] =	vst v9  }
0x4ca: {  	v9 =	vadd.f32 v15, v6;
	[tilespmem:s11+$0xFFFFFF80] =	vst v10;
	v10 =	vld [tilespmem:s10+$0xFFFFFFC0]  }
0x4cb: {  	v15 =	vld [tilespmem:s18+$0xFFFFFEA0];
	[tilespmem:s11+$0x80] =	vst v11;
	v11 =	vadd.f32 v14, v1  }
0x4cc: {  	[tilespmem:s11+$0xFFFFFE80] =	vst v9;
	v9 =	vld [tilespmem:s18+$0xFFFFFF20];
	v8 =	vadd.f32 v8, v1  }
0x4cd: {  	v14 =	vld [tilespmem:s18+$0xFFFFFE20];
	[tilespmem:s6+$0xFFFFFEA0] =	vst v11;
	v11 =	vadd.f32 v12, v1  }
0x4ce: {  	v12 =	vadd.f32 v13, v3;
	v13 =	vld [tilespmem:s10+$0xFFFFFE40];
	[tilespmem:s6+$0xFFFFFFA0] =	vst v8  }
0x4cf: {  	v8 =	vld [tilespmem:s10+$0xFFFFFEC0];
	[tilespmem:s6+$0xA0] =	vst v11;
	v10 =	vadd.f32 v10, v0  }
0x4d0: {  	v11 =	vadd.f32 v15, v3;
	[tilespmem:s11+$0x110] =	vst v12;
	v15 =	vld [tilespmem:s10+$0xFFFFFF40]  }
0x4d1: {  	v9 =	vadd.f32 v9, v3;
	v16 =	vld [tilespmem:s18+$0xFFFFFFE0];
	[tilespmem:s6+$0x130] =	vst v10  }
0x4d2: {  	v10 =	vadd.f32 v14, v3;
	[tilespmem:s11+$0xFFFFFF10] =	vst v11;
	v11 =	vld [tilespmem:s10+$0x0]  }
0x4d3: {  	v14 =	vld [tilespmem:s18+$0xFFFFFEE0];
	[tilespmem:s11+$0x10] =	vst v9;
	v9 =	vadd.f32 v13, v0  }
.Ltmp43:
0x4d4: {  	[tilespmem:s11+$0xFFFFFE10] =	vst v10;
	v12 =	vld [tilespmem:s18+$0xFFFFFF60];
	v8 =	vadd.f32 v8, v0;
	(pc) =	sbr.rel @p5 .LBB2_65-.Ltmp43, $4  }
0x4d5: {  	v13 =	vld [tilespmem:s18+$0xFFFFFE60];
	[tilespmem:s6+$0xFFFFFE30] =	vst v9;
	v10 =	vadd.f32 v15, v0  }
0x4d6: {  	v15 =	vadd.f32 v16, v3;
	v9 =	vld [tilespmem:s10+$0xFFFFFE80];
	[tilespmem:s6+$0xFFFFFF30] =	vst v8  }
0x4d7: {  	v8 =	vld [tilespmem:s10+$0xFFFFFF00];
	[tilespmem:s6+$0x30] =	vst v10;
	v11 =	vadd.f32 v11, v0  }
0x4d8: {  	v14 =	vadd.f32 v14, v3;
	[tilespmem:s11+$0x190] =	vst v15;
	v10 =	vld [tilespmem:s10+$0xFFFFFF80];
	s10 =	smov.u32 s18;
	s18 =	sadd.s32 $0x200, s18  }
0x4d9: {  	s13 =	smov.u32 s6;
	s6 =	smov.u32 s11;
	s12 =	smov.u32 s10  }
.LBB2_67:
0x4da: {  	v13 =	vadd.f32 v13, v3;
	v15 =	vld [tilespmem:s12+$0xFFFFFFB0]  }
0x4db: {  	v12 =	vadd.f32 v12, v3;
	[tilespmem:s6+$0xFFFFFF90] =	vst v14  }
0x4dc: {  	v53 =	vld [tilespmem:s12+$0xFFFFFEB0];
	[tilespmem:s6+$0xFFFFFE90] =	vst v13  }
0x4dd: {  	[tilespmem:s6+$0x90] =	vst v12;
	v13 =	vld [tilespmem:s12+$0xFFFFFE30]  }
0x4de: {  	v54 =	vld [tilespmem:s12+$0xFFFFFF30]  }
0x4df: {  	v15 =	vadd.f32 v15, v1;
	_ =	sdelay $0x1  }
0x4e0: {  	v12 =	vadd.f32 v53, v1;
	[tilespmem:s6+$0x120] =	vst v15  }
0x4e1: {  	v13 =	vadd.f32 v13, v1;
	v15 =	vld [tilespmem:s12+$0xFFFFFFF0]  }
0x4e2: {  	v55 =	vadd.f32 v54, v1;
	[tilespmem:s6+$0xFFFFFF20] =	vst v12  }
0x4e3: {  	v12 =	vld [tilespmem:s12+$0xFFFFFEF0];
	[tilespmem:s6+$0xFFFFFE20] =	vst v13  }
0x4e4: {  	[tilespmem:s6+$0x20] =	vst v55;
	v56 =	vld [tilespmem:s12+$0xFFFFFE70]  }
0x4e5: {  	v13 =	vld [tilespmem:s12+$0xFFFFFF70]  }
0x4e6: {  	v15 =	vadd.f32 v15, v1;
	_ =	sdelay $0x1  }
0x4e7: {  	v12 =	vadd.f32 v12, v1;
	[tilespmem:s6+$0x1A0] =	vst v15  }
0x4e8: {  	v14 =	vadd.f32 v56, v1;
	v15 =	vld [tilespmem:s12+$0xFFFFFFC0]  }
0x4e9: {  	v13 =	vadd.f32 v13, v1;
	[tilespmem:s6+$0xFFFFFFA0] =	vst v12  }
0x4ea: {  	v12 =	vld [tilespmem:s12+$0xFFFFFEC0];
	[tilespmem:s6+$0xFFFFFEA0] =	vst v14  }
0x4eb: {  	[tilespmem:s6+$0xA0] =	vst v13;
	v14 =	vld [tilespmem:s12+$0xFFFFFE40]  }
0x4ec: {  	v13 =	vld [tilespmem:s12+$0xFFFFFF40]  }
0x4ed: {  	v15 =	vadd.f32 v15, v0;
	_ =	sdelay $0x1  }
0x4ee: {  	v12 =	vadd.f32 v12, v0;
	[tilespmem:s6+$0x130] =	vst v15  }
0x4ef: {  	v14 =	vadd.f32 v14, v0;
	v57 =	vld [tilespmem:s12+$0x0]  }
0x4f0: {  	v13 =	vadd.f32 v13, v0;
	[tilespmem:s6+$0xFFFFFF30] =	vst v12  }
0x4f1: {  	v59 =	vld [tilespmem:s12+$0xFFFFFF00];
	[tilespmem:s6+$0xFFFFFE30] =	vst v14  }
0x4f2: {  	v8 =	vadd.f32 @p4 v8, v0;
	[tilespmem:s6+$0x30] =	vst v13;
	v58 =	vld [tilespmem:s12+$0xFFFFFE80]  }
0x4f3: {  	[tilespmem:s13+$0x1B0] =	vst @p4 v11;
	v9 =	vadd.f32 @p4 v9, v0;
	v60 =	vld [tilespmem:s12+$0xFFFFFF80]  }
0x4f4: {  	[tilespmem:s13+$0xFFFFFFB0] =	vst @p4 v8;
	v8 =	vadd.f32 v57, v0  }
0x4f5: {  	[tilespmem:s13+$0xFFFFFEB0] =	vst @p4 v9;
	v9 =	vadd.f32 @p4 v10, v0  }
0x4f6: {  	[tilespmem:s6+$0x1B0] =	vst v8;
	v8 =	vadd.f32 v59, v0  }
0x4f7: {  	[tilespmem:s13+$0xB0] =	vst @p4 v9;
	v61 =	vadd.f32 v58, v0  }
0x4f8: {  	v62 =	vadd.f32 v60, v0;
	[tilespmem:s6+$0xFFFFFFB0] =	vst v8  }
0x4f9: {  	[tilespmem:s6+$0xFFFFFEB0] =	vst v61  }
0x4fa: {  	[tilespmem:s6+$0xB0] =	vst v62  }
.LBB2_68:
.Ltmp44:
0x4fb: {  	(pc) =	sbr.rel @p1 .LBB2_69-.Ltmp44, $1  }
0x4fc: {  	_ =	sdelay $0x3  }
.LBB2_83:
0x4fd: {  	v8 =	vld [tilespmem:s8+$0xFFFFFFC0];
	_ =	sdelay $0x4  }
0x4fe: {  	v8 =	vadd.f32 v8, v6;
	_ =	sdelay $0x1  }
0x4ff: {  	[tilespmem:s5+$0x0] =	vst v8  }
0x500: {  	v8 =	vld [tilespmem:s8+$0x0];
	_ =	sdelay $0x4  }
0x501: {  	v8 =	vadd.f32 v8, v6;
	_ =	sdelay $0x1  }
0x502: {  	[tilespmem:s5+$0x80] =	vst v8  }
0x503: {  	v8 =	vld [tilespmem:s8+$0xFFFFFFD0];
	_ =	sdelay $0x4  }
0x504: {  	v8 =	vadd.f32 v8, v3;
	_ =	sdelay $0x1  }
0x505: {  	[tilespmem:s5+$0x10] =	vst v8  }
0x506: {  	v8 =	vld [tilespmem:s8+$0x10];
	_ =	sdelay $0x4  }
0x507: {  	v8 =	vadd.f32 v8, v3;
	_ =	sdelay $0x1  }
0x508: {  	[tilespmem:s5+$0x90] =	vst v8  }
0x509: {  	v8 =	vld [tilespmem:s8+$0xFFFFFFE0];
	_ =	sdelay $0x4  }
0x50a: {  	v8 =	vadd.f32 v8, v1;
	_ =	sdelay $0x1  }
0x50b: {  	[tilespmem:s5+$0x20] =	vst v8  }
0x50c: {  	v8 =	vld [tilespmem:s8+$0x20];
	_ =	sdelay $0x4  }
0x50d: {  	v8 =	vadd.f32 v8, v1;
	_ =	sdelay $0x1  }
0x50e: {  	[tilespmem:s5+$0xA0] =	vst v8  }
0x50f: {  	v8 =	vld [tilespmem:s8+$0xFFFFFFF0];
	_ =	sdelay $0x4  }
0x510: {  	v8 =	vadd.f32 v8, v0;
	_ =	sdelay $0x1  }
0x511: {  	[tilespmem:s5+$0x30] =	vst v8  }
0x512: {  	v8 =	vld [tilespmem:s8+$0x30]  }
0x513: {  	s29 =	sadd.s32 $0x1, s29  }
0x514: {  	p1 =	slt.u32 s29, s28  }
.Ltmp45:
0x515: {  	_ = 	snop;
	(pc) =	sbr.rel @p1 .LBB2_83-.Ltmp45, $3  }
0x516: {  	_ = 	snop  }
0x517: {  	v8 =	vadd.f32 v8, v0;
	_ =	sdelay $0x1  }
0x518: {  	s8 =	sadd.s32 $0x80, s8;
	[tilespmem:s5+$0xB0] =	vst v8;
	s5 =	sadd.s32 $0x100, s5  }
.LBB2_69:
.Ltmp46:
0x519: {  	(pc) =	sbr.rel @p2 .LBB2_70-.Ltmp46, $1  }
0x51a: {  	_ =	sdelay $0x3  }
0x51b: {  	v8 =	vld [tilespmem:s14+$0x80]  }
0x51c: {  	v9 =	vld [tilespmem:s14+$0xFFFFFF80];
	_ =	sdelay $0x3  }
0x51d: {  	v8 =	vadd.f32 v8, v2  }
0x51e: {  	v10 =	vld [tilespmem:s14+$0x0];
	v9 =	vadd.f32 v9, v2  }
0x51f: {  	v11 =	vld [tilespmem:s14+$0xFFFFFF00];
	[tilespmem:s2+$0x300] =	vst v8  }
0x520: {  	[tilespmem:s2+$0x100] =	vst v9;
	v8 =	vld [tilespmem:s14+$0xC0]  }
0x521: {  	v9 =	vld [tilespmem:s14+$0xFFFFFFC0];
	_ =	sdelay $0x1  }
0x522: {  	v10 =	vadd.f32 v10, v2  }
0x523: {  	v11 =	vadd.f32 v11, v2  }
0x524: {  	[tilespmem:s2+$0x200] =	vst v10;
	v8 =	vadd.f32 v8, v2  }
0x525: {  	[tilespmem:s2+$0x0] =	vst v11;
	v10 =	vld [tilespmem:s14+$0x40];
	v9 =	vadd.f32 v9, v2  }
0x526: {  	v11 =	vld [tilespmem:s14+$0xFFFFFF40];
	[tilespmem:s2+$0x380] =	vst v8  }
0x527: {  	[tilespmem:s2+$0x180] =	vst v9;
	v8 =	vld [tilespmem:s14+$0x90]  }
0x528: {  	v9 =	vld [tilespmem:s14+$0xFFFFFF90];
	_ =	sdelay $0x1  }
0x529: {  	v10 =	vadd.f32 v10, v2  }
0x52a: {  	v11 =	vadd.f32 v11, v2  }
0x52b: {  	[tilespmem:s2+$0x280] =	vst v10;
	v8 =	vadd.f32 v8, v4  }
0x52c: {  	[tilespmem:s2+$0x80] =	vst v11;
	v9 =	vadd.f32 v9, v4  }
0x52d: {  	v10 =	vld [tilespmem:s14+$0x10];
	[tilespmem:s2+$0x310] =	vst v8  }
0x52e: {  	v11 =	vld [tilespmem:s14+$0xFFFFFF10];
	[tilespmem:s2+$0x110] =	vst v9  }
0x52f: {  	v8 =	vld [tilespmem:s14+$0xD0];
	s5 =	rddreg [dreg:$0x10]  }
0x530: {  	s7 =	sadd.s32 $0x4, s5  }
0x531: {  	v9 =	vld [tilespmem:s14+$0xFFFFFFD0];
	p2 =	slt.u32 s7, s3  }
.Ltmp47:
0x532: {  	v10 =	vadd.f32 v10, v4;
	(pc) =	sbr.rel @!p2 .LBB2_76-.Ltmp47, $4  }
0x533: {  	v11 =	vadd.f32 v11, v4  }
0x534: {  	[tilespmem:s2+$0x210] =	vst v10;
	v8 =	vadd.f32 v8, v4  }
0x535: {  	[tilespmem:s2+$0x10] =	vst v11;
	v12 =	vld [tilespmem:s14+$0x50]  }
0x536: {  	p1 =	por $0x0, $0x0;
	v13 =	vld [tilespmem:s14+$0xFFFFFF50];
	s5 =	sadd.s32 $0x200, s14;
	v14 =	vadd.f32 v9, v4;
	[tilespmem:s2+$0x390] =	vst v8  }
0x537: {  	_ =	sdelay $0x1  }
0x538: {  	v8 =	vld [tilespmem:s5+$0x80]  }
0x539: {  	v9 =	vld [tilespmem:s14+$0xA0]  }
0x53a: {  	v11 =	vld [tilespmem:s5+$0xFFFFFF80];
	v10 =	vadd.f32 v13, v4  }
0x53b: {  	v13 =	vld [tilespmem:s5+$0x0]  }
0x53c: {  	v12 =	vadd.f32 v12, v4;
	[tilespmem:s2+$0x90] =	vst v10;
	v10 =	vld [tilespmem:s5+$0xFFFFFF00]  }
0x53d: {  	[tilespmem:s2+$0x190] =	vst v14;
	v8 =	vadd.f32 v8, v2;
	v14 =	vld [tilespmem:s14+$0xFFFFFF20]  }
0x53e: {  	s6 =	sadd.s32 $0x400, s2;
	[tilespmem:s2+$0x290] =	vst v12;
	v12 =	vld [tilespmem:s14+$0xFFFFFFA0];
	v9 =	vadd.f32 v9, v5  }
0x53f: {  	v11 =	vadd.f32 v11, v2;
	[tilespmem:s6+$0x300] =	vst v8;
	v8 =	vld [tilespmem:s14+$0x20]  }
0x540: {  	[tilespmem:s2+$0x320] =	vst v9;
	v15 =	vld [tilespmem:s5+$0xC0];
	v13 =	vadd.f32 v13, v2  }
0x541: {  	[tilespmem:s6+$0x100] =	vst v11;
	v9 =	vadd.f32 v10, v2;
	v10 =	vld [tilespmem:s14+$0xE0]  }
0x542: {  	v11 =	vld [tilespmem:s5+$0xFFFFFFC0];
	[tilespmem:s6+$0x200] =	vst v13;
	v13 =	vadd.f32 v14, v5  }
0x543: {  	v12 =	vadd.f32 v12, v5;
	[tilespmem:s6+$0x0] =	vst v9;
	v9 =	vld [tilespmem:s5+$0x40]  }
0x544: {  	v8 =	vadd.f32 v8, v5;
	v14 =	vld [tilespmem:s5+$0xFFFFFF40];
	[tilespmem:s2+$0x20] =	vst v13  }
0x545: {  	[tilespmem:s2+$0x120] =	vst v12;
	v13 =	vadd.f32 v15, v2;
	v15 =	vld [tilespmem:s14+$0xFFFFFF60]  }
0x546: {  	v12 =	vld [tilespmem:s14+$0xFFFFFFE0];
	[tilespmem:s2+$0x220] =	vst v8;
	v8 =	vadd.f32 v10, v5  }
0x547: {  	v10 =	vadd.f32 v11, v2;
	[tilespmem:s6+$0x380] =	vst v13;
	v11 =	vld [tilespmem:s14+$0x60]  }
0x548: {  	v13 =	vld [tilespmem:s5+$0x90];
	v9 =	vadd.f32 v9, v2;
	[tilespmem:s2+$0x3A0] =	vst v8  }
0x549: {  	[tilespmem:s6+$0x180] =	vst v10;
	v8 =	vadd.f32 v14, v2;
	v10 =	vld [tilespmem:s14+$0xB0]  }
0x54a: {  	v14 =	vld [tilespmem:s5+$0xFFFFFF90];
	[tilespmem:s6+$0x280] =	vst v9;
	v9 =	vadd.f32 v15, v5  }
0x54b: {  	v12 =	vadd.f32 v12, v5;
	[tilespmem:s6+$0x80] =	vst v8;
	v8 =	vld [tilespmem:s5+$0x10]  }
0x54c: {  	v15 =	vld [tilespmem:s5+$0xFFFFFF10];
	[tilespmem:s2+$0xA0] =	vst v9;
	v9 =	vadd.f32 v11, v5  }
0x54d: {  	[tilespmem:s2+$0x1A0] =	vst v12;
	v11 =	vadd.f32 v13, v4;
	v13 =	vld [tilespmem:s14+$0xFFFFFF30]  }
0x54e: {  	v16 =	vld [tilespmem:s14+$0xFFFFFFB0];
	[tilespmem:s2+$0x2A0] =	vst v9;
	v9 =	vadd.f32 v10, v7  }
0x54f: {  	v10 =	vadd.f32 v14, v4;
	[tilespmem:s6+$0x310] =	vst v11;
	v11 =	vld [tilespmem:s14+$0x30]  }
0x550: {  	v14 =	vld [tilespmem:s5+$0xD0];
	v8 =	vadd.f32 v8, v4;
	[tilespmem:s2+$0x330] =	vst v9  }
0x551: {  	s7 =	sadd.s32 $0x4, s7;
	[tilespmem:s6+$0x110] =	vst v10;
	v9 =	vadd.f32 v15, v4;
	v10 =	vld [tilespmem:s14+$0xF0]  }
0x552: {  	p2 =	slt.u32 s7, s3;
	v15 =	vld [tilespmem:s5+$0xFFFFFFD0];
	[tilespmem:s6+$0x210] =	vst v8;
	v8 =	vadd.f32 v13, v7  }
.Ltmp48:
0x553: {  	v16 =	vadd.f32 v16, v7;
	[tilespmem:s6+$0x10] =	vst v9;
	v12 =	vld [tilespmem:s5+$0x50];
	(pc) =	sbr.rel @!p2 .LBB2_78-.Ltmp48, $4  }
0x554: {  	v13 =	vld [tilespmem:s5+$0xFFFFFF50];
	[tilespmem:s2+$0x30] =	vst v8;
	v11 =	vadd.f32 v11, v7  }
0x555: {  	[tilespmem:s2+$0x130] =	vst v16;
	v17 =	vadd.f32 v14, v4;
	v9 =	vld [tilespmem:s14+$0xFFFFFF70]  }
0x556: {  	v8 =	vld [tilespmem:s14+$0xFFFFFFF0];
	[tilespmem:s2+$0x230] =	vst v11;
	v11 =	vadd.f32 v10, v7  }
0x557: {  	s8 =	sadd.s32 $0x200, s5;
	p1 =	por $0x1, $0x1;
	v14 =	vadd.f32 v15, v4;
	[tilespmem:s6+$0x390] =	vst v17;
	v10 =	vld [tilespmem:s14+$0x70]  }
.LBB2_79:
0x558: {  	v15 =	vld [tilespmem:s8+$0x80];
	v12 =	vadd.f32 v12, v4;
	[tilespmem:s2+$0x3B0] =	vst v11  }
0x559: {  	s7 =	sadd.s32 $0x4, s7;
	v11 =	vadd.f32 v13, v4;
	[tilespmem:s6+$0x190] =	vst v14;
	v13 =	vld [tilespmem:s5+$0xA0]  }
0x55a: {  	p2 =	slt.u32 s7, s3;
	v14 =	vld [tilespmem:s8+$0xFFFFFF80];
	[tilespmem:s6+$0x290] =	vst v12;
	v9 =	vadd.f32 v9, v7  }
0x55b: {  	v12 =	vld [tilespmem:s8+$0x0];
	[tilespmem:s6+$0x90] =	vst v11;
	v8 =	vadd.f32 v8, v7  }
0x55c: {  	v11 =	vld [tilespmem:s8+$0xFFFFFF00];
	[tilespmem:s2+$0xB0] =	vst v9;
	v9 =	vadd.f32 v10, v7  }
0x55d: {  	v10 =	vadd.f32 v15, v2;
	v15 =	vld [tilespmem:s5+$0xFFFFFF20];
	[tilespmem:s2+$0x1B0] =	vst v8  }
0x55e: {  	v8 =	vld [tilespmem:s5+$0xFFFFFFA0];
	v13 =	vadd.f32 v13, v5;
	[tilespmem:s2+$0x2B0] =	vst v9;
	s2 =	smov.u32 s6;
	s6 =	sadd.s32 $0x400, s6  }
0x55f: {  	v9 =	vadd.f32 v14, v2;
	[tilespmem:s6+$0x300] =	vst v10;
	v10 =	vld [tilespmem:s5+$0x20]  }
0x560: {  	v12 =	vadd.f32 v12, v2;
	v14 =	vld [tilespmem:s8+$0xC0];
	[tilespmem:s2+$0x320] =	vst v13  }
0x561: {  	v11 =	vadd.f32 v11, v2;
	[tilespmem:s6+$0x100] =	vst v9;
	v9 =	vld [tilespmem:s5+$0xE0]  }
0x562: {  	v13 =	vld [tilespmem:s8+$0xFFFFFFC0];
	[tilespmem:s6+$0x200] =	vst v12;
	v12 =	vadd.f32 v15, v5  }
0x563: {  	[tilespmem:s6+$0x0] =	vst v11;
	v11 =	vld [tilespmem:s8+$0x40];
	v8 =	vadd.f32 v8, v5  }
0x564: {  	v15 =	vld [tilespmem:s8+$0xFFFFFF40];
	[tilespmem:s2+$0x20] =	vst v12;
	v10 =	vadd.f32 v10, v5  }
0x565: {  	v12 =	vadd.f32 v14, v2;
	v14 =	vld [tilespmem:s5+$0xFFFFFF60];
	[tilespmem:s2+$0x120] =	vst v8  }
0x566: {  	v8 =	vld [tilespmem:s5+$0xFFFFFFE0];
	[tilespmem:s2+$0x220] =	vst v10;
	v9 =	vadd.f32 v9, v5  }
0x567: {  	v10 =	vadd.f32 v13, v2;
	[tilespmem:s6+$0x380] =	vst v12;
	v12 =	vld [tilespmem:s5+$0x60]  }
0x568: {  	v11 =	vadd.f32 v11, v2;
	v13 =	vld [tilespmem:s8+$0x90];
	[tilespmem:s2+$0x3A0] =	vst v9  }
0x569: {  	v9 =	vadd.f32 v15, v2;
	[tilespmem:s6+$0x180] =	vst v10;
	v10 =	vld [tilespmem:s5+$0xB0]  }
0x56a: {  	v15 =	vld [tilespmem:s8+$0xFFFFFF90];
	[tilespmem:s6+$0x280] =	vst v11;
	v11 =	vadd.f32 v14, v5  }
0x56b: {  	[tilespmem:s6+$0x80] =	vst v9;
	v9 =	vld [tilespmem:s8+$0x10];
	v8 =	vadd.f32 v8, v5  }
0x56c: {  	v14 =	vld [tilespmem:s8+$0xFFFFFF10];
	[tilespmem:s2+$0xA0] =	vst v11;
	v11 =	vadd.f32 v12, v5  }
0x56d: {  	v12 =	vadd.f32 v13, v4;
	v13 =	vld [tilespmem:s5+$0xFFFFFF30];
	[tilespmem:s2+$0x1A0] =	vst v8  }
0x56e: {  	v8 =	vld [tilespmem:s5+$0xFFFFFFB0];
	[tilespmem:s2+$0x2A0] =	vst v11;
	v10 =	vadd.f32 v10, v7  }
0x56f: {  	v11 =	vadd.f32 v15, v4;
	[tilespmem:s6+$0x310] =	vst v12;
	v15 =	vld [tilespmem:s5+$0x30]  }
0x570: {  	v9 =	vadd.f32 v9, v4;
	v16 =	vld [tilespmem:s8+$0xD0];
	[tilespmem:s2+$0x330] =	vst v10  }
0x571: {  	v10 =	vadd.f32 v14, v4;
	[tilespmem:s6+$0x110] =	vst v11;
	v11 =	vld [tilespmem:s5+$0xF0]  }
0x572: {  	v14 =	vld [tilespmem:s8+$0xFFFFFFD0];
	[tilespmem:s6+$0x210] =	vst v9;
	v9 =	vadd.f32 v13, v7  }
.Ltmp49:
0x573: {  	[tilespmem:s6+$0x10] =	vst v10;
	v12 =	vld [tilespmem:s8+$0x50];
	v8 =	vadd.f32 v8, v7;
	(pc) =	sbr.rel @p2 .LBB2_79-.Ltmp49, $4  }
0x574: {  	v13 =	vld [tilespmem:s8+$0xFFFFFF50];
	[tilespmem:s2+$0x30] =	vst v9;
	v10 =	vadd.f32 v15, v7  }
0x575: {  	v15 =	vadd.f32 v16, v4;
	v9 =	vld [tilespmem:s5+$0xFFFFFF70];
	[tilespmem:s2+$0x130] =	vst v8  }
0x576: {  	v8 =	vld [tilespmem:s5+$0xFFFFFFF0];
	[tilespmem:s2+$0x230] =	vst v10;
	v11 =	vadd.f32 v11, v7  }
0x577: {  	v14 =	vadd.f32 v14, v4;
	[tilespmem:s6+$0x390] =	vst v15;
	v10 =	vld [tilespmem:s5+$0x70];
	s5 =	smov.u32 s8;
	s8 =	sadd.s32 $0x200, s8  }
0x578: {  	s3 =	smov.u32 s2;
	s2 =	smov.u32 s6;
	s14 =	smov.u32 s5  }
.LBB2_81:
0x579: {  	v13 =	vadd.f32 v13, v4;
	v15 =	vld [tilespmem:s14+$0xA0]  }
0x57a: {  	v12 =	vadd.f32 v12, v4;
	[tilespmem:s2+$0x190] =	vst v14  }
0x57b: {  	v53 =	vld [tilespmem:s14+$0xFFFFFFA0];
	[tilespmem:s2+$0x90] =	vst v13  }
0x57c: {  	[tilespmem:s2+$0x290] =	vst v12;
	v13 =	vld [tilespmem:s14+$0xFFFFFF20]  }
0x57d: {  	v54 =	vld [tilespmem:s14+$0x20]  }
0x57e: {  	v15 =	vadd.f32 v15, v5;
	_ =	sdelay $0x1  }
0x57f: {  	v12 =	vadd.f32 v53, v5;
	[tilespmem:s2+$0x320] =	vst v15  }
0x580: {  	v13 =	vadd.f32 v13, v5;
	v15 =	vld [tilespmem:s14+$0xE0]  }
0x581: {  	v55 =	vadd.f32 v54, v5;
	[tilespmem:s2+$0x120] =	vst v12  }
0x582: {  	v12 =	vld [tilespmem:s14+$0xFFFFFFE0];
	[tilespmem:s2+$0x20] =	vst v13  }
0x583: {  	[tilespmem:s2+$0x220] =	vst v55;
	v56 =	vld [tilespmem:s14+$0xFFFFFF60]  }
0x584: {  	v13 =	vld [tilespmem:s14+$0x60]  }
0x585: {  	v15 =	vadd.f32 v15, v5;
	_ =	sdelay $0x1  }
0x586: {  	v12 =	vadd.f32 v12, v5;
	[tilespmem:s2+$0x3A0] =	vst v15  }
0x587: {  	v14 =	vadd.f32 v56, v5;
	v15 =	vld [tilespmem:s14+$0xB0]  }
0x588: {  	v13 =	vadd.f32 v13, v5;
	[tilespmem:s2+$0x1A0] =	vst v12  }
0x589: {  	v12 =	vld [tilespmem:s14+$0xFFFFFFB0];
	[tilespmem:s2+$0xA0] =	vst v14  }
0x58a: {  	[tilespmem:s2+$0x2A0] =	vst v13;
	v14 =	vld [tilespmem:s14+$0xFFFFFF30]  }
0x58b: {  	v13 =	vld [tilespmem:s14+$0x30]  }
0x58c: {  	v15 =	vadd.f32 v15, v7;
	_ =	sdelay $0x1  }
0x58d: {  	v12 =	vadd.f32 v12, v7;
	[tilespmem:s2+$0x330] =	vst v15  }
0x58e: {  	v14 =	vadd.f32 v14, v7;
	v57 =	vld [tilespmem:s14+$0xF0]  }
0x58f: {  	v13 =	vadd.f32 v13, v7;
	[tilespmem:s2+$0x130] =	vst v12  }
0x590: {  	v59 =	vld [tilespmem:s14+$0xFFFFFFF0];
	[tilespmem:s2+$0x30] =	vst v14  }
0x591: {  	v8 =	vadd.f32 @p1 v8, v7;
	[tilespmem:s2+$0x230] =	vst v13;
	v58 =	vld [tilespmem:s14+$0xFFFFFF70]  }
0x592: {  	[tilespmem:s3+$0x3B0] =	vst @p1 v11;
	v9 =	vadd.f32 @p1 v9, v7;
	v60 =	vld [tilespmem:s14+$0x70]  }
0x593: {  	[tilespmem:s3+$0x1B0] =	vst @p1 v8;
	v8 =	vadd.f32 v57, v7  }
0x594: {  	[tilespmem:s3+$0xB0] =	vst @p1 v9;
	v9 =	vadd.f32 @p1 v10, v7  }
0x595: {  	[tilespmem:s2+$0x3B0] =	vst v8;
	v8 =	vadd.f32 v59, v7  }
0x596: {  	[tilespmem:s3+$0x2B0] =	vst @p1 v9;
	v61 =	vadd.f32 v58, v7  }
0x597: {  	v62 =	vadd.f32 v60, v7;
	[tilespmem:s2+$0x1B0] =	vst v8  }
0x598: {  	[tilespmem:s2+$0xB0] =	vst v61  }
0x599: {  	[tilespmem:s2+$0x2B0] =	vst v62  }
.LBB2_70:
.Ltmp50:
0x59a: {  	(pc) =	sbr.rel @p3 .LBB2_72-.Ltmp50, $1  }
0x59b: {  	_ =	sdelay $0x3  }
.LBB2_71:
0x59c: {  	v8 =	vld [tilespmem:s17+$0xFFFFFFC0];
	_ =	sdelay $0x4  }
0x59d: {  	v8 =	vadd.f32 v8, v2;
	_ =	sdelay $0x1  }
0x59e: {  	[tilespmem:s16+$0x0] =	vst v8  }
0x59f: {  	v8 =	vld [tilespmem:s17+$0x0];
	_ =	sdelay $0x4  }
0x5a0: {  	v8 =	vadd.f32 v8, v2;
	_ =	sdelay $0x1  }
0x5a1: {  	[tilespmem:s16+$0x80] =	vst v8  }
0x5a2: {  	v8 =	vld [tilespmem:s17+$0xFFFFFFD0];
	_ =	sdelay $0x4  }
0x5a3: {  	v8 =	vadd.f32 v8, v4;
	_ =	sdelay $0x1  }
0x5a4: {  	[tilespmem:s16+$0x10] =	vst v8  }
0x5a5: {  	v8 =	vld [tilespmem:s17+$0x10];
	_ =	sdelay $0x4  }
0x5a6: {  	v8 =	vadd.f32 v8, v4;
	_ =	sdelay $0x1  }
0x5a7: {  	[tilespmem:s16+$0x90] =	vst v8  }
0x5a8: {  	v8 =	vld [tilespmem:s17+$0xFFFFFFE0];
	_ =	sdelay $0x4  }
0x5a9: {  	v8 =	vadd.f32 v8, v5;
	_ =	sdelay $0x1  }
0x5aa: {  	[tilespmem:s16+$0x20] =	vst v8  }
0x5ab: {  	v8 =	vld [tilespmem:s17+$0x20];
	_ =	sdelay $0x4  }
0x5ac: {  	v8 =	vadd.f32 v8, v5;
	_ =	sdelay $0x1  }
0x5ad: {  	[tilespmem:s16+$0xA0] =	vst v8  }
0x5ae: {  	v8 =	vld [tilespmem:s17+$0xFFFFFFF0];
	_ =	sdelay $0x4  }
0x5af: {  	v8 =	vadd.f32 v8, v7;
	_ =	sdelay $0x1  }
0x5b0: {  	[tilespmem:s16+$0x30] =	vst v8  }
0x5b1: {  	v8 =	vld [tilespmem:s17+$0x30]  }
0x5b2: {  	s15 =	sadd.s32 $0x1, s15  }
0x5b3: {  	p1 =	slt.u32 s15, $0xFF  }
.Ltmp51:
0x5b4: {  	_ = 	snop;
	(pc) =	sbr.rel @p1 .LBB2_71-.Ltmp51, $3  }
0x5b5: {  	_ = 	snop  }
0x5b6: {  	v8 =	vadd.f32 v8, v7;
	_ =	sdelay $0x1  }
0x5b7: {  	s17 =	sadd.s32 $0x80, s17;
	[tilespmem:s16+$0xB0] =	vst v8;
	s16 =	sadd.s32 $0x100, s16  }
.Ltmp52:
0x5b8: {  	_ = 	snop;
	(pc) =	sbr.rel .LBB2_72-.Ltmp52, $1  }
0x5b9: {  	_ =	sdelay $0x3  }
.LBB2_4:
.Ltmp53:
0x5ba: {  	(pc) =	sbr.rel .LBB2_9-.Ltmp53, $2  }
0x5bb: {  	_ =	sdelay $0x2  }
0x5bc: {  	_ = 	snop  }
.LBB2_19:
.Ltmp54:
0x5bd: {  	(pc) =	sbr.rel .LBB2_23-.Ltmp54, $2  }
0x5be: {  	_ =	sdelay $0x2  }
0x5bf: {  	s13 =	smov.u32 s30;
	s11 =	smov.u32 s1  }
.LBB2_38:
.Ltmp55:
0x5c0: {  	(pc) =	sbr.rel .LBB2_43-.Ltmp55, $2  }
0x5c1: {  	_ =	sdelay $0x2  }
0x5c2: {  	s31 =	smov.u32 s2;
	s18 =	smov.u32 s14  }
.LBB2_36:
.Ltmp56:
0x5c3: {  	(pc) =	sbr.rel .LBB2_48-.Ltmp56, $2  }
0x5c4: {  	_ =	sdelay $0x2  }
0x5c5: {  	_ = 	snop  }
.LBB2_57:
.Ltmp57:
0x5c6: {  	(pc) =	sbr.rel .LBB2_62-.Ltmp57, $2  }
0x5c7: {  	_ =	sdelay $0x2  }
0x5c8: {  	_ = 	snop  }
.LBB2_76:
.Ltmp58:
0x5c9: {  	(pc) =	sbr.rel .LBB2_81-.Ltmp58, $2  }
0x5ca: {  	_ =	sdelay $0x2  }
0x5cb: {  	_ = 	snop  }
.LBB2_6:
.Ltmp59:
0x5cc: {  	(pc) =	sbr.rel .LBB2_9-.Ltmp59, $2  }
0x5cd: {  	_ =	sdelay $0x2  }
0x5ce: {  	s5 =	simm.s32 $0x10200;
	s0 =	simm.s32 $0x10600;
	s4 =	simm.s32 $0x300  }
.LBB2_21:
.Ltmp60:
0x5cf: {  	(pc) =	sbr.rel .LBB2_23-.Ltmp60, $2  }
0x5d0: {  	_ =	sdelay $0x2  }
0x5d1: {  	s2 =	smov.u32 s30  }
.LBB2_40:
.Ltmp61:
0x5d2: {  	(pc) =	sbr.rel .LBB2_43-.Ltmp61, $2  }
0x5d3: {  	_ =	sdelay $0x2  }
0x5d4: {  	s20 =	smov.u32 s2;
	s21 =	simm.s32 $0x0;
	s24 =	smov.u32 s7  }
.LBB2_45:
.Ltmp62:
0x5d5: {  	(pc) =	sbr.rel .LBB2_48-.Ltmp62, $3  }
0x5d6: {  	_ =	sdelay $0x1  }
0x5d7: {  	s10 =	simm.s32 $0x10200  }
0x5d8: {  	s24 =	simm.s32 $0x10600;
	s20 =	simm.s32 $0x300;
	s21 =	simm.s32 $0x0  }
.LBB2_59:
.Ltmp63:
0x5d9: {  	(pc) =	sbr.rel .LBB2_62-.Ltmp63, $2  }
0x5da: {  	_ =	sdelay $0x2  }
0x5db: {  	s0 =	smov.u32 s30;
	s30 =	smov.u32 s10;
	s1 =	smov.u32 s4  }
.LBB2_78:
.Ltmp64:
0x5dc: {  	(pc) =	sbr.rel .LBB2_81-.Ltmp64, $2  }
0x5dd: {  	_ =	sdelay $0x2  }
0x5de: {  	s3 =	smov.u32 s2;
	s2 =	smov.u32 s6;
	s14 =	smov.u32 s5  }
.LBB2_17:
.Ltmp65:
0x5df: {  	(pc) =	sbr.rel .LBB2_28-.Ltmp65, $2  }
0x5e0: {  	_ =	sdelay $0x2  }
0x5e1: {  	_ = 	snop  }
.LBB2_55:
.Ltmp66:
0x5e2: {  	(pc) =	sbr.rel .LBB2_67-.Ltmp66, $2  }
0x5e3: {  	_ =	sdelay $0x2  }
0x5e4: {  	_ = 	snop  }
.LBB2_25:
.Ltmp67:
0x5e5: {  	(pc) =	sbr.rel .LBB2_28-.Ltmp67, $2  }
0x5e6: {  	_ =	sdelay $0x2  }
0x5e7: {  	s10 =	simm.s32 $0x18200;
	s3 =	simm.s32 $0x18600;
	s8 =	simm.s32 $0x43F0  }
.LBB2_64:
.Ltmp68:
0x5e8: {  	(pc) =	sbr.rel .LBB2_67-.Ltmp68, $2  }
0x5e9: {  	_ =	sdelay $0x2  }
0x5ea: {  	s13 =	simm.s32 $0x18200;
	s6 =	simm.s32 $0x18600;
	s12 =	simm.s32 $0x43F0  }
.LBB2_74:
0x5eb: {  	_ =	sfence.sel $0x180000  }
0x5ec: {  	[bflag:$0x0] =	sbarrier.arrive $0xFFFF  }
0x5ed: {  	_ =	strace $0x90000047  }
0x5ee: {  	s0 =	stileid.u32;
	[bflag:$0x2] =	sbarrier.arrive $0xFFFF  }
0x5ef: {  	p0 =	sne.s32 s0, $0x0;
	s0 =	rddreg [dreg:$0x2]  }
0x5f0: {  	s0 =	sadd.s32 @!p0 $0x100000, s0  }
0x5f1: {  	[sflag:s0] =	ssyncadd.tile.s32 @!p0 $0x1;
	_ =	shalt  }
.Lfunc_end2:
_tile_overlayer_lowered:
.L_overlay_start_2:
0x5f2: {  	(tag) =	ssettag $0x2  }
0x5f3: {  	s0 =	rddreg [dreg:$0x0];
	s2 =	stileid.u32  }
0x5f4: {  	s1 =	rddreg [dreg:$0x1];
	p0 =	sne.s32 s2, $0x0  }
0x5f5: {  	s3 =	rddreg [dreg:$0x2];
	[bflag:$0x3] =	sbarrier.arrive $0xFFFF;
	s2 =	simm.s32 @!p0 $0x1C03  }
0x5f6: {  	[timem:s3], [sflag:s2] =	dma.local @!p0 [hbm:s0], s1  }
0x5f7: {  	s0 =	simm.s32 @!p0 $0x3  }
0x5f8: {  	_ =	swait.ge @!p0 [sflag:s0], s1  }
0x5f9: {  	s1 =	ssub.s32 @!p0 $0x0, s1;
	[sflag:s0] =	ssyncset.done @!p0 $0x0  }
0x5fa: {  	[sflag:s0] =	ssyncadd.s32 @!p0 s1  }
0x5fb: {  	[bflag:$0x3] =	sbarrier.arrive $0xFFFF  }
0x5fc: {  	_ =	shalt  }

</sc_bundles>
